<compile_context>
chip_gen: v7x
topology: tpu7x:2x2x1
jax: 0.10.2.dev20260603
libtpu: 0.0.44.dev20260713+nightly
codegen_flags: <defaults>
</compile_context>

<pallas_src>
import functools
import jax
import jax.numpy as jnp
from jax import lax
from jax.experimental import pallas as pl
from jax.experimental.pallas import tpu as pltpu
from jax.experimental.pallas import tpu_sc as plsc

_WIN = 32
_K = 8
_NBUF = 7
_CHUNK = 64


def _modavg_kernel(vis_ref, q_ref, w1_ref, w2_ref, ma_ref):
    T = vis_ref.shape[1]
    C = vis_ref.shape[2]
    L = q_ref.shape[1]
    M = T - 3

    vis = vis_ref[0]
    q = q_ref[0]
    e1 = jnp.dot(q, w1_ref[...], preferred_element_type=jnp.float32)
    e2 = jnp.dot(q, w2_ref[...], preferred_element_type=jnp.float32)
    sim = jax.lax.dot_general(
        vis, e1, (((1,), (1,)), ((), ())),
        preferred_element_type=jnp.float32)
    mx = jnp.max(sim, axis=1, keepdims=True)
    li = jax.lax.broadcasted_iota(jnp.int32, (T, L), 1)
    labels = jnp.min(jnp.where(sim == mx, li, L), axis=1, keepdims=True)

    l0 = labels[0:M]
    l1 = labels[1:M + 1]
    l2 = labels[2:M + 2]
    l3 = labels[3:M + 3]

    def _cnt(a, c):
        return (a == c).astype(jnp.int32)

    c0 = 1 + _cnt(l0, l1) + _cnt(l0, l2) + _cnt(l0, l3)
    c1 = 1 + _cnt(l1, l0) + _cnt(l1, l2) + _cnt(l1, l3)
    c2 = 1 + _cnt(l2, l0) + _cnt(l2, l1) + _cnt(l2, l3)
    c3 = 1 + _cnt(l3, l0) + _cnt(l3, l1) + _cnt(l3, l2)
    s = jnp.maximum(
        jnp.maximum(c0 * 32 - l0, c1 * 32 - l1),
        jnp.maximum(c2 * 32 - l2, c3 * 32 - l3))
    maj = (-s) & 31

    oh = (maj == jax.lax.broadcasted_iota(jnp.int32, (M, 32), 1))
    e2p = jnp.concatenate(
        [e2, jnp.zeros((32 - L, C), jnp.float32)], axis=0)
    modrows = jnp.dot(oh.astype(jnp.float32), e2p,
                      preferred_element_type=jnp.float32)
    avg4 = (vis[0:M] + vis[1:M + 1] + vis[2:M + 2] + vis[3:M + 3]) * 0.25
    ma_ref[0:M, :] = modrows * avg4
    ma_ref[M:T, :] = jnp.zeros((T - M, C), jnp.float32)


def _make_expand(B, T, NW, C):
    G = B * NW
    n_chunks = G * _K // _CHUNK
    n_workers = 32
    base = n_chunks // n_workers
    extra = n_chunks % n_workers
    gpc = _CHUNK // _K
    shift = 18
    magic = (1 << shift) // NW + 1
    assert all((g * magic) >> shift == g // NW for g in range(G))

    mesh = plsc.VectorSubcoreMesh(core_axis_name="c", subcore_axis_name="s")

    @functools.partial(
        pl.kernel,
        out_type=jax.ShapeDtypeStruct((G * _K, C), jnp.float32),
        mesh=mesh,
        scratch_types=[
            pltpu.VMEM((_NBUF, _CHUNK, C), jnp.float32),
            pltpu.VMEM((_NBUF, _CHUNK), jnp.int32),
            pltpu.SemaphoreType.DMA((_NBUF,)),
            pltpu.SemaphoreType.DMA((_NBUF,)),
        ],
    )
    def expand(tab_hbm, out_hbm, rows_v, idx_v, gsem, ssem):
        w = lax.axis_index("s") * 2 + lax.axis_index("c")
        my_n = base + jnp.where(w < extra, 1, 0).astype(jnp.int32)
        my_c0 = w * base + jnp.minimum(w, extra)
        lane = lax.iota(jnp.int32, 16)

        def idx_for(cc, q):
            g = cc * gpc + q * 2 + (lane >> 3)
            k = lane & 7
            b = (g * magic) >> shift
            nw = g - b * NW
            return b * T + nw + 4 * k

        def round_body(t, carry):
            i0 = t * _NBUF
            for j in range(_NBUF):
                i = i0 + j

                @pl.when(i < my_n)
                def _gather(i=i, j=j):
                    @pl.when(t >= 1)
                    def _wait_store():
                        pltpu.make_async_copy(
                            rows_v.at[j],
                            out_hbm.at[pl.ds(0, _CHUNK)],
                            ssem.at[j]).wait()
                    for q in range(_CHUNK // 16):
                        idx_v[j, q * 16:(q + 1) * 16] = idx_for(my_c0 + i, q)
                    pltpu.async_copy(
                        tab_hbm.at[idx_v.at[j]],
                        rows_v.at[j], gsem.at[j])

            for j in range(_NBUF):
                i = i0 + j

                @pl.when(i < my_n)
                def _store(i=i, j=j):
                    cc = my_c0 + i
                    pltpu.make_async_copy(
                        tab_hbm.at[idx_v.at[j]],
                        rows_v.at[j], gsem.at[j]).wait()
                    pltpu.async_copy(
                        rows_v.at[j],
                        out_hbm.at[pl.ds(cc * _CHUNK, _CHUNK)],
                        ssem.at[j])
            return carry

        n_rounds = (my_n + _NBUF - 1) // _NBUF
        lax.fori_loop(0, n_rounds, round_body, 0)

        for j in range(_NBUF):
            @pl.when(my_n > j)
            def _drain(j=j):
                pltpu.make_async_copy(
                    rows_v.at[j],
                    out_hbm.at[pl.ds(0, _CHUNK)],
                    ssem.at[j]).wait()

    return expand


def kernel(vis_feats, query, W1, W2):
    B, T, C = vis_feats.shape
    L = query.shape[1]
    NW = T - _WIN + 1
    ma = pl.pallas_call(
        _modavg_kernel,
        grid=(B,),
        in_specs=[
            pl.BlockSpec((1, T, C), lambda b: (b, 0, 0)),
            pl.BlockSpec((1, L, C), lambda b: (b, 0, 0)),
            pl.BlockSpec((C, C), lambda b: (0, 0)),
            pl.BlockSpec((C, C), lambda b: (0, 0)),
        ],
        out_specs=pl.BlockSpec((T, C), lambda b: (b, 0)),
        out_shape=jax.ShapeDtypeStruct((B * T, C), jnp.float32),
    )(vis_feats, query, W1, W2)
    expand = _make_expand(B, T, NW, C)
    out = expand(ma)
    return out.reshape(B, NW, _K, C)

# --- scband reference (transcript-rebuilt; emitter-appended) ---
"""Pipeline reference for scband-modulated-chunks-14431090114849 (READ-ONLY COPY).

The authoritative reference and input builder live on the scoring server;
editing this copy changes nothing except your own understanding.
"""

import jax, jax.numpy as jnp
import numpy as np

WINDOW_SIZE = 32
NUM_CHUNKS = 8


def setup_inputs(seed: int = 0) -> dict:
    key = jax.random.key(seed)
    k1, k2, k3, k4 = jax.random.split(key, 4)
    B, T, C, L = 8, 512, 256, 20
    vis_feats = jax.random.normal(k1, (B, T, C), dtype=jnp.float32)
    query = jax.random.normal(k2, (B, L, C), dtype=jnp.float32)
    # SeqEncoder stand-ins: learned linear projections C -> C
    W1 = jax.random.normal(k3, (C, C), dtype=jnp.float32) / np.sqrt(C)
    W2 = jax.random.normal(k4, (C, C), dtype=jnp.float32) / np.sqrt(C)
    return {"vis_feats": vis_feats, "query": query, "W1": W1, "W2": W2}


def reference(vis_feats, query, W1, W2):
    B, T, C = vis_feats.shape
    L = query.shape[1]
    # seq encoders (stand-ins for SeqEncoder modules)
    enc1 = query @ W1  # [B, L, C]
    enc2 = query @ W2  # [B, L, C]
    # clip-word similarity and hard clip labels
    clip_word_sim = jnp.einsum('btc,blc->btl', vis_feats, enc1)  # [B, T, L]
    clip_labels = jnp.argmax(clip_word_sim, axis=2)  # [B, T] int
    # sliding-window unfold (stride 1, no padding)
    NW = T - WINDOW_SIZE + 1
    win_idx = jnp.arange(NW)[:, None] + jnp.arange(WINDOW_SIZE)[None, :]  # [NW, W]
    vis_unf = vis_feats[:, win_idx, :]  # [B, NW, W, C]
    cic = WINDOW_SIZE // NUM_CHUNKS  # clips per chunk
    lbl_unf = clip_labels[:, win_idx].reshape(B, NW, NUM_CHUNKS, cic)  # [B, NW, K, cic]
    # majority vote per chunk: histogram (bincount) over word labels, then argmax.
    # np.argmax(np.bincount(x)) == argmax of the one-hot count vector (ties -> first index).
    counts = jnp.sum(jax.nn.one_hot(lbl_unf, L, dtype=jnp.float32), axis=3)  # [B, NW, K, L]
    lbls = jnp.argmax(counts, axis=-1)  # [B, NW, K] int
    # adaptive_avg_pool3d((K, 1, C)) on [B, NW, K, cic, C] == mean over cic axis
    pooled = vis_unf.reshape(B, NW, NUM_CHUNKS, cic, C).mean(axis=3)  # [B, NW, K, C]
    # gather enc2 rows per majority label (torch.gather along word dim)
    modulated = jax.vmap(lambda e, l: e[l])(enc2, lbls)  # [B, NW, K, C]
    return modulated * pooled

if __name__ == "__main__":
    import jax
    _d = setup_inputs()
    print(jax.jit(kernel)(*tuple(_d.values())))

</pallas_src>

<mosaic_0001>
#map = affine_map<(d0, d1) -> (0, 0)>
module attributes {stable_mosaic.version = 14 : i64} {
  func.func @expand(%arg0: i32, %arg1: i32, %arg2: memref<4096x256xf32, #tpu.memory_space<hbm>>, %arg3: memref<30784x256xf32, #tpu.memory_space<hbm>>, %arg4: memref<7x64x256xf32, #tpu.memory_space<vmem>>, %arg5: memref<7x64xi32, #tpu.memory_space<vmem>>, %arg6: memref<7x!tpu.dma_semaphore, #tpu.memory_space<semaphore_mem>>, %arg7: memref<7x!tpu.dma_semaphore, #tpu.memory_space<semaphore_mem>>) attributes {dimension_semantics = [#tpu.dimension_semantics<core_parallel>, #tpu.dimension_semantics<subcore_parallel>], iteration_bounds = array<i64: 2, 16>, scalar_prefetch = 0 : i64, scratch_operands = 4 : i64, tpu.core_type = #tpu.core_type<sc_vector_subcore>, window_params = [{transform_indices = #map}, {transform_indices = #map}]} {
    %mul3A = arith.constant 2 : i32
    %mul3A_0 = arith.muli %arg1, %mul3A : i32
    %add3A = arith.addi %mul3A_0, %arg0 : i32
    %lt3A = arith.constant 1 : i32
    %lt3A_1 = arith.cmpi slt, %add3A, %lt3A : i32
    %jit3A = arith.constant 1 : i32
    %jit3A_2 = arith.constant 0 : i32
    %select_n3A = arith.select %lt3A_1, %jit3A, %jit3A_2 : i32
    %add3A_3 = arith.constant 15 : i32
    %add3A_4 = arith.addi %add3A_3, %select_n3A : i32
    %mul3A_5 = arith.constant 15 : i32
    %mul3A_6 = arith.muli %add3A, %mul3A_5 : i32
    %min3A = arith.constant 1 : i32
    %min3A_7 = arith.minsi %add3A, %min3A : i32
    %add3A_8 = arith.addi %mul3A_6, %min3A_7 : i32
    %iota3A = tpu.iota {dimensions = array<i32: 0>} : vector<16xi32>
    %add3A_9 = arith.constant 7 : i32
    %add3A_10 = arith.addi %add3A_4, %add3A_9 : i32
    %sub3A = arith.constant 1 : i32
    %sub3A_11 = arith.subi %add3A_10, %sub3A : i32
    %jit3A_12 = arith.constant 7 : i32
    %div3A = arith.divsi %sub3A_11, %jit3A_12 : i32
    %sign3A = arith.constant 0 : i32
    %sign3A_13 = arith.cmpi sgt, %sub3A_11, %sign3A : i32
    %sign3A_14 = arith.extui %sign3A_13 : i1 to i32
    %sign3A_15 = arith.constant 0 : i32
    %sign3A_16 = arith.cmpi slt, %sub3A_11, %sign3A_15 : i32
    %sign3A_17 = arith.extui %sign3A_16 : i1 to i32
    %sign3A_18 = arith.subi %sign3A_14, %sign3A_17 : i32
    %sign3A_19 = arith.constant 0 : i32
    %sign3A_20 = arith.cmpi sgt, %jit3A_12, %sign3A_19 : i32
    %sign3A_21 = arith.extui %sign3A_20 : i1 to i32
    %sign3A_22 = arith.constant 0 : i32
    %sign3A_23 = arith.cmpi slt, %jit3A_12, %sign3A_22 : i32
    %sign3A_24 = arith.extui %sign3A_23 : i1 to i32
    %sign3A_25 = arith.subi %sign3A_21, %sign3A_24 : i32
    %ne3A = arith.cmpi ne, %sign3A_18, %sign3A_25 : i32
    %rem3A = arith.remsi %sub3A_11, %jit3A_12 : i32
    %ne3A_26 = arith.constant 0 : i32
    %ne3A_27 = arith.cmpi ne, %rem3A, %ne3A_26 : i32
    %and3A = arith.andi %ne3A, %ne3A_27 : i1
    %sub3A_28 = arith.constant 1 : i32
    %sub3A_29 = arith.subi %div3A, %sub3A_28 : i32
    %select_n3A_30 = arith.select %and3A, %sub3A_29, %div3A : i32
    %while3A = arith.constant 0 : i32
    %while3A_31 = arith.constant 0 : i32
    %while3A_32 = arith.subi %select_n3A_30, %while3A_31 : i32
    %while3A_33 = arith.addi %while3A_31, %while3A_32 : i32
    %while3A_34 = arith.constant 1 : i32
    %while3A_35 = arith.divsi %while3A_32, %while3A_34 : i32
    %while3A_36 = arith.muli %while3A_35, %while3A_34 : i32
    %while3A_37 = arith.addi %while3A_31, %while3A_36 : i32
    %while3A_38 = arith.constant 1 : i32
    scf.for %while3A_72 = %while3A_31 to %while3A_37 step %while3A_38  : i32 {
      %mul3A_73 = arith.constant 7 : i32
      %mul3A_74 = arith.muli %while3A_72, %mul3A_73 : i32
      %add3A_75 = arith.constant 0 : i32
      %add3A_76 = arith.addi %mul3A_74, %add3A_75 : i32
      %lt3A_77 = arith.cmpi slt, %add3A_76, %add3A_4 : i32
      %convert_element_type3A_78 = arith.extui %lt3A_77 : i1 to i32
      %cond3A_79 = arith.constant 0 : i32
      %cond3A_80 = arith.cmpi ne, %convert_element_type3A_78, %cond3A_79 : i32
      scf.if %cond3A_80 {
        %ge3A = arith.constant 1 : i32
        %ge3A_159 = arith.cmpi sge, %while3A_72, %ge3A : i32
        %convert_element_type3A_160 = arith.extui %ge3A_159 : i1 to i32
        %cond3A_161 = arith.constant 0 : i32
        %cond3A_162 = arith.cmpi ne, %convert_element_type3A_160, %cond3A_161 : i32
        scf.if %cond3A_162 {
          %dma_wait3A = arith.constant 0 : i32
          %dma_wait3A_323 = arith.constant 0 : i32
          %dma_wait3A_324 = arith.constant 0 : i32
          %dma_wait3A_325 = arith.constant 0 : i32
          %dma_wait3A_326 = tpu.memref_slice %arg4[%dma_wait3A, %dma_wait3A_324, %dma_wait3A_325] : memref<7x64x256xf32, #tpu.memory_space<vmem>> -> memref<1x64x256xf32, #tpu.memory_space<vmem>>
          %dma_wait3A_327 = tpu.memref_squeeze %dma_wait3A_326 : memref<1x64x256xf32, #tpu.memory_space<vmem>> -> memref<64x256xf32, #tpu.memory_space<vmem>>
          %dma_wait3A_328 = arith.constant 0 : i32
          %dma_wait3A_329 = arith.constant 0 : i32
          %dma_wait3A_330 = tpu.memref_slice %arg3[%dma_wait3A_328, %dma_wait3A_329] : memref<30784x256xf32, #tpu.memory_space<hbm>> -> memref<64x256xf32, #tpu.memory_space<hbm>>
          %dma_wait3A_331 = tpu.memref_slice %arg7[%dma_wait3A_323] : memref<7x!tpu.dma_semaphore, #tpu.memory_space<semaphore_mem>> -> memref<1x!tpu.dma_semaphore, #tpu.memory_space<semaphore_mem>>
          %dma_wait3A_332 = tpu.memref_squeeze %dma_wait3A_331 : memref<1x!tpu.dma_semaphore, #tpu.memory_space<semaphore_mem>> -> memref<!tpu.dma_semaphore, #tpu.memory_space<semaphore_mem>>
          %dma_wait3A_333 = arith.constant 0 : i32
          %dma_wait3A_334 = arith.constant 0 : i32
          %dma_wait3A_335 = tpu.memref_slice %arg3[%dma_wait3A_333, %dma_wait3A_334] : memref<30784x256xf32, #tpu.memory_space<hbm>> -> memref<64x256xf32, #tpu.memory_space<hbm>>
          %dma_wait3A_336 = arith.constant 0 : i32
          %dma_wait3A_337 = arith.constant 0 : i32
          %dma_wait3A_338 = tpu.memref_slice %arg4[%dma_wait3A, %dma_wait3A_336, %dma_wait3A_337] : memref<7x64x256xf32, #tpu.memory_space<vmem>> -> memref<1x64x256xf32, #tpu.memory_space<vmem>>
          %dma_wait3A_339 = tpu.memref_squeeze %dma_wait3A_338 : memref<1x64x256xf32, #tpu.memory_space<vmem>> -> memref<64x256xf32, #tpu.memory_space<vmem>>
          tpu.wait_dma2 semaphore(%dma_wait3A_332 : memref<!tpu.dma_semaphore, #tpu.memory_space<semaphore_mem>>) src(%dma_wait3A_339 : memref<64x256xf32, #tpu.memory_space<vmem>>) dst(%dma_wait3A_335 : memref<64x256xf32, #tpu.memory_space<hbm>>)
        } else {
        }
        %add3A_163 = arith.addi %add3A_8, %add3A_76 : i32
        %mul3A_164 = arith.constant 8 : i32
        %mul3A_165 = arith.muli %add3A_163, %mul3A_164 : i32
        %add3A_166 = arith.constant 0 : i32
        %add3A_167 = arith.addi %mul3A_165, %add3A_166 : i32
        %shift_right_arithmetic3A = arith.constant 3 : i32
        %shift_right_arithmetic3A_168 = vector.broadcast %shift_right_arithmetic3A : i32 to vector<16xi32>
        %shift_right_arithmetic3A_169 = arith.shrsi %iota3A, %shift_right_arithmetic3A_168 : vector<16xi32>
        %add3A_170 = vector.broadcast %add3A_167 : i32 to vector<16xi32>
        %add3A_171 = arith.addi %add3A_170, %shift_right_arithmetic3A_169 : vector<16xi32>
        %and3A_172 = arith.constant 7 : i32
        %and3A_173 = vector.broadcast %and3A_172 : i32 to vector<16xi32>
        %and3A_174 = arith.andi %iota3A, %and3A_173 : vector<16xi32>
        %mul3A_175 = arith.constant 545 : i32
        %mul3A_176 = vector.broadcast %mul3A_175 : i32 to vector<16xi32>
        %mul3A_177 = arith.muli %add3A_171, %mul3A_176 : vector<16xi32>
        %shift_right_arithmetic3A_178 = arith.constant 18 : i32
        %shift_right_arithmetic3A_179 = vector.broadcast %shift_right_arithmetic3A_178 : i32 to vector<16xi32>
        %shift_right_arithmetic3A_180 = arith.shrsi %mul3A_177, %shift_right_arithmetic3A_179 : vector<16xi32>
        %mul3A_181 = arith.constant 481 : i32
        %mul3A_182 = vector.broadcast %mul3A_181 : i32 to vector<16xi32>
        %mul3A_183 = arith.muli %shift_right_arithmetic3A_180, %mul3A_182 : vector<16xi32>
        %sub3A_184 = arith.subi %add3A_171, %mul3A_183 : vector<16xi32>
        %mul3A_185 = arith.constant 512 : i32
        %mul3A_186 = vector.broadcast %mul3A_185 : i32 to vector<16xi32>
        %mul3A_187 = arith.muli %shift_right_arithmetic3A_180, %mul3A_186 : vector<16xi32>
        %add3A_188 = arith.addi %mul3A_187, %sub3A_184 : vector<16xi32>
        %mul3A_189 = arith.constant 4 : i32
        %mul3A_190 = vector.broadcast %mul3A_189 : i32 to vector<16xi32>
        %mul3A_191 = arith.muli %mul3A_190, %and3A_174 : vector<16xi32>
        %add3A_192 = arith.addi %add3A_188, %mul3A_191 : vector<16xi32>
        %swap3A = arith.constant 0 : i32
        %swap3A_193 = arith.index_cast %swap3A : i32 to index
        %swap3A_194 = arith.constant 0 : index
        %swap3A_195 = tpu.vector_load %arg5[%swap3A_193, %swap3A_194] {strides = array<i32>} : memref<7x64xi32, #tpu.memory_space<vmem>>, vector<1x16xi32>,
        %swap3A_196 = vector.shape_cast %swap3A_195 : vector<1x16xi32> to vector<16xi32>
        %swap3A_197 = vector.shape_cast %add3A_192 : vector<16xi32> to vector<1x16xi32>
        tpu.vector_store %arg5[%swap3A_193, %swap3A_194], %swap3A_197 {strides = array<i32>} : memref<7x64xi32, #tpu.memory_space<vmem>>, vector<1x16xi32>,
        %add3A_198 = arith.addi %add3A_8, %add3A_76 : i32
        %mul3A_199 = arith.constant 8 : i32
        %mul3A_200 = arith.muli %add3A_198, %mul3A_199 : i32
        %add3A_201 = arith.constant 2 : i32
        %add3A_202 = arith.addi %mul3A_200, %add3A_201 : i32
        %shift_right_arithmetic3A_203 = arith.constant 3 : i32
        %shift_right_arithmetic3A_204 = vector.broadcast %shift_right_arithmetic3A_203 : i32 to vector<16xi32>
        %shift_right_arithmetic3A_205 = arith.shrsi %iota3A, %shift_right_arithmetic3A_204 : vector<16xi32>
        %add3A_206 = vector.broadcast %add3A_202 : i32 to vector<16xi32>
        %add3A_207 = arith.addi %add3A_206, %shift_right_arithmetic3A_205 : vector<16xi32>
        %and3A_208 = arith.constant 7 : i32
        %and3A_209 = vector.broadcast %and3A_208 : i32 to vector<16xi32>
        %and3A_210 = arith.andi %iota3A, %and3A_209 : vector<16xi32>
        %mul3A_211 = arith.constant 545 : i32
        %mul3A_212 = vector.broadcast %mul3A_211 : i32 to vector<16xi32>
        %mul3A_213 = arith.muli %add3A_207, %mul3A_212 : vector<16xi32>
        %shift_right_arithmetic3A_214 = arith.constant 18 : i32
        %shift_right_arithmetic3A_215 = vector.broadcast %shift_right_arithmetic3A_214 : i32 to vector<16xi32>
        %shift_right_arithmetic3A_216 = arith.shrsi %mul3A_213, %shift_right_arithmetic3A_215 : vector<16xi32>
        %mul3A_217 = arith.constant 481 : i32
        %mul3A_218 = vector.broadcast %mul3A_217 : i32 to vector<16xi32>
        %mul3A_219 = arith.muli %shift_right_arithmetic3A_216, %mul3A_218 : vector<16xi32>
        %sub3A_220 = arith.subi %add3A_207, %mul3A_219 : vector<16xi32>
        %mul3A_221 = arith.constant 512 : i32
        %mul3A_222 = vector.broadcast %mul3A_221 : i32 to vector<16xi32>
        %mul3A_223 = arith.muli %shift_right_arithmetic3A_216, %mul3A_222 : vector<16xi32>
        %add3A_224 = arith.addi %mul3A_223, %sub3A_220 : vector<16xi32>
        %mul3A_225 = arith.constant 4 : i32
        %mul3A_226 = vector.broadcast %mul3A_225 : i32 to vector<16xi32>
        %mul3A_227 = arith.muli %mul3A_226, %and3A_210 : vector<16xi32>
        %add3A_228 = arith.addi %add3A_224, %mul3A_227 : vector<16xi32>
        %swap3A_229 = arith.constant 0 : i32
        %swap3A_230 = arith.index_cast %swap3A_229 : i32 to index
        %swap3A_231 = arith.constant 16 : index
        %swap3A_232 = tpu.vector_load %arg5[%swap3A_230, %swap3A_231] {strides = array<i32>} : memref<7x64xi32, #tpu.memory_space<vmem>>, vector<1x16xi32>,
        %swap3A_233 = vector.shape_cast %swap3A_232 : vector<1x16xi32> to vector<16xi32>
        %swap3A_234 = vector.shape_cast %add3A_228 : vector<16xi32> to vector<1x16xi32>
        tpu.vector_store %arg5[%swap3A_230, %swap3A_231], %swap3A_234 {strides = array<i32>} : memref<7x64xi32, #tpu.memory_space<vmem>>, vector<1x16xi32>,
        %add3A_235 = arith.addi %add3A_8, %add3A_76 : i32
        %mul3A_236 = arith.constant 8 : i32
        %mul3A_237 = arith.muli %add3A_235, %mul3A_236 : i32
        %add3A_238 = arith.constant 4 : i32
        %add3A_239 = arith.addi %mul3A_237, %add3A_238 : i32
        %shift_right_arithmetic3A_240 = arith.constant 3 : i32
        %shift_right_arithmetic3A_241 = vector.broadcast %shift_right_arithmetic3A_240 : i32 to vector<16xi32>
        %shift_right_arithmetic3A_242 = arith.shrsi %iota3A, %shift_right_arithmetic3A_241 : vector<16xi32>
        %add3A_243 = vector.broadcast %add3A_239 : i32 to vector<16xi32>
        %add3A_244 = arith.addi %add3A_243, %shift_right_arithmetic3A_242 : vector<16xi32>
        %and3A_245 = arith.constant 7 : i32
        %and3A_246 = vector.broadcast %and3A_245 : i32 to vector<16xi32>
        %and3A_247 = arith.andi %iota3A, %and3A_246 : vector<16xi32>
        %mul3A_248 = arith.constant 545 : i32
        %mul3A_249 = vector.broadcast %mul3A_248 : i32 to vector<16xi32>
        %mul3A_250 = arith.muli %add3A_244, %mul3A_249 : vector<16xi32>
        %shift_right_arithmetic3A_251 = arith.constant 18 : i32
        %shift_right_arithmetic3A_252 = vector.broadcast %shift_right_arithmetic3A_251 : i32 to vector<16xi32>
        %shift_right_arithmetic3A_253 = arith.shrsi %mul3A_250, %shift_right_arithmetic3A_252 : vector<16xi32>
        %mul3A_254 = arith.constant 481 : i32
        %mul3A_255 = vector.broadcast %mul3A_254 : i32 to vector<16xi32>
        %mul3A_256 = arith.muli %shift_right_arithmetic3A_253, %mul3A_255 : vector<16xi32>
        %sub3A_257 = arith.subi %add3A_244, %mul3A_256 : vector<16xi32>
        %mul3A_258 = arith.constant 512 : i32
        %mul3A_259 = vector.broadcast %mul3A_258 : i32 to vector<16xi32>
        %mul3A_260 = arith.muli %shift_right_arithmetic3A_253, %mul3A_259 : vector<16xi32>
        %add3A_261 = arith.addi %mul3A_260, %sub3A_257 : vector<16xi32>
        %mul3A_262 = arith.constant 4 : i32
        %mul3A_263 = vector.broadcast %mul3A_262 : i32 to vector<16xi32>
        %mul3A_264 = arith.muli %mul3A_263, %and3A_247 : vector<16xi32>
        %add3A_265 = arith.addi %add3A_261, %mul3A_264 : vector<16xi32>
        %swap3A_266 = arith.constant 0 : i32
        %swap3A_267 = arith.index_cast %swap3A_266 : i32 to index
        %swap3A_268 = arith.constant 32 : index
        %swap3A_269 = tpu.vector_load %arg5[%swap3A_267, %swap3A_268] {strides = array<i32>} : memref<7x64xi32, #tpu.memory_space<vmem>>, vector<1x16xi32>,
        %swap3A_270 = vector.shape_cast %swap3A_269 : vector<1x16xi32> to vector<16xi32>
        %swap3A_271 = vector.shape_cast %add3A_265 : vector<16xi32> to vector<1x16xi32>
        tpu.vector_store %arg5[%swap3A_267, %swap3A_268], %swap3A_271 {strides = array<i32>} : memref<7x64xi32, #tpu.memory_space<vmem>>, vector<1x16xi32>,
        %add3A_272 = arith.addi %add3A_8, %add3A_76 : i32
        %mul3A_273 = arith.constant 8 : i32
        %mul3A_274 = arith.muli %add3A_272, %mul3A_273 : i32
        %add3A_275 = arith.constant 6 : i32
        %add3A_276 = arith.addi %mul3A_274, %add3A_275 : i32
        %shift_right_arithmetic3A_277 = arith.constant 3 : i32
        %shift_right_arithmetic3A_278 = vector.broadcast %shift_right_arithmetic3A_277 : i32 to vector<16xi32>
        %shift_right_arithmetic3A_279 = arith.shrsi %iota3A, %shift_right_arithmetic3A_278 : vector<16xi32>
        %add3A_280 = vector.broadcast %add3A_276 : i32 to vector<16xi32>
        %add3A_281 = arith.addi %add3A_280, %shift_right_arithmetic3A_279 : vector<16xi32>
        %and3A_282 = arith.constant 7 : i32
        %and3A_283 = vector.broadcast %and3A_282 : i32 to vector<16xi32>
        %and3A_284 = arith.andi %iota3A, %and3A_283 : vector<16xi32>
        %mul3A_285 = arith.constant 545 : i32
        %mul3A_286 = vector.broadcast %mul3A_285 : i32 to vector<16xi32>
        %mul3A_287 = arith.muli %add3A_281, %mul3A_286 : vector<16xi32>
        %shift_right_arithmetic3A_288 = arith.constant 18 : i32
        %shift_right_arithmetic3A_289 = vector.broadcast %shift_right_arithmetic3A_288 : i32 to vector<16xi32>
        %shift_right_arithmetic3A_290 = arith.shrsi %mul3A_287, %shift_right_arithmetic3A_289 : vector<16xi32>
        %mul3A_291 = arith.constant 481 : i32
        %mul3A_292 = vector.broadcast %mul3A_291 : i32 to vector<16xi32>
        %mul3A_293 = arith.muli %shift_right_arithmetic3A_290, %mul3A_292 : vector<16xi32>
        %sub3A_294 = arith.subi %add3A_281, %mul3A_293 : vector<16xi32>
        %mul3A_295 = arith.constant 512 : i32
        %mul3A_296 = vector.broadcast %mul3A_295 : i32 to vector<16xi32>
        %mul3A_297 = arith.muli %shift_right_arithmetic3A_290, %mul3A_296 : vector<16xi32>
        %add3A_298 = arith.addi %mul3A_297, %sub3A_294 : vector<16xi32>
        %mul3A_299 = arith.constant 4 : i32
        %mul3A_300 = vector.broadcast %mul3A_299 : i32 to vector<16xi32>
        %mul3A_301 = arith.muli %mul3A_300, %and3A_284 : vector<16xi32>
        %add3A_302 = arith.addi %add3A_298, %mul3A_301 : vector<16xi32>
        %swap3A_303 = arith.constant 0 : i32
        %swap3A_304 = arith.index_cast %swap3A_303 : i32 to index
        %swap3A_305 = arith.constant 48 : index
        %swap3A_306 = tpu.vector_load %arg5[%swap3A_304, %swap3A_305] {strides = array<i32>} : memref<7x64xi32, #tpu.memory_space<vmem>>, vector<1x16xi32>,
        %swap3A_307 = vector.shape_cast %swap3A_306 : vector<1x16xi32> to vector<16xi32>
        %swap3A_308 = vector.shape_cast %add3A_302 : vector<16xi32> to vector<1x16xi32>
        tpu.vector_store %arg5[%swap3A_304, %swap3A_305], %swap3A_308 {strides = array<i32>} : memref<7x64xi32, #tpu.memory_space<vmem>>, vector<1x16xi32>,
        %dma_start3A = arith.constant 0 : i32
        %dma_start3A_309 = arith.constant 0 : i32
        %dma_start3A_310 = arith.constant 0 : i32
        %dma_start3A_311 = arith.constant 0 : i32
        %dma_start3A_312 = arith.constant 0 : i32
        %dma_start3A_313 = tpu.memref_slice %arg4[%dma_start3A_309, %dma_start3A_311, %dma_start3A_312] : memref<7x64x256xf32, #tpu.memory_space<vmem>> -> memref<1x64x256xf32, #tpu.memory_space<vmem>>
        %dma_start3A_314 = tpu.memref_squeeze %dma_start3A_313 : memref<1x64x256xf32, #tpu.memory_space<vmem>> -> memref<64x256xf32, #tpu.memory_space<vmem>>
        %dma_start3A_315 = arith.constant 0 : i32
        %dma_start3A_316 = tpu.memref_slice %arg5[%dma_start3A, %dma_start3A_315] : memref<7x64xi32, #tpu.memory_space<vmem>> -> memref<1x64xi32, #tpu.memory_space<vmem>>
        %dma_start3A_317 = tpu.memref_squeeze %dma_start3A_316 : memref<1x64xi32, #tpu.memory_space<vmem>> -> memref<64xi32, #tpu.memory_space<vmem>>
        %dma_start3A_318 = arith.constant 0 : i32
        %dma_start3A_319 = arith.constant 0 : i32
        %dma_start3A_320 = tpu.memref_slice %arg2[%dma_start3A_318, %dma_start3A_319] : memref<4096x256xf32, #tpu.memory_space<hbm>> -> memref<4096x256xf32, #tpu.memory_space<hbm>>
        %dma_start3A_321 = tpu.memref_slice %arg6[%dma_start3A_310] : memref<7x!tpu.dma_semaphore, #tpu.memory_space<semaphore_mem>> -> memref<1x!tpu.dma_semaphore, #tpu.memory_space<semaphore_mem>>
        %dma_start3A_322 = tpu.memref_squeeze %dma_start3A_321 : memref<1x!tpu.dma_semaphore, #tpu.memory_space<semaphore_mem>> -> memref<!tpu.dma_semaphore, #tpu.memory_space<semaphore_mem>>
        tpu.enqueue_indirect_dma source(%dma_start3A_320 : memref<4096x256xf32, #tpu.memory_space<hbm>>) target(%dma_start3A_314 : memref<64x256xf32, #tpu.memory_space<vmem>>) offsets(%dma_start3A_317 : memref<64xi32, #tpu.memory_space<vmem>>) semaphore(%dma_start3A_322 : memref<!tpu.dma_semaphore, #tpu.memory_space<semaphore_mem>>)
      } else {
      }
      %add3A_81 = arith.constant 1 : i32
      %add3A_82 = arith.addi %mul3A_74, %add3A_81 : i32
      %lt3A_83 = arith.cmpi slt, %add3A_82, %add3A_4 : i32
      %convert_element_type3A_84 = arith.extui %lt3A_83 : i1 to i32
      %cond3A_85 = arith.constant 0 : i32
      %cond3A_86 = arith.cmpi ne, %convert_element_type3A_84, %cond3A_85 : i32
      scf.if %cond3A_86 {
        %ge3A = arith.constant 1 : i32
        %ge3A_159 = arith.cmpi sge, %while3A_72, %ge3A : i32
        %convert_element_type3A_160 = arith.extui %ge3A_159 : i1 to i32
        %cond3A_161 = arith.constant 0 : i32
        %cond3A_162 = arith.cmpi ne, %convert_element_type3A_160, %cond3A_161 : i32
        scf.if %cond3A_162 {
          %dma_wait3A = arith.constant 1 : i32
          %dma_wait3A_323 = arith.constant 1 : i32
          %dma_wait3A_324 = arith.constant 0 : i32
          %dma_wait3A_325 = arith.constant 0 : i32
          %dma_wait3A_326 = tpu.memref_slice %arg4[%dma_wait3A, %dma_wait3A_324, %dma_wait3A_325] : memref<7x64x256xf32, #tpu.memory_space<vmem>> -> memref<1x64x256xf32, #tpu.memory_space<vmem>>
          %dma_wait3A_327 = tpu.memref_squeeze %dma_wait3A_326 : memref<1x64x256xf32, #tpu.memory_space<vmem>> -> memref<64x256xf32, #tpu.memory_space<vmem>>
          %dma_wait3A_328 = arith.constant 0 : i32
          %dma_wait3A_329 = arith.constant 0 : i32
          %dma_wait3A_330 = tpu.memref_slice %arg3[%dma_wait3A_328, %dma_wait3A_329] : memref<30784x256xf32, #tpu.memory_space<hbm>> -> memref<64x256xf32, #tpu.memory_space<hbm>>
          %dma_wait3A_331 = tpu.memref_slice %arg7[%dma_wait3A_323] : memref<7x!tpu.dma_semaphore, #tpu.memory_space<semaphore_mem>> -> memref<1x!tpu.dma_semaphore, #tpu.memory_space<semaphore_mem>>
          %dma_wait3A_332 = tpu.memref_squeeze %dma_wait3A_331 : memref<1x!tpu.dma_semaphore, #tpu.memory_space<semaphore_mem>> -> memref<!tpu.dma_semaphore, #tpu.memory_space<semaphore_mem>>
          %dma_wait3A_333 = arith.constant 0 : i32
          %dma_wait3A_334 = arith.constant 0 : i32
          %dma_wait3A_335 = tpu.memref_slice %arg3[%dma_wait3A_333, %dma_wait3A_334] : memref<30784x256xf32, #tpu.memory_space<hbm>> -> memref<64x256xf32, #tpu.memory_space<hbm>>
          %dma_wait3A_336 = arith.constant 0 : i32
          %dma_wait3A_337 = arith.constant 0 : i32
          %dma_wait3A_338 = tpu.memref_slice %arg4[%dma_wait3A, %dma_wait3A_336, %dma_wait3A_337] : memref<7x64x256xf32, #tpu.memory_space<vmem>> -> memref<1x64x256xf32, #tpu.memory_space<vmem>>
          %dma_wait3A_339 = tpu.memref_squeeze %dma_wait3A_338 : memref<1x64x256xf32, #tpu.memory_space<vmem>> -> memref<64x256xf32, #tpu.memory_space<vmem>>
          tpu.wait_dma2 semaphore(%dma_wait3A_332 : memref<!tpu.dma_semaphore, #tpu.memory_space<semaphore_mem>>) src(%dma_wait3A_339 : memref<64x256xf32, #tpu.memory_space<vmem>>) dst(%dma_wait3A_335 : memref<64x256xf32, #tpu.memory_space<hbm>>)
        } else {
        }
        %add3A_163 = arith.addi %add3A_8, %add3A_82 : i32
        %mul3A_164 = arith.constant 8 : i32
        %mul3A_165 = arith.muli %add3A_163, %mul3A_164 : i32
        %add3A_166 = arith.constant 0 : i32
        %add3A_167 = arith.addi %mul3A_165, %add3A_166 : i32
        %shift_right_arithmetic3A = arith.constant 3 : i32
        %shift_right_arithmetic3A_168 = vector.broadcast %shift_right_arithmetic3A : i32 to vector<16xi32>
        %shift_right_arithmetic3A_169 = arith.shrsi %iota3A, %shift_right_arithmetic3A_168 : vector<16xi32>
        %add3A_170 = vector.broadcast %add3A_167 : i32 to vector<16xi32>
        %add3A_171 = arith.addi %add3A_170, %shift_right_arithmetic3A_169 : vector<16xi32>
        %and3A_172 = arith.constant 7 : i32
        %and3A_173 = vector.broadcast %and3A_172 : i32 to vector<16xi32>
        %and3A_174 = arith.andi %iota3A, %and3A_173 : vector<16xi32>
        %mul3A_175 = arith.constant 545 : i32
        %mul3A_176 = vector.broadcast %mul3A_175 : i32 to vector<16xi32>
        %mul3A_177 = arith.muli %add3A_171, %mul3A_176 : vector<16xi32>
        %shift_right_arithmetic3A_178 = arith.constant 18 : i32
        %shift_right_arithmetic3A_179 = vector.broadcast %shift_right_arithmetic3A_178 : i32 to vector<16xi32>
        %shift_right_arithmetic3A_180 = arith.shrsi %mul3A_177, %shift_right_arithmetic3A_179 : vector<16xi32>
        %mul3A_181 = arith.constant 481 : i32
        %mul3A_182 = vector.broadcast %mul3A_181 : i32 to vector<16xi32>
        %mul3A_183 = arith.muli %shift_right_arithmetic3A_180, %mul3A_182 : vector<16xi32>
        %sub3A_184 = arith.subi %add3A_171, %mul3A_183 : vector<16xi32>
        %mul3A_185 = arith.constant 512 : i32
        %mul3A_186 = vector.broadcast %mul3A_185 : i32 to vector<16xi32>
        %mul3A_187 = arith.muli %shift_right_arithmetic3A_180, %mul3A_186 : vector<16xi32>
        %add3A_188 = arith.addi %mul3A_187, %sub3A_184 : vector<16xi32>
        %mul3A_189 = arith.constant 4 : i32
        %mul3A_190 = vector.broadcast %mul3A_189 : i32 to vector<16xi32>
        %mul3A_191 = arith.muli %mul3A_190, %and3A_174 : vector<16xi32>
        %add3A_192 = arith.addi %add3A_188, %mul3A_191 : vector<16xi32>
        %swap3A = arith.constant 1 : i32
        %swap3A_193 = arith.index_cast %swap3A : i32 to index
        %swap3A_194 = arith.constant 0 : index
        %swap3A_195 = tpu.vector_load %arg5[%swap3A_193, %swap3A_194] {strides = array<i32>} : memref<7x64xi32, #tpu.memory_space<vmem>>, vector<1x16xi32>,
        %swap3A_196 = vector.shape_cast %swap3A_195 : vector<1x16xi32> to vector<16xi32>
        %swap3A_197 = vector.shape_cast %add3A_192 : vector<16xi32> to vector<1x16xi32>
        tpu.vector_store %arg5[%swap3A_193, %swap3A_194], %swap3A_197 {strides = array<i32>} : memref<7x64xi32, #tpu.memory_space<vmem>>, vector<1x16xi32>,
        %add3A_198 = arith.addi %add3A_8, %add3A_82 : i32
        %mul3A_199 = arith.constant 8 : i32
        %mul3A_200 = arith.muli %add3A_198, %mul3A_199 : i32
        %add3A_201 = arith.constant 2 : i32
        %add3A_202 = arith.addi %mul3A_200, %add3A_201 : i32
        %shift_right_arithmetic3A_203 = arith.constant 3 : i32
        %shift_right_arithmetic3A_204 = vector.broadcast %shift_right_arithmetic3A_203 : i32 to vector<16xi32>
        %shift_right_arithmetic3A_205 = arith.shrsi %iota3A, %shift_right_arithmetic3A_204 : vector<16xi32>
        %add3A_206 = vector.broadcast %add3A_202 : i32 to vector<16xi32>
        %add3A_207 = arith.addi %add3A_206, %shift_right_arithmetic3A_205 : vector<16xi32>
        %and3A_208 = arith.constant 7 : i32
        %and3A_209 = vector.broadcast %and3A_208 : i32 to vector<16xi32>
        %and3A_210 = arith.andi %iota3A, %and3A_209 : vector<16xi32>
        %mul3A_211 = arith.constant 545 : i32
        %mul3A_212 = vector.broadcast %mul3A_211 : i32 to vector<16xi32>
        %mul3A_213 = arith.muli %add3A_207, %mul3A_212 : vector<16xi32>
        %shift_right_arithmetic3A_214 = arith.constant 18 : i32
        %shift_right_arithmetic3A_215 = vector.broadcast %shift_right_arithmetic3A_214 : i32 to vector<16xi32>
        %shift_right_arithmetic3A_216 = arith.shrsi %mul3A_213, %shift_right_arithmetic3A_215 : vector<16xi32>
        %mul3A_217 = arith.constant 481 : i32
        %mul3A_218 = vector.broadcast %mul3A_217 : i32 to vector<16xi32>
        %mul3A_219 = arith.muli %shift_right_arithmetic3A_216, %mul3A_218 : vector<16xi32>
        %sub3A_220 = arith.subi %add3A_207, %mul3A_219 : vector<16xi32>
        %mul3A_221 = arith.constant 512 : i32
        %mul3A_222 = vector.broadcast %mul3A_221 : i32 to vector<16xi32>
        %mul3A_223 = arith.muli %shift_right_arithmetic3A_216, %mul3A_222 : vector<16xi32>
        %add3A_224 = arith.addi %mul3A_223, %sub3A_220 : vector<16xi32>
        %mul3A_225 = arith.constant 4 : i32
        %mul3A_226 = vector.broadcast %mul3A_225 : i32 to vector<16xi32>
        %mul3A_227 = arith.muli %mul3A_226, %and3A_210 : vector<16xi32>
        %add3A_228 = arith.addi %add3A_224, %mul3A_227 : vector<16xi32>
        %swap3A_229 = arith.constant 1 : i32
        %swap3A_230 = arith.index_cast %swap3A_229 : i32 to index
        %swap3A_231 = arith.constant 16 : index
        %swap3A_232 = tpu.vector_load %arg5[%swap3A_230, %swap3A_231] {strides = array<i32>} : memref<7x64xi32, #tpu.memory_space<vmem>>, vector<1x16xi32>,
        %swap3A_233 = vector.shape_cast %swap3A_232 : vector<1x16xi32> to vector<16xi32>
        %swap3A_234 = vector.shape_cast %add3A_228 : vector<16xi32> to vector<1x16xi32>
        tpu.vector_store %arg5[%swap3A_230, %swap3A_231], %swap3A_234 {strides = array<i32>} : memref<7x64xi32, #tpu.memory_space<vmem>>, vector<1x16xi32>,
        %add3A_235 = arith.addi %add3A_8, %add3A_82 : i32
        %mul3A_236 = arith.constant 8 : i32
        %mul3A_237 = arith.muli %add3A_235, %mul3A_236 : i32
        %add3A_238 = arith.constant 4 : i32
        %add3A_239 = arith.addi %mul3A_237, %add3A_238 : i32
        %shift_right_arithmetic3A_240 = arith.constant 3 : i32
        %shift_right_arithmetic3A_241 = vector.broadcast %shift_right_arithmetic3A_240 : i32 to vector<16xi32>
        %shift_right_arithmetic3A_242 = arith.shrsi %iota3A, %shift_right_arithmetic3A_241 : vector<16xi32>
        %add3A_243 = vector.broadcast %add3A_239 : i32 to vector<16xi32>
        %add3A_244 = arith.addi %add3A_243, %shift_right_arithmetic3A_242 : vector<16xi32>
        %and3A_245 = arith.constant 7 : i32
        %and3A_246 = vector.broadcast %and3A_245 : i32 to vector<16xi32>
        %and3A_247 = arith.andi %iota3A, %and3A_246 : vector<16xi32>
        %mul3A_248 = arith.constant 545 : i32
        %mul3A_249 = vector.broadcast %mul3A_248 : i32 to vector<16xi32>
        %mul3A_250 = arith.muli %add3A_244, %mul3A_249 : vector<16xi32>
        %shift_right_arithmetic3A_251 = arith.constant 18 : i32
        %shift_right_arithmetic3A_252 = vector.broadcast %shift_right_arithmetic3A_251 : i32 to vector<16xi32>
        %shift_right_arithmetic3A_253 = arith.shrsi %mul3A_250, %shift_right_arithmetic3A_252 : vector<16xi32>
        %mul3A_254 = arith.constant 481 : i32
        %mul3A_255 = vector.broadcast %mul3A_254 : i32 to vector<16xi32>
        %mul3A_256 = arith.muli %shift_right_arithmetic3A_253, %mul3A_255 : vector<16xi32>
        %sub3A_257 = arith.subi %add3A_244, %mul3A_256 : vector<16xi32>
        %mul3A_258 = arith.constant 512 : i32
        %mul3A_259 = vector.broadcast %mul3A_258 : i32 to vector<16xi32>
        %mul3A_260 = arith.muli %shift_right_arithmetic3A_253, %mul3A_259 : vector<16xi32>
        %add3A_261 = arith.addi %mul3A_260, %sub3A_257 : vector<16xi32>
        %mul3A_262 = arith.constant 4 : i32
        %mul3A_263 = vector.broadcast %mul3A_262 : i32 to vector<16xi32>
        %mul3A_264 = arith.muli %mul3A_263, %and3A_247 : vector<16xi32>
        %add3A_265 = arith.addi %add3A_261, %mul3A_264 : vector<16xi32>
        %swap3A_266 = arith.constant 1 : i32
        %swap3A_267 = arith.index_cast %swap3A_266 : i32 to index
        %swap3A_268 = arith.constant 32 : index
        %swap3A_269 = tpu.vector_load %arg5[%swap3A_267, %swap3A_268] {strides = array<i32>} : memref<7x64xi32, #tpu.memory_space<vmem>>, vector<1x16xi32>,
        %swap3A_270 = vector.shape_cast %swap3A_269 : vector<1x16xi32> to vector<16xi32>
        %swap3A_271 = vector.shape_cast %add3A_265 : vector<16xi32> to vector<1x16xi32>
        tpu.vector_store %arg5[%swap3A_267, %swap3A_268], %swap3A_271 {strides = array<i32>} : memref<7x64xi32, #tpu.memory_space<vmem>>, vector<1x16xi32>,
        %add3A_272 = arith.addi %add3A_8, %add3A_82 : i32
        %mul3A_273 = arith.constant 8 : i32
        %mul3A_274 = arith.muli %add3A_272, %mul3A_273 : i32
        %add3A_275 = arith.constant 6 : i32
        %add3A_276 = arith.addi %mul3A_274, %add3A_275 : i32
        %shift_right_arithmetic3A_277 = arith.constant 3 : i32
        %shift_right_arithmetic3A_278 = vector.broadcast %shift_right_arithmetic3A_277 : i32 to vector<16xi32>
        %shift_right_arithmetic3A_279 = arith.shrsi %iota3A, %shift_right_arithmetic3A_278 : vector<16xi32>
        %add3A_280 = vector.broadcast %add3A_276 : i32 to vector<16xi32>
        %add3A_281 = arith.addi %add3A_280, %shift_right_arithmetic3A_279 : vector<16xi32>
        %and3A_282 = arith.constant 7 : i32
        %and3A_283 = vector.broadcast %and3A_282 : i32 to vector<16xi32>
        %and3A_284 = arith.andi %iota3A, %and3A_283 : vector<16xi32>
        %mul3A_285 = arith.constant 545 : i32
        %mul3A_286 = vector.broadcast %mul3A_285 : i32 to vector<16xi32>
        %mul3A_287 = arith.muli %add3A_281, %mul3A_286 : vector<16xi32>
        %shift_right_arithmetic3A_288 = arith.constant 18 : i32
        %shift_right_arithmetic3A_289 = vector.broadcast %shift_right_arithmetic3A_288 : i32 to vector<16xi32>
        %shift_right_arithmetic3A_290 = arith.shrsi %mul3A_287, %shift_right_arithmetic3A_289 : vector<16xi32>
        %mul3A_291 = arith.constant 481 : i32
        %mul3A_292 = vector.broadcast %mul3A_291 : i32 to vector<16xi32>
        %mul3A_293 = arith.muli %shift_right_arithmetic3A_290, %mul3A_292 : vector<16xi32>
        %sub3A_294 = arith.subi %add3A_281, %mul3A_293 : vector<16xi32>
        %mul3A_295 = arith.constant 512 : i32
        %mul3A_296 = vector.broadcast %mul3A_295 : i32 to vector<16xi32>
        %mul3A_297 = arith.muli %shift_right_arithmetic3A_290, %mul3A_296 : vector<16xi32>
        %add3A_298 = arith.addi %mul3A_297, %sub3A_294 : vector<16xi32>
        %mul3A_299 = arith.constant 4 : i32
        %mul3A_300 = vector.broadcast %mul3A_299 : i32 to vector<16xi32>
        %mul3A_301 = arith.muli %mul3A_300, %and3A_284 : vector<16xi32>
        %add3A_302 = arith.addi %add3A_298, %mul3A_301 : vector<16xi32>
        %swap3A_303 = arith.constant 1 : i32
        %swap3A_304 = arith.index_cast %swap3A_303 : i32 to index
        %swap3A_305 = arith.constant 48 : index
        %swap3A_306 = tpu.vector_load %arg5[%swap3A_304, %swap3A_305] {strides = array<i32>} : memref<7x64xi32, #tpu.memory_space<vmem>>, vector<1x16xi32>,
        %swap3A_307 = vector.shape_cast %swap3A_306 : vector<1x16xi32> to vector<16xi32>
        %swap3A_308 = vector.shape_cast %add3A_302 : vector<16xi32> to vector<1x16xi32>
        tpu.vector_store %arg5[%swap3A_304, %swap3A_305], %swap3A_308 {strides = array<i32>} : memref<7x64xi32, #tpu.memory_space<vmem>>, vector<1x16xi32>,
        %dma_start3A = arith.constant 1 : i32
        %dma_start3A_309 = arith.constant 1 : i32
        %dma_start3A_310 = arith.constant 1 : i32
        %dma_start3A_311 = arith.constant 0 : i32
        %dma_start3A_312 = arith.constant 0 : i32
        %dma_start3A_313 = tpu.memref_slice %arg4[%dma_start3A_309, %dma_start3A_311, %dma_start3A_312] : memref<7x64x256xf32, #tpu.memory_space<vmem>> -> memref<1x64x256xf32, #tpu.memory_space<vmem>>
        %dma_start3A_314 = tpu.memref_squeeze %dma_start3A_313 : memref<1x64x256xf32, #tpu.memory_space<vmem>> -> memref<64x256xf32, #tpu.memory_space<vmem>>
        %dma_start3A_315 = arith.constant 0 : i32
        %dma_start3A_316 = tpu.memref_slice %arg5[%dma_start3A, %dma_start3A_315] : memref<7x64xi32, #tpu.memory_space<vmem>> -> memref<1x64xi32, #tpu.memory_space<vmem>>
        %dma_start3A_317 = tpu.memref_squeeze %dma_start3A_316 : memref<1x64xi32, #tpu.memory_space<vmem>> -> memref<64xi32, #tpu.memory_space<vmem>>
        %dma_start3A_318 = arith.constant 0 : i32
        %dma_start3A_319 = arith.constant 0 : i32
        %dma_start3A_320 = tpu.memref_slice %arg2[%dma_start3A_318, %dma_start3A_319] : memref<4096x256xf32, #tpu.memory_space<hbm>> -> memref<4096x256xf32, #tpu.memory_space<hbm>>
        %dma_start3A_321 = tpu.memref_slice %arg6[%dma_start3A_310] : memref<7x!tpu.dma_semaphore, #tpu.memory_space<semaphore_mem>> -> memref<1x!tpu.dma_semaphore, #tpu.memory_space<semaphore_mem>>
        %dma_start3A_322 = tpu.memref_squeeze %dma_start3A_321 : memref<1x!tpu.dma_semaphore, #tpu.memory_space<semaphore_mem>> -> memref<!tpu.dma_semaphore, #tpu.memory_space<semaphore_mem>>
        tpu.enqueue_indirect_dma source(%dma_start3A_320 : memref<4096x256xf32, #tpu.memory_space<hbm>>) target(%dma_start3A_314 : memref<64x256xf32, #tpu.memory_space<vmem>>) offsets(%dma_start3A_317 : memref<64xi32, #tpu.memory_space<vmem>>) semaphore(%dma_start3A_322 : memref<!tpu.dma_semaphore, #tpu.memory_space<semaphore_mem>>)
      } else {
      }
      %add3A_87 = arith.constant 2 : i32
      %add3A_88 = arith.addi %mul3A_74, %add3A_87 : i32
      %lt3A_89 = arith.cmpi slt, %add3A_88, %add3A_4 : i32
      %convert_element_type3A_90 = arith.extui %lt3A_89 : i1 to i32
      %cond3A_91 = arith.constant 0 : i32
      %cond3A_92 = arith.cmpi ne, %convert_element_type3A_90, %cond3A_91 : i32
      scf.if %cond3A_92 {
        %ge3A = arith.constant 1 : i32
        %ge3A_159 = arith.cmpi sge, %while3A_72, %ge3A : i32
        %convert_element_type3A_160 = arith.extui %ge3A_159 : i1 to i32
        %cond3A_161 = arith.constant 0 : i32
        %cond3A_162 = arith.cmpi ne, %convert_element_type3A_160, %cond3A_161 : i32
        scf.if %cond3A_162 {
          %dma_wait3A = arith.constant 2 : i32
          %dma_wait3A_323 = arith.constant 2 : i32
          %dma_wait3A_324 = arith.constant 0 : i32
          %dma_wait3A_325 = arith.constant 0 : i32
          %dma_wait3A_326 = tpu.memref_slice %arg4[%dma_wait3A, %dma_wait3A_324, %dma_wait3A_325] : memref<7x64x256xf32, #tpu.memory_space<vmem>> -> memref<1x64x256xf32, #tpu.memory_space<vmem>>
          %dma_wait3A_327 = tpu.memref_squeeze %dma_wait3A_326 : memref<1x64x256xf32, #tpu.memory_space<vmem>> -> memref<64x256xf32, #tpu.memory_space<vmem>>
          %dma_wait3A_328 = arith.constant 0 : i32
          %dma_wait3A_329 = arith.constant 0 : i32
          %dma_wait3A_330 = tpu.memref_slice %arg3[%dma_wait3A_328, %dma_wait3A_329] : memref<30784x256xf32, #tpu.memory_space<hbm>> -> memref<64x256xf32, #tpu.memory_space<hbm>>
          %dma_wait3A_331 = tpu.memref_slice %arg7[%dma_wait3A_323] : memref<7x!tpu.dma_semaphore, #tpu.memory_space<semaphore_mem>> -> memref<1x!tpu.dma_semaphore, #tpu.memory_space<semaphore_mem>>
          %dma_wait3A_332 = tpu.memref_squeeze %dma_wait3A_331 : memref<1x!tpu.dma_semaphore, #tpu.memory_space<semaphore_mem>> -> memref<!tpu.dma_semaphore, #tpu.memory_space<semaphore_mem>>
          %dma_wait3A_333 = arith.constant 0 : i32
          %dma_wait3A_334 = arith.constant 0 : i32
          %dma_wait3A_335 = tpu.memref_slice %arg3[%dma_wait3A_333, %dma_wait3A_334] : memref<30784x256xf32, #tpu.memory_space<hbm>> -> memref<64x256xf32, #tpu.memory_space<hbm>>
          %dma_wait3A_336 = arith.constant 0 : i32
          %dma_wait3A_337 = arith.constant 0 : i32
          %dma_wait3A_338 = tpu.memref_slice %arg4[%dma_wait3A, %dma_wait3A_336, %dma_wait3A_337] : memref<7x64x256xf32, #tpu.memory_space<vmem>> -> memref<1x64x256xf32, #tpu.memory_space<vmem>>
          %dma_wait3A_339 = tpu.memref_squeeze %dma_wait3A_338 : memref<1x64x256xf32, #tpu.memory_space<vmem>> -> memref<64x256xf32, #tpu.memory_space<vmem>>
          tpu.wait_dma2 semaphore(%dma_wait3A_332 : memref<!tpu.dma_semaphore, #tpu.memory_space<semaphore_mem>>) src(%dma_wait3A_339 : memref<64x256xf32, #tpu.memory_space<vmem>>) dst(%dma_wait3A_335 : memref<64x256xf32, #tpu.memory_space<hbm>>)
        } else {
        }
        %add3A_163 = arith.addi %add3A_8, %add3A_88 : i32
        %mul3A_164 = arith.constant 8 : i32
        %mul3A_165 = arith.muli %add3A_163, %mul3A_164 : i32
        %add3A_166 = arith.constant 0 : i32
        %add3A_167 = arith.addi %mul3A_165, %add3A_166 : i32
        %shift_right_arithmetic3A = arith.constant 3 : i32
        %shift_right_arithmetic3A_168 = vector.broadcast %shift_right_arithmetic3A : i32 to vector<16xi32>
        %shift_right_arithmetic3A_169 = arith.shrsi %iota3A, %shift_right_arithmetic3A_168 : vector<16xi32>
        %add3A_170 = vector.broadcast %add3A_167 : i32 to vector<16xi32>
        %add3A_171 = arith.addi %add3A_170, %shift_right_arithmetic3A_169 : vector<16xi32>
        %and3A_172 = arith.constant 7 : i32
        %and3A_173 = vector.broadcast %and3A_172 : i32 to vector<16xi32>
        %and3A_174 = arith.andi %iota3A, %and3A_173 : vector<16xi32>
        %mul3A_175 = arith.constant 545 : i32
        %mul3A_176 = vector.broadcast %mul3A_175 : i32 to vector<16xi32>
        %mul3A_177 = arith.muli %add3A_171, %mul3A_176 : vector<16xi32>
        %shift_right_arithmetic3A_178 = arith.constant 18 : i32
        %shift_right_arithmetic3A_179 = vector.broadcast %shift_right_arithmetic3A_178 : i32 to vector<16xi32>
        %shift_right_arithmetic3A_180 = arith.shrsi %mul3A_177, %shift_right_arithmetic3A_179 : vector<16xi32>
        %mul3A_181 = arith.constant 481 : i32
        %mul3A_182 = vector.broadcast %mul3A_181 : i32 to vector<16xi32>
        %mul3A_183 = arith.muli %shift_right_arithmetic3A_180, %mul3A_182 : vector<16xi32>
        %sub3A_184 = arith.subi %add3A_171, %mul3A_183 : vector<16xi32>
        %mul3A_185 = arith.constant 512 : i32
        %mul3A_186 = vector.broadcast %mul3A_185 : i32 to vector<16xi32>
        %mul3A_187 = arith.muli %shift_right_arithmetic3A_180, %mul3A_186 : vector<16xi32>
        %add3A_188 = arith.addi %mul3A_187, %sub3A_184 : vector<16xi32>
        %mul3A_189 = arith.constant 4 : i32
        %mul3A_190 = vector.broadcast %mul3A_189 : i32 to vector<16xi32>
        %mul3A_191 = arith.muli %mul3A_190, %and3A_174 : vector<16xi32>
        %add3A_192 = arith.addi %add3A_188, %mul3A_191 : vector<16xi32>
        %swap3A = arith.constant 2 : i32
        %swap3A_193 = arith.index_cast %swap3A : i32 to index
        %swap3A_194 = arith.constant 0 : index
        %swap3A_195 = tpu.vector_load %arg5[%swap3A_193, %swap3A_194] {strides = array<i32>} : memref<7x64xi32, #tpu.memory_space<vmem>>, vector<1x16xi32>,
        %swap3A_196 = vector.shape_cast %swap3A_195 : vector<1x16xi32> to vector<16xi32>
        %swap3A_197 = vector.shape_cast %add3A_192 : vector<16xi32> to vector<1x16xi32>
        tpu.vector_store %arg5[%swap3A_193, %swap3A_194], %swap3A_197 {strides = array<i32>} : memref<7x64xi32, #tpu.memory_space<vmem>>, vector<1x16xi32>,
        %add3A_198 = arith.addi %add3A_8, %add3A_88 : i32
        %mul3A_199 = arith.constant 8 : i32
        %mul3A_200 = arith.muli %add3A_198, %mul3A_199 : i32
        %add3A_201 = arith.constant 2 : i32
        %add3A_202 = arith.addi %mul3A_200, %add3A_201 : i32
        %shift_right_arithmetic3A_203 = arith.constant 3 : i32
        %shift_right_arithmetic3A_204 = vector.broadcast %shift_right_arithmetic3A_203 : i32 to vector<16xi32>
        %shift_right_arithmetic3A_205 = arith.shrsi %iota3A, %shift_right_arithmetic3A_204 : vector<16xi32>
        %add3A_206 = vector.broadcast %add3A_202 : i32 to vector<16xi32>
        %add3A_207 = arith.addi %add3A_206, %shift_right_arithmetic3A_205 : vector<16xi32>
        %and3A_208 = arith.constant 7 : i32
        %and3A_209 = vector.broadcast %and3A_208 : i32 to vector<16xi32>
        %and3A_210 = arith.andi %iota3A, %and3A_209 : vector<16xi32>
        %mul3A_211 = arith.constant 545 : i32
        %mul3A_212 = vector.broadcast %mul3A_211 : i32 to vector<16xi32>
        %mul3A_213 = arith.muli %add3A_207, %mul3A_212 : vector<16xi32>
        %shift_right_arithmetic3A_214 = arith.constant 18 : i32
        %shift_right_arithmetic3A_215 = vector.broadcast %shift_right_arithmetic3A_214 : i32 to vector<16xi32>
        %shift_right_arithmetic3A_216 = arith.shrsi %mul3A_213, %shift_right_arithmetic3A_215 : vector<16xi32>
        %mul3A_217 = arith.constant 481 : i32
        %mul3A_218 = vector.broadcast %mul3A_217 : i32 to vector<16xi32>
        %mul3A_219 = arith.muli %shift_right_arithmetic3A_216, %mul3A_218 : vector<16xi32>
        %sub3A_220 = arith.subi %add3A_207, %mul3A_219 : vector<16xi32>
        %mul3A_221 = arith.constant 512 : i32
        %mul3A_222 = vector.broadcast %mul3A_221 : i32 to vector<16xi32>
        %mul3A_223 = arith.muli %shift_right_arithmetic3A_216, %mul3A_222 : vector<16xi32>
        %add3A_224 = arith.addi %mul3A_223, %sub3A_220 : vector<16xi32>
        %mul3A_225 = arith.constant 4 : i32
        %mul3A_226 = vector.broadcast %mul3A_225 : i32 to vector<16xi32>
        %mul3A_227 = arith.muli %mul3A_226, %and3A_210 : vector<16xi32>
        %add3A_228 = arith.addi %add3A_224, %mul3A_227 : vector<16xi32>
        %swap3A_229 = arith.constant 2 : i32
        %swap3A_230 = arith.index_cast %swap3A_229 : i32 to index
        %swap3A_231 = arith.constant 16 : index
        %swap3A_232 = tpu.vector_load %arg5[%swap3A_230, %swap3A_231] {strides = array<i32>} : memref<7x64xi32, #tpu.memory_space<vmem>>, vector<1x16xi32>,
        %swap3A_233 = vector.shape_cast %swap3A_232 : vector<1x16xi32> to vector<16xi32>
        %swap3A_234 = vector.shape_cast %add3A_228 : vector<16xi32> to vector<1x16xi32>
        tpu.vector_store %arg5[%swap3A_230, %swap3A_231], %swap3A_234 {strides = array<i32>} : memref<7x64xi32, #tpu.memory_space<vmem>>, vector<1x16xi32>,
        %add3A_235 = arith.addi %add3A_8, %add3A_88 : i32
        %mul3A_236 = arith.constant 8 : i32
        %mul3A_237 = arith.muli %add3A_235, %mul3A_236 : i32
        %add3A_238 = arith.constant 4 : i32
        %add3A_239 = arith.addi %mul3A_237, %add3A_238 : i32
        %shift_right_arithmetic3A_240 = arith.constant 3 : i32
        %shift_right_arithmetic3A_241 = vector.broadcast %shift_right_arithmetic3A_240 : i32 to vector<16xi32>
        %shift_right_arithmetic3A_242 = arith.shrsi %iota3A, %shift_right_arithmetic3A_241 : vector<16xi32>
        %add3A_243 = vector.broadcast %add3A_239 : i32 to vector<16xi32>
        %add3A_244 = arith.addi %add3A_243, %shift_right_arithmetic3A_242 : vector<16xi32>
        %and3A_245 = arith.constant 7 : i32
        %and3A_246 = vector.broadcast %and3A_245 : i32 to vector<16xi32>
        %and3A_247 = arith.andi %iota3A, %and3A_246 : vector<16xi32>
        %mul3A_248 = arith.constant 545 : i32
        %mul3A_249 = vector.broadcast %mul3A_248 : i32 to vector<16xi32>
        %mul3A_250 = arith.muli %add3A_244, %mul3A_249 : vector<16xi32>
        %shift_right_arithmetic3A_251 = arith.constant 18 : i32
        %shift_right_arithmetic3A_252 = vector.broadcast %shift_right_arithmetic3A_251 : i32 to vector<16xi32>
        %shift_right_arithmetic3A_253 = arith.shrsi %mul3A_250, %shift_right_arithmetic3A_252 : vector<16xi32>
        %mul3A_254 = arith.constant 481 : i32
        %mul3A_255 = vector.broadcast %mul3A_254 : i32 to vector<16xi32>
        %mul3A_256 = arith.muli %shift_right_arithmetic3A_253, %mul3A_255 : vector<16xi32>
        %sub3A_257 = arith.subi %add3A_244, %mul3A_256 : vector<16xi32>
        %mul3A_258 = arith.constant 512 : i32
        %mul3A_259 = vector.broadcast %mul3A_258 : i32 to vector<16xi32>
        %mul3A_260 = arith.muli %shift_right_arithmetic3A_253, %mul3A_259 : vector<16xi32>
        %add3A_261 = arith.addi %mul3A_260, %sub3A_257 : vector<16xi32>
        %mul3A_262 = arith.constant 4 : i32
        %mul3A_263 = vector.broadcast %mul3A_262 : i32 to vector<16xi32>
        %mul3A_264 = arith.muli %mul3A_263, %and3A_247 : vector<16xi32>
        %add3A_265 = arith.addi %add3A_261, %mul3A_264 : vector<16xi32>
        %swap3A_266 = arith.constant 2 : i32
        %swap3A_267 = arith.index_cast %swap3A_266 : i32 to index
        %swap3A_268 = arith.constant 32 : index
        %swap3A_269 = tpu.vector_load %arg5[%swap3A_267, %swap3A_268] {strides = array<i32>} : memref<7x64xi32, #tpu.memory_space<vmem>>, vector<1x16xi32>,
        %swap3A_270 = vector.shape_cast %swap3A_269 : vector<1x16xi32> to vector<16xi32>
        %swap3A_271 = vector.shape_cast %add3A_265 : vector<16xi32> to vector<1x16xi32>
        tpu.vector_store %arg5[%swap3A_267, %swap3A_268], %swap3A_271 {strides = array<i32>} : memref<7x64xi32, #tpu.memory_space<vmem>>, vector<1x16xi32>,
        %add3A_272 = arith.addi %add3A_8, %add3A_88 : i32
        %mul3A_273 = arith.constant 8 : i32
        %mul3A_274 = arith.muli %add3A_272, %mul3A_273 : i32
        %add3A_275 = arith.constant 6 : i32
        %add3A_276 = arith.addi %mul3A_274, %add3A_275 : i32
        %shift_right_arithmetic3A_277 = arith.constant 3 : i32
        %shift_right_arithmetic3A_278 = vector.broadcast %shift_right_arithmetic3A_277 : i32 to vector<16xi32>
        %shift_right_arithmetic3A_279 = arith.shrsi %iota3A, %shift_right_arithmetic3A_278 : vector<16xi32>
        %add3A_280 = vector.broadcast %add3A_276 : i32 to vector<16xi32>
        %add3A_281 = arith.addi %add3A_280, %shift_right_arithmetic3A_279 : vector<16xi32>
        %and3A_282 = arith.constant 7 : i32
        %and3A_283 = vector.broadcast %and3A_282 : i32 to vector<16xi32>
        %and3A_284 = arith.andi %iota3A, %and3A_283 : vector<16xi32>
        %mul3A_285 = arith.constant 545 : i32
        %mul3A_286 = vector.broadcast %mul3A_285 : i32 to vector<16xi32>
        %mul3A_287 = arith.muli %add3A_281, %mul3A_286 : vector<16xi32>
        %shift_right_arithmetic3A_288 = arith.constant 18 : i32
        %shift_right_arithmetic3A_289 = vector.broadcast %shift_right_arithmetic3A_288 : i32 to vector<16xi32>
        %shift_right_arithmetic3A_290 = arith.shrsi %mul3A_287, %shift_right_arithmetic3A_289 : vector<16xi32>
        %mul3A_291 = arith.constant 481 : i32
        %mul3A_292 = vector.broadcast %mul3A_291 : i32 to vector<16xi32>
        %mul3A_293 = arith.muli %shift_right_arithmetic3A_290, %mul3A_292 : vector<16xi32>
        %sub3A_294 = arith.subi %add3A_281, %mul3A_293 : vector<16xi32>
        %mul3A_295 = arith.constant 512 : i32
        %mul3A_296 = vector.broadcast %mul3A_295 : i32 to vector<16xi32>
        %mul3A_297 = arith.muli %shift_right_arithmetic3A_290, %mul3A_296 : vector<16xi32>
        %add3A_298 = arith.addi %mul3A_297, %sub3A_294 : vector<16xi32>
        %mul3A_299 = arith.constant 4 : i32
        %mul3A_300 = vector.broadcast %mul3A_299 : i32 to vector<16xi32>
        %mul3A_301 = arith.muli %mul3A_300, %and3A_284 : vector<16xi32>
        %add3A_302 = arith.addi %add3A_298, %mul3A_301 : vector<16xi32>
        %swap3A_303 = arith.constant 2 : i32
        %swap3A_304 = arith.index_cast %swap3A_303 : i32 to index
        %swap3A_305 = arith.constant 48 : index
        %swap3A_306 = tpu.vector_load %arg5[%swap3A_304, %swap3A_305] {strides = array<i32>} : memref<7x64xi32, #tpu.memory_space<vmem>>, vector<1x16xi32>,
        %swap3A_307 = vector.shape_cast %swap3A_306 : vector<1x16xi32> to vector<16xi32>
        %swap3A_308 = vector.shape_cast %add3A_302 : vector<16xi32> to vector<1x16xi32>
        tpu.vector_store %arg5[%swap3A_304, %swap3A_305], %swap3A_308 {strides = array<i32>} : memref<7x64xi32, #tpu.memory_space<vmem>>, vector<1x16xi32>,
        %dma_start3A = arith.constant 2 : i32
        %dma_start3A_309 = arith.constant 2 : i32
        %dma_start3A_310 = arith.constant 2 : i32
        %dma_start3A_311 = arith.constant 0 : i32
        %dma_start3A_312 = arith.constant 0 : i32
        %dma_start3A_313 = tpu.memref_slice %arg4[%dma_start3A_309, %dma_start3A_311, %dma_start3A_312] : memref<7x64x256xf32, #tpu.memory_space<vmem>> -> memref<1x64x256xf32, #tpu.memory_space<vmem>>
        %dma_start3A_314 = tpu.memref_squeeze %dma_start3A_313 : memref<1x64x256xf32, #tpu.memory_space<vmem>> -> memref<64x256xf32, #tpu.memory_space<vmem>>
        %dma_start3A_315 = arith.constant 0 : i32
        %dma_start3A_316 = tpu.memref_slice %arg5[%dma_start3A, %dma_start3A_315] : memref<7x64xi32, #tpu.memory_space<vmem>> -> memref<1x64xi32, #tpu.memory_space<vmem>>
        %dma_start3A_317 = tpu.memref_squeeze %dma_start3A_316 : memref<1x64xi32, #tpu.memory_space<vmem>> -> memref<64xi32, #tpu.memory_space<vmem>>
        %dma_start3A_318 = arith.constant 0 : i32
        %dma_start3A_319 = arith.constant 0 : i32
        %dma_start3A_320 = tpu.memref_slice %arg2[%dma_start3A_318, %dma_start3A_319] : memref<4096x256xf32, #tpu.memory_space<hbm>> -> memref<4096x256xf32, #tpu.memory_space<hbm>>
        %dma_start3A_321 = tpu.memref_slice %arg6[%dma_start3A_310] : memref<7x!tpu.dma_semaphore, #tpu.memory_space<semaphore_mem>> -> memref<1x!tpu.dma_semaphore, #tpu.memory_space<semaphore_mem>>
        %dma_start3A_322 = tpu.memref_squeeze %dma_start3A_321 : memref<1x!tpu.dma_semaphore, #tpu.memory_space<semaphore_mem>> -> memref<!tpu.dma_semaphore, #tpu.memory_space<semaphore_mem>>
        tpu.enqueue_indirect_dma source(%dma_start3A_320 : memref<4096x256xf32, #tpu.memory_space<hbm>>) target(%dma_start3A_314 : memref<64x256xf32, #tpu.memory_space<vmem>>) offsets(%dma_start3A_317 : memref<64xi32, #tpu.memory_space<vmem>>) semaphore(%dma_start3A_322 : memref<!tpu.dma_semaphore, #tpu.memory_space<semaphore_mem>>)
      } else {
      }
      %add3A_93 = arith.constant 3 : i32
      %add3A_94 = arith.addi %mul3A_74, %add3A_93 : i32
      %lt3A_95 = arith.cmpi slt, %add3A_94, %add3A_4 : i32
      %convert_element_type3A_96 = arith.extui %lt3A_95 : i1 to i32
      %cond3A_97 = arith.constant 0 : i32
      %cond3A_98 = arith.cmpi ne, %convert_element_type3A_96, %cond3A_97 : i32
      scf.if %cond3A_98 {
        %ge3A = arith.constant 1 : i32
        %ge3A_159 = arith.cmpi sge, %while3A_72, %ge3A : i32
        %convert_element_type3A_160 = arith.extui %ge3A_159 : i1 to i32
        %cond3A_161 = arith.constant 0 : i32
        %cond3A_162 = arith.cmpi ne, %convert_element_type3A_160, %cond3A_161 : i32
        scf.if %cond3A_162 {
          %dma_wait3A = arith.constant 3 : i32
          %dma_wait3A_323 = arith.constant 3 : i32
          %dma_wait3A_324 = arith.constant 0 : i32
          %dma_wait3A_325 = arith.constant 0 : i32
          %dma_wait3A_326 = tpu.memref_slice %arg4[%dma_wait3A, %dma_wait3A_324, %dma_wait3A_325] : memref<7x64x256xf32, #tpu.memory_space<vmem>> -> memref<1x64x256xf32, #tpu.memory_space<vmem>>
          %dma_wait3A_327 = tpu.memref_squeeze %dma_wait3A_326 : memref<1x64x256xf32, #tpu.memory_space<vmem>> -> memref<64x256xf32, #tpu.memory_space<vmem>>
          %dma_wait3A_328 = arith.constant 0 : i32
          %dma_wait3A_329 = arith.constant 0 : i32
          %dma_wait3A_330 = tpu.memref_slice %arg3[%dma_wait3A_328, %dma_wait3A_329] : memref<30784x256xf32, #tpu.memory_space<hbm>> -> memref<64x256xf32, #tpu.memory_space<hbm>>
          %dma_wait3A_331 = tpu.memref_slice %arg7[%dma_wait3A_323] : memref<7x!tpu.dma_semaphore, #tpu.memory_space<semaphore_mem>> -> memref<1x!tpu.dma_semaphore, #tpu.memory_space<semaphore_mem>>
          %dma_wait3A_332 = tpu.memref_squeeze %dma_wait3A_331 : memref<1x!tpu.dma_semaphore, #tpu.memory_space<semaphore_mem>> -> memref<!tpu.dma_semaphore, #tpu.memory_space<semaphore_mem>>
          %dma_wait3A_333 = arith.constant 0 : i32
          %dma_wait3A_334 = arith.constant 0 : i32
          %dma_wait3A_335 = tpu.memref_slice %arg3[%dma_wait3A_333, %dma_wait3A_334] : memref<30784x256xf32, #tpu.memory_space<hbm>> -> memref<64x256xf32, #tpu.memory_space<hbm>>
          %dma_wait3A_336 = arith.constant 0 : i32
          %dma_wait3A_337 = arith.constant 0 : i32
          %dma_wait3A_338 = tpu.memref_slice %arg4[%dma_wait3A, %dma_wait3A_336, %dma_wait3A_337] : memref<7x64x256xf32, #tpu.memory_space<vmem>> -> memref<1x64x256xf32, #tpu.memory_space<vmem>>
          %dma_wait3A_339 = tpu.memref_squeeze %dma_wait3A_338 : memref<1x64x256xf32, #tpu.memory_space<vmem>> -> memref<64x256xf32, #tpu.memory_space<vmem>>
          tpu.wait_dma2 semaphore(%dma_wait3A_332 : memref<!tpu.dma_semaphore, #tpu.memory_space<semaphore_mem>>) src(%dma_wait3A_339 : memref<64x256xf32, #tpu.memory_space<vmem>>) dst(%dma_wait3A_335 : memref<64x256xf32, #tpu.memory_space<hbm>>)
        } else {
        }
        %add3A_163 = arith.addi %add3A_8, %add3A_94 : i32
        %mul3A_164 = arith.constant 8 : i32
        %mul3A_165 = arith.muli %add3A_163, %mul3A_164 : i32
        %add3A_166 = arith.constant 0 : i32
        %add3A_167 = arith.addi %mul3A_165, %add3A_166 : i32
        %shift_right_arithmetic3A = arith.constant 3 : i32
        %shift_right_arithmetic3A_168 = vector.broadcast %shift_right_arithmetic3A : i32 to vector<16xi32>
        %shift_right_arithmetic3A_169 = arith.shrsi %iota3A, %shift_right_arithmetic3A_168 : vector<16xi32>
        %add3A_170 = vector.broadcast %add3A_167 : i32 to vector<16xi32>
        %add3A_171 = arith.addi %add3A_170, %shift_right_arithmetic3A_169 : vector<16xi32>
        %and3A_172 = arith.constant 7 : i32
        %and3A_173 = vector.broadcast %and3A_172 : i32 to vector<16xi32>
        %and3A_174 = arith.andi %iota3A, %and3A_173 : vector<16xi32>
        %mul3A_175 = arith.constant 545 : i32
        %mul3A_176 = vector.broadcast %mul3A_175 : i32 to vector<16xi32>
        %mul3A_177 = arith.muli %add3A_171, %mul3A_176 : vector<16xi32>
        %shift_right_arithmetic3A_178 = arith.constant 18 : i32
        %shift_right_arithmetic3A_179 = vector.broadcast %shift_right_arithmetic3A_178 : i32 to vector<16xi32>
        %shift_right_arithmetic3A_180 = arith.shrsi %mul3A_177, %shift_right_arithmetic3A_179 : vector<16xi32>
        %mul3A_181 = arith.constant 481 : i32
        %mul3A_182 = vector.broadcast %mul3A_181 : i32 to vector<16xi32>
        %mul3A_183 = arith.muli %shift_right_arithmetic3A_180, %mul3A_182 : vector<16xi32>
        %sub3A_184 = arith.subi %add3A_171, %mul3A_183 : vector<16xi32>
        %mul3A_185 = arith.constant 512 : i32
        %mul3A_186 = vector.broadcast %mul3A_185 : i32 to vector<16xi32>
        %mul3A_187 = arith.muli %shift_right_arithmetic3A_180, %mul3A_186 : vector<16xi32>
        %add3A_188 = arith.addi %mul3A_187, %sub3A_184 : vector<16xi32>
        %mul3A_189 = arith.constant 4 : i32
        %mul3A_190 = vector.broadcast %mul3A_189 : i32 to vector<16xi32>
        %mul3A_191 = arith.muli %mul3A_190, %and3A_174 : vector<16xi32>
        %add3A_192 = arith.addi %add3A_188, %mul3A_191 : vector<16xi32>
        %swap3A = arith.constant 3 : i32
        %swap3A_193 = arith.index_cast %swap3A : i32 to index
        %swap3A_194 = arith.constant 0 : index
        %swap3A_195 = tpu.vector_load %arg5[%swap3A_193, %swap3A_194] {strides = array<i32>} : memref<7x64xi32, #tpu.memory_space<vmem>>, vector<1x16xi32>,
        %swap3A_196 = vector.shape_cast %swap3A_195 : vector<1x16xi32> to vector<16xi32>
        %swap3A_197 = vector.shape_cast %add3A_192 : vector<16xi32> to vector<1x16xi32>
        tpu.vector_store %arg5[%swap3A_193, %swap3A_194], %swap3A_197 {strides = array<i32>} : memref<7x64xi32, #tpu.memory_space<vmem>>, vector<1x16xi32>,
        %add3A_198 = arith.addi %add3A_8, %add3A_94 : i32
        %mul3A_199 = arith.constant 8 : i32
        %mul3A_200 = arith.muli %add3A_198, %mul3A_199 : i32
        %add3A_201 = arith.constant 2 : i32
        %add3A_202 = arith.addi %mul3A_200, %add3A_201 : i32
        %shift_right_arithmetic3A_203 = arith.constant 3 : i32
        %shift_right_arithmetic3A_204 = vector.broadcast %shift_right_arithmetic3A_203 : i32 to vector<16xi32>
        %shift_right_arithmetic3A_205 = arith.shrsi %iota3A, %shift_right_arithmetic3A_204 : vector<16xi32>
        %add3A_206 = vector.broadcast %add3A_202 : i32 to vector<16xi32>
        %add3A_207 = arith.addi %add3A_206, %shift_right_arithmetic3A_205 : vector<16xi32>
        %and3A_208 = arith.constant 7 : i32
        %and3A_209 = vector.broadcast %and3A_208 : i32 to vector<16xi32>
        %and3A_210 = arith.andi %iota3A, %and3A_209 : vector<16xi32>
        %mul3A_211 = arith.constant 545 : i32
        %mul3A_212 = vector.broadcast %mul3A_211 : i32 to vector<16xi32>
        %mul3A_213 = arith.muli %add3A_207, %mul3A_212 : vector<16xi32>
        %shift_right_arithmetic3A_214 = arith.constant 18 : i32
        %shift_right_arithmetic3A_215 = vector.broadcast %shift_right_arithmetic3A_214 : i32 to vector<16xi32>
        %shift_right_arithmetic3A_216 = arith.shrsi %mul3A_213, %shift_right_arithmetic3A_215 : vector<16xi32>
        %mul3A_217 = arith.constant 481 : i32
        %mul3A_218 = vector.broadcast %mul3A_217 : i32 to vector<16xi32>
        %mul3A_219 = arith.muli %shift_right_arithmetic3A_216, %mul3A_218 : vector<16xi32>
        %sub3A_220 = arith.subi %add3A_207, %mul3A_219 : vector<16xi32>
        %mul3A_221 = arith.constant 512 : i32
        %mul3A_222 = vector.broadcast %mul3A_221 : i32 to vector<16xi32>
        %mul3A_223 = arith.muli %shift_right_arithmetic3A_216, %mul3A_222 : vector<16xi32>
        %add3A_224 = arith.addi %mul3A_223, %sub3A_220 : vector<16xi32>
        %mul3A_225 = arith.constant 4 : i32
        %mul3A_226 = vector.broadcast %mul3A_225 : i32 to vector<16xi32>
        %mul3A_227 = arith.muli %mul3A_226, %and3A_210 : vector<16xi32>
        %add3A_228 = arith.addi %add3A_224, %mul3A_227 : vector<16xi32>
        %swap3A_229 = arith.constant 3 : i32
        %swap3A_230 = arith.index_cast %swap3A_229 : i32 to index
        %swap3A_231 = arith.constant 16 : index
        %swap3A_232 = tpu.vector_load %arg5[%swap3A_230, %swap3A_231] {strides = array<i32>} : memref<7x64xi32, #tpu.memory_space<vmem>>, vector<1x16xi32>,
        %swap3A_233 = vector.shape_cast %swap3A_232 : vector<1x16xi32> to vector<16xi32>
        %swap3A_234 = vector.shape_cast %add3A_228 : vector<16xi32> to vector<1x16xi32>
        tpu.vector_store %arg5[%swap3A_230, %swap3A_231], %swap3A_234 {strides = array<i32>} : memref<7x64xi32, #tpu.memory_space<vmem>>, vector<1x16xi32>,
        %add3A_235 = arith.addi %add3A_8, %add3A_94 : i32
        %mul3A_236 = arith.constant 8 : i32
        %mul3A_237 = arith.muli %add3A_235, %mul3A_236 : i32
        %add3A_238 = arith.constant 4 : i32
        %add3A_239 = arith.addi %mul3A_237, %add3A_238 : i32
        %shift_right_arithmetic3A_240 = arith.constant 3 : i32
        %shift_right_arithmetic3A_241 = vector.broadcast %shift_right_arithmetic3A_240 : i32 to vector<16xi32>
        %shift_right_arithmetic3A_242 = arith.shrsi %iota3A, %shift_right_arithmetic3A_241 : vector<16xi32>
        %add3A_243 = vector.broadcast %add3A_239 : i32 to vector<16xi32>
        %add3A_244 = arith.addi %add3A_243, %shift_right_arithmetic3A_242 : vector<16xi32>
        %and3A_245 = arith.constant 7 : i32
        %and3A_246 = vector.broadcast %and3A_245 : i32 to vector<16xi32>
        %and3A_247 = arith.andi %iota3A, %and3A_246 : vector<16xi32>
        %mul3A_248 = arith.constant 545 : i32
        %mul3A_249 = vector.broadcast %mul3A_248 : i32 to vector<16xi32>
        %mul3A_250 = arith.muli %add3A_244, %mul3A_249 : vector<16xi32>
        %shift_right_arithmetic3A_251 = arith.constant 18 : i32
        %shift_right_arithmetic3A_252 = vector.broadcast %shift_right_arithmetic3A_251 : i32 to vector<16xi32>
        %shift_right_arithmetic3A_253 = arith.shrsi %mul3A_250, %shift_right_arithmetic3A_252 : vector<16xi32>
        %mul3A_254 = arith.constant 481 : i32
        %mul3A_255 = vector.broadcast %mul3A_254 : i32 to vector<16xi32>
        %mul3A_256 = arith.muli %shift_right_arithmetic3A_253, %mul3A_255 : vector<16xi32>
        %sub3A_257 = arith.subi %add3A_244, %mul3A_256 : vector<16xi32>
        %mul3A_258 = arith.constant 512 : i32
        %mul3A_259 = vector.broadcast %mul3A_258 : i32 to vector<16xi32>
        %mul3A_260 = arith.muli %shift_right_arithmetic3A_253, %mul3A_259 : vector<16xi32>
        %add3A_261 = arith.addi %mul3A_260, %sub3A_257 : vector<16xi32>
        %mul3A_262 = arith.constant 4 : i32
        %mul3A_263 = vector.broadcast %mul3A_262 : i32 to vector<16xi32>
        %mul3A_264 = arith.muli %mul3A_263, %and3A_247 : vector<16xi32>
        %add3A_265 = arith.addi %add3A_261, %mul3A_264 : vector<16xi32>
        %swap3A_266 = arith.constant 3 : i32
        %swap3A_267 = arith.index_cast %swap3A_266 : i32 to index
        %swap3A_268 = arith.constant 32 : index
        %swap3A_269 = tpu.vector_load %arg5[%swap3A_267, %swap3A_268] {strides = array<i32>} : memref<7x64xi32, #tpu.memory_space<vmem>>, vector<1x16xi32>,
        %swap3A_270 = vector.shape_cast %swap3A_269 : vector<1x16xi32> to vector<16xi32>
        %swap3A_271 = vector.shape_cast %add3A_265 : vector<16xi32> to vector<1x16xi32>
        tpu.vector_store %arg5[%swap3A_267, %swap3A_268], %swap3A_271 {strides = array<i32>} : memref<7x64xi32, #tpu.memory_space<vmem>>, vector<1x16xi32>,
        %add3A_272 = arith.addi %add3A_8, %add3A_94 : i32
        %mul3A_273 = arith.constant 8 : i32
        %mul3A_274 = arith.muli %add3A_272, %mul3A_273 : i32
        %add3A_275 = arith.constant 6 : i32
        %add3A_276 = arith.addi %mul3A_274, %add3A_275 : i32
        %shift_right_arithmetic3A_277 = arith.constant 3 : i32
        %shift_right_arithmetic3A_278 = vector.broadcast %shift_right_arithmetic3A_277 : i32 to vector<16xi32>
        %shift_right_arithmetic3A_279 = arith.shrsi %iota3A, %shift_right_arithmetic3A_278 : vector<16xi32>
        %add3A_280 = vector.broadcast %add3A_276 : i32 to vector<16xi32>
        %add3A_281 = arith.addi %add3A_280, %shift_right_arithmetic3A_279 : vector<16xi32>
        %and3A_282 = arith.constant 7 : i32
        %and3A_283 = vector.broadcast %and3A_282 : i32 to vector<16xi32>
        %and3A_284 = arith.andi %iota3A, %and3A_283 : vector<16xi32>
        %mul3A_285 = arith.constant 545 : i32
        %mul3A_286 = vector.broadcast %mul3A_285 : i32 to vector<16xi32>
        %mul3A_287 = arith.muli %add3A_281, %mul3A_286 : vector<16xi32>
        %shift_right_arithmetic3A_288 = arith.constant 18 : i32
        %shift_right_arithmetic3A_289 = vector.broadcast %shift_right_arithmetic3A_288 : i32 to vector<16xi32>
        %shift_right_arithmetic3A_290 = arith.shrsi %mul3A_287, %shift_right_arithmetic3A_289 : vector<16xi32>
        %mul3A_291 = arith.constant 481 : i32
        %mul3A_292 = vector.broadcast %mul3A_291 : i32 to vector<16xi32>
        %mul3A_293 = arith.muli %shift_right_arithmetic3A_290, %mul3A_292 : vector<16xi32>
        %sub3A_294 = arith.subi %add3A_281, %mul3A_293 : vector<16xi32>
        %mul3A_295 = arith.constant 512 : i32
        %mul3A_296 = vector.broadcast %mul3A_295 : i32 to vector<16xi32>
        %mul3A_297 = arith.muli %shift_right_arithmetic3A_290, %mul3A_296 : vector<16xi32>
        %add3A_298 = arith.addi %mul3A_297, %sub3A_294 : vector<16xi32>
        %mul3A_299 = arith.constant 4 : i32
        %mul3A_300 = vector.broadcast %mul3A_299 : i32 to vector<16xi32>
        %mul3A_301 = arith.muli %mul3A_300, %and3A_284 : vector<16xi32>
        %add3A_302 = arith.addi %add3A_298, %mul3A_301 : vector<16xi32>
        %swap3A_303 = arith.constant 3 : i32
        %swap3A_304 = arith.index_cast %swap3A_303 : i32 to index
        %swap3A_305 = arith.constant 48 : index
        %swap3A_306 = tpu.vector_load %arg5[%swap3A_304, %swap3A_305] {strides = array<i32>} : memref<7x64xi32, #tpu.memory_space<vmem>>, vector<1x16xi32>,
        %swap3A_307 = vector.shape_cast %swap3A_306 : vector<1x16xi32> to vector<16xi32>
        %swap3A_308 = vector.shape_cast %add3A_302 : vector<16xi32> to vector<1x16xi32>
        tpu.vector_store %arg5[%swap3A_304, %swap3A_305], %swap3A_308 {strides = array<i32>} : memref<7x64xi32, #tpu.memory_space<vmem>>, vector<1x16xi32>,
        %dma_start3A = arith.constant 3 : i32
        %dma_start3A_309 = arith.constant 3 : i32
        %dma_start3A_310 = arith.constant 3 : i32
        %dma_start3A_311 = arith.constant 0 : i32
        %dma_start3A_312 = arith.constant 0 : i32
        %dma_start3A_313 = tpu.memref_slice %arg4[%dma_start3A_309, %dma_start3A_311, %dma_start3A_312] : memref<7x64x256xf32, #tpu.memory_space<vmem>> -> memref<1x64x256xf32, #tpu.memory_space<vmem>>
        %dma_start3A_314 = tpu.memref_squeeze %dma_start3A_313 : memref<1x64x256xf32, #tpu.memory_space<vmem>> -> memref<64x256xf32, #tpu.memory_space<vmem>>
        %dma_start3A_315 = arith.constant 0 : i32
        %dma_start3A_316 = tpu.memref_slice %arg5[%dma_start3A, %dma_start3A_315] : memref<7x64xi32, #tpu.memory_space<vmem>> -> memref<1x64xi32, #tpu.memory_space<vmem>>
        %dma_start3A_317 = tpu.memref_squeeze %dma_start3A_316 : memref<1x64xi32, #tpu.memory_space<vmem>> -> memref<64xi32, #tpu.memory_space<vmem>>
        %dma_start3A_318 = arith.constant 0 : i32
        %dma_start3A_319 = arith.constant 0 : i32
        %dma_start3A_320 = tpu.memref_slice %arg2[%dma_start3A_318, %dma_start3A_319] : memref<4096x256xf32, #tpu.memory_space<hbm>> -> memref<4096x256xf32, #tpu.memory_space<hbm>>
        %dma_start3A_321 = tpu.memref_slice %arg6[%dma_start3A_310] : memref<7x!tpu.dma_semaphore, #tpu.memory_space<semaphore_mem>> -> memref<1x!tpu.dma_semaphore, #tpu.memory_space<semaphore_mem>>
        %dma_start3A_322 = tpu.memref_squeeze %dma_start3A_321 : memref<1x!tpu.dma_semaphore, #tpu.memory_space<semaphore_mem>> -> memref<!tpu.dma_semaphore, #tpu.memory_space<semaphore_mem>>
        tpu.enqueue_indirect_dma source(%dma_start3A_320 : memref<4096x256xf32, #tpu.memory_space<hbm>>) target(%dma_start3A_314 : memref<64x256xf32, #tpu.memory_space<vmem>>) offsets(%dma_start3A_317 : memref<64xi32, #tpu.memory_space<vmem>>) semaphore(%dma_start3A_322 : memref<!tpu.dma_semaphore, #tpu.memory_space<semaphore_mem>>)
      } else {
      }
      %add3A_99 = arith.constant 4 : i32
      %add3A_100 = arith.addi %mul3A_74, %add3A_99 : i32
      %lt3A_101 = arith.cmpi slt, %add3A_100, %add3A_4 : i32
      %convert_element_type3A_102 = arith.extui %lt3A_101 : i1 to i32
      %cond3A_103 = arith.constant 0 : i32
      %cond3A_104 = arith.cmpi ne, %convert_element_type3A_102, %cond3A_103 : i32
      scf.if %cond3A_104 {
        %ge3A = arith.constant 1 : i32
        %ge3A_159 = arith.cmpi sge, %while3A_72, %ge3A : i32
        %convert_element_type3A_160 = arith.extui %ge3A_159 : i1 to i32
        %cond3A_161 = arith.constant 0 : i32
        %cond3A_162 = arith.cmpi ne, %convert_element_type3A_160, %cond3A_161 : i32
        scf.if %cond3A_162 {
          %dma_wait3A = arith.constant 4 : i32
          %dma_wait3A_323 = arith.constant 4 : i32
          %dma_wait3A_324 = arith.constant 0 : i32
          %dma_wait3A_325 = arith.constant 0 : i32
          %dma_wait3A_326 = tpu.memref_slice %arg4[%dma_wait3A, %dma_wait3A_324, %dma_wait3A_325] : memref<7x64x256xf32, #tpu.memory_space<vmem>> -> memref<1x64x256xf32, #tpu.memory_space<vmem>>
          %dma_wait3A_327 = tpu.memref_squeeze %dma_wait3A_326 : memref<1x64x256xf32, #tpu.memory_space<vmem>> -> memref<64x256xf32, #tpu.memory_space<vmem>>
          %dma_wait3A_328 = arith.constant 0 : i32
          %dma_wait3A_329 = arith.constant 0 : i32
          %dma_wait3A_330 = tpu.memref_slice %arg3[%dma_wait3A_328, %dma_wait3A_329] : memref<30784x256xf32, #tpu.memory_space<hbm>> -> memref<64x256xf32, #tpu.memory_space<hbm>>
          %dma_wait3A_331 = tpu.memref_slice %arg7[%dma_wait3A_323] : memref<7x!tpu.dma_semaphore, #tpu.memory_space<semaphore_mem>> -> memref<1x!tpu.dma_semaphore, #tpu.memory_space<semaphore_mem>>
          %dma_wait3A_332 = tpu.memref_squeeze %dma_wait3A_331 : memref<1x!tpu.dma_semaphore, #tpu.memory_space<semaphore_mem>> -> memref<!tpu.dma_semaphore, #tpu.memory_space<semaphore_mem>>
          %dma_wait3A_333 = arith.constant 0 : i32
          %dma_wait3A_334 = arith.constant 0 : i32
          %dma_wait3A_335 = tpu.memref_slice %arg3[%dma_wait3A_333, %dma_wait3A_334] : memref<30784x256xf32, #tpu.memory_space<hbm>> -> memref<64x256xf32, #tpu.memory_space<hbm>>
          %dma_wait3A_336 = arith.constant 0 : i32
          %dma_wait3A_337 = arith.constant 0 : i32
          %dma_wait3A_338 = tpu.memref_slice %arg4[%dma_wait3A, %dma_wait3A_336, %dma_wait3A_337] : memref<7x64x256xf32, #tpu.memory_space<vmem>> -> memref<1x64x256xf32, #tpu.memory_space<vmem>>
          %dma_wait3A_339 = tpu.memref_squeeze %dma_wait3A_338 : memref<1x64x256xf32, #tpu.memory_space<vmem>> -> memref<64x256xf32, #tpu.memory_space<vmem>>
          tpu.wait_dma2 semaphore(%dma_wait3A_332 : memref<!tpu.dma_semaphore, #tpu.memory_space<semaphore_mem>>) src(%dma_wait3A_339 : memref<64x256xf32, #tpu.memory_space<vmem>>) dst(%dma_wait3A_335 : memref<64x256xf32, #tpu.memory_space<hbm>>)
        } else {
        }
        %add3A_163 = arith.addi %add3A_8, %add3A_100 : i32
        %mul3A_164 = arith.constant 8 : i32
        %mul3A_165 = arith.muli %add3A_163, %mul3A_164 : i32
        %add3A_166 = arith.constant 0 : i32
        %add3A_167 = arith.addi %mul3A_165, %add3A_166 : i32
        %shift_right_arithmetic3A = arith.constant 3 : i32
        %shift_right_arithmetic3A_168 = vector.broadcast %shift_right_arithmetic3A : i32 to vector<16xi32>
        %shift_right_arithmetic3A_169 = arith.shrsi %iota3A, %shift_right_arithmetic3A_168 : vector<16xi32>
        %add3A_170 = vector.broadcast %add3A_167 : i32 to vector<16xi32>
        %add3A_171 = arith.addi %add3A_170, %shift_right_arithmetic3A_169 : vector<16xi32>
        %and3A_172 = arith.constant 7 : i32
        %and3A_173 = vector.broadcast %and3A_172 : i32 to vector<16xi32>
        %and3A_174 = arith.andi %iota3A, %and3A_173 : vector<16xi32>
        %mul3A_175 = arith.constant 545 : i32
        %mul3A_176 = vector.broadcast %mul3A_175 : i32 to vector<16xi32>
        %mul3A_177 = arith.muli %add3A_171, %mul3A_176 : vector<16xi32>
        %shift_right_arithmetic3A_178 = arith.constant 18 : i32
        %shift_right_arithmetic3A_179 = vector.broadcast %shift_right_arithmetic3A_178 : i32 to vector<16xi32>
        %shift_right_arithmetic3A_180 = arith.shrsi %mul3A_177, %shift_right_arithmetic3A_179 : vector<16xi32>
        %mul3A_181 = arith.constant 481 : i32
        %mul3A_182 = vector.broadcast %mul3A_181 : i32 to vector<16xi32>
        %mul3A_183 = arith.muli %shift_right_arithmetic3A_180, %mul3A_182 : vector<16xi32>
        %sub3A_184 = arith.subi %add3A_171, %mul3A_183 : vector<16xi32>
        %mul3A_185 = arith.constant 512 : i32
        %mul3A_186 = vector.broadcast %mul3A_185 : i32 to vector<16xi32>
        %mul3A_187 = arith.muli %shift_right_arithmetic3A_180, %mul3A_186 : vector<16xi32>
        %add3A_188 = arith.addi %mul3A_187, %sub3A_184 : vector<16xi32>
        %mul3A_189 = arith.constant 4 : i32
        %mul3A_190 = vector.broadcast %mul3A_189 : i32 to vector<16xi32>
        %mul3A_191 = arith.muli %mul3A_190, %and3A_174 : vector<16xi32>
        %add3A_192 = arith.addi %add3A_188, %mul3A_191 : vector<16xi32>
        %swap3A = arith.constant 4 : i32
        %swap3A_193 = arith.index_cast %swap3A : i32 to index
        %swap3A_194 = arith.constant 0 : index
        %swap3A_195 = tpu.vector_load %arg5[%swap3A_193, %swap3A_194] {strides = array<i32>} : memref<7x64xi32, #tpu.memory_space<vmem>>, vector<1x16xi32>,
        %swap3A_196 = vector.shape_cast %swap3A_195 : vector<1x16xi32> to vector<16xi32>
        %swap3A_197 = vector.shape_cast %add3A_192 : vector<16xi32> to vector<1x16xi32>
        tpu.vector_store %arg5[%swap3A_193, %swap3A_194], %swap3A_197 {strides = array<i32>} : memref<7x64xi32, #tpu.memory_space<vmem>>, vector<1x16xi32>,
        %add3A_198 = arith.addi %add3A_8, %add3A_100 : i32
        %mul3A_199 = arith.constant 8 : i32
        %mul3A_200 = arith.muli %add3A_198, %mul3A_199 : i32
        %add3A_201 = arith.constant 2 : i32
        %add3A_202 = arith.addi %mul3A_200, %add3A_201 : i32
        %shift_right_arithmetic3A_203 = arith.constant 3 : i32
        %shift_right_arithmetic3A_204 = vector.broadcast %shift_right_arithmetic3A_203 : i32 to vector<16xi32>
        %shift_right_arithmetic3A_205 = arith.shrsi %iota3A, %shift_right_arithmetic3A_204 : vector<16xi32>
        %add3A_206 = vector.broadcast %add3A_202 : i32 to vector<16xi32>
        %add3A_207 = arith.addi %add3A_206, %shift_right_arithmetic3A_205 : vector<16xi32>
        %and3A_208 = arith.constant 7 : i32
        %and3A_209 = vector.broadcast %and3A_208 : i32 to vector<16xi32>
        %and3A_210 = arith.andi %iota3A, %and3A_209 : vector<16xi32>
        %mul3A_211 = arith.constant 545 : i32
        %mul3A_212 = vector.broadcast %mul3A_211 : i32 to vector<16xi32>
        %mul3A_213 = arith.muli %add3A_207, %mul3A_212 : vector<16xi32>
        %shift_right_arithmetic3A_214 = arith.constant 18 : i32
        %shift_right_arithmetic3A_215 = vector.broadcast %shift_right_arithmetic3A_214 : i32 to vector<16xi32>
        %shift_right_arithmetic3A_216 = arith.shrsi %mul3A_213, %shift_right_arithmetic3A_215 : vector<16xi32>
        %mul3A_217 = arith.constant 481 : i32
        %mul3A_218 = vector.broadcast %mul3A_217 : i32 to vector<16xi32>
        %mul3A_219 = arith.muli %shift_right_arithmetic3A_216, %mul3A_218 : vector<16xi32>
        %sub3A_220 = arith.subi %add3A_207, %mul3A_219 : vector<16xi32>
        %mul3A_221 = arith.constant 512 : i32
        %mul3A_222 = vector.broadcast %mul3A_221 : i32 to vector<16xi32>
        %mul3A_223 = arith.muli %shift_right_arithmetic3A_216, %mul3A_222 : vector<16xi32>
        %add3A_224 = arith.addi %mul3A_223, %sub3A_220 : vector<16xi32>
        %mul3A_225 = arith.constant 4 : i32
        %mul3A_226 = vector.broadcast %mul3A_225 : i32 to vector<16xi32>
        %mul3A_227 = arith.muli %mul3A_226, %and3A_210 : vector<16xi32>
        %add3A_228 = arith.addi %add3A_224, %mul3A_227 : vector<16xi32>
        %swap3A_229 = arith.constant 4 : i32
        %swap3A_230 = arith.index_cast %swap3A_229 : i32 to index
        %swap3A_231 = arith.constant 16 : index
        %swap3A_232 = tpu.vector_load %arg5[%swap3A_230, %swap3A_231] {strides = array<i32>} : memref<7x64xi32, #tpu.memory_space<vmem>>, vector<1x16xi32>,
        %swap3A_233 = vector.shape_cast %swap3A_232 : vector<1x16xi32> to vector<16xi32>
        %swap3A_234 = vector.shape_cast %add3A_228 : vector<16xi32> to vector<1x16xi32>
        tpu.vector_store %arg5[%swap3A_230, %swap3A_231], %swap3A_234 {strides = array<i32>} : memref<7x64xi32, #tpu.memory_space<vmem>>, vector<1x16xi32>,
        %add3A_235 = arith.addi %add3A_8, %add3A_100 : i32
        %mul3A_236 = arith.constant 8 : i32
        %mul3A_237 = arith.muli %add3A_235, %mul3A_236 : i32
        %add3A_238 = arith.constant 4 : i32
        %add3A_239 = arith.addi %mul3A_237, %add3A_238 : i32
        %shift_right_arithmetic3A_240 = arith.constant 3 : i32
        %shift_right_arithmetic3A_241 = vector.broadcast %shift_right_arithmetic3A_240 : i32 to vector<16xi32>
        %shift_right_arithmetic3A_242 = arith.shrsi %iota3A, %shift_right_arithmetic3A_241 : vector<16xi32>
        %add3A_243 = vector.broadcast %add3A_239 : i32 to vector<16xi32>
        %add3A_244 = arith.addi %add3A_243, %shift_right_arithmetic3A_242 : vector<16xi32>
        %and3A_245 = arith.constant 7 : i32
        %and3A_246 = vector.broadcast %and3A_245 : i32 to vector<16xi32>
        %and3A_247 = arith.andi %iota3A, %and3A_246 : vector<16xi32>
        %mul3A_248 = arith.constant 545 : i32
        %mul3A_249 = vector.broadcast %mul3A_248 : i32 to vector<16xi32>
        %mul3A_250 = arith.muli %add3A_244, %mul3A_249 : vector<16xi32>
        %shift_right_arithmetic3A_251 = arith.constant 18 : i32
        %shift_right_arithmetic3A_252 = vector.broadcast %shift_right_arithmetic3A_251 : i32 to vector<16xi32>
        %shift_right_arithmetic3A_253 = arith.shrsi %mul3A_250, %shift_right_arithmetic3A_252 : vector<16xi32>
        %mul3A_254 = arith.constant 481 : i32
        %mul3A_255 = vector.broadcast %mul3A_254 : i32 to vector<16xi32>
        %mul3A_256 = arith.muli %shift_right_arithmetic3A_253, %mul3A_255 : vector<16xi32>
        %sub3A_257 = arith.subi %add3A_244, %mul3A_256 : vector<16xi32>
        %mul3A_258 = arith.constant 512 : i32
        %mul3A_259 = vector.broadcast %mul3A_258 : i32 to vector<16xi32>
        %mul3A_260 = arith.muli %shift_right_arithmetic3A_253, %mul3A_259 : vector<16xi32>
        %add3A_261 = arith.addi %mul3A_260, %sub3A_257 : vector<16xi32>
        %mul3A_262 = arith.constant 4 : i32
        %mul3A_263 = vector.broadcast %mul3A_262 : i32 to vector<16xi32>
        %mul3A_264 = arith.muli %mul3A_263, %and3A_247 : vector<16xi32>
        %add3A_265 = arith.addi %add3A_261, %mul3A_264 : vector<16xi32>
        %swap3A_266 = arith.constant 4 : i32
        %swap3A_267 = arith.index_cast %swap3A_266 : i32 to index
        %swap3A_268 = arith.constant 32 : index
        %swap3A_269 = tpu.vector_load %arg5[%swap3A_267, %swap3A_268] {strides = array<i32>} : memref<7x64xi32, #tpu.memory_space<vmem>>, vector<1x16xi32>,
        %swap3A_270 = vector.shape_cast %swap3A_269 : vector<1x16xi32> to vector<16xi32>
        %swap3A_271 = vector.shape_cast %add3A_265 : vector<16xi32> to vector<1x16xi32>
        tpu.vector_store %arg5[%swap3A_267, %swap3A_268], %swap3A_271 {strides = array<i32>} : memref<7x64xi32, #tpu.memory_space<vmem>>, vector<1x16xi32>,
        %add3A_272 = arith.addi %add3A_8, %add3A_100 : i32
        %mul3A_273 = arith.constant 8 : i32
        %mul3A_274 = arith.muli %add3A_272, %mul3A_273 : i32
        %add3A_275 = arith.constant 6 : i32
        %add3A_276 = arith.addi %mul3A_274, %add3A_275 : i32
        %shift_right_arithmetic3A_277 = arith.constant 3 : i32
        %shift_right_arithmetic3A_278 = vector.broadcast %shift_right_arithmetic3A_277 : i32 to vector<16xi32>
        %shift_right_arithmetic3A_279 = arith.shrsi %iota3A, %shift_right_arithmetic3A_278 : vector<16xi32>
        %add3A_280 = vector.broadcast %add3A_276 : i32 to vector<16xi32>
        %add3A_281 = arith.addi %add3A_280, %shift_right_arithmetic3A_279 : vector<16xi32>
        %and3A_282 = arith.constant 7 : i32
        %and3A_283 = vector.broadcast %and3A_282 : i32 to vector<16xi32>
        %and3A_284 = arith.andi %iota3A, %and3A_283 : vector<16xi32>
        %mul3A_285 = arith.constant 545 : i32
        %mul3A_286 = vector.broadcast %mul3A_285 : i32 to vector<16xi32>
        %mul3A_287 = arith.muli %add3A_281, %mul3A_286 : vector<16xi32>
        %shift_right_arithmetic3A_288 = arith.constant 18 : i32
        %shift_right_arithmetic3A_289 = vector.broadcast %shift_right_arithmetic3A_288 : i32 to vector<16xi32>
        %shift_right_arithmetic3A_290 = arith.shrsi %mul3A_287, %shift_right_arithmetic3A_289 : vector<16xi32>
        %mul3A_291 = arith.constant 481 : i32
        %mul3A_292 = vector.broadcast %mul3A_291 : i32 to vector<16xi32>
        %mul3A_293 = arith.muli %shift_right_arithmetic3A_290, %mul3A_292 : vector<16xi32>
        %sub3A_294 = arith.subi %add3A_281, %mul3A_293 : vector<16xi32>
        %mul3A_295 = arith.constant 512 : i32
        %mul3A_296 = vector.broadcast %mul3A_295 : i32 to vector<16xi32>
        %mul3A_297 = arith.muli %shift_right_arithmetic3A_290, %mul3A_296 : vector<16xi32>
        %add3A_298 = arith.addi %mul3A_297, %sub3A_294 : vector<16xi32>
        %mul3A_299 = arith.constant 4 : i32
        %mul3A_300 = vector.broadcast %mul3A_299 : i32 to vector<16xi32>
        %mul3A_301 = arith.muli %mul3A_300, %and3A_284 : vector<16xi32>
        %add3A_302 = arith.addi %add3A_298, %mul3A_301 : vector<16xi32>
        %swap3A_303 = arith.constant 4 : i32
        %swap3A_304 = arith.index_cast %swap3A_303 : i32 to index
        %swap3A_305 = arith.constant 48 : index
        %swap3A_306 = tpu.vector_load %arg5[%swap3A_304, %swap3A_305] {strides = array<i32>} : memref<7x64xi32, #tpu.memory_space<vmem>>, vector<1x16xi32>,
        %swap3A_307 = vector.shape_cast %swap3A_306 : vector<1x16xi32> to vector<16xi32>
        %swap3A_308 = vector.shape_cast %add3A_302 : vector<16xi32> to vector<1x16xi32>
        tpu.vector_store %arg5[%swap3A_304, %swap3A_305], %swap3A_308 {strides = array<i32>} : memref<7x64xi32, #tpu.memory_space<vmem>>, vector<1x16xi32>,
        %dma_start3A = arith.constant 4 : i32
        %dma_start3A_309 = arith.constant 4 : i32
        %dma_start3A_310 = arith.constant 4 : i32
        %dma_start3A_311 = arith.constant 0 : i32
        %dma_start3A_312 = arith.constant 0 : i32
        %dma_start3A_313 = tpu.memref_slice %arg4[%dma_start3A_309, %dma_start3A_311, %dma_start3A_312] : memref<7x64x256xf32, #tpu.memory_space<vmem>> -> memref<1x64x256xf32, #tpu.memory_space<vmem>>
        %dma_start3A_314 = tpu.memref_squeeze %dma_start3A_313 : memref<1x64x256xf32, #tpu.memory_space<vmem>> -> memref<64x256xf32, #tpu.memory_space<vmem>>
        %dma_start3A_315 = arith.constant 0 : i32
        %dma_start3A_316 = tpu.memref_slice %arg5[%dma_start3A, %dma_start3A_315] : memref<7x64xi32, #tpu.memory_space<vmem>> -> memref<1x64xi32, #tpu.memory_space<vmem>>
        %dma_start3A_317 = tpu.memref_squeeze %dma_start3A_316 : memref<1x64xi32, #tpu.memory_space<vmem>> -> memref<64xi32, #tpu.memory_space<vmem>>
        %dma_start3A_318 = arith.constant 0 : i32
        %dma_start3A_319 = arith.constant 0 : i32
        %dma_start3A_320 = tpu.memref_slice %arg2[%dma_start3A_318, %dma_start3A_319] : memref<4096x256xf32, #tpu.memory_space<hbm>> -> memref<4096x256xf32, #tpu.memory_space<hbm>>
        %dma_start3A_321 = tpu.memref_slice %arg6[%dma_start3A_310] : memref<7x!tpu.dma_semaphore, #tpu.memory_space<semaphore_mem>> -> memref<1x!tpu.dma_semaphore, #tpu.memory_space<semaphore_mem>>
        %dma_start3A_322 = tpu.memref_squeeze %dma_start3A_321 : memref<1x!tpu.dma_semaphore, #tpu.memory_space<semaphore_mem>> -> memref<!tpu.dma_semaphore, #tpu.memory_space<semaphore_mem>>
        tpu.enqueue_indirect_dma source(%dma_start3A_320 : memref<4096x256xf32, #tpu.memory_space<hbm>>) target(%dma_start3A_314 : memref<64x256xf32, #tpu.memory_space<vmem>>) offsets(%dma_start3A_317 : memref<64xi32, #tpu.memory_space<vmem>>) semaphore(%dma_start3A_322 : memref<!tpu.dma_semaphore, #tpu.memory_space<semaphore_mem>>)
      } else {
      }
      %add3A_105 = arith.constant 5 : i32
      %add3A_106 = arith.addi %mul3A_74, %add3A_105 : i32
      %lt3A_107 = arith.cmpi slt, %add3A_106, %add3A_4 : i32
      %convert_element_type3A_108 = arith.extui %lt3A_107 : i1 to i32
      %cond3A_109 = arith.constant 0 : i32
      %cond3A_110 = arith.cmpi ne, %convert_element_type3A_108, %cond3A_109 : i32
      scf.if %cond3A_110 {
        %ge3A = arith.constant 1 : i32
        %ge3A_159 = arith.cmpi sge, %while3A_72, %ge3A : i32
        %convert_element_type3A_160 = arith.extui %ge3A_159 : i1 to i32
        %cond3A_161 = arith.constant 0 : i32
        %cond3A_162 = arith.cmpi ne, %convert_element_type3A_160, %cond3A_161 : i32
        scf.if %cond3A_162 {
          %dma_wait3A = arith.constant 5 : i32
          %dma_wait3A_323 = arith.constant 5 : i32
          %dma_wait3A_324 = arith.constant 0 : i32
          %dma_wait3A_325 = arith.constant 0 : i32
          %dma_wait3A_326 = tpu.memref_slice %arg4[%dma_wait3A, %dma_wait3A_324, %dma_wait3A_325] : memref<7x64x256xf32, #tpu.memory_space<vmem>> -> memref<1x64x256xf32, #tpu.memory_space<vmem>>
          %dma_wait3A_327 = tpu.memref_squeeze %dma_wait3A_326 : memref<1x64x256xf32, #tpu.memory_space<vmem>> -> memref<64x256xf32, #tpu.memory_space<vmem>>
          %dma_wait3A_328 = arith.constant 0 : i32
          %dma_wait3A_329 = arith.constant 0 : i32
          %dma_wait3A_330 = tpu.memref_slice %arg3[%dma_wait3A_328, %dma_wait3A_329] : memref<30784x256xf32, #tpu.memory_space<hbm>> -> memref<64x256xf32, #tpu.memory_space<hbm>>
          %dma_wait3A_331 = tpu.memref_slice %arg7[%dma_wait3A_323] : memref<7x!tpu.dma_semaphore, #tpu.memory_space<semaphore_mem>> -> memref<1x!tpu.dma_semaphore, #tpu.memory_space<semaphore_mem>>
          %dma_wait3A_332 = tpu.memref_squeeze %dma_wait3A_331 : memref<1x!tpu.dma_semaphore, #tpu.memory_space<semaphore_mem>> -> memref<!tpu.dma_semaphore, #tpu.memory_space<semaphore_mem>>
          %dma_wait3A_333 = arith.constant 0 : i32
          %dma_wait3A_334 = arith.constant 0 : i32
          %dma_wait3A_335 = tpu.memref_slice %arg3[%dma_wait3A_333, %dma_wait3A_334] : memref<30784x256xf32, #tpu.memory_space<hbm>> -> memref<64x256xf32, #tpu.memory_space<hbm>>
          %dma_wait3A_336 = arith.constant 0 : i32
          %dma_wait3A_337 = arith.constant 0 : i32
          %dma_wait3A_338 = tpu.memref_slice %arg4[%dma_wait3A, %dma_wait3A_336, %dma_wait3A_337] : memref<7x64x256xf32, #tpu.memory_space<vmem>> -> memref<1x64x256xf32, #tpu.memory_space<vmem>>
          %dma_wait3A_339 = tpu.memref_squeeze %dma_wait3A_338 : memref<1x64x256xf32, #tpu.memory_space<vmem>> -> memref<64x256xf32, #tpu.memory_space<vmem>>
          tpu.wait_dma2 semaphore(%dma_wait3A_332 : memref<!tpu.dma_semaphore, #tpu.memory_space<semaphore_mem>>) src(%dma_wait3A_339 : memref<64x256xf32, #tpu.memory_space<vmem>>) dst(%dma_wait3A_335 : memref<64x256xf32, #tpu.memory_space<hbm>>)
        } else {
        }
        %add3A_163 = arith.addi %add3A_8, %add3A_106 : i32
        %mul3A_164 = arith.constant 8 : i32
        %mul3A_165 = arith.muli %add3A_163, %mul3A_164 : i32
        %add3A_166 = arith.constant 0 : i32
        %add3A_167 = arith.addi %mul3A_165, %add3A_166 : i32
        %shift_right_arithmetic3A = arith.constant 3 : i32
        %shift_right_arithmetic3A_168 = vector.broadcast %shift_right_arithmetic3A : i32 to vector<16xi32>
        %shift_right_arithmetic3A_169 = arith.shrsi %iota3A, %shift_right_arithmetic3A_168 : vector<16xi32>
        %add3A_170 = vector.broadcast %add3A_167 : i32 to vector<16xi32>
        %add3A_171 = arith.addi %add3A_170, %shift_right_arithmetic3A_169 : vector<16xi32>
        %and3A_172 = arith.constant 7 : i32
        %and3A_173 = vector.broadcast %and3A_172 : i32 to vector<16xi32>
        %and3A_174 = arith.andi %iota3A, %and3A_173 : vector<16xi32>
        %mul3A_175 = arith.constant 545 : i32
        %mul3A_176 = vector.broadcast %mul3A_175 : i32 to vector<16xi32>
        %mul3A_177 = arith.muli %add3A_171, %mul3A_176 : vector<16xi32>
        %shift_right_arithmetic3A_178 = arith.constant 18 : i32
        %shift_right_arithmetic3A_179 = vector.broadcast %shift_right_arithmetic3A_178 : i32 to vector<16xi32>
        %shift_right_arithmetic3A_180 = arith.shrsi %mul3A_177, %shift_right_arithmetic3A_179 : vector<16xi32>
        %mul3A_181 = arith.constant 481 : i32
        %mul3A_182 = vector.broadcast %mul3A_181 : i32 to vector<16xi32>
        %mul3A_183 = arith.muli %shift_right_arithmetic3A_180, %mul3A_182 : vector<16xi32>
        %sub3A_184 = arith.subi %add3A_171, %mul3A_183 : vector<16xi32>
        %mul3A_185 = arith.constant 512 : i32
        %mul3A_186 = vector.broadcast %mul3A_185 : i32 to vector<16xi32>
        %mul3A_187 = arith.muli %shift_right_arithmetic3A_180, %mul3A_186 : vector<16xi32>
        %add3A_188 = arith.addi %mul3A_187, %sub3A_184 : vector<16xi32>
        %mul3A_189 = arith.constant 4 : i32
        %mul3A_190 = vector.broadcast %mul3A_189 : i32 to vector<16xi32>
        %mul3A_191 = arith.muli %mul3A_190, %and3A_174 : vector<16xi32>
        %add3A_192 = arith.addi %add3A_188, %mul3A_191 : vector<16xi32>
        %swap3A = arith.constant 5 : i32
        %swap3A_193 = arith.index_cast %swap3A : i32 to index
        %swap3A_194 = arith.constant 0 : index
        %swap3A_195 = tpu.vector_load %arg5[%swap3A_193, %swap3A_194] {strides = array<i32>} : memref<7x64xi32, #tpu.memory_space<vmem>>, vector<1x16xi32>,
        %swap3A_196 = vector.shape_cast %swap3A_195 : vector<1x16xi32> to vector<16xi32>
        %swap3A_197 = vector.shape_cast %add3A_192 : vector<16xi32> to vector<1x16xi32>
        tpu.vector_store %arg5[%swap3A_193, %swap3A_194], %swap3A_197 {strides = array<i32>} : memref<7x64xi32, #tpu.memory_space<vmem>>, vector<1x16xi32>,
        %add3A_198 = arith.addi %add3A_8, %add3A_106 : i32
        %mul3A_199 = arith.constant 8 : i32
        %mul3A_200 = arith.muli %add3A_198, %mul3A_199 : i32
        %add3A_201 = arith.constant 2 : i32
        %add3A_202 = arith.addi %mul3A_200, %add3A_201 : i32
        %shift_right_arithmetic3A_203 = arith.constant 3 : i32
        %shift_right_arithmetic3A_204 = vector.broadcast %shift_right_arithmetic3A_203 : i32 to vector<16xi32>
        %shift_right_arithmetic3A_205 = arith.shrsi %iota3A, %shift_right_arithmetic3A_204 : vector<16xi32>
        %add3A_206 = vector.broadcast %add3A_202 : i32 to vector<16xi32>
        %add3A_207 = arith.addi %add3A_206, %shift_right_arithmetic3A_205 : vector<16xi32>
        %and3A_208 = arith.constant 7 : i32
        %and3A_209 = vector.broadcast %and3A_208 : i32 to vector<16xi32>
        %and3A_210 = arith.andi %iota3A, %and3A_209 : vector<16xi32>
        %mul3A_211 = arith.constant 545 : i32
        %mul3A_212 = vector.broadcast %mul3A_211 : i32 to vector<16xi32>
        %mul3A_213 = arith.muli %add3A_207, %mul3A_212 : vector<16xi32>
        %shift_right_arithmetic3A_214 = arith.constant 18 : i32
        %shift_right_arithmetic3A_215 = vector.broadcast %shift_right_arithmetic3A_214 : i32 to vector<16xi32>
        %shift_right_arithmetic3A_216 = arith.shrsi %mul3A_213, %shift_right_arithmetic3A_215 : vector<16xi32>
        %mul3A_217 = arith.constant 481 : i32
        %mul3A_218 = vector.broadcast %mul3A_217 : i32 to vector<16xi32>
        %mul3A_219 = arith.muli %shift_right_arithmetic3A_216, %mul3A_218 : vector<16xi32>
        %sub3A_220 = arith.subi %add3A_207, %mul3A_219 : vector<16xi32>
        %mul3A_221 = arith.constant 512 : i32
        %mul3A_222 = vector.broadcast %mul3A_221 : i32 to vector<16xi32>
        %mul3A_223 = arith.muli %shift_right_arithmetic3A_216, %mul3A_222 : vector<16xi32>
        %add3A_224 = arith.addi %mul3A_223, %sub3A_220 : vector<16xi32>
        %mul3A_225 = arith.constant 4 : i32
        %mul3A_226 = vector.broadcast %mul3A_225 : i32 to vector<16xi32>
        %mul3A_227 = arith.muli %mul3A_226, %and3A_210 : vector<16xi32>
        %add3A_228 = arith.addi %add3A_224, %mul3A_227 : vector<16xi32>
        %swap3A_229 = arith.constant 5 : i32
        %swap3A_230 = arith.index_cast %swap3A_229 : i32 to index
        %swap3A_231 = arith.constant 16 : index
        %swap3A_232 = tpu.vector_load %arg5[%swap3A_230, %swap3A_231] {strides = array<i32>} : memref<7x64xi32, #tpu.memory_space<vmem>>, vector<1x16xi32>,
        %swap3A_233 = vector.shape_cast %swap3A_232 : vector<1x16xi32> to vector<16xi32>
        %swap3A_234 = vector.shape_cast %add3A_228 : vector<16xi32> to vector<1x16xi32>
        tpu.vector_store %arg5[%swap3A_230, %swap3A_231], %swap3A_234 {strides = array<i32>} : memref<7x64xi32, #tpu.memory_space<vmem>>, vector<1x16xi32>,
        %add3A_235 = arith.addi %add3A_8, %add3A_106 : i32
        %mul3A_236 = arith.constant 8 : i32
        %mul3A_237 = arith.muli %add3A_235, %mul3A_236 : i32
        %add3A_238 = arith.constant 4 : i32
        %add3A_239 = arith.addi %mul3A_237, %add3A_238 : i32
        %shift_right_arithmetic3A_240 = arith.constant 3 : i32
        %shift_right_arithmetic3A_241 = vector.broadcast %shift_right_arithmetic3A_240 : i32 to vector<16xi32>
        %shift_right_arithmetic3A_242 = arith.shrsi %iota3A, %shift_right_arithmetic3A_241 : vector<16xi32>
        %add3A_243 = vector.broadcast %add3A_239 : i32 to vector<16xi32>
        %add3A_244 = arith.addi %add3A_243, %shift_right_arithmetic3A_242 : vector<16xi32>
        %and3A_245 = arith.constant 7 : i32
        %and3A_246 = vector.broadcast %and3A_245 : i32 to vector<16xi32>
        %and3A_247 = arith.andi %iota3A, %and3A_246 : vector<16xi32>
        %mul3A_248 = arith.constant 545 : i32
        %mul3A_249 = vector.broadcast %mul3A_248 : i32 to vector<16xi32>
        %mul3A_250 = arith.muli %add3A_244, %mul3A_249 : vector<16xi32>
        %shift_right_arithmetic3A_251 = arith.constant 18 : i32
        %shift_right_arithmetic3A_252 = vector.broadcast %shift_right_arithmetic3A_251 : i32 to vector<16xi32>
        %shift_right_arithmetic3A_253 = arith.shrsi %mul3A_250, %shift_right_arithmetic3A_252 : vector<16xi32>
        %mul3A_254 = arith.constant 481 : i32
        %mul3A_255 = vector.broadcast %mul3A_254 : i32 to vector<16xi32>
        %mul3A_256 = arith.muli %shift_right_arithmetic3A_253, %mul3A_255 : vector<16xi32>
        %sub3A_257 = arith.subi %add3A_244, %mul3A_256 : vector<16xi32>
        %mul3A_258 = arith.constant 512 : i32
        %mul3A_259 = vector.broadcast %mul3A_258 : i32 to vector<16xi32>
        %mul3A_260 = arith.muli %shift_right_arithmetic3A_253, %mul3A_259 : vector<16xi32>
        %add3A_261 = arith.addi %mul3A_260, %sub3A_257 : vector<16xi32>
        %mul3A_262 = arith.constant 4 : i32
        %mul3A_263 = vector.broadcast %mul3A_262 : i32 to vector<16xi32>
        %mul3A_264 = arith.muli %mul3A_263, %and3A_247 : vector<16xi32>
        %add3A_265 = arith.addi %add3A_261, %mul3A_264 : vector<16xi32>
        %swap3A_266 = arith.constant 5 : i32
        %swap3A_267 = arith.index_cast %swap3A_266 : i32 to index
        %swap3A_268 = arith.constant 32 : index
        %swap3A_269 = tpu.vector_load %arg5[%swap3A_267, %swap3A_268] {strides = array<i32>} : memref<7x64xi32, #tpu.memory_space<vmem>>, vector<1x16xi32>,
        %swap3A_270 = vector.shape_cast %swap3A_269 : vector<1x16xi32> to vector<16xi32>
        %swap3A_271 = vector.shape_cast %add3A_265 : vector<16xi32> to vector<1x16xi32>
        tpu.vector_store %arg5[%swap3A_267, %swap3A_268], %swap3A_271 {strides = array<i32>} : memref<7x64xi32, #tpu.memory_space<vmem>>, vector<1x16xi32>,
        %add3A_272 = arith.addi %add3A_8, %add3A_106 : i32
        %mul3A_273 = arith.constant 8 : i32
        %mul3A_274 = arith.muli %add3A_272, %mul3A_273 : i32
        %add3A_275 = arith.constant 6 : i32
        %add3A_276 = arith.addi %mul3A_274, %add3A_275 : i32
        %shift_right_arithmetic3A_277 = arith.constant 3 : i32
        %shift_right_arithmetic3A_278 = vector.broadcast %shift_right_arithmetic3A_277 : i32 to vector<16xi32>
        %shift_right_arithmetic3A_279 = arith.shrsi %iota3A, %shift_right_arithmetic3A_278 : vector<16xi32>
        %add3A_280 = vector.broadcast %add3A_276 : i32 to vector<16xi32>
        %add3A_281 = arith.addi %add3A_280, %shift_right_arithmetic3A_279 : vector<16xi32>
        %and3A_282 = arith.constant 7 : i32
        %and3A_283 = vector.broadcast %and3A_282 : i32 to vector<16xi32>
        %and3A_284 = arith.andi %iota3A, %and3A_283 : vector<16xi32>
        %mul3A_285 = arith.constant 545 : i32
        %mul3A_286 = vector.broadcast %mul3A_285 : i32 to vector<16xi32>
        %mul3A_287 = arith.muli %add3A_281, %mul3A_286 : vector<16xi32>
        %shift_right_arithmetic3A_288 = arith.constant 18 : i32
        %shift_right_arithmetic3A_289 = vector.broadcast %shift_right_arithmetic3A_288 : i32 to vector<16xi32>
        %shift_right_arithmetic3A_290 = arith.shrsi %mul3A_287, %shift_right_arithmetic3A_289 : vector<16xi32>
        %mul3A_291 = arith.constant 481 : i32
        %mul3A_292 = vector.broadcast %mul3A_291 : i32 to vector<16xi32>
        %mul3A_293 = arith.muli %shift_right_arithmetic3A_290, %mul3A_292 : vector<16xi32>
        %sub3A_294 = arith.subi %add3A_281, %mul3A_293 : vector<16xi32>
        %mul3A_295 = arith.constant 512 : i32
        %mul3A_296 = vector.broadcast %mul3A_295 : i32 to vector<16xi32>
        %mul3A_297 = arith.muli %shift_right_arithmetic3A_290, %mul3A_296 : vector<16xi32>
        %add3A_298 = arith.addi %mul3A_297, %sub3A_294 : vector<16xi32>
        %mul3A_299 = arith.constant 4 : i32
        %mul3A_300 = vector.broadcast %mul3A_299 : i32 to vector<16xi32>
        %mul3A_301 = arith.muli %mul3A_300, %and3A_284 : vector<16xi32>
        %add3A_302 = arith.addi %add3A_298, %mul3A_301 : vector<16xi32>
        %swap3A_303 = arith.constant 5 : i32
        %swap3A_304 = arith.index_cast %swap3A_303 : i32 to index
        %swap3A_305 = arith.constant 48 : index
        %swap3A_306 = tpu.vector_load %arg5[%swap3A_304, %swap3A_305] {strides = array<i32>} : memref<7x64xi32, #tpu.memory_space<vmem>>, vector<1x16xi32>,
        %swap3A_307 = vector.shape_cast %swap3A_306 : vector<1x16xi32> to vector<16xi32>
        %swap3A_308 = vector.shape_cast %add3A_302 : vector<16xi32> to vector<1x16xi32>
        tpu.vector_store %arg5[%swap3A_304, %swap3A_305], %swap3A_308 {strides = array<i32>} : memref<7x64xi32, #tpu.memory_space<vmem>>, vector<1x16xi32>,
        %dma_start3A = arith.constant 5 : i32
        %dma_start3A_309 = arith.constant 5 : i32
        %dma_start3A_310 = arith.constant 5 : i32
        %dma_start3A_311 = arith.constant 0 : i32
        %dma_start3A_312 = arith.constant 0 : i32
        %dma_start3A_313 = tpu.memref_slice %arg4[%dma_start3A_309, %dma_start3A_311, %dma_start3A_312] : memref<7x64x256xf32, #tpu.memory_space<vmem>> -> memref<1x64x256xf32, #tpu.memory_space<vmem>>
        %dma_start3A_314 = tpu.memref_squeeze %dma_start3A_313 : memref<1x64x256xf32, #tpu.memory_space<vmem>> -> memref<64x256xf32, #tpu.memory_space<vmem>>
        %dma_start3A_315 = arith.constant 0 : i32
        %dma_start3A_316 = tpu.memref_slice %arg5[%dma_start3A, %dma_start3A_315] : memref<7x64xi32, #tpu.memory_space<vmem>> -> memref<1x64xi32, #tpu.memory_space<vmem>>
        %dma_start3A_317 = tpu.memref_squeeze %dma_start3A_316 : memref<1x64xi32, #tpu.memory_space<vmem>> -> memref<64xi32, #tpu.memory_space<vmem>>
        %dma_start3A_318 = arith.constant 0 : i32
        %dma_start3A_319 = arith.constant 0 : i32
        %dma_start3A_320 = tpu.memref_slice %arg2[%dma_start3A_318, %dma_start3A_319] : memref<4096x256xf32, #tpu.memory_space<hbm>> -> memref<4096x256xf32, #tpu.memory_space<hbm>>
        %dma_start3A_321 = tpu.memref_slice %arg6[%dma_start3A_310] : memref<7x!tpu.dma_semaphore, #tpu.memory_space<semaphore_mem>> -> memref<1x!tpu.dma_semaphore, #tpu.memory_space<semaphore_mem>>
        %dma_start3A_322 = tpu.memref_squeeze %dma_start3A_321 : memref<1x!tpu.dma_semaphore, #tpu.memory_space<semaphore_mem>> -> memref<!tpu.dma_semaphore, #tpu.memory_space<semaphore_mem>>
        tpu.enqueue_indirect_dma source(%dma_start3A_320 : memref<4096x256xf32, #tpu.memory_space<hbm>>) target(%dma_start3A_314 : memref<64x256xf32, #tpu.memory_space<vmem>>) offsets(%dma_start3A_317 : memref<64xi32, #tpu.memory_space<vmem>>) semaphore(%dma_start3A_322 : memref<!tpu.dma_semaphore, #tpu.memory_space<semaphore_mem>>)
      } else {
      }
      %add3A_111 = arith.constant 6 : i32
      %add3A_112 = arith.addi %mul3A_74, %add3A_111 : i32
      %lt3A_113 = arith.cmpi slt, %add3A_112, %add3A_4 : i32
      %convert_element_type3A_114 = arith.extui %lt3A_113 : i1 to i32
      %cond3A_115 = arith.constant 0 : i32
      %cond3A_116 = arith.cmpi ne, %convert_element_type3A_114, %cond3A_115 : i32
      scf.if %cond3A_116 {
        %ge3A = arith.constant 1 : i32
        %ge3A_159 = arith.cmpi sge, %while3A_72, %ge3A : i32
        %convert_element_type3A_160 = arith.extui %ge3A_159 : i1 to i32
        %cond3A_161 = arith.constant 0 : i32
        %cond3A_162 = arith.cmpi ne, %convert_element_type3A_160, %cond3A_161 : i32
        scf.if %cond3A_162 {
          %dma_wait3A = arith.constant 6 : i32
          %dma_wait3A_323 = arith.constant 6 : i32
          %dma_wait3A_324 = arith.constant 0 : i32
          %dma_wait3A_325 = arith.constant 0 : i32
          %dma_wait3A_326 = tpu.memref_slice %arg4[%dma_wait3A, %dma_wait3A_324, %dma_wait3A_325] : memref<7x64x256xf32, #tpu.memory_space<vmem>> -> memref<1x64x256xf32, #tpu.memory_space<vmem>>
          %dma_wait3A_327 = tpu.memref_squeeze %dma_wait3A_326 : memref<1x64x256xf32, #tpu.memory_space<vmem>> -> memref<64x256xf32, #tpu.memory_space<vmem>>
          %dma_wait3A_328 = arith.constant 0 : i32
          %dma_wait3A_329 = arith.constant 0 : i32
          %dma_wait3A_330 = tpu.memref_slice %arg3[%dma_wait3A_328, %dma_wait3A_329] : memref<30784x256xf32, #tpu.memory_space<hbm>> -> memref<64x256xf32, #tpu.memory_space<hbm>>
          %dma_wait3A_331 = tpu.memref_slice %arg7[%dma_wait3A_323] : memref<7x!tpu.dma_semaphore, #tpu.memory_space<semaphore_mem>> -> memref<1x!tpu.dma_semaphore, #tpu.memory_space<semaphore_mem>>
          %dma_wait3A_332 = tpu.memref_squeeze %dma_wait3A_331 : memref<1x!tpu.dma_semaphore, #tpu.memory_space<semaphore_mem>> -> memref<!tpu.dma_semaphore, #tpu.memory_space<semaphore_mem>>
          %dma_wait3A_333 = arith.constant 0 : i32
          %dma_wait3A_334 = arith.constant 0 : i32
          %dma_wait3A_335 = tpu.memref_slice %arg3[%dma_wait3A_333, %dma_wait3A_334] : memref<30784x256xf32, #tpu.memory_space<hbm>> -> memref<64x256xf32, #tpu.memory_space<hbm>>
          %dma_wait3A_336 = arith.constant 0 : i32
          %dma_wait3A_337 = arith.constant 0 : i32
          %dma_wait3A_338 = tpu.memref_slice %arg4[%dma_wait3A, %dma_wait3A_336, %dma_wait3A_337] : memref<7x64x256xf32, #tpu.memory_space<vmem>> -> memref<1x64x256xf32, #tpu.memory_space<vmem>>
          %dma_wait3A_339 = tpu.memref_squeeze %dma_wait3A_338 : memref<1x64x256xf32, #tpu.memory_space<vmem>> -> memref<64x256xf32, #tpu.memory_space<vmem>>
          tpu.wait_dma2 semaphore(%dma_wait3A_332 : memref<!tpu.dma_semaphore, #tpu.memory_space<semaphore_mem>>) src(%dma_wait3A_339 : memref<64x256xf32, #tpu.memory_space<vmem>>) dst(%dma_wait3A_335 : memref<64x256xf32, #tpu.memory_space<hbm>>)
        } else {
        }
        %add3A_163 = arith.addi %add3A_8, %add3A_112 : i32
        %mul3A_164 = arith.constant 8 : i32
        %mul3A_165 = arith.muli %add3A_163, %mul3A_164 : i32
        %add3A_166 = arith.constant 0 : i32
        %add3A_167 = arith.addi %mul3A_165, %add3A_166 : i32
        %shift_right_arithmetic3A = arith.constant 3 : i32
        %shift_right_arithmetic3A_168 = vector.broadcast %shift_right_arithmetic3A : i32 to vector<16xi32>
        %shift_right_arithmetic3A_169 = arith.shrsi %iota3A, %shift_right_arithmetic3A_168 : vector<16xi32>
        %add3A_170 = vector.broadcast %add3A_167 : i32 to vector<16xi32>
        %add3A_171 = arith.addi %add3A_170, %shift_right_arithmetic3A_169 : vector<16xi32>
        %and3A_172 = arith.constant 7 : i32
        %and3A_173 = vector.broadcast %and3A_172 : i32 to vector<16xi32>
        %and3A_174 = arith.andi %iota3A, %and3A_173 : vector<16xi32>
        %mul3A_175 = arith.constant 545 : i32
        %mul3A_176 = vector.broadcast %mul3A_175 : i32 to vector<16xi32>
        %mul3A_177 = arith.muli %add3A_171, %mul3A_176 : vector<16xi32>
        %shift_right_arithmetic3A_178 = arith.constant 18 : i32
        %shift_right_arithmetic3A_179 = vector.broadcast %shift_right_arithmetic3A_178 : i32 to vector<16xi32>
        %shift_right_arithmetic3A_180 = arith.shrsi %mul3A_177, %shift_right_arithmetic3A_179 : vector<16xi32>
        %mul3A_181 = arith.constant 481 : i32
        %mul3A_182 = vector.broadcast %mul3A_181 : i32 to vector<16xi32>
        %mul3A_183 = arith.muli %shift_right_arithmetic3A_180, %mul3A_182 : vector<16xi32>
        %sub3A_184 = arith.subi %add3A_171, %mul3A_183 : vector<16xi32>
        %mul3A_185 = arith.constant 512 : i32
        %mul3A_186 = vector.broadcast %mul3A_185 : i32 to vector<16xi32>
        %mul3A_187 = arith.muli %shift_right_arithmetic3A_180, %mul3A_186 : vector<16xi32>
        %add3A_188 = arith.addi %mul3A_187, %sub3A_184 : vector<16xi32>
        %mul3A_189 = arith.constant 4 : i32
        %mul3A_190 = vector.broadcast %mul3A_189 : i32 to vector<16xi32>
        %mul3A_191 = arith.muli %mul3A_190, %and3A_174 : vector<16xi32>
        %add3A_192 = arith.addi %add3A_188, %mul3A_191 : vector<16xi32>
        %swap3A = arith.constant 6 : i32
        %swap3A_193 = arith.index_cast %swap3A : i32 to index
        %swap3A_194 = arith.constant 0 : index
        %swap3A_195 = tpu.vector_load %arg5[%swap3A_193, %swap3A_194] {strides = array<i32>} : memref<7x64xi32, #tpu.memory_space<vmem>>, vector<1x16xi32>,
        %swap3A_196 = vector.shape_cast %swap3A_195 : vector<1x16xi32> to vector<16xi32>
        %swap3A_197 = vector.shape_cast %add3A_192 : vector<16xi32> to vector<1x16xi32>
        tpu.vector_store %arg5[%swap3A_193, %swap3A_194], %swap3A_197 {strides = array<i32>} : memref<7x64xi32, #tpu.memory_space<vmem>>, vector<1x16xi32>,
        %add3A_198 = arith.addi %add3A_8, %add3A_112 : i32
        %mul3A_199 = arith.constant 8 : i32
        %mul3A_200 = arith.muli %add3A_198, %mul3A_199 : i32
        %add3A_201 = arith.constant 2 : i32
        %add3A_202 = arith.addi %mul3A_200, %add3A_201 : i32
        %shift_right_arithmetic3A_203 = arith.constant 3 : i32
        %shift_right_arithmetic3A_204 = vector.broadcast %shift_right_arithmetic3A_203 : i32 to vector<16xi32>
        %shift_right_arithmetic3A_205 = arith.shrsi %iota3A, %shift_right_arithmetic3A_204 : vector<16xi32>
        %add3A_206 = vector.broadcast %add3A_202 : i32 to vector<16xi32>
        %add3A_207 = arith.addi %add3A_206, %shift_right_arithmetic3A_205 : vector<16xi32>
        %and3A_208 = arith.constant 7 : i32
        %and3A_209 = vector.broadcast %and3A_208 : i32 to vector<16xi32>
        %and3A_210 = arith.andi %iota3A, %and3A_209 : vector<16xi32>
        %mul3A_211 = arith.constant 545 : i32
        %mul3A_212 = vector.broadcast %mul3A_211 : i32 to vector<16xi32>
        %mul3A_213 = arith.muli %add3A_207, %mul3A_212 : vector<16xi32>
        %shift_right_arithmetic3A_214 = arith.constant 18 : i32
        %shift_right_arithmetic3A_215 = vector.broadcast %shift_right_arithmetic3A_214 : i32 to vector<16xi32>
        %shift_right_arithmetic3A_216 = arith.shrsi %mul3A_213, %shift_right_arithmetic3A_215 : vector<16xi32>
        %mul3A_217 = arith.constant 481 : i32
        %mul3A_218 = vector.broadcast %mul3A_217 : i32 to vector<16xi32>
        %mul3A_219 = arith.muli %shift_right_arithmetic3A_216, %mul3A_218 : vector<16xi32>
        %sub3A_220 = arith.subi %add3A_207, %mul3A_219 : vector<16xi32>
        %mul3A_221 = arith.constant 512 : i32
        %mul3A_222 = vector.broadcast %mul3A_221 : i32 to vector<16xi32>
        %mul3A_223 = arith.muli %shift_right_arithmetic3A_216, %mul3A_222 : vector<16xi32>
        %add3A_224 = arith.addi %mul3A_223, %sub3A_220 : vector<16xi32>
        %mul3A_225 = arith.constant 4 : i32
        %mul3A_226 = vector.broadcast %mul3A_225 : i32 to vector<16xi32>
        %mul3A_227 = arith.muli %mul3A_226, %and3A_210 : vector<16xi32>
        %add3A_228 = arith.addi %add3A_224, %mul3A_227 : vector<16xi32>
        %swap3A_229 = arith.constant 6 : i32
        %swap3A_230 = arith.index_cast %swap3A_229 : i32 to index
        %swap3A_231 = arith.constant 16 : index
        %swap3A_232 = tpu.vector_load %arg5[%swap3A_230, %swap3A_231] {strides = array<i32>} : memref<7x64xi32, #tpu.memory_space<vmem>>, vector<1x16xi32>,
        %swap3A_233 = vector.shape_cast %swap3A_232 : vector<1x16xi32> to vector<16xi32>
        %swap3A_234 = vector.shape_cast %add3A_228 : vector<16xi32> to vector<1x16xi32>
        tpu.vector_store %arg5[%swap3A_230, %swap3A_231], %swap3A_234 {strides = array<i32>} : memref<7x64xi32, #tpu.memory_space<vmem>>, vector<1x16xi32>,
        %add3A_235 = arith.addi %add3A_8, %add3A_112 : i32
        %mul3A_236 = arith.constant 8 : i32
        %mul3A_237 = arith.muli %add3A_235, %mul3A_236 : i32
        %add3A_238 = arith.constant 4 : i32
        %add3A_239 = arith.addi %mul3A_237, %add3A_238 : i32
        %shift_right_arithmetic3A_240 = arith.constant 3 : i32
        %shift_right_arithmetic3A_241 = vector.broadcast %shift_right_arithmetic3A_240 : i32 to vector<16xi32>
        %shift_right_arithmetic3A_242 = arith.shrsi %iota3A, %shift_right_arithmetic3A_241 : vector<16xi32>
        %add3A_243 = vector.broadcast %add3A_239 : i32 to vector<16xi32>
        %add3A_244 = arith.addi %add3A_243, %shift_right_arithmetic3A_242 : vector<16xi32>
        %and3A_245 = arith.constant 7 : i32
        %and3A_246 = vector.broadcast %and3A_245 : i32 to vector<16xi32>
        %and3A_247 = arith.andi %iota3A, %and3A_246 : vector<16xi32>
        %mul3A_248 = arith.constant 545 : i32
        %mul3A_249 = vector.broadcast %mul3A_248 : i32 to vector<16xi32>
        %mul3A_250 = arith.muli %add3A_244, %mul3A_249 : vector<16xi32>
        %shift_right_arithmetic3A_251 = arith.constant 18 : i32
        %shift_right_arithmetic3A_252 = vector.broadcast %shift_right_arithmetic3A_251 : i32 to vector<16xi32>
        %shift_right_arithmetic3A_253 = arith.shrsi %mul3A_250, %shift_right_arithmetic3A_252 : vector<16xi32>
        %mul3A_254 = arith.constant 481 : i32
        %mul3A_255 = vector.broadcast %mul3A_254 : i32 to vector<16xi32>
        %mul3A_256 = arith.muli %shift_right_arithmetic3A_253, %mul3A_255 : vector<16xi32>
        %sub3A_257 = arith.subi %add3A_244, %mul3A_256 : vector<16xi32>
        %mul3A_258 = arith.constant 512 : i32
        %mul3A_259 = vector.broadcast %mul3A_258 : i32 to vector<16xi32>
        %mul3A_260 = arith.muli %shift_right_arithmetic3A_253, %mul3A_259 : vector<16xi32>
        %add3A_261 = arith.addi %mul3A_260, %sub3A_257 : vector<16xi32>
        %mul3A_262 = arith.constant 4 : i32
        %mul3A_263 = vector.broadcast %mul3A_262 : i32 to vector<16xi32>
        %mul3A_264 = arith.muli %mul3A_263, %and3A_247 : vector<16xi32>
        %add3A_265 = arith.addi %add3A_261, %mul3A_264 : vector<16xi32>
        %swap3A_266 = arith.constant 6 : i32
        %swap3A_267 = arith.index_cast %swap3A_266 : i32 to index
        %swap3A_268 = arith.constant 32 : index
        %swap3A_269 = tpu.vector_load %arg5[%swap3A_267, %swap3A_268] {strides = array<i32>} : memref<7x64xi32, #tpu.memory_space<vmem>>, vector<1x16xi32>,
        %swap3A_270 = vector.shape_cast %swap3A_269 : vector<1x16xi32> to vector<16xi32>
        %swap3A_271 = vector.shape_cast %add3A_265 : vector<16xi32> to vector<1x16xi32>
        tpu.vector_store %arg5[%swap3A_267, %swap3A_268], %swap3A_271 {strides = array<i32>} : memref<7x64xi32, #tpu.memory_space<vmem>>, vector<1x16xi32>,
        %add3A_272 = arith.addi %add3A_8, %add3A_112 : i32
        %mul3A_273 = arith.constant 8 : i32
        %mul3A_274 = arith.muli %add3A_272, %mul3A_273 : i32
        %add3A_275 = arith.constant 6 : i32
        %add3A_276 = arith.addi %mul3A_274, %add3A_275 : i32
        %shift_right_arithmetic3A_277 = arith.constant 3 : i32
        %shift_right_arithmetic3A_278 = vector.broadcast %shift_right_arithmetic3A_277 : i32 to vector<16xi32>
        %shift_right_arithmetic3A_279 = arith.shrsi %iota3A, %shift_right_arithmetic3A_278 : vector<16xi32>
        %add3A_280 = vector.broadcast %add3A_276 : i32 to vector<16xi32>
        %add3A_281 = arith.addi %add3A_280, %shift_right_arithmetic3A_279 : vector<16xi32>
        %and3A_282 = arith.constant 7 : i32
        %and3A_283 = vector.broadcast %and3A_282 : i32 to vector<16xi32>
        %and3A_284 = arith.andi %iota3A, %and3A_283 : vector<16xi32>
        %mul3A_285 = arith.constant 545 : i32
        %mul3A_286 = vector.broadcast %mul3A_285 : i32 to vector<16xi32>
        %mul3A_287 = arith.muli %add3A_281, %mul3A_286 : vector<16xi32>
        %shift_right_arithmetic3A_288 = arith.constant 18 : i32
        %shift_right_arithmetic3A_289 = vector.broadcast %shift_right_arithmetic3A_288 : i32 to vector<16xi32>
        %shift_right_arithmetic3A_290 = arith.shrsi %mul3A_287, %shift_right_arithmetic3A_289 : vector<16xi32>
        %mul3A_291 = arith.constant 481 : i32
        %mul3A_292 = vector.broadcast %mul3A_291 : i32 to vector<16xi32>
        %mul3A_293 = arith.muli %shift_right_arithmetic3A_290, %mul3A_292 : vector<16xi32>
        %sub3A_294 = arith.subi %add3A_281, %mul3A_293 : vector<16xi32>
        %mul3A_295 = arith.constant 512 : i32
        %mul3A_296 = vector.broadcast %mul3A_295 : i32 to vector<16xi32>
        %mul3A_297 = arith.muli %shift_right_arithmetic3A_290, %mul3A_296 : vector<16xi32>
        %add3A_298 = arith.addi %mul3A_297, %sub3A_294 : vector<16xi32>
        %mul3A_299 = arith.constant 4 : i32
        %mul3A_300 = vector.broadcast %mul3A_299 : i32 to vector<16xi32>
        %mul3A_301 = arith.muli %mul3A_300, %and3A_284 : vector<16xi32>
        %add3A_302 = arith.addi %add3A_298, %mul3A_301 : vector<16xi32>
        %swap3A_303 = arith.constant 6 : i32
        %swap3A_304 = arith.index_cast %swap3A_303 : i32 to index
        %swap3A_305 = arith.constant 48 : index
        %swap3A_306 = tpu.vector_load %arg5[%swap3A_304, %swap3A_305] {strides = array<i32>} : memref<7x64xi32, #tpu.memory_space<vmem>>, vector<1x16xi32>,
        %swap3A_307 = vector.shape_cast %swap3A_306 : vector<1x16xi32> to vector<16xi32>
        %swap3A_308 = vector.shape_cast %add3A_302 : vector<16xi32> to vector<1x16xi32>
        tpu.vector_store %arg5[%swap3A_304, %swap3A_305], %swap3A_308 {strides = array<i32>} : memref<7x64xi32, #tpu.memory_space<vmem>>, vector<1x16xi32>,
        %dma_start3A = arith.constant 6 : i32
        %dma_start3A_309 = arith.constant 6 : i32
        %dma_start3A_310 = arith.constant 6 : i32
        %dma_start3A_311 = arith.constant 0 : i32
        %dma_start3A_312 = arith.constant 0 : i32
        %dma_start3A_313 = tpu.memref_slice %arg4[%dma_start3A_309, %dma_start3A_311, %dma_start3A_312] : memref<7x64x256xf32, #tpu.memory_space<vmem>> -> memref<1x64x256xf32, #tpu.memory_space<vmem>>
        %dma_start3A_314 = tpu.memref_squeeze %dma_start3A_313 : memref<1x64x256xf32, #tpu.memory_space<vmem>> -> memref<64x256xf32, #tpu.memory_space<vmem>>
        %dma_start3A_315 = arith.constant 0 : i32
        %dma_start3A_316 = tpu.memref_slice %arg5[%dma_start3A, %dma_start3A_315] : memref<7x64xi32, #tpu.memory_space<vmem>> -> memref<1x64xi32, #tpu.memory_space<vmem>>
        %dma_start3A_317 = tpu.memref_squeeze %dma_start3A_316 : memref<1x64xi32, #tpu.memory_space<vmem>> -> memref<64xi32, #tpu.memory_space<vmem>>
        %dma_start3A_318 = arith.constant 0 : i32
        %dma_start3A_319 = arith.constant 0 : i32
        %dma_start3A_320 = tpu.memref_slice %arg2[%dma_start3A_318, %dma_start3A_319] : memref<4096x256xf32, #tpu.memory_space<hbm>> -> memref<4096x256xf32, #tpu.memory_space<hbm>>
        %dma_start3A_321 = tpu.memref_slice %arg6[%dma_start3A_310] : memref<7x!tpu.dma_semaphore, #tpu.memory_space<semaphore_mem>> -> memref<1x!tpu.dma_semaphore, #tpu.memory_space<semaphore_mem>>
        %dma_start3A_322 = tpu.memref_squeeze %dma_start3A_321 : memref<1x!tpu.dma_semaphore, #tpu.memory_space<semaphore_mem>> -> memref<!tpu.dma_semaphore, #tpu.memory_space<semaphore_mem>>
        tpu.enqueue_indirect_dma source(%dma_start3A_320 : memref<4096x256xf32, #tpu.memory_space<hbm>>) target(%dma_start3A_314 : memref<64x256xf32, #tpu.memory_space<vmem>>) offsets(%dma_start3A_317 : memref<64xi32, #tpu.memory_space<vmem>>) semaphore(%dma_start3A_322 : memref<!tpu.dma_semaphore, #tpu.memory_space<semaphore_mem>>)
      } else {
      }
      %add3A_117 = arith.constant 0 : i32
      %add3A_118 = arith.addi %mul3A_74, %add3A_117 : i32
      %lt3A_119 = arith.cmpi slt, %add3A_118, %add3A_4 : i32
      %convert_element_type3A_120 = arith.extui %lt3A_119 : i1 to i32
      %cond3A_121 = arith.constant 0 : i32
      %cond3A_122 = arith.cmpi ne, %convert_element_type3A_120, %cond3A_121 : i32
      scf.if %cond3A_122 {
        %add3A_159 = arith.addi %add3A_8, %add3A_118 : i32
        %dma_wait3A = arith.constant 0 : i32
        %dma_wait3A_160 = arith.constant 0 : i32
        %dma_wait3A_161 = arith.constant 0 : i32
        %dma_wait3A_162 = arith.constant 0 : i32
        %dma_wait3A_163 = arith.constant 0 : i32
        %dma_wait3A_164 = tpu.memref_slice %arg4[%dma_wait3A_160, %dma_wait3A_162, %dma_wait3A_163] : memref<7x64x256xf32, #tpu.memory_space<vmem>> -> memref<1x64x256xf32, #tpu.memory_space<vmem>>
        %dma_wait3A_165 = tpu.memref_squeeze %dma_wait3A_164 : memref<1x64x256xf32, #tpu.memory_space<vmem>> -> memref<64x256xf32, #tpu.memory_space<vmem>>
        %dma_wait3A_166 = arith.constant 0 : i32
        %dma_wait3A_167 = tpu.memref_slice %arg5[%dma_wait3A, %dma_wait3A_166] : memref<7x64xi32, #tpu.memory_space<vmem>> -> memref<1x64xi32, #tpu.memory_space<vmem>>
        %dma_wait3A_168 = tpu.memref_squeeze %dma_wait3A_167 : memref<1x64xi32, #tpu.memory_space<vmem>> -> memref<64xi32, #tpu.memory_space<vmem>>
        %dma_wait3A_169 = arith.constant 0 : i32
        %dma_wait3A_170 = arith.constant 0 : i32
        %dma_wait3A_171 = tpu.memref_slice %arg2[%dma_wait3A_169, %dma_wait3A_170] : memref<4096x256xf32, #tpu.memory_space<hbm>> -> memref<4096x256xf32, #tpu.memory_space<hbm>>
        %dma_wait3A_172 = tpu.memref_slice %arg6[%dma_wait3A_161] : memref<7x!tpu.dma_semaphore, #tpu.memory_space<semaphore_mem>> -> memref<1x!tpu.dma_semaphore, #tpu.memory_space<semaphore_mem>>
        %dma_wait3A_173 = tpu.memref_squeeze %dma_wait3A_172 : memref<1x!tpu.dma_semaphore, #tpu.memory_space<semaphore_mem>> -> memref<!tpu.dma_semaphore, #tpu.memory_space<semaphore_mem>>
        tpu.wait_indirect_dma semaphore(%dma_wait3A_173 : memref<!tpu.dma_semaphore, #tpu.memory_space<semaphore_mem>>) src(%dma_wait3A_171 : memref<4096x256xf32, #tpu.memory_space<hbm>>) dst(%dma_wait3A_165 : memref<64x256xf32, #tpu.memory_space<vmem>>)
        %mul3A_174 = arith.constant 64 : i32
        %mul3A_175 = arith.muli %add3A_159, %mul3A_174 : i32
        %dma_start3A = arith.constant 0 : i32
        %dma_start3A_176 = arith.constant 0 : i32
        %dma_start3A_177 = arith.constant 0 : i32
        %dma_start3A_178 = arith.constant 0 : i32
        %dma_start3A_179 = tpu.memref_slice %arg4[%dma_start3A, %dma_start3A_177, %dma_start3A_178] : memref<7x64x256xf32, #tpu.memory_space<vmem>> -> memref<1x64x256xf32, #tpu.memory_space<vmem>>
        %dma_start3A_180 = tpu.memref_squeeze %dma_start3A_179 : memref<1x64x256xf32, #tpu.memory_space<vmem>> -> memref<64x256xf32, #tpu.memory_space<vmem>>
        %dma_start3A_181 = arith.constant 0 : i32
        %dma_start3A_182 = tpu.memref_slice %arg3[%mul3A_175, %dma_start3A_181] : memref<30784x256xf32, #tpu.memory_space<hbm>> -> memref<64x256xf32, #tpu.memory_space<hbm>>
        %dma_start3A_183 = tpu.memref_slice %arg7[%dma_start3A_176] : memref<7x!tpu.dma_semaphore, #tpu.memory_space<semaphore_mem>> -> memref<1x!tpu.dma_semaphore, #tpu.memory_space<semaphore_mem>>
        %dma_start3A_184 = tpu.memref_squeeze %dma_start3A_183 : memref<1x!tpu.dma_semaphore, #tpu.memory_space<semaphore_mem>> -> memref<!tpu.dma_semaphore, #tpu.memory_space<semaphore_mem>>
        %dma_start3A_185 = arith.constant 0 : i32
        %dma_start3A_186 = tpu.memref_slice %arg3[%mul3A_175, %dma_start3A_185] : memref<30784x256xf32, #tpu.memory_space<hbm>> -> memref<64x256xf32, #tpu.memory_space<hbm>>
        %dma_start3A_187 = arith.constant 0 : i32
        %dma_start3A_188 = arith.constant 0 : i32
        %dma_start3A_189 = tpu.memref_slice %arg4[%dma_start3A, %dma_start3A_187, %dma_start3A_188] : memref<7x64x256xf32, #tpu.memory_space<vmem>> -> memref<1x64x256xf32, #tpu.memory_space<vmem>>
        %dma_start3A_190 = tpu.memref_squeeze %dma_start3A_189 : memref<1x64x256xf32, #tpu.memory_space<vmem>> -> memref<64x256xf32, #tpu.memory_space<vmem>>
        tpu.enqueue_dma source(%dma_start3A_190 : memref<64x256xf32, #tpu.memory_space<vmem>>) target(%dma_start3A_186 : memref<64x256xf32, #tpu.memory_space<hbm>>) target_semaphore(%dma_start3A_184 : memref<!tpu.dma_semaphore, #tpu.memory_space<semaphore_mem>>)
      } else {
      }
      %add3A_123 = arith.constant 1 : i32
      %add3A_124 = arith.addi %mul3A_74, %add3A_123 : i32
      %lt3A_125 = arith.cmpi slt, %add3A_124, %add3A_4 : i32
      %convert_element_type3A_126 = arith.extui %lt3A_125 : i1 to i32
      %cond3A_127 = arith.constant 0 : i32
      %cond3A_128 = arith.cmpi ne, %convert_element_type3A_126, %cond3A_127 : i32
      scf.if %cond3A_128 {
        %add3A_159 = arith.addi %add3A_8, %add3A_124 : i32
        %dma_wait3A = arith.constant 1 : i32
        %dma_wait3A_160 = arith.constant 1 : i32
        %dma_wait3A_161 = arith.constant 1 : i32
        %dma_wait3A_162 = arith.constant 0 : i32
        %dma_wait3A_163 = arith.constant 0 : i32
        %dma_wait3A_164 = tpu.memref_slice %arg4[%dma_wait3A_160, %dma_wait3A_162, %dma_wait3A_163] : memref<7x64x256xf32, #tpu.memory_space<vmem>> -> memref<1x64x256xf32, #tpu.memory_space<vmem>>
        %dma_wait3A_165 = tpu.memref_squeeze %dma_wait3A_164 : memref<1x64x256xf32, #tpu.memory_space<vmem>> -> memref<64x256xf32, #tpu.memory_space<vmem>>
        %dma_wait3A_166 = arith.constant 0 : i32
        %dma_wait3A_167 = tpu.memref_slice %arg5[%dma_wait3A, %dma_wait3A_166] : memref<7x64xi32, #tpu.memory_space<vmem>> -> memref<1x64xi32, #tpu.memory_space<vmem>>
        %dma_wait3A_168 = tpu.memref_squeeze %dma_wait3A_167 : memref<1x64xi32, #tpu.memory_space<vmem>> -> memref<64xi32, #tpu.memory_space<vmem>>
        %dma_wait3A_169 = arith.constant 0 : i32
        %dma_wait3A_170 = arith.constant 0 : i32
        %dma_wait3A_171 = tpu.memref_slice %arg2[%dma_wait3A_169, %dma_wait3A_170] : memref<4096x256xf32, #tpu.memory_space<hbm>> -> memref<4096x256xf32, #tpu.memory_space<hbm>>
        %dma_wait3A_172 = tpu.memref_slice %arg6[%dma_wait3A_161] : memref<7x!tpu.dma_semaphore, #tpu.memory_space<semaphore_mem>> -> memref<1x!tpu.dma_semaphore, #tpu.memory_space<semaphore_mem>>
        %dma_wait3A_173 = tpu.memref_squeeze %dma_wait3A_172 : memref<1x!tpu.dma_semaphore, #tpu.memory_space<semaphore_mem>> -> memref<!tpu.dma_semaphore, #tpu.memory_space<semaphore_mem>>
        tpu.wait_indirect_dma semaphore(%dma_wait3A_173 : memref<!tpu.dma_semaphore, #tpu.memory_space<semaphore_mem>>) src(%dma_wait3A_171 : memref<4096x256xf32, #tpu.memory_space<hbm>>) dst(%dma_wait3A_165 : memref<64x256xf32, #tpu.memory_space<vmem>>)
        %mul3A_174 = arith.constant 64 : i32
        %mul3A_175 = arith.muli %add3A_159, %mul3A_174 : i32
        %dma_start3A = arith.constant 1 : i32
        %dma_start3A_176 = arith.constant 1 : i32
        %dma_start3A_177 = arith.constant 0 : i32
        %dma_start3A_178 = arith.constant 0 : i32
        %dma_start3A_179 = tpu.memref_slice %arg4[%dma_start3A, %dma_start3A_177, %dma_start3A_178] : memref<7x64x256xf32, #tpu.memory_space<vmem>> -> memref<1x64x256xf32, #tpu.memory_space<vmem>>
        %dma_start3A_180 = tpu.memref_squeeze %dma_start3A_179 : memref<1x64x256xf32, #tpu.memory_space<vmem>> -> memref<64x256xf32, #tpu.memory_space<vmem>>
        %dma_start3A_181 = arith.constant 0 : i32
        %dma_start3A_182 = tpu.memref_slice %arg3[%mul3A_175, %dma_start3A_181] : memref<30784x256xf32, #tpu.memory_space<hbm>> -> memref<64x256xf32, #tpu.memory_space<hbm>>
        %dma_start3A_183 = tpu.memref_slice %arg7[%dma_start3A_176] : memref<7x!tpu.dma_semaphore, #tpu.memory_space<semaphore_mem>> -> memref<1x!tpu.dma_semaphore, #tpu.memory_space<semaphore_mem>>
        %dma_start3A_184 = tpu.memref_squeeze %dma_start3A_183 : memref<1x!tpu.dma_semaphore, #tpu.memory_space<semaphore_mem>> -> memref<!tpu.dma_semaphore, #tpu.memory_space<semaphore_mem>>
        %dma_start3A_185 = arith.constant 0 : i32
        %dma_start3A_186 = tpu.memref_slice %arg3[%mul3A_175, %dma_start3A_185] : memref<30784x256xf32, #tpu.memory_space<hbm>> -> memref<64x256xf32, #tpu.memory_space<hbm>>
        %dma_start3A_187 = arith.constant 0 : i32
        %dma_start3A_188 = arith.constant 0 : i32
        %dma_start3A_189 = tpu.memref_slice %arg4[%dma_start3A, %dma_start3A_187, %dma_start3A_188] : memref<7x64x256xf32, #tpu.memory_space<vmem>> -> memref<1x64x256xf32, #tpu.memory_space<vmem>>
        %dma_start3A_190 = tpu.memref_squeeze %dma_start3A_189 : memref<1x64x256xf32, #tpu.memory_space<vmem>> -> memref<64x256xf32, #tpu.memory_space<vmem>>
        tpu.enqueue_dma source(%dma_start3A_190 : memref<64x256xf32, #tpu.memory_space<vmem>>) target(%dma_start3A_186 : memref<64x256xf32, #tpu.memory_space<hbm>>) target_semaphore(%dma_start3A_184 : memref<!tpu.dma_semaphore, #tpu.memory_space<semaphore_mem>>)
      } else {
      }
      %add3A_129 = arith.constant 2 : i32
      %add3A_130 = arith.addi %mul3A_74, %add3A_129 : i32
      %lt3A_131 = arith.cmpi slt, %add3A_130, %add3A_4 : i32
      %convert_element_type3A_132 = arith.extui %lt3A_131 : i1 to i32
      %cond3A_133 = arith.constant 0 : i32
      %cond3A_134 = arith.cmpi ne, %convert_element_type3A_132, %cond3A_133 : i32
      scf.if %cond3A_134 {
        %add3A_159 = arith.addi %add3A_8, %add3A_130 : i32
        %dma_wait3A = arith.constant 2 : i32
        %dma_wait3A_160 = arith.constant 2 : i32
        %dma_wait3A_161 = arith.constant 2 : i32
        %dma_wait3A_162 = arith.constant 0 : i32
        %dma_wait3A_163 = arith.constant 0 : i32
        %dma_wait3A_164 = tpu.memref_slice %arg4[%dma_wait3A_160, %dma_wait3A_162, %dma_wait3A_163] : memref<7x64x256xf32, #tpu.memory_space<vmem>> -> memref<1x64x256xf32, #tpu.memory_space<vmem>>
        %dma_wait3A_165 = tpu.memref_squeeze %dma_wait3A_164 : memref<1x64x256xf32, #tpu.memory_space<vmem>> -> memref<64x256xf32, #tpu.memory_space<vmem>>
        %dma_wait3A_166 = arith.constant 0 : i32
        %dma_wait3A_167 = tpu.memref_slice %arg5[%dma_wait3A, %dma_wait3A_166] : memref<7x64xi32, #tpu.memory_space<vmem>> -> memref<1x64xi32, #tpu.memory_space<vmem>>
        %dma_wait3A_168 = tpu.memref_squeeze %dma_wait3A_167 : memref<1x64xi32, #tpu.memory_space<vmem>> -> memref<64xi32, #tpu.memory_space<vmem>>
        %dma_wait3A_169 = arith.constant 0 : i32
        %dma_wait3A_170 = arith.constant 0 : i32
        %dma_wait3A_171 = tpu.memref_slice %arg2[%dma_wait3A_169, %dma_wait3A_170] : memref<4096x256xf32, #tpu.memory_space<hbm>> -> memref<4096x256xf32, #tpu.memory_space<hbm>>
        %dma_wait3A_172 = tpu.memref_slice %arg6[%dma_wait3A_161] : memref<7x!tpu.dma_semaphore, #tpu.memory_space<semaphore_mem>> -> memref<1x!tpu.dma_semaphore, #tpu.memory_space<semaphore_mem>>
        %dma_wait3A_173 = tpu.memref_squeeze %dma_wait3A_172 : memref<1x!tpu.dma_semaphore, #tpu.memory_space<semaphore_mem>> -> memref<!tpu.dma_semaphore, #tpu.memory_space<semaphore_mem>>
        tpu.wait_indirect_dma semaphore(%dma_wait3A_173 : memref<!tpu.dma_semaphore, #tpu.memory_space<semaphore_mem>>) src(%dma_wait3A_171 : memref<4096x256xf32, #tpu.memory_space<hbm>>) dst(%dma_wait3A_165 : memref<64x256xf32, #tpu.memory_space<vmem>>)
        %mul3A_174 = arith.constant 64 : i32
        %mul3A_175 = arith.muli %add3A_159, %mul3A_174 : i32
        %dma_start3A = arith.constant 2 : i32
        %dma_start3A_176 = arith.constant 2 : i32
        %dma_start3A_177 = arith.constant 0 : i32
        %dma_start3A_178 = arith.constant 0 : i32
        %dma_start3A_179 = tpu.memref_slice %arg4[%dma_start3A, %dma_start3A_177, %dma_start3A_178] : memref<7x64x256xf32, #tpu.memory_space<vmem>> -> memref<1x64x256xf32, #tpu.memory_space<vmem>>
        %dma_start3A_180 = tpu.memref_squeeze %dma_start3A_179 : memref<1x64x256xf32, #tpu.memory_space<vmem>> -> memref<64x256xf32, #tpu.memory_space<vmem>>
        %dma_start3A_181 = arith.constant 0 : i32
        %dma_start3A_182 = tpu.memref_slice %arg3[%mul3A_175, %dma_start3A_181] : memref<30784x256xf32, #tpu.memory_space<hbm>> -> memref<64x256xf32, #tpu.memory_space<hbm>>
        %dma_start3A_183 = tpu.memref_slice %arg7[%dma_start3A_176] : memref<7x!tpu.dma_semaphore, #tpu.memory_space<semaphore_mem>> -> memref<1x!tpu.dma_semaphore, #tpu.memory_space<semaphore_mem>>
        %dma_start3A_184 = tpu.memref_squeeze %dma_start3A_183 : memref<1x!tpu.dma_semaphore, #tpu.memory_space<semaphore_mem>> -> memref<!tpu.dma_semaphore, #tpu.memory_space<semaphore_mem>>
        %dma_start3A_185 = arith.constant 0 : i32
        %dma_start3A_186 = tpu.memref_slice %arg3[%mul3A_175, %dma_start3A_185] : memref<30784x256xf32, #tpu.memory_space<hbm>> -> memref<64x256xf32, #tpu.memory_space<hbm>>
        %dma_start3A_187 = arith.constant 0 : i32
        %dma_start3A_188 = arith.constant 0 : i32
        %dma_start3A_189 = tpu.memref_slice %arg4[%dma_start3A, %dma_start3A_187, %dma_start3A_188] : memref<7x64x256xf32, #tpu.memory_space<vmem>> -> memref<1x64x256xf32, #tpu.memory_space<vmem>>
        %dma_start3A_190 = tpu.memref_squeeze %dma_start3A_189 : memref<1x64x256xf32, #tpu.memory_space<vmem>> -> memref<64x256xf32, #tpu.memory_space<vmem>>
        tpu.enqueue_dma source(%dma_start3A_190 : memref<64x256xf32, #tpu.memory_space<vmem>>) target(%dma_start3A_186 : memref<64x256xf32, #tpu.memory_space<hbm>>) target_semaphore(%dma_start3A_184 : memref<!tpu.dma_semaphore, #tpu.memory_space<semaphore_mem>>)
      } else {
      }
      %add3A_135 = arith.constant 3 : i32
      %add3A_136 = arith.addi %mul3A_74, %add3A_135 : i32
      %lt3A_137 = arith.cmpi slt, %add3A_136, %add3A_4 : i32
      %convert_element_type3A_138 = arith.extui %lt3A_137 : i1 to i32
      %cond3A_139 = arith.constant 0 : i32
      %cond3A_140 = arith.cmpi ne, %convert_element_type3A_138, %cond3A_139 : i32
      scf.if %cond3A_140 {
        %add3A_159 = arith.addi %add3A_8, %add3A_136 : i32
        %dma_wait3A = arith.constant 3 : i32
        %dma_wait3A_160 = arith.constant 3 : i32
        %dma_wait3A_161 = arith.constant 3 : i32
        %dma_wait3A_162 = arith.constant 0 : i32
        %dma_wait3A_163 = arith.constant 0 : i32
        %dma_wait3A_164 = tpu.memref_slice %arg4[%dma_wait3A_160, %dma_wait3A_162, %dma_wait3A_163] : memref<7x64x256xf32, #tpu.memory_space<vmem>> -> memref<1x64x256xf32, #tpu.memory_space<vmem>>
        %dma_wait3A_165 = tpu.memref_squeeze %dma_wait3A_164 : memref<1x64x256xf32, #tpu.memory_space<vmem>> -> memref<64x256xf32, #tpu.memory_space<vmem>>
        %dma_wait3A_166 = arith.constant 0 : i32
        %dma_wait3A_167 = tpu.memref_slice %arg5[%dma_wait3A, %dma_wait3A_166] : memref<7x64xi32, #tpu.memory_space<vmem>> -> memref<1x64xi32, #tpu.memory_space<vmem>>
        %dma_wait3A_168 = tpu.memref_squeeze %dma_wait3A_167 : memref<1x64xi32, #tpu.memory_space<vmem>> -> memref<64xi32, #tpu.memory_space<vmem>>
        %dma_wait3A_169 = arith.constant 0 : i32
        %dma_wait3A_170 = arith.constant 0 : i32
        %dma_wait3A_171 = tpu.memref_slice %arg2[%dma_wait3A_169, %dma_wait3A_170] : memref<4096x256xf32, #tpu.memory_space<hbm>> -> memref<4096x256xf32, #tpu.memory_space<hbm>>
        %dma_wait3A_172 = tpu.memref_slice %arg6[%dma_wait3A_161] : memref<7x!tpu.dma_semaphore, #tpu.memory_space<semaphore_mem>> -> memref<1x!tpu.dma_semaphore, #tpu.memory_space<semaphore_mem>>
        %dma_wait3A_173 = tpu.memref_squeeze %dma_wait3A_172 : memref<1x!tpu.dma_semaphore, #tpu.memory_space<semaphore_mem>> -> memref<!tpu.dma_semaphore, #tpu.memory_space<semaphore_mem>>
        tpu.wait_indirect_dma semaphore(%dma_wait3A_173 : memref<!tpu.dma_semaphore, #tpu.memory_space<semaphore_mem>>) src(%dma_wait3A_171 : memref<4096x256xf32, #tpu.memory_space<hbm>>) dst(%dma_wait3A_165 : memref<64x256xf32, #tpu.memory_space<vmem>>)
        %mul3A_174 = arith.constant 64 : i32
        %mul3A_175 = arith.muli %add3A_159, %mul3A_174 : i32
        %dma_start3A = arith.constant 3 : i32
        %dma_start3A_176 = arith.constant 3 : i32
        %dma_start3A_177 = arith.constant 0 : i32
        %dma_start3A_178 = arith.constant 0 : i32
        %dma_start3A_179 = tpu.memref_slice %arg4[%dma_start3A, %dma_start3A_177, %dma_start3A_178] : memref<7x64x256xf32, #tpu.memory_space<vmem>> -> memref<1x64x256xf32, #tpu.memory_space<vmem>>
        %dma_start3A_180 = tpu.memref_squeeze %dma_start3A_179 : memref<1x64x256xf32, #tpu.memory_space<vmem>> -> memref<64x256xf32, #tpu.memory_space<vmem>>
        %dma_start3A_181 = arith.constant 0 : i32
        %dma_start3A_182 = tpu.memref_slice %arg3[%mul3A_175, %dma_start3A_181] : memref<30784x256xf32, #tpu.memory_space<hbm>> -> memref<64x256xf32, #tpu.memory_space<hbm>>
        %dma_start3A_183 = tpu.memref_slice %arg7[%dma_start3A_176] : memref<7x!tpu.dma_semaphore, #tpu.memory_space<semaphore_mem>> -> memref<1x!tpu.dma_semaphore, #tpu.memory_space<semaphore_mem>>
        %dma_start3A_184 = tpu.memref_squeeze %dma_start3A_183 : memref<1x!tpu.dma_semaphore, #tpu.memory_space<semaphore_mem>> -> memref<!tpu.dma_semaphore, #tpu.memory_space<semaphore_mem>>
        %dma_start3A_185 = arith.constant 0 : i32
        %dma_start3A_186 = tpu.memref_slice %arg3[%mul3A_175, %dma_start3A_185] : memref<30784x256xf32, #tpu.memory_space<hbm>> -> memref<64x256xf32, #tpu.memory_space<hbm>>
        %dma_start3A_187 = arith.constant 0 : i32
        %dma_start3A_188 = arith.constant 0 : i32
        %dma_start3A_189 = tpu.memref_slice %arg4[%dma_start3A, %dma_start3A_187, %dma_start3A_188] : memref<7x64x256xf32, #tpu.memory_space<vmem>> -> memref<1x64x256xf32, #tpu.memory_space<vmem>>
        %dma_start3A_190 = tpu.memref_squeeze %dma_start3A_189 : memref<1x64x256xf32, #tpu.memory_space<vmem>> -> memref<64x256xf32, #tpu.memory_space<vmem>>
        tpu.enqueue_dma source(%dma_start3A_190 : memref<64x256xf32, #tpu.memory_space<vmem>>) target(%dma_start3A_186 : memref<64x256xf32, #tpu.memory_space<hbm>>) target_semaphore(%dma_start3A_184 : memref<!tpu.dma_semaphore, #tpu.memory_space<semaphore_mem>>)
      } else {
      }
      %add3A_141 = arith.constant 4 : i32
      %add3A_142 = arith.addi %mul3A_74, %add3A_141 : i32
      %lt3A_143 = arith.cmpi slt, %add3A_142, %add3A_4 : i32
      %convert_element_type3A_144 = arith.extui %lt3A_143 : i1 to i32
      %cond3A_145 = arith.constant 0 : i32
      %cond3A_146 = arith.cmpi ne, %convert_element_type3A_144, %cond3A_145 : i32
      scf.if %cond3A_146 {
        %add3A_159 = arith.addi %add3A_8, %add3A_142 : i32
        %dma_wait3A = arith.constant 4 : i32
        %dma_wait3A_160 = arith.constant 4 : i32
        %dma_wait3A_161 = arith.constant 4 : i32
        %dma_wait3A_162 = arith.constant 0 : i32
        %dma_wait3A_163 = arith.constant 0 : i32
        %dma_wait3A_164 = tpu.memref_slice %arg4[%dma_wait3A_160, %dma_wait3A_162, %dma_wait3A_163] : memref<7x64x256xf32, #tpu.memory_space<vmem>> -> memref<1x64x256xf32, #tpu.memory_space<vmem>>
        %dma_wait3A_165 = tpu.memref_squeeze %dma_wait3A_164 : memref<1x64x256xf32, #tpu.memory_space<vmem>> -> memref<64x256xf32, #tpu.memory_space<vmem>>
        %dma_wait3A_166 = arith.constant 0 : i32
        %dma_wait3A_167 = tpu.memref_slice %arg5[%dma_wait3A, %dma_wait3A_166] : memref<7x64xi32, #tpu.memory_space<vmem>> -> memref<1x64xi32, #tpu.memory_space<vmem>>
        %dma_wait3A_168 = tpu.memref_squeeze %dma_wait3A_167 : memref<1x64xi32, #tpu.memory_space<vmem>> -> memref<64xi32, #tpu.memory_space<vmem>>
        %dma_wait3A_169 = arith.constant 0 : i32
        %dma_wait3A_170 = arith.constant 0 : i32
        %dma_wait3A_171 = tpu.memref_slice %arg2[%dma_wait3A_169, %dma_wait3A_170] : memref<4096x256xf32, #tpu.memory_space<hbm>> -> memref<4096x256xf32, #tpu.memory_space<hbm>>
        %dma_wait3A_172 = tpu.memref_slice %arg6[%dma_wait3A_161] : memref<7x!tpu.dma_semaphore, #tpu.memory_space<semaphore_mem>> -> memref<1x!tpu.dma_semaphore, #tpu.memory_space<semaphore_mem>>
        %dma_wait3A_173 = tpu.memref_squeeze %dma_wait3A_172 : memref<1x!tpu.dma_semaphore, #tpu.memory_space<semaphore_mem>> -> memref<!tpu.dma_semaphore, #tpu.memory_space<semaphore_mem>>
        tpu.wait_indirect_dma semaphore(%dma_wait3A_173 : memref<!tpu.dma_semaphore, #tpu.memory_space<semaphore_mem>>) src(%dma_wait3A_171 : memref<4096x256xf32, #tpu.memory_space<hbm>>) dst(%dma_wait3A_165 : memref<64x256xf32, #tpu.memory_space<vmem>>)
        %mul3A_174 = arith.constant 64 : i32
        %mul3A_175 = arith.muli %add3A_159, %mul3A_174 : i32
        %dma_start3A = arith.constant 4 : i32
        %dma_start3A_176 = arith.constant 4 : i32
        %dma_start3A_177 = arith.constant 0 : i32
        %dma_start3A_178 = arith.constant 0 : i32
        %dma_start3A_179 = tpu.memref_slice %arg4[%dma_start3A, %dma_start3A_177, %dma_start3A_178] : memref<7x64x256xf32, #tpu.memory_space<vmem>> -> memref<1x64x256xf32, #tpu.memory_space<vmem>>
        %dma_start3A_180 = tpu.memref_squeeze %dma_start3A_179 : memref<1x64x256xf32, #tpu.memory_space<vmem>> -> memref<64x256xf32, #tpu.memory_space<vmem>>
        %dma_start3A_181 = arith.constant 0 : i32
        %dma_start3A_182 = tpu.memref_slice %arg3[%mul3A_175, %dma_start3A_181] : memref<30784x256xf32, #tpu.memory_space<hbm>> -> memref<64x256xf32, #tpu.memory_space<hbm>>
        %dma_start3A_183 = tpu.memref_slice %arg7[%dma_start3A_176] : memref<7x!tpu.dma_semaphore, #tpu.memory_space<semaphore_mem>> -> memref<1x!tpu.dma_semaphore, #tpu.memory_space<semaphore_mem>>
        %dma_start3A_184 = tpu.memref_squeeze %dma_start3A_183 : memref<1x!tpu.dma_semaphore, #tpu.memory_space<semaphore_mem>> -> memref<!tpu.dma_semaphore, #tpu.memory_space<semaphore_mem>>
        %dma_start3A_185 = arith.constant 0 : i32
        %dma_start3A_186 = tpu.memref_slice %arg3[%mul3A_175, %dma_start3A_185] : memref<30784x256xf32, #tpu.memory_space<hbm>> -> memref<64x256xf32, #tpu.memory_space<hbm>>
        %dma_start3A_187 = arith.constant 0 : i32
        %dma_start3A_188 = arith.constant 0 : i32
        %dma_start3A_189 = tpu.memref_slice %arg4[%dma_start3A, %dma_start3A_187, %dma_start3A_188] : memref<7x64x256xf32, #tpu.memory_space<vmem>> -> memref<1x64x256xf32, #tpu.memory_space<vmem>>
        %dma_start3A_190 = tpu.memref_squeeze %dma_start3A_189 : memref<1x64x256xf32, #tpu.memory_space<vmem>> -> memref<64x256xf32, #tpu.memory_space<vmem>>
        tpu.enqueue_dma source(%dma_start3A_190 : memref<64x256xf32, #tpu.memory_space<vmem>>) target(%dma_start3A_186 : memref<64x256xf32, #tpu.memory_space<hbm>>) target_semaphore(%dma_start3A_184 : memref<!tpu.dma_semaphore, #tpu.memory_space<semaphore_mem>>)
      } else {
      }
      %add3A_147 = arith.constant 5 : i32
      %add3A_148 = arith.addi %mul3A_74, %add3A_147 : i32
      %lt3A_149 = arith.cmpi slt, %add3A_148, %add3A_4 : i32
      %convert_element_type3A_150 = arith.extui %lt3A_149 : i1 to i32
      %cond3A_151 = arith.constant 0 : i32
      %cond3A_152 = arith.cmpi ne, %convert_element_type3A_150, %cond3A_151 : i32
      scf.if %cond3A_152 {
        %add3A_159 = arith.addi %add3A_8, %add3A_148 : i32
        %dma_wait3A = arith.constant 5 : i32
        %dma_wait3A_160 = arith.constant 5 : i32
        %dma_wait3A_161 = arith.constant 5 : i32
        %dma_wait3A_162 = arith.constant 0 : i32
        %dma_wait3A_163 = arith.constant 0 : i32
        %dma_wait3A_164 = tpu.memref_slice %arg4[%dma_wait3A_160, %dma_wait3A_162, %dma_wait3A_163] : memref<7x64x256xf32, #tpu.memory_space<vmem>> -> memref<1x64x256xf32, #tpu.memory_space<vmem>>
        %dma_wait3A_165 = tpu.memref_squeeze %dma_wait3A_164 : memref<1x64x256xf32, #tpu.memory_space<vmem>> -> memref<64x256xf32, #tpu.memory_space<vmem>>
        %dma_wait3A_166 = arith.constant 0 : i32
        %dma_wait3A_167 = tpu.memref_slice %arg5[%dma_wait3A, %dma_wait3A_166] : memref<7x64xi32, #tpu.memory_space<vmem>> -> memref<1x64xi32, #tpu.memory_space<vmem>>
        %dma_wait3A_168 = tpu.memref_squeeze %dma_wait3A_167 : memref<1x64xi32, #tpu.memory_space<vmem>> -> memref<64xi32, #tpu.memory_space<vmem>>
        %dma_wait3A_169 = arith.constant 0 : i32
        %dma_wait3A_170 = arith.constant 0 : i32
        %dma_wait3A_171 = tpu.memref_slice %arg2[%dma_wait3A_169, %dma_wait3A_170] : memref<4096x256xf32, #tpu.memory_space<hbm>> -> memref<4096x256xf32, #tpu.memory_space<hbm>>
        %dma_wait3A_172 = tpu.memref_slice %arg6[%dma_wait3A_161] : memref<7x!tpu.dma_semaphore, #tpu.memory_space<semaphore_mem>> -> memref<1x!tpu.dma_semaphore, #tpu.memory_space<semaphore_mem>>
        %dma_wait3A_173 = tpu.memref_squeeze %dma_wait3A_172 : memref<1x!tpu.dma_semaphore, #tpu.memory_space<semaphore_mem>> -> memref<!tpu.dma_semaphore, #tpu.memory_space<semaphore_mem>>
        tpu.wait_indirect_dma semaphore(%dma_wait3A_173 : memref<!tpu.dma_semaphore, #tpu.memory_space<semaphore_mem>>) src(%dma_wait3A_171 : memref<4096x256xf32, #tpu.memory_space<hbm>>) dst(%dma_wait3A_165 : memref<64x256xf32, #tpu.memory_space<vmem>>)
        %mul3A_174 = arith.constant 64 : i32
        %mul3A_175 = arith.muli %add3A_159, %mul3A_174 : i32
        %dma_start3A = arith.constant 5 : i32
        %dma_start3A_176 = arith.constant 5 : i32
        %dma_start3A_177 = arith.constant 0 : i32
        %dma_start3A_178 = arith.constant 0 : i32
        %dma_start3A_179 = tpu.memref_slice %arg4[%dma_start3A, %dma_start3A_177, %dma_start3A_178] : memref<7x64x256xf32, #tpu.memory_space<vmem>> -> memref<1x64x256xf32, #tpu.memory_space<vmem>>
        %dma_start3A_180 = tpu.memref_squeeze %dma_start3A_179 : memref<1x64x256xf32, #tpu.memory_space<vmem>> -> memref<64x256xf32, #tpu.memory_space<vmem>>
        %dma_start3A_181 = arith.constant 0 : i32
        %dma_start3A_182 = tpu.memref_slice %arg3[%mul3A_175, %dma_start3A_181] : memref<30784x256xf32, #tpu.memory_space<hbm>> -> memref<64x256xf32, #tpu.memory_space<hbm>>
        %dma_start3A_183 = tpu.memref_slice %arg7[%dma_start3A_176] : memref<7x!tpu.dma_semaphore, #tpu.memory_space<semaphore_mem>> -> memref<1x!tpu.dma_semaphore, #tpu.memory_space<semaphore_mem>>
        %dma_start3A_184 = tpu.memref_squeeze %dma_start3A_183 : memref<1x!tpu.dma_semaphore, #tpu.memory_space<semaphore_mem>> -> memref<!tpu.dma_semaphore, #tpu.memory_space<semaphore_mem>>
        %dma_start3A_185 = arith.constant 0 : i32
        %dma_start3A_186 = tpu.memref_slice %arg3[%mul3A_175, %dma_start3A_185] : memref<30784x256xf32, #tpu.memory_space<hbm>> -> memref<64x256xf32, #tpu.memory_space<hbm>>
        %dma_start3A_187 = arith.constant 0 : i32
        %dma_start3A_188 = arith.constant 0 : i32
        %dma_start3A_189 = tpu.memref_slice %arg4[%dma_start3A, %dma_start3A_187, %dma_start3A_188] : memref<7x64x256xf32, #tpu.memory_space<vmem>> -> memref<1x64x256xf32, #tpu.memory_space<vmem>>
        %dma_start3A_190 = tpu.memref_squeeze %dma_start3A_189 : memref<1x64x256xf32, #tpu.memory_space<vmem>> -> memref<64x256xf32, #tpu.memory_space<vmem>>
        tpu.enqueue_dma source(%dma_start3A_190 : memref<64x256xf32, #tpu.memory_space<vmem>>) target(%dma_start3A_186 : memref<64x256xf32, #tpu.memory_space<hbm>>) target_semaphore(%dma_start3A_184 : memref<!tpu.dma_semaphore, #tpu.memory_space<semaphore_mem>>)
      } else {
      }
      %add3A_153 = arith.constant 6 : i32
      %add3A_154 = arith.addi %mul3A_74, %add3A_153 : i32
      %lt3A_155 = arith.cmpi slt, %add3A_154, %add3A_4 : i32
      %convert_element_type3A_156 = arith.extui %lt3A_155 : i1 to i32
      %cond3A_157 = arith.constant 0 : i32
      %cond3A_158 = arith.cmpi ne, %convert_element_type3A_156, %cond3A_157 : i32
      scf.if %cond3A_158 {
        %add3A_159 = arith.addi %add3A_8, %add3A_154 : i32
        %dma_wait3A = arith.constant 6 : i32
        %dma_wait3A_160 = arith.constant 6 : i32
        %dma_wait3A_161 = arith.constant 6 : i32
        %dma_wait3A_162 = arith.constant 0 : i32
        %dma_wait3A_163 = arith.constant 0 : i32
        %dma_wait3A_164 = tpu.memref_slice %arg4[%dma_wait3A_160, %dma_wait3A_162, %dma_wait3A_163] : memref<7x64x256xf32, #tpu.memory_space<vmem>> -> memref<1x64x256xf32, #tpu.memory_space<vmem>>
        %dma_wait3A_165 = tpu.memref_squeeze %dma_wait3A_164 : memref<1x64x256xf32, #tpu.memory_space<vmem>> -> memref<64x256xf32, #tpu.memory_space<vmem>>
        %dma_wait3A_166 = arith.constant 0 : i32
        %dma_wait3A_167 = tpu.memref_slice %arg5[%dma_wait3A, %dma_wait3A_166] : memref<7x64xi32, #tpu.memory_space<vmem>> -> memref<1x64xi32, #tpu.memory_space<vmem>>
        %dma_wait3A_168 = tpu.memref_squeeze %dma_wait3A_167 : memref<1x64xi32, #tpu.memory_space<vmem>> -> memref<64xi32, #tpu.memory_space<vmem>>
        %dma_wait3A_169 = arith.constant 0 : i32
        %dma_wait3A_170 = arith.constant 0 : i32
        %dma_wait3A_171 = tpu.memref_slice %arg2[%dma_wait3A_169, %dma_wait3A_170] : memref<4096x256xf32, #tpu.memory_space<hbm>> -> memref<4096x256xf32, #tpu.memory_space<hbm>>
        %dma_wait3A_172 = tpu.memref_slice %arg6[%dma_wait3A_161] : memref<7x!tpu.dma_semaphore, #tpu.memory_space<semaphore_mem>> -> memref<1x!tpu.dma_semaphore, #tpu.memory_space<semaphore_mem>>
        %dma_wait3A_173 = tpu.memref_squeeze %dma_wait3A_172 : memref<1x!tpu.dma_semaphore, #tpu.memory_space<semaphore_mem>> -> memref<!tpu.dma_semaphore, #tpu.memory_space<semaphore_mem>>
        tpu.wait_indirect_dma semaphore(%dma_wait3A_173 : memref<!tpu.dma_semaphore, #tpu.memory_space<semaphore_mem>>) src(%dma_wait3A_171 : memref<4096x256xf32, #tpu.memory_space<hbm>>) dst(%dma_wait3A_165 : memref<64x256xf32, #tpu.memory_space<vmem>>)
        %mul3A_174 = arith.constant 64 : i32
        %mul3A_175 = arith.muli %add3A_159, %mul3A_174 : i32
        %dma_start3A = arith.constant 6 : i32
        %dma_start3A_176 = arith.constant 6 : i32
        %dma_start3A_177 = arith.constant 0 : i32
        %dma_start3A_178 = arith.constant 0 : i32
        %dma_start3A_179 = tpu.memref_slice %arg4[%dma_start3A, %dma_start3A_177, %dma_start3A_178] : memref<7x64x256xf32, #tpu.memory_space<vmem>> -> memref<1x64x256xf32, #tpu.memory_space<vmem>>
        %dma_start3A_180 = tpu.memref_squeeze %dma_start3A_179 : memref<1x64x256xf32, #tpu.memory_space<vmem>> -> memref<64x256xf32, #tpu.memory_space<vmem>>
        %dma_start3A_181 = arith.constant 0 : i32
        %dma_start3A_182 = tpu.memref_slice %arg3[%mul3A_175, %dma_start3A_181] : memref<30784x256xf32, #tpu.memory_space<hbm>> -> memref<64x256xf32, #tpu.memory_space<hbm>>
        %dma_start3A_183 = tpu.memref_slice %arg7[%dma_start3A_176] : memref<7x!tpu.dma_semaphore, #tpu.memory_space<semaphore_mem>> -> memref<1x!tpu.dma_semaphore, #tpu.memory_space<semaphore_mem>>
        %dma_start3A_184 = tpu.memref_squeeze %dma_start3A_183 : memref<1x!tpu.dma_semaphore, #tpu.memory_space<semaphore_mem>> -> memref<!tpu.dma_semaphore, #tpu.memory_space<semaphore_mem>>
        %dma_start3A_185 = arith.constant 0 : i32
        %dma_start3A_186 = tpu.memref_slice %arg3[%mul3A_175, %dma_start3A_185] : memref<30784x256xf32, #tpu.memory_space<hbm>> -> memref<64x256xf32, #tpu.memory_space<hbm>>
        %dma_start3A_187 = arith.constant 0 : i32
        %dma_start3A_188 = arith.constant 0 : i32
        %dma_start3A_189 = tpu.memref_slice %arg4[%dma_start3A, %dma_start3A_187, %dma_start3A_188] : memref<7x64x256xf32, #tpu.memory_space<vmem>> -> memref<1x64x256xf32, #tpu.memory_space<vmem>>
        %dma_start3A_190 = tpu.memref_squeeze %dma_start3A_189 : memref<1x64x256xf32, #tpu.memory_space<vmem>> -> memref<64x256xf32, #tpu.memory_space<vmem>>
        tpu.enqueue_dma source(%dma_start3A_190 : memref<64x256xf32, #tpu.memory_space<vmem>>) target(%dma_start3A_186 : memref<64x256xf32, #tpu.memory_space<hbm>>) target_semaphore(%dma_start3A_184 : memref<!tpu.dma_semaphore, #tpu.memory_space<semaphore_mem>>)
      } else {
      }
    }
    %while3A_39 = arith.constant 1 : i32
    scf.for %while3A_72 = %while3A_37 to %while3A_33 step %while3A_39  : i32 {
      %mul3A_73 = arith.constant 7 : i32
      %mul3A_74 = arith.muli %while3A_72, %mul3A_73 : i32
      %add3A_75 = arith.constant 0 : i32
      %add3A_76 = arith.addi %mul3A_74, %add3A_75 : i32
      %lt3A_77 = arith.cmpi slt, %add3A_76, %add3A_4 : i32
      %convert_element_type3A_78 = arith.extui %lt3A_77 : i1 to i32
      %cond3A_79 = arith.constant 0 : i32
      %cond3A_80 = arith.cmpi ne, %convert_element_type3A_78, %cond3A_79 : i32
      scf.if %cond3A_80 {
        %ge3A = arith.constant 1 : i32
        %ge3A_159 = arith.cmpi sge, %while3A_72, %ge3A : i32
        %convert_element_type3A_160 = arith.extui %ge3A_159 : i1 to i32
        %cond3A_161 = arith.constant 0 : i32
        %cond3A_162 = arith.cmpi ne, %convert_element_type3A_160, %cond3A_161 : i32
        scf.if %cond3A_162 {
          %dma_wait3A = arith.constant 0 : i32
          %dma_wait3A_323 = arith.constant 0 : i32
          %dma_wait3A_324 = arith.constant 0 : i32
          %dma_wait3A_325 = arith.constant 0 : i32
          %dma_wait3A_326 = tpu.memref_slice %arg4[%dma_wait3A, %dma_wait3A_324, %dma_wait3A_325] : memref<7x64x256xf32, #tpu.memory_space<vmem>> -> memref<1x64x256xf32, #tpu.memory_space<vmem>>
          %dma_wait3A_327 = tpu.memref_squeeze %dma_wait3A_326 : memref<1x64x256xf32, #tpu.memory_space<vmem>> -> memref<64x256xf32, #tpu.memory_space<vmem>>
          %dma_wait3A_328 = arith.constant 0 : i32
          %dma_wait3A_329 = arith.constant 0 : i32
          %dma_wait3A_330 = tpu.memref_slice %arg3[%dma_wait3A_328, %dma_wait3A_329] : memref<30784x256xf32, #tpu.memory_space<hbm>> -> memref<64x256xf32, #tpu.memory_space<hbm>>
          %dma_wait3A_331 = tpu.memref_slice %arg7[%dma_wait3A_323] : memref<7x!tpu.dma_semaphore, #tpu.memory_space<semaphore_mem>> -> memref<1x!tpu.dma_semaphore, #tpu.memory_space<semaphore_mem>>
          %dma_wait3A_332 = tpu.memref_squeeze %dma_wait3A_331 : memref<1x!tpu.dma_semaphore, #tpu.memory_space<semaphore_mem>> -> memref<!tpu.dma_semaphore, #tpu.memory_space<semaphore_mem>>
          %dma_wait3A_333 = arith.constant 0 : i32
          %dma_wait3A_334 = arith.constant 0 : i32
          %dma_wait3A_335 = tpu.memref_slice %arg3[%dma_wait3A_333, %dma_wait3A_334] : memref<30784x256xf32, #tpu.memory_space<hbm>> -> memref<64x256xf32, #tpu.memory_space<hbm>>
          %dma_wait3A_336 = arith.constant 0 : i32
          %dma_wait3A_337 = arith.constant 0 : i32
          %dma_wait3A_338 = tpu.memref_slice %arg4[%dma_wait3A, %dma_wait3A_336, %dma_wait3A_337] : memref<7x64x256xf32, #tpu.memory_space<vmem>> -> memref<1x64x256xf32, #tpu.memory_space<vmem>>
          %dma_wait3A_339 = tpu.memref_squeeze %dma_wait3A_338 : memref<1x64x256xf32, #tpu.memory_space<vmem>> -> memref<64x256xf32, #tpu.memory_space<vmem>>
          tpu.wait_dma2 semaphore(%dma_wait3A_332 : memref<!tpu.dma_semaphore, #tpu.memory_space<semaphore_mem>>) src(%dma_wait3A_339 : memref<64x256xf32, #tpu.memory_space<vmem>>) dst(%dma_wait3A_335 : memref<64x256xf32, #tpu.memory_space<hbm>>)
        } else {
        }
        %add3A_163 = arith.addi %add3A_8, %add3A_76 : i32
        %mul3A_164 = arith.constant 8 : i32
        %mul3A_165 = arith.muli %add3A_163, %mul3A_164 : i32
        %add3A_166 = arith.constant 0 : i32
        %add3A_167 = arith.addi %mul3A_165, %add3A_166 : i32
        %shift_right_arithmetic3A = arith.constant 3 : i32
        %shift_right_arithmetic3A_168 = vector.broadcast %shift_right_arithmetic3A : i32 to vector<16xi32>
        %shift_right_arithmetic3A_169 = arith.shrsi %iota3A, %shift_right_arithmetic3A_168 : vector<16xi32>
        %add3A_170 = vector.broadcast %add3A_167 : i32 to vector<16xi32>
        %add3A_171 = arith.addi %add3A_170, %shift_right_arithmetic3A_169 : vector<16xi32>
        %and3A_172 = arith.constant 7 : i32
        %and3A_173 = vector.broadcast %and3A_172 : i32 to vector<16xi32>
        %and3A_174 = arith.andi %iota3A, %and3A_173 : vector<16xi32>
        %mul3A_175 = arith.constant 545 : i32
        %mul3A_176 = vector.broadcast %mul3A_175 : i32 to vector<16xi32>
        %mul3A_177 = arith.muli %add3A_171, %mul3A_176 : vector<16xi32>
        %shift_right_arithmetic3A_178 = arith.constant 18 : i32
        %shift_right_arithmetic3A_179 = vector.broadcast %shift_right_arithmetic3A_178 : i32 to vector<16xi32>
        %shift_right_arithmetic3A_180 = arith.shrsi %mul3A_177, %shift_right_arithmetic3A_179 : vector<16xi32>
        %mul3A_181 = arith.constant 481 : i32
        %mul3A_182 = vector.broadcast %mul3A_181 : i32 to vector<16xi32>
        %mul3A_183 = arith.muli %shift_right_arithmetic3A_180, %mul3A_182 : vector<16xi32>
        %sub3A_184 = arith.subi %add3A_171, %mul3A_183 : vector<16xi32>
        %mul3A_185 = arith.constant 512 : i32
        %mul3A_186 = vector.broadcast %mul3A_185 : i32 to vector<16xi32>
        %mul3A_187 = arith.muli %shift_right_arithmetic3A_180, %mul3A_186 : vector<16xi32>
        %add3A_188 = arith.addi %mul3A_187, %sub3A_184 : vector<16xi32>
        %mul3A_189 = arith.constant 4 : i32
        %mul3A_190 = vector.broadcast %mul3A_189 : i32 to vector<16xi32>
        %mul3A_191 = arith.muli %mul3A_190, %and3A_174 : vector<16xi32>
        %add3A_192 = arith.addi %add3A_188, %mul3A_191 : vector<16xi32>
        %swap3A = arith.constant 0 : i32
        %swap3A_193 = arith.index_cast %swap3A : i32 to index
        %swap3A_194 = arith.constant 0 : index
        %swap3A_195 = tpu.vector_load %arg5[%swap3A_193, %swap3A_194] {strides = array<i32>} : memref<7x64xi32, #tpu.memory_space<vmem>>, vector<1x16xi32>,
        %swap3A_196 = vector.shape_cast %swap3A_195 : vector<1x16xi32> to vector<16xi32>
        %swap3A_197 = vector.shape_cast %add3A_192 : vector<16xi32> to vector<1x16xi32>
        tpu.vector_store %arg5[%swap3A_193, %swap3A_194], %swap3A_197 {strides = array<i32>} : memref<7x64xi32, #tpu.memory_space<vmem>>, vector<1x16xi32>,
        %add3A_198 = arith.addi %add3A_8, %add3A_76 : i32
        %mul3A_199 = arith.constant 8 : i32
        %mul3A_200 = arith.muli %add3A_198, %mul3A_199 : i32
        %add3A_201 = arith.constant 2 : i32
        %add3A_202 = arith.addi %mul3A_200, %add3A_201 : i32
        %shift_right_arithmetic3A_203 = arith.constant 3 : i32
        %shift_right_arithmetic3A_204 = vector.broadcast %shift_right_arithmetic3A_203 : i32 to vector<16xi32>
        %shift_right_arithmetic3A_205 = arith.shrsi %iota3A, %shift_right_arithmetic3A_204 : vector<16xi32>
        %add3A_206 = vector.broadcast %add3A_202 : i32 to vector<16xi32>
        %add3A_207 = arith.addi %add3A_206, %shift_right_arithmetic3A_205 : vector<16xi32>
        %and3A_208 = arith.constant 7 : i32
        %and3A_209 = vector.broadcast %and3A_208 : i32 to vector<16xi32>
        %and3A_210 = arith.andi %iota3A, %and3A_209 : vector<16xi32>
        %mul3A_211 = arith.constant 545 : i32
        %mul3A_212 = vector.broadcast %mul3A_211 : i32 to vector<16xi32>
        %mul3A_213 = arith.muli %add3A_207, %mul3A_212 : vector<16xi32>
        %shift_right_arithmetic3A_214 = arith.constant 18 : i32
        %shift_right_arithmetic3A_215 = vector.broadcast %shift_right_arithmetic3A_214 : i32 to vector<16xi32>
        %shift_right_arithmetic3A_216 = arith.shrsi %mul3A_213, %shift_right_arithmetic3A_215 : vector<16xi32>
        %mul3A_217 = arith.constant 481 : i32
        %mul3A_218 = vector.broadcast %mul3A_217 : i32 to vector<16xi32>
        %mul3A_219 = arith.muli %shift_right_arithmetic3A_216, %mul3A_218 : vector<16xi32>
        %sub3A_220 = arith.subi %add3A_207, %mul3A_219 : vector<16xi32>
        %mul3A_221 = arith.constant 512 : i32
        %mul3A_222 = vector.broadcast %mul3A_221 : i32 to vector<16xi32>
        %mul3A_223 = arith.muli %shift_right_arithmetic3A_216, %mul3A_222 : vector<16xi32>
        %add3A_224 = arith.addi %mul3A_223, %sub3A_220 : vector<16xi32>
        %mul3A_225 = arith.constant 4 : i32
        %mul3A_226 = vector.broadcast %mul3A_225 : i32 to vector<16xi32>
        %mul3A_227 = arith.muli %mul3A_226, %and3A_210 : vector<16xi32>
        %add3A_228 = arith.addi %add3A_224, %mul3A_227 : vector<16xi32>
        %swap3A_229 = arith.constant 0 : i32
        %swap3A_230 = arith.index_cast %swap3A_229 : i32 to index
        %swap3A_231 = arith.constant 16 : index
        %swap3A_232 = tpu.vector_load %arg5[%swap3A_230, %swap3A_231] {strides = array<i32>} : memref<7x64xi32, #tpu.memory_space<vmem>>, vector<1x16xi32>,
        %swap3A_233 = vector.shape_cast %swap3A_232 : vector<1x16xi32> to vector<16xi32>
        %swap3A_234 = vector.shape_cast %add3A_228 : vector<16xi32> to vector<1x16xi32>
        tpu.vector_store %arg5[%swap3A_230, %swap3A_231], %swap3A_234 {strides = array<i32>} : memref<7x64xi32, #tpu.memory_space<vmem>>, vector<1x16xi32>,
        %add3A_235 = arith.addi %add3A_8, %add3A_76 : i32
        %mul3A_236 = arith.constant 8 : i32
        %mul3A_237 = arith.muli %add3A_235, %mul3A_236 : i32
        %add3A_238 = arith.constant 4 : i32
        %add3A_239 = arith.addi %mul3A_237, %add3A_238 : i32
        %shift_right_arithmetic3A_240 = arith.constant 3 : i32
        %shift_right_arithmetic3A_241 = vector.broadcast %shift_right_arithmetic3A_240 : i32 to vector<16xi32>
        %shift_right_arithmetic3A_242 = arith.shrsi %iota3A, %shift_right_arithmetic3A_241 : vector<16xi32>
        %add3A_243 = vector.broadcast %add3A_239 : i32 to vector<16xi32>
        %add3A_244 = arith.addi %add3A_243, %shift_right_arithmetic3A_242 : vector<16xi32>
        %and3A_245 = arith.constant 7 : i32
        %and3A_246 = vector.broadcast %and3A_245 : i32 to vector<16xi32>
        %and3A_247 = arith.andi %iota3A, %and3A_246 : vector<16xi32>
        %mul3A_248 = arith.constant 545 : i32
        %mul3A_249 = vector.broadcast %mul3A_248 : i32 to vector<16xi32>
        %mul3A_250 = arith.muli %add3A_244, %mul3A_249 : vector<16xi32>
        %shift_right_arithmetic3A_251 = arith.constant 18 : i32
        %shift_right_arithmetic3A_252 = vector.broadcast %shift_right_arithmetic3A_251 : i32 to vector<16xi32>
        %shift_right_arithmetic3A_253 = arith.shrsi %mul3A_250, %shift_right_arithmetic3A_252 : vector<16xi32>
        %mul3A_254 = arith.constant 481 : i32
        %mul3A_255 = vector.broadcast %mul3A_254 : i32 to vector<16xi32>
        %mul3A_256 = arith.muli %shift_right_arithmetic3A_253, %mul3A_255 : vector<16xi32>
        %sub3A_257 = arith.subi %add3A_244, %mul3A_256 : vector<16xi32>
        %mul3A_258 = arith.constant 512 : i32
        %mul3A_259 = vector.broadcast %mul3A_258 : i32 to vector<16xi32>
        %mul3A_260 = arith.muli %shift_right_arithmetic3A_253, %mul3A_259 : vector<16xi32>
        %add3A_261 = arith.addi %mul3A_260, %sub3A_257 : vector<16xi32>
        %mul3A_262 = arith.constant 4 : i32
        %mul3A_263 = vector.broadcast %mul3A_262 : i32 to vector<16xi32>
        %mul3A_264 = arith.muli %mul3A_263, %and3A_247 : vector<16xi32>
        %add3A_265 = arith.addi %add3A_261, %mul3A_264 : vector<16xi32>
        %swap3A_266 = arith.constant 0 : i32
        %swap3A_267 = arith.index_cast %swap3A_266 : i32 to index
        %swap3A_268 = arith.constant 32 : index
        %swap3A_269 = tpu.vector_load %arg5[%swap3A_267, %swap3A_268] {strides = array<i32>} : memref<7x64xi32, #tpu.memory_space<vmem>>, vector<1x16xi32>,
        %swap3A_270 = vector.shape_cast %swap3A_269 : vector<1x16xi32> to vector<16xi32>
        %swap3A_271 = vector.shape_cast %add3A_265 : vector<16xi32> to vector<1x16xi32>
        tpu.vector_store %arg5[%swap3A_267, %swap3A_268], %swap3A_271 {strides = array<i32>} : memref<7x64xi32, #tpu.memory_space<vmem>>, vector<1x16xi32>,
        %add3A_272 = arith.addi %add3A_8, %add3A_76 : i32
        %mul3A_273 = arith.constant 8 : i32
        %mul3A_274 = arith.muli %add3A_272, %mul3A_273 : i32
        %add3A_275 = arith.constant 6 : i32
        %add3A_276 = arith.addi %mul3A_274, %add3A_275 : i32
        %shift_right_arithmetic3A_277 = arith.constant 3 : i32
        %shift_right_arithmetic3A_278 = vector.broadcast %shift_right_arithmetic3A_277 : i32 to vector<16xi32>
        %shift_right_arithmetic3A_279 = arith.shrsi %iota3A, %shift_right_arithmetic3A_278 : vector<16xi32>
        %add3A_280 = vector.broadcast %add3A_276 : i32 to vector<16xi32>
        %add3A_281 = arith.addi %add3A_280, %shift_right_arithmetic3A_279 : vector<16xi32>
        %and3A_282 = arith.constant 7 : i32
        %and3A_283 = vector.broadcast %and3A_282 : i32 to vector<16xi32>
        %and3A_284 = arith.andi %iota3A, %and3A_283 : vector<16xi32>
        %mul3A_285 = arith.constant 545 : i32
        %mul3A_286 = vector.broadcast %mul3A_285 : i32 to vector<16xi32>
        %mul3A_287 = arith.muli %add3A_281, %mul3A_286 : vector<16xi32>
        %shift_right_arithmetic3A_288 = arith.constant 18 : i32
        %shift_right_arithmetic3A_289 = vector.broadcast %shift_right_arithmetic3A_288 : i32 to vector<16xi32>
        %shift_right_arithmetic3A_290 = arith.shrsi %mul3A_287, %shift_right_arithmetic3A_289 : vector<16xi32>
        %mul3A_291 = arith.constant 481 : i32
        %mul3A_292 = vector.broadcast %mul3A_291 : i32 to vector<16xi32>
        %mul3A_293 = arith.muli %shift_right_arithmetic3A_290, %mul3A_292 : vector<16xi32>
        %sub3A_294 = arith.subi %add3A_281, %mul3A_293 : vector<16xi32>
        %mul3A_295 = arith.constant 512 : i32
        %mul3A_296 = vector.broadcast %mul3A_295 : i32 to vector<16xi32>
        %mul3A_297 = arith.muli %shift_right_arithmetic3A_290, %mul3A_296 : vector<16xi32>
        %add3A_298 = arith.addi %mul3A_297, %sub3A_294 : vector<16xi32>
        %mul3A_299 = arith.constant 4 : i32
        %mul3A_300 = vector.broadcast %mul3A_299 : i32 to vector<16xi32>
        %mul3A_301 = arith.muli %mul3A_300, %and3A_284 : vector<16xi32>
        %add3A_302 = arith.addi %add3A_298, %mul3A_301 : vector<16xi32>
        %swap3A_303 = arith.constant 0 : i32
        %swap3A_304 = arith.index_cast %swap3A_303 : i32 to index
        %swap3A_305 = arith.constant 48 : index
        %swap3A_306 = tpu.vector_load %arg5[%swap3A_304, %swap3A_305] {strides = array<i32>} : memref<7x64xi32, #tpu.memory_space<vmem>>, vector<1x16xi32>,
        %swap3A_307 = vector.shape_cast %swap3A_306 : vector<1x16xi32> to vector<16xi32>
        %swap3A_308 = vector.shape_cast %add3A_302 : vector<16xi32> to vector<1x16xi32>
        tpu.vector_store %arg5[%swap3A_304, %swap3A_305], %swap3A_308 {strides = array<i32>} : memref<7x64xi32, #tpu.memory_space<vmem>>, vector<1x16xi32>,
        %dma_start3A = arith.constant 0 : i32
        %dma_start3A_309 = arith.constant 0 : i32
        %dma_start3A_310 = arith.constant 0 : i32
        %dma_start3A_311 = arith.constant 0 : i32
        %dma_start3A_312 = arith.constant 0 : i32
        %dma_start3A_313 = tpu.memref_slice %arg4[%dma_start3A_309, %dma_start3A_311, %dma_start3A_312] : memref<7x64x256xf32, #tpu.memory_space<vmem>> -> memref<1x64x256xf32, #tpu.memory_space<vmem>>
        %dma_start3A_314 = tpu.memref_squeeze %dma_start3A_313 : memref<1x64x256xf32, #tpu.memory_space<vmem>> -> memref<64x256xf32, #tpu.memory_space<vmem>>
        %dma_start3A_315 = arith.constant 0 : i32
        %dma_start3A_316 = tpu.memref_slice %arg5[%dma_start3A, %dma_start3A_315] : memref<7x64xi32, #tpu.memory_space<vmem>> -> memref<1x64xi32, #tpu.memory_space<vmem>>
        %dma_start3A_317 = tpu.memref_squeeze %dma_start3A_316 : memref<1x64xi32, #tpu.memory_space<vmem>> -> memref<64xi32, #tpu.memory_space<vmem>>
        %dma_start3A_318 = arith.constant 0 : i32
        %dma_start3A_319 = arith.constant 0 : i32
        %dma_start3A_320 = tpu.memref_slice %arg2[%dma_start3A_318, %dma_start3A_319] : memref<4096x256xf32, #tpu.memory_space<hbm>> -> memref<4096x256xf32, #tpu.memory_space<hbm>>
        %dma_start3A_321 = tpu.memref_slice %arg6[%dma_start3A_310] : memref<7x!tpu.dma_semaphore, #tpu.memory_space<semaphore_mem>> -> memref<1x!tpu.dma_semaphore, #tpu.memory_space<semaphore_mem>>
        %dma_start3A_322 = tpu.memref_squeeze %dma_start3A_321 : memref<1x!tpu.dma_semaphore, #tpu.memory_space<semaphore_mem>> -> memref<!tpu.dma_semaphore, #tpu.memory_space<semaphore_mem>>
        tpu.enqueue_indirect_dma source(%dma_start3A_320 : memref<4096x256xf32, #tpu.memory_space<hbm>>) target(%dma_start3A_314 : memref<64x256xf32, #tpu.memory_space<vmem>>) offsets(%dma_start3A_317 : memref<64xi32, #tpu.memory_space<vmem>>) semaphore(%dma_start3A_322 : memref<!tpu.dma_semaphore, #tpu.memory_space<semaphore_mem>>)
      } else {
      }
      %add3A_81 = arith.constant 1 : i32
      %add3A_82 = arith.addi %mul3A_74, %add3A_81 : i32
      %lt3A_83 = arith.cmpi slt, %add3A_82, %add3A_4 : i32
      %convert_element_type3A_84 = arith.extui %lt3A_83 : i1 to i32
      %cond3A_85 = arith.constant 0 : i32
      %cond3A_86 = arith.cmpi ne, %convert_element_type3A_84, %cond3A_85 : i32
      scf.if %cond3A_86 {
        %ge3A = arith.constant 1 : i32
        %ge3A_159 = arith.cmpi sge, %while3A_72, %ge3A : i32
        %convert_element_type3A_160 = arith.extui %ge3A_159 : i1 to i32
        %cond3A_161 = arith.constant 0 : i32
        %cond3A_162 = arith.cmpi ne, %convert_element_type3A_160, %cond3A_161 : i32
        scf.if %cond3A_162 {
          %dma_wait3A = arith.constant 1 : i32
          %dma_wait3A_323 = arith.constant 1 : i32
          %dma_wait3A_324 = arith.constant 0 : i32
          %dma_wait3A_325 = arith.constant 0 : i32
          %dma_wait3A_326 = tpu.memref_slice %arg4[%dma_wait3A, %dma_wait3A_324, %dma_wait3A_325] : memref<7x64x256xf32, #tpu.memory_space<vmem>> -> memref<1x64x256xf32, #tpu.memory_space<vmem>>
          %dma_wait3A_327 = tpu.memref_squeeze %dma_wait3A_326 : memref<1x64x256xf32, #tpu.memory_space<vmem>> -> memref<64x256xf32, #tpu.memory_space<vmem>>
          %dma_wait3A_328 = arith.constant 0 : i32
          %dma_wait3A_329 = arith.constant 0 : i32
          %dma_wait3A_330 = tpu.memref_slice %arg3[%dma_wait3A_328, %dma_wait3A_329] : memref<30784x256xf32, #tpu.memory_space<hbm>> -> memref<64x256xf32, #tpu.memory_space<hbm>>
          %dma_wait3A_331 = tpu.memref_slice %arg7[%dma_wait3A_323] : memref<7x!tpu.dma_semaphore, #tpu.memory_space<semaphore_mem>> -> memref<1x!tpu.dma_semaphore, #tpu.memory_space<semaphore_mem>>
          %dma_wait3A_332 = tpu.memref_squeeze %dma_wait3A_331 : memref<1x!tpu.dma_semaphore, #tpu.memory_space<semaphore_mem>> -> memref<!tpu.dma_semaphore, #tpu.memory_space<semaphore_mem>>
          %dma_wait3A_333 = arith.constant 0 : i32
          %dma_wait3A_334 = arith.constant 0 : i32
          %dma_wait3A_335 = tpu.memref_slice %arg3[%dma_wait3A_333, %dma_wait3A_334] : memref<30784x256xf32, #tpu.memory_space<hbm>> -> memref<64x256xf32, #tpu.memory_space<hbm>>
          %dma_wait3A_336 = arith.constant 0 : i32
          %dma_wait3A_337 = arith.constant 0 : i32
          %dma_wait3A_338 = tpu.memref_slice %arg4[%dma_wait3A, %dma_wait3A_336, %dma_wait3A_337] : memref<7x64x256xf32, #tpu.memory_space<vmem>> -> memref<1x64x256xf32, #tpu.memory_space<vmem>>
          %dma_wait3A_339 = tpu.memref_squeeze %dma_wait3A_338 : memref<1x64x256xf32, #tpu.memory_space<vmem>> -> memref<64x256xf32, #tpu.memory_space<vmem>>
          tpu.wait_dma2 semaphore(%dma_wait3A_332 : memref<!tpu.dma_semaphore, #tpu.memory_space<semaphore_mem>>) src(%dma_wait3A_339 : memref<64x256xf32, #tpu.memory_space<vmem>>) dst(%dma_wait3A_335 : memref<64x256xf32, #tpu.memory_space<hbm>>)
        } else {
        }
        %add3A_163 = arith.addi %add3A_8, %add3A_82 : i32
        %mul3A_164 = arith.constant 8 : i32
        %mul3A_165 = arith.muli %add3A_163, %mul3A_164 : i32
        %add3A_166 = arith.constant 0 : i32
        %add3A_167 = arith.addi %mul3A_165, %add3A_166 : i32
        %shift_right_arithmetic3A = arith.constant 3 : i32
        %shift_right_arithmetic3A_168 = vector.broadcast %shift_right_arithmetic3A : i32 to vector<16xi32>
        %shift_right_arithmetic3A_169 = arith.shrsi %iota3A, %shift_right_arithmetic3A_168 : vector<16xi32>
        %add3A_170 = vector.broadcast %add3A_167 : i32 to vector<16xi32>
        %add3A_171 = arith.addi %add3A_170, %shift_right_arithmetic3A_169 : vector<16xi32>
        %and3A_172 = arith.constant 7 : i32
        %and3A_173 = vector.broadcast %and3A_172 : i32 to vector<16xi32>
        %and3A_174 = arith.andi %iota3A, %and3A_173 : vector<16xi32>
        %mul3A_175 = arith.constant 545 : i32
        %mul3A_176 = vector.broadcast %mul3A_175 : i32 to vector<16xi32>
        %mul3A_177 = arith.muli %add3A_171, %mul3A_176 : vector<16xi32>
        %shift_right_arithmetic3A_178 = arith.constant 18 : i32
        %shift_right_arithmetic3A_179 = vector.broadcast %shift_right_arithmetic3A_178 : i32 to vector<16xi32>
        %shift_right_arithmetic3A_180 = arith.shrsi %mul3A_177, %shift_right_arithmetic3A_179 : vector<16xi32>
        %mul3A_181 = arith.constant 481 : i32
        %mul3A_182 = vector.broadcast %mul3A_181 : i32 to vector<16xi32>
        %mul3A_183 = arith.muli %shift_right_arithmetic3A_180, %mul3A_182 : vector<16xi32>
        %sub3A_184 = arith.subi %add3A_171, %mul3A_183 : vector<16xi32>
        %mul3A_185 = arith.constant 512 : i32
        %mul3A_186 = vector.broadcast %mul3A_185 : i32 to vector<16xi32>
        %mul3A_187 = arith.muli %shift_right_arithmetic3A_180, %mul3A_186 : vector<16xi32>
        %add3A_188 = arith.addi %mul3A_187, %sub3A_184 : vector<16xi32>
        %mul3A_189 = arith.constant 4 : i32
        %mul3A_190 = vector.broadcast %mul3A_189 : i32 to vector<16xi32>
        %mul3A_191 = arith.muli %mul3A_190, %and3A_174 : vector<16xi32>
        %add3A_192 = arith.addi %add3A_188, %mul3A_191 : vector<16xi32>
        %swap3A = arith.constant 1 : i32
        %swap3A_193 = arith.index_cast %swap3A : i32 to index
        %swap3A_194 = arith.constant 0 : index
        %swap3A_195 = tpu.vector_load %arg5[%swap3A_193, %swap3A_194] {strides = array<i32>} : memref<7x64xi32, #tpu.memory_space<vmem>>, vector<1x16xi32>,
        %swap3A_196 = vector.shape_cast %swap3A_195 : vector<1x16xi32> to vector<16xi32>
        %swap3A_197 = vector.shape_cast %add3A_192 : vector<16xi32> to vector<1x16xi32>
        tpu.vector_store %arg5[%swap3A_193, %swap3A_194], %swap3A_197 {strides = array<i32>} : memref<7x64xi32, #tpu.memory_space<vmem>>, vector<1x16xi32>,
        %add3A_198 = arith.addi %add3A_8, %add3A_82 : i32
        %mul3A_199 = arith.constant 8 : i32
        %mul3A_200 = arith.muli %add3A_198, %mul3A_199 : i32
        %add3A_201 = arith.constant 2 : i32
        %add3A_202 = arith.addi %mul3A_200, %add3A_201 : i32
        %shift_right_arithmetic3A_203 = arith.constant 3 : i32
        %shift_right_arithmetic3A_204 = vector.broadcast %shift_right_arithmetic3A_203 : i32 to vector<16xi32>
        %shift_right_arithmetic3A_205 = arith.shrsi %iota3A, %shift_right_arithmetic3A_204 : vector<16xi32>
        %add3A_206 = vector.broadcast %add3A_202 : i32 to vector<16xi32>
        %add3A_207 = arith.addi %add3A_206, %shift_right_arithmetic3A_205 : vector<16xi32>
        %and3A_208 = arith.constant 7 : i32
        %and3A_209 = vector.broadcast %and3A_208 : i32 to vector<16xi32>
        %and3A_210 = arith.andi %iota3A, %and3A_209 : vector<16xi32>
        %mul3A_211 = arith.constant 545 : i32
        %mul3A_212 = vector.broadcast %mul3A_211 : i32 to vector<16xi32>
        %mul3A_213 = arith.muli %add3A_207, %mul3A_212 : vector<16xi32>
        %shift_right_arithmetic3A_214 = arith.constant 18 : i32
        %shift_right_arithmetic3A_215 = vector.broadcast %shift_right_arithmetic3A_214 : i32 to vector<16xi32>
        %shift_right_arithmetic3A_216 = arith.shrsi %mul3A_213, %shift_right_arithmetic3A_215 : vector<16xi32>
        %mul3A_217 = arith.constant 481 : i32
        %mul3A_218 = vector.broadcast %mul3A_217 : i32 to vector<16xi32>
        %mul3A_219 = arith.muli %shift_right_arithmetic3A_216, %mul3A_218 : vector<16xi32>
        %sub3A_220 = arith.subi %add3A_207, %mul3A_219 : vector<16xi32>
        %mul3A_221 = arith.constant 512 : i32
        %mul3A_222 = vector.broadcast %mul3A_221 : i32 to vector<16xi32>
        %mul3A_223 = arith.muli %shift_right_arithmetic3A_216, %mul3A_222 : vector<16xi32>
        %add3A_224 = arith.addi %mul3A_223, %sub3A_220 : vector<16xi32>
        %mul3A_225 = arith.constant 4 : i32
        %mul3A_226 = vector.broadcast %mul3A_225 : i32 to vector<16xi32>
        %mul3A_227 = arith.muli %mul3A_226, %and3A_210 : vector<16xi32>
        %add3A_228 = arith.addi %add3A_224, %mul3A_227 : vector<16xi32>
        %swap3A_229 = arith.constant 1 : i32
        %swap3A_230 = arith.index_cast %swap3A_229 : i32 to index
        %swap3A_231 = arith.constant 16 : index
        %swap3A_232 = tpu.vector_load %arg5[%swap3A_230, %swap3A_231] {strides = array<i32>} : memref<7x64xi32, #tpu.memory_space<vmem>>, vector<1x16xi32>,
        %swap3A_233 = vector.shape_cast %swap3A_232 : vector<1x16xi32> to vector<16xi32>
        %swap3A_234 = vector.shape_cast %add3A_228 : vector<16xi32> to vector<1x16xi32>
        tpu.vector_store %arg5[%swap3A_230, %swap3A_231], %swap3A_234 {strides = array<i32>} : memref<7x64xi32, #tpu.memory_space<vmem>>, vector<1x16xi32>,
        %add3A_235 = arith.addi %add3A_8, %add3A_82 : i32
        %mul3A_236 = arith.constant 8 : i32
        %mul3A_237 = arith.muli %add3A_235, %mul3A_236 : i32
        %add3A_238 = arith.constant 4 : i32
        %add3A_239 = arith.addi %mul3A_237, %add3A_238 : i32
        %shift_right_arithmetic3A_240 = arith.constant 3 : i32
        %shift_right_arithmetic3A_241 = vector.broadcast %shift_right_arithmetic3A_240 : i32 to vector<16xi32>
        %shift_right_arithmetic3A_242 = arith.shrsi %iota3A, %shift_right_arithmetic3A_241 : vector<16xi32>
        %add3A_243 = vector.broadcast %add3A_239 : i32 to vector<16xi32>
        %add3A_244 = arith.addi %add3A_243, %shift_right_arithmetic3A_242 : vector<16xi32>
        %and3A_245 = arith.constant 7 : i32
        %and3A_246 = vector.broadcast %and3A_245 : i32 to vector<16xi32>
        %and3A_247 = arith.andi %iota3A, %and3A_246 : vector<16xi32>
        %mul3A_248 = arith.constant 545 : i32
        %mul3A_249 = vector.broadcast %mul3A_248 : i32 to vector<16xi32>
        %mul3A_250 = arith.muli %add3A_244, %mul3A_249 : vector<16xi32>
        %shift_right_arithmetic3A_251 = arith.constant 18 : i32
        %shift_right_arithmetic3A_252 = vector.broadcast %shift_right_arithmetic3A_251 : i32 to vector<16xi32>
        %shift_right_arithmetic3A_253 = arith.shrsi %mul3A_250, %shift_right_arithmetic3A_252 : vector<16xi32>
        %mul3A_254 = arith.constant 481 : i32
        %mul3A_255 = vector.broadcast %mul3A_254 : i32 to vector<16xi32>
        %mul3A_256 = arith.muli %shift_right_arithmetic3A_253, %mul3A_255 : vector<16xi32>
        %sub3A_257 = arith.subi %add3A_244, %mul3A_256 : vector<16xi32>
        %mul3A_258 = arith.constant 512 : i32
        %mul3A_259 = vector.broadcast %mul3A_258 : i32 to vector<16xi32>
        %mul3A_260 = arith.muli %shift_right_arithmetic3A_253, %mul3A_259 : vector<16xi32>
        %add3A_261 = arith.addi %mul3A_260, %sub3A_257 : vector<16xi32>
        %mul3A_262 = arith.constant 4 : i32
        %mul3A_263 = vector.broadcast %mul3A_262 : i32 to vector<16xi32>
        %mul3A_264 = arith.muli %mul3A_263, %and3A_247 : vector<16xi32>
        %add3A_265 = arith.addi %add3A_261, %mul3A_264 : vector<16xi32>
        %swap3A_266 = arith.constant 1 : i32
        %swap3A_267 = arith.index_cast %swap3A_266 : i32 to index
        %swap3A_268 = arith.constant 32 : index
        %swap3A_269 = tpu.vector_load %arg5[%swap3A_267, %swap3A_268] {strides = array<i32>} : memref<7x64xi32, #tpu.memory_space<vmem>>, vector<1x16xi32>,
        %swap3A_270 = vector.shape_cast %swap3A_269 : vector<1x16xi32> to vector<16xi32>
        %swap3A_271 = vector.shape_cast %add3A_265 : vector<16xi32> to vector<1x16xi32>
        tpu.vector_store %arg5[%swap3A_267, %swap3A_268], %swap3A_271 {strides = array<i32>} : memref<7x64xi32, #tpu.memory_space<vmem>>, vector<1x16xi32>,
        %add3A_272 = arith.addi %add3A_8, %add3A_82 : i32
        %mul3A_273 = arith.constant 8 : i32
        %mul3A_274 = arith.muli %add3A_272, %mul3A_273 : i32
        %add3A_275 = arith.constant 6 : i32
        %add3A_276 = arith.addi %mul3A_274, %add3A_275 : i32
        %shift_right_arithmetic3A_277 = arith.constant 3 : i32
        %shift_right_arithmetic3A_278 = vector.broadcast %shift_right_arithmetic3A_277 : i32 to vector<16xi32>
        %shift_right_arithmetic3A_279 = arith.shrsi %iota3A, %shift_right_arithmetic3A_278 : vector<16xi32>
        %add3A_280 = vector.broadcast %add3A_276 : i32 to vector<16xi32>
        %add3A_281 = arith.addi %add3A_280, %shift_right_arithmetic3A_279 : vector<16xi32>
        %and3A_282 = arith.constant 7 : i32
        %and3A_283 = vector.broadcast %and3A_282 : i32 to vector<16xi32>
        %and3A_284 = arith.andi %iota3A, %and3A_283 : vector<16xi32>
        %mul3A_285 = arith.constant 545 : i32
        %mul3A_286 = vector.broadcast %mul3A_285 : i32 to vector<16xi32>
        %mul3A_287 = arith.muli %add3A_281, %mul3A_286 : vector<16xi32>
        %shift_right_arithmetic3A_288 = arith.constant 18 : i32
        %shift_right_arithmetic3A_289 = vector.broadcast %shift_right_arithmetic3A_288 : i32 to vector<16xi32>
        %shift_right_arithmetic3A_290 = arith.shrsi %mul3A_287, %shift_right_arithmetic3A_289 : vector<16xi32>
        %mul3A_291 = arith.constant 481 : i32
        %mul3A_292 = vector.broadcast %mul3A_291 : i32 to vector<16xi32>
        %mul3A_293 = arith.muli %shift_right_arithmetic3A_290, %mul3A_292 : vector<16xi32>
        %sub3A_294 = arith.subi %add3A_281, %mul3A_293 : vector<16xi32>
        %mul3A_295 = arith.constant 512 : i32
        %mul3A_296 = vector.broadcast %mul3A_295 : i32 to vector<16xi32>
        %mul3A_297 = arith.muli %shift_right_arithmetic3A_290, %mul3A_296 : vector<16xi32>
        %add3A_298 = arith.addi %mul3A_297, %sub3A_294 : vector<16xi32>
        %mul3A_299 = arith.constant 4 : i32
        %mul3A_300 = vector.broadcast %mul3A_299 : i32 to vector<16xi32>
        %mul3A_301 = arith.muli %mul3A_300, %and3A_284 : vector<16xi32>
        %add3A_302 = arith.addi %add3A_298, %mul3A_301 : vector<16xi32>
        %swap3A_303 = arith.constant 1 : i32
        %swap3A_304 = arith.index_cast %swap3A_303 : i32 to index
        %swap3A_305 = arith.constant 48 : index
        %swap3A_306 = tpu.vector_load %arg5[%swap3A_304, %swap3A_305] {strides = array<i32>} : memref<7x64xi32, #tpu.memory_space<vmem>>, vector<1x16xi32>,
        %swap3A_307 = vector.shape_cast %swap3A_306 : vector<1x16xi32> to vector<16xi32>
        %swap3A_308 = vector.shape_cast %add3A_302 : vector<16xi32> to vector<1x16xi32>
        tpu.vector_store %arg5[%swap3A_304, %swap3A_305], %swap3A_308 {strides = array<i32>} : memref<7x64xi32, #tpu.memory_space<vmem>>, vector<1x16xi32>,
        %dma_start3A = arith.constant 1 : i32
        %dma_start3A_309 = arith.constant 1 : i32
        %dma_start3A_310 = arith.constant 1 : i32
        %dma_start3A_311 = arith.constant 0 : i32
        %dma_start3A_312 = arith.constant 0 : i32
        %dma_start3A_313 = tpu.memref_slice %arg4[%dma_start3A_309, %dma_start3A_311, %dma_start3A_312] : memref<7x64x256xf32, #tpu.memory_space<vmem>> -> memref<1x64x256xf32, #tpu.memory_space<vmem>>
        %dma_start3A_314 = tpu.memref_squeeze %dma_start3A_313 : memref<1x64x256xf32, #tpu.memory_space<vmem>> -> memref<64x256xf32, #tpu.memory_space<vmem>>
        %dma_start3A_315 = arith.constant 0 : i32
        %dma_start3A_316 = tpu.memref_slice %arg5[%dma_start3A, %dma_start3A_315] : memref<7x64xi32, #tpu.memory_space<vmem>> -> memref<1x64xi32, #tpu.memory_space<vmem>>
        %dma_start3A_317 = tpu.memref_squeeze %dma_start3A_316 : memref<1x64xi32, #tpu.memory_space<vmem>> -> memref<64xi32, #tpu.memory_space<vmem>>
        %dma_start3A_318 = arith.constant 0 : i32
        %dma_start3A_319 = arith.constant 0 : i32
        %dma_start3A_320 = tpu.memref_slice %arg2[%dma_start3A_318, %dma_start3A_319] : memref<4096x256xf32, #tpu.memory_space<hbm>> -> memref<4096x256xf32, #tpu.memory_space<hbm>>
        %dma_start3A_321 = tpu.memref_slice %arg6[%dma_start3A_310] : memref<7x!tpu.dma_semaphore, #tpu.memory_space<semaphore_mem>> -> memref<1x!tpu.dma_semaphore, #tpu.memory_space<semaphore_mem>>
        %dma_start3A_322 = tpu.memref_squeeze %dma_start3A_321 : memref<1x!tpu.dma_semaphore, #tpu.memory_space<semaphore_mem>> -> memref<!tpu.dma_semaphore, #tpu.memory_space<semaphore_mem>>
        tpu.enqueue_indirect_dma source(%dma_start3A_320 : memref<4096x256xf32, #tpu.memory_space<hbm>>) target(%dma_start3A_314 : memref<64x256xf32, #tpu.memory_space<vmem>>) offsets(%dma_start3A_317 : memref<64xi32, #tpu.memory_space<vmem>>) semaphore(%dma_start3A_322 : memref<!tpu.dma_semaphore, #tpu.memory_space<semaphore_mem>>)
      } else {
      }
      %add3A_87 = arith.constant 2 : i32
      %add3A_88 = arith.addi %mul3A_74, %add3A_87 : i32
      %lt3A_89 = arith.cmpi slt, %add3A_88, %add3A_4 : i32
      %convert_element_type3A_90 = arith.extui %lt3A_89 : i1 to i32
      %cond3A_91 = arith.constant 0 : i32
      %cond3A_92 = arith.cmpi ne, %convert_element_type3A_90, %cond3A_91 : i32
      scf.if %cond3A_92 {
        %ge3A = arith.constant 1 : i32
        %ge3A_159 = arith.cmpi sge, %while3A_72, %ge3A : i32
        %convert_element_type3A_160 = arith.extui %ge3A_159 : i1 to i32
        %cond3A_161 = arith.constant 0 : i32
        %cond3A_162 = arith.cmpi ne, %convert_element_type3A_160, %cond3A_161 : i32
        scf.if %cond3A_162 {
          %dma_wait3A = arith.constant 2 : i32
          %dma_wait3A_323 = arith.constant 2 : i32
          %dma_wait3A_324 = arith.constant 0 : i32
          %dma_wait3A_325 = arith.constant 0 : i32
          %dma_wait3A_326 = tpu.memref_slice %arg4[%dma_wait3A, %dma_wait3A_324, %dma_wait3A_325] : memref<7x64x256xf32, #tpu.memory_space<vmem>> -> memref<1x64x256xf32, #tpu.memory_space<vmem>>
          %dma_wait3A_327 = tpu.memref_squeeze %dma_wait3A_326 : memref<1x64x256xf32, #tpu.memory_space<vmem>> -> memref<64x256xf32, #tpu.memory_space<vmem>>
          %dma_wait3A_328 = arith.constant 0 : i32
          %dma_wait3A_329 = arith.constant 0 : i32
          %dma_wait3A_330 = tpu.memref_slice %arg3[%dma_wait3A_328, %dma_wait3A_329] : memref<30784x256xf32, #tpu.memory_space<hbm>> -> memref<64x256xf32, #tpu.memory_space<hbm>>
          %dma_wait3A_331 = tpu.memref_slice %arg7[%dma_wait3A_323] : memref<7x!tpu.dma_semaphore, #tpu.memory_space<semaphore_mem>> -> memref<1x!tpu.dma_semaphore, #tpu.memory_space<semaphore_mem>>
          %dma_wait3A_332 = tpu.memref_squeeze %dma_wait3A_331 : memref<1x!tpu.dma_semaphore, #tpu.memory_space<semaphore_mem>> -> memref<!tpu.dma_semaphore, #tpu.memory_space<semaphore_mem>>
          %dma_wait3A_333 = arith.constant 0 : i32
          %dma_wait3A_334 = arith.constant 0 : i32
          %dma_wait3A_335 = tpu.memref_slice %arg3[%dma_wait3A_333, %dma_wait3A_334] : memref<30784x256xf32, #tpu.memory_space<hbm>> -> memref<64x256xf32, #tpu.memory_space<hbm>>
          %dma_wait3A_336 = arith.constant 0 : i32
          %dma_wait3A_337 = arith.constant 0 : i32
          %dma_wait3A_338 = tpu.memref_slice %arg4[%dma_wait3A, %dma_wait3A_336, %dma_wait3A_337] : memref<7x64x256xf32, #tpu.memory_space<vmem>> -> memref<1x64x256xf32, #tpu.memory_space<vmem>>
          %dma_wait3A_339 = tpu.memref_squeeze %dma_wait3A_338 : memref<1x64x256xf32, #tpu.memory_space<vmem>> -> memref<64x256xf32, #tpu.memory_space<vmem>>
          tpu.wait_dma2 semaphore(%dma_wait3A_332 : memref<!tpu.dma_semaphore, #tpu.memory_space<semaphore_mem>>) src(%dma_wait3A_339 : memref<64x256xf32, #tpu.memory_space<vmem>>) dst(%dma_wait3A_335 : memref<64x256xf32, #tpu.memory_space<hbm>>)
        } else {
        }
        %add3A_163 = arith.addi %add3A_8, %add3A_88 : i32
        %mul3A_164 = arith.constant 8 : i32
        %mul3A_165 = arith.muli %add3A_163, %mul3A_164 : i32
        %add3A_166 = arith.constant 0 : i32
        %add3A_167 = arith.addi %mul3A_165, %add3A_166 : i32
        %shift_right_arithmetic3A = arith.constant 3 : i32
        %shift_right_arithmetic3A_168 = vector.broadcast %shift_right_arithmetic3A : i32 to vector<16xi32>
        %shift_right_arithmetic3A_169 = arith.shrsi %iota3A, %shift_right_arithmetic3A_168 : vector<16xi32>
        %add3A_170 = vector.broadcast %add3A_167 : i32 to vector<16xi32>
        %add3A_171 = arith.addi %add3A_170, %shift_right_arithmetic3A_169 : vector<16xi32>
        %and3A_172 = arith.constant 7 : i32
        %and3A_173 = vector.broadcast %and3A_172 : i32 to vector<16xi32>
        %and3A_174 = arith.andi %iota3A, %and3A_173 : vector<16xi32>
        %mul3A_175 = arith.constant 545 : i32
        %mul3A_176 = vector.broadcast %mul3A_175 : i32 to vector<16xi32>
        %mul3A_177 = arith.muli %add3A_171, %mul3A_176 : vector<16xi32>
        %shift_right_arithmetic3A_178 = arith.constant 18 : i32
        %shift_right_arithmetic3A_179 = vector.broadcast %shift_right_arithmetic3A_178 : i32 to vector<16xi32>
        %shift_right_arithmetic3A_180 = arith.shrsi %mul3A_177, %shift_right_arithmetic3A_179 : vector<16xi32>
        %mul3A_181 = arith.constant 481 : i32
        %mul3A_182 = vector.broadcast %mul3A_181 : i32 to vector<16xi32>
        %mul3A_183 = arith.muli %shift_right_arithmetic3A_180, %mul3A_182 : vector<16xi32>
        %sub3A_184 = arith.subi %add3A_171, %mul3A_183 : vector<16xi32>
        %mul3A_185 = arith.constant 512 : i32
        %mul3A_186 = vector.broadcast %mul3A_185 : i32 to vector<16xi32>
        %mul3A_187 = arith.muli %shift_right_arithmetic3A_180, %mul3A_186 : vector<16xi32>
        %add3A_188 = arith.addi %mul3A_187, %sub3A_184 : vector<16xi32>
        %mul3A_189 = arith.constant 4 : i32
        %mul3A_190 = vector.broadcast %mul3A_189 : i32 to vector<16xi32>
        %mul3A_191 = arith.muli %mul3A_190, %and3A_174 : vector<16xi32>
        %add3A_192 = arith.addi %add3A_188, %mul3A_191 : vector<16xi32>
        %swap3A = arith.constant 2 : i32
        %swap3A_193 = arith.index_cast %swap3A : i32 to index
        %swap3A_194 = arith.constant 0 : index
        %swap3A_195 = tpu.vector_load %arg5[%swap3A_193, %swap3A_194] {strides = array<i32>} : memref<7x64xi32, #tpu.memory_space<vmem>>, vector<1x16xi32>,
        %swap3A_196 = vector.shape_cast %swap3A_195 : vector<1x16xi32> to vector<16xi32>
        %swap3A_197 = vector.shape_cast %add3A_192 : vector<16xi32> to vector<1x16xi32>
        tpu.vector_store %arg5[%swap3A_193, %swap3A_194], %swap3A_197 {strides = array<i32>} : memref<7x64xi32, #tpu.memory_space<vmem>>, vector<1x16xi32>,
        %add3A_198 = arith.addi %add3A_8, %add3A_88 : i32
        %mul3A_199 = arith.constant 8 : i32
        %mul3A_200 = arith.muli %add3A_198, %mul3A_199 : i32
        %add3A_201 = arith.constant 2 : i32
        %add3A_202 = arith.addi %mul3A_200, %add3A_201 : i32
        %shift_right_arithmetic3A_203 = arith.constant 3 : i32
        %shift_right_arithmetic3A_204 = vector.broadcast %shift_right_arithmetic3A_203 : i32 to vector<16xi32>
        %shift_right_arithmetic3A_205 = arith.shrsi %iota3A, %shift_right_arithmetic3A_204 : vector<16xi32>
        %add3A_206 = vector.broadcast %add3A_202 : i32 to vector<16xi32>
        %add3A_207 = arith.addi %add3A_206, %shift_right_arithmetic3A_205 : vector<16xi32>
        %and3A_208 = arith.constant 7 : i32
        %and3A_209 = vector.broadcast %and3A_208 : i32 to vector<16xi32>
        %and3A_210 = arith.andi %iota3A, %and3A_209 : vector<16xi32>
        %mul3A_211 = arith.constant 545 : i32
        %mul3A_212 = vector.broadcast %mul3A_211 : i32 to vector<16xi32>
        %mul3A_213 = arith.muli %add3A_207, %mul3A_212 : vector<16xi32>
        %shift_right_arithmetic3A_214 = arith.constant 18 : i32
        %shift_right_arithmetic3A_215 = vector.broadcast %shift_right_arithmetic3A_214 : i32 to vector<16xi32>
        %shift_right_arithmetic3A_216 = arith.shrsi %mul3A_213, %shift_right_arithmetic3A_215 : vector<16xi32>
        %mul3A_217 = arith.constant 481 : i32
        %mul3A_218 = vector.broadcast %mul3A_217 : i32 to vector<16xi32>
        %mul3A_219 = arith.muli %shift_right_arithmetic3A_216, %mul3A_218 : vector<16xi32>
        %sub3A_220 = arith.subi %add3A_207, %mul3A_219 : vector<16xi32>
        %mul3A_221 = arith.constant 512 : i32
        %mul3A_222 = vector.broadcast %mul3A_221 : i32 to vector<16xi32>
        %mul3A_223 = arith.muli %shift_right_arithmetic3A_216, %mul3A_222 : vector<16xi32>
        %add3A_224 = arith.addi %mul3A_223, %sub3A_220 : vector<16xi32>
        %mul3A_225 = arith.constant 4 : i32
        %mul3A_226 = vector.broadcast %mul3A_225 : i32 to vector<16xi32>
        %mul3A_227 = arith.muli %mul3A_226, %and3A_210 : vector<16xi32>
        %add3A_228 = arith.addi %add3A_224, %mul3A_227 : vector<16xi32>
        %swap3A_229 = arith.constant 2 : i32
        %swap3A_230 = arith.index_cast %swap3A_229 : i32 to index
        %swap3A_231 = arith.constant 16 : index
        %swap3A_232 = tpu.vector_load %arg5[%swap3A_230, %swap3A_231] {strides = array<i32>} : memref<7x64xi32, #tpu.memory_space<vmem>>, vector<1x16xi32>,
        %swap3A_233 = vector.shape_cast %swap3A_232 : vector<1x16xi32> to vector<16xi32>
        %swap3A_234 = vector.shape_cast %add3A_228 : vector<16xi32> to vector<1x16xi32>
        tpu.vector_store %arg5[%swap3A_230, %swap3A_231], %swap3A_234 {strides = array<i32>} : memref<7x64xi32, #tpu.memory_space<vmem>>, vector<1x16xi32>,
        %add3A_235 = arith.addi %add3A_8, %add3A_88 : i32
        %mul3A_236 = arith.constant 8 : i32
        %mul3A_237 = arith.muli %add3A_235, %mul3A_236 : i32
        %add3A_238 = arith.constant 4 : i32
        %add3A_239 = arith.addi %mul3A_237, %add3A_238 : i32
        %shift_right_arithmetic3A_240 = arith.constant 3 : i32
        %shift_right_arithmetic3A_241 = vector.broadcast %shift_right_arithmetic3A_240 : i32 to vector<16xi32>
        %shift_right_arithmetic3A_242 = arith.shrsi %iota3A, %shift_right_arithmetic3A_241 : vector<16xi32>
        %add3A_243 = vector.broadcast %add3A_239 : i32 to vector<16xi32>
        %add3A_244 = arith.addi %add3A_243, %shift_right_arithmetic3A_242 : vector<16xi32>
        %and3A_245 = arith.constant 7 : i32
        %and3A_246 = vector.broadcast %and3A_245 : i32 to vector<16xi32>
        %and3A_247 = arith.andi %iota3A, %and3A_246 : vector<16xi32>
        %mul3A_248 = arith.constant 545 : i32
        %mul3A_249 = vector.broadcast %mul3A_248 : i32 to vector<16xi32>
        %mul3A_250 = arith.muli %add3A_244, %mul3A_249 : vector<16xi32>
        %shift_right_arithmetic3A_251 = arith.constant 18 : i32
        %shift_right_arithmetic3A_252 = vector.broadcast %shift_right_arithmetic3A_251 : i32 to vector<16xi32>
        %shift_right_arithmetic3A_253 = arith.shrsi %mul3A_250, %shift_right_arithmetic3A_252 : vector<16xi32>
        %mul3A_254 = arith.constant 481 : i32
        %mul3A_255 = vector.broadcast %mul3A_254 : i32 to vector<16xi32>
        %mul3A_256 = arith.muli %shift_right_arithmetic3A_253, %mul3A_255 : vector<16xi32>
        %sub3A_257 = arith.subi %add3A_244, %mul3A_256 : vector<16xi32>
        %mul3A_258 = arith.constant 512 : i32
        %mul3A_259 = vector.broadcast %mul3A_258 : i32 to vector<16xi32>
        %mul3A_260 = arith.muli %shift_right_arithmetic3A_253, %mul3A_259 : vector<16xi32>
        %add3A_261 = arith.addi %mul3A_260, %sub3A_257 : vector<16xi32>
        %mul3A_262 = arith.constant 4 : i32
        %mul3A_263 = vector.broadcast %mul3A_262 : i32 to vector<16xi32>
        %mul3A_264 = arith.muli %mul3A_263, %and3A_247 : vector<16xi32>
        %add3A_265 = arith.addi %add3A_261, %mul3A_264 : vector<16xi32>
        %swap3A_266 = arith.constant 2 : i32
        %swap3A_267 = arith.index_cast %swap3A_266 : i32 to index
        %swap3A_268 = arith.constant 32 : index
        %swap3A_269 = tpu.vector_load %arg5[%swap3A_267, %swap3A_268] {strides = array<i32>} : memref<7x64xi32, #tpu.memory_space<vmem>>, vector<1x16xi32>,
        %swap3A_270 = vector.shape_cast %swap3A_269 : vector<1x16xi32> to vector<16xi32>
        %swap3A_271 = vector.shape_cast %add3A_265 : vector<16xi32> to vector<1x16xi32>
        tpu.vector_store %arg5[%swap3A_267, %swap3A_268], %swap3A_271 {strides = array<i32>} : memref<7x64xi32, #tpu.memory_space<vmem>>, vector<1x16xi32>,
        %add3A_272 = arith.addi %add3A_8, %add3A_88 : i32
        %mul3A_273 = arith.constant 8 : i32
        %mul3A_274 = arith.muli %add3A_272, %mul3A_273 : i32
        %add3A_275 = arith.constant 6 : i32
        %add3A_276 = arith.addi %mul3A_274, %add3A_275 : i32
        %shift_right_arithmetic3A_277 = arith.constant 3 : i32
        %shift_right_arithmetic3A_278 = vector.broadcast %shift_right_arithmetic3A_277 : i32 to vector<16xi32>
        %shift_right_arithmetic3A_279 = arith.shrsi %iota3A, %shift_right_arithmetic3A_278 : vector<16xi32>
        %add3A_280 = vector.broadcast %add3A_276 : i32 to vector<16xi32>
        %add3A_281 = arith.addi %add3A_280, %shift_right_arithmetic3A_279 : vector<16xi32>
        %and3A_282 = arith.constant 7 : i32
        %and3A_283 = vector.broadcast %and3A_282 : i32 to vector<16xi32>
        %and3A_284 = arith.andi %iota3A, %and3A_283 : vector<16xi32>
        %mul3A_285 = arith.constant 545 : i32
        %mul3A_286 = vector.broadcast %mul3A_285 : i32 to vector<16xi32>
        %mul3A_287 = arith.muli %add3A_281, %mul3A_286 : vector<16xi32>
        %shift_right_arithmetic3A_288 = arith.constant 18 : i32
        %shift_right_arithmetic3A_289 = vector.broadcast %shift_right_arithmetic3A_288 : i32 to vector<16xi32>
        %shift_right_arithmetic3A_290 = arith.shrsi %mul3A_287, %shift_right_arithmetic3A_289 : vector<16xi32>
        %mul3A_291 = arith.constant 481 : i32
        %mul3A_292 = vector.broadcast %mul3A_291 : i32 to vector<16xi32>
        %mul3A_293 = arith.muli %shift_right_arithmetic3A_290, %mul3A_292 : vector<16xi32>
        %sub3A_294 = arith.subi %add3A_281, %mul3A_293 : vector<16xi32>
        %mul3A_295 = arith.constant 512 : i32
        %mul3A_296 = vector.broadcast %mul3A_295 : i32 to vector<16xi32>
        %mul3A_297 = arith.muli %shift_right_arithmetic3A_290, %mul3A_296 : vector<16xi32>
        %add3A_298 = arith.addi %mul3A_297, %sub3A_294 : vector<16xi32>
        %mul3A_299 = arith.constant 4 : i32
        %mul3A_300 = vector.broadcast %mul3A_299 : i32 to vector<16xi32>
        %mul3A_301 = arith.muli %mul3A_300, %and3A_284 : vector<16xi32>
        %add3A_302 = arith.addi %add3A_298, %mul3A_301 : vector<16xi32>
        %swap3A_303 = arith.constant 2 : i32
        %swap3A_304 = arith.index_cast %swap3A_303 : i32 to index
        %swap3A_305 = arith.constant 48 : index
        %swap3A_306 = tpu.vector_load %arg5[%swap3A_304, %swap3A_305] {strides = array<i32>} : memref<7x64xi32, #tpu.memory_space<vmem>>, vector<1x16xi32>,
        %swap3A_307 = vector.shape_cast %swap3A_306 : vector<1x16xi32> to vector<16xi32>
        %swap3A_308 = vector.shape_cast %add3A_302 : vector<16xi32> to vector<1x16xi32>
        tpu.vector_store %arg5[%swap3A_304, %swap3A_305], %swap3A_308 {strides = array<i32>} : memref<7x64xi32, #tpu.memory_space<vmem>>, vector<1x16xi32>,
        %dma_start3A = arith.constant 2 : i32
        %dma_start3A_309 = arith.constant 2 : i32
        %dma_start3A_310 = arith.constant 2 : i32
        %dma_start3A_311 = arith.constant 0 : i32
        %dma_start3A_312 = arith.constant 0 : i32
        %dma_start3A_313 = tpu.memref_slice %arg4[%dma_start3A_309, %dma_start3A_311, %dma_start3A_312] : memref<7x64x256xf32, #tpu.memory_space<vmem>> -> memref<1x64x256xf32, #tpu.memory_space<vmem>>
        %dma_start3A_314 = tpu.memref_squeeze %dma_start3A_313 : memref<1x64x256xf32, #tpu.memory_space<vmem>> -> memref<64x256xf32, #tpu.memory_space<vmem>>
        %dma_start3A_315 = arith.constant 0 : i32
        %dma_start3A_316 = tpu.memref_slice %arg5[%dma_start3A, %dma_start3A_315] : memref<7x64xi32, #tpu.memory_space<vmem>> -> memref<1x64xi32, #tpu.memory_space<vmem>>
        %dma_start3A_317 = tpu.memref_squeeze %dma_start3A_316 : memref<1x64xi32, #tpu.memory_space<vmem>> -> memref<64xi32, #tpu.memory_space<vmem>>
        %dma_start3A_318 = arith.constant 0 : i32
        %dma_start3A_319 = arith.constant 0 : i32
        %dma_start3A_320 = tpu.memref_slice %arg2[%dma_start3A_318, %dma_start3A_319] : memref<4096x256xf32, #tpu.memory_space<hbm>> -> memref<4096x256xf32, #tpu.memory_space<hbm>>
        %dma_start3A_321 = tpu.memref_slice %arg6[%dma_start3A_310] : memref<7x!tpu.dma_semaphore, #tpu.memory_space<semaphore_mem>> -> memref<1x!tpu.dma_semaphore, #tpu.memory_space<semaphore_mem>>
        %dma_start3A_322 = tpu.memref_squeeze %dma_start3A_321 : memref<1x!tpu.dma_semaphore, #tpu.memory_space<semaphore_mem>> -> memref<!tpu.dma_semaphore, #tpu.memory_space<semaphore_mem>>
        tpu.enqueue_indirect_dma source(%dma_start3A_320 : memref<4096x256xf32, #tpu.memory_space<hbm>>) target(%dma_start3A_314 : memref<64x256xf32, #tpu.memory_space<vmem>>) offsets(%dma_start3A_317 : memref<64xi32, #tpu.memory_space<vmem>>) semaphore(%dma_start3A_322 : memref<!tpu.dma_semaphore, #tpu.memory_space<semaphore_mem>>)
      } else {
      }
      %add3A_93 = arith.constant 3 : i32
      %add3A_94 = arith.addi %mul3A_74, %add3A_93 : i32
      %lt3A_95 = arith.cmpi slt, %add3A_94, %add3A_4 : i32
      %convert_element_type3A_96 = arith.extui %lt3A_95 : i1 to i32
      %cond3A_97 = arith.constant 0 : i32
      %cond3A_98 = arith.cmpi ne, %convert_element_type3A_96, %cond3A_97 : i32
      scf.if %cond3A_98 {
        %ge3A = arith.constant 1 : i32
        %ge3A_159 = arith.cmpi sge, %while3A_72, %ge3A : i32
        %convert_element_type3A_160 = arith.extui %ge3A_159 : i1 to i32
        %cond3A_161 = arith.constant 0 : i32
        %cond3A_162 = arith.cmpi ne, %convert_element_type3A_160, %cond3A_161 : i32
        scf.if %cond3A_162 {
          %dma_wait3A = arith.constant 3 : i32
          %dma_wait3A_323 = arith.constant 3 : i32
          %dma_wait3A_324 = arith.constant 0 : i32
          %dma_wait3A_325 = arith.constant 0 : i32
          %dma_wait3A_326 = tpu.memref_slice %arg4[%dma_wait3A, %dma_wait3A_324, %dma_wait3A_325] : memref<7x64x256xf32, #tpu.memory_space<vmem>> -> memref<1x64x256xf32, #tpu.memory_space<vmem>>
          %dma_wait3A_327 = tpu.memref_squeeze %dma_wait3A_326 : memref<1x64x256xf32, #tpu.memory_space<vmem>> -> memref<64x256xf32, #tpu.memory_space<vmem>>
          %dma_wait3A_328 = arith.constant 0 : i32
          %dma_wait3A_329 = arith.constant 0 : i32
          %dma_wait3A_330 = tpu.memref_slice %arg3[%dma_wait3A_328, %dma_wait3A_329] : memref<30784x256xf32, #tpu.memory_space<hbm>> -> memref<64x256xf32, #tpu.memory_space<hbm>>
          %dma_wait3A_331 = tpu.memref_slice %arg7[%dma_wait3A_323] : memref<7x!tpu.dma_semaphore, #tpu.memory_space<semaphore_mem>> -> memref<1x!tpu.dma_semaphore, #tpu.memory_space<semaphore_mem>>
          %dma_wait3A_332 = tpu.memref_squeeze %dma_wait3A_331 : memref<1x!tpu.dma_semaphore, #tpu.memory_space<semaphore_mem>> -> memref<!tpu.dma_semaphore, #tpu.memory_space<semaphore_mem>>
          %dma_wait3A_333 = arith.constant 0 : i32
          %dma_wait3A_334 = arith.constant 0 : i32
          %dma_wait3A_335 = tpu.memref_slice %arg3[%dma_wait3A_333, %dma_wait3A_334] : memref<30784x256xf32, #tpu.memory_space<hbm>> -> memref<64x256xf32, #tpu.memory_space<hbm>>
          %dma_wait3A_336 = arith.constant 0 : i32
          %dma_wait3A_337 = arith.constant 0 : i32
          %dma_wait3A_338 = tpu.memref_slice %arg4[%dma_wait3A, %dma_wait3A_336, %dma_wait3A_337] : memref<7x64x256xf32, #tpu.memory_space<vmem>> -> memref<1x64x256xf32, #tpu.memory_space<vmem>>
          %dma_wait3A_339 = tpu.memref_squeeze %dma_wait3A_338 : memref<1x64x256xf32, #tpu.memory_space<vmem>> -> memref<64x256xf32, #tpu.memory_space<vmem>>
          tpu.wait_dma2 semaphore(%dma_wait3A_332 : memref<!tpu.dma_semaphore, #tpu.memory_space<semaphore_mem>>) src(%dma_wait3A_339 : memref<64x256xf32, #tpu.memory_space<vmem>>) dst(%dma_wait3A_335 : memref<64x256xf32, #tpu.memory_space<hbm>>)
        } else {
        }
        %add3A_163 = arith.addi %add3A_8, %add3A_94 : i32
        %mul3A_164 = arith.constant 8 : i32
        %mul3A_165 = arith.muli %add3A_163, %mul3A_164 : i32
        %add3A_166 = arith.constant 0 : i32
        %add3A_167 = arith.addi %mul3A_165, %add3A_166 : i32
        %shift_right_arithmetic3A = arith.constant 3 : i32
        %shift_right_arithmetic3A_168 = vector.broadcast %shift_right_arithmetic3A : i32 to vector<16xi32>
        %shift_right_arithmetic3A_169 = arith.shrsi %iota3A, %shift_right_arithmetic3A_168 : vector<16xi32>
        %add3A_170 = vector.broadcast %add3A_167 : i32 to vector<16xi32>
        %add3A_171 = arith.addi %add3A_170, %shift_right_arithmetic3A_169 : vector<16xi32>
        %and3A_172 = arith.constant 7 : i32
        %and3A_173 = vector.broadcast %and3A_172 : i32 to vector<16xi32>
        %and3A_174 = arith.andi %iota3A, %and3A_173 : vector<16xi32>
        %mul3A_175 = arith.constant 545 : i32
        %mul3A_176 = vector.broadcast %mul3A_175 : i32 to vector<16xi32>
        %mul3A_177 = arith.muli %add3A_171, %mul3A_176 : vector<16xi32>
        %shift_right_arithmetic3A_178 = arith.constant 18 : i32
        %shift_right_arithmetic3A_179 = vector.broadcast %shift_right_arithmetic3A_178 : i32 to vector<16xi32>
        %shift_right_arithmetic3A_180 = arith.shrsi %mul3A_177, %shift_right_arithmetic3A_179 : vector<16xi32>
        %mul3A_181 = arith.constant 481 : i32
        %mul3A_182 = vector.broadcast %mul3A_181 : i32 to vector<16xi32>
        %mul3A_183 = arith.muli %shift_right_arithmetic3A_180, %mul3A_182 : vector<16xi32>
        %sub3A_184 = arith.subi %add3A_171, %mul3A_183 : vector<16xi32>
        %mul3A_185 = arith.constant 512 : i32
        %mul3A_186 = vector.broadcast %mul3A_185 : i32 to vector<16xi32>
        %mul3A_187 = arith.muli %shift_right_arithmetic3A_180, %mul3A_186 : vector<16xi32>
        %add3A_188 = arith.addi %mul3A_187, %sub3A_184 : vector<16xi32>
        %mul3A_189 = arith.constant 4 : i32
        %mul3A_190 = vector.broadcast %mul3A_189 : i32 to vector<16xi32>
        %mul3A_191 = arith.muli %mul3A_190, %and3A_174 : vector<16xi32>
        %add3A_192 = arith.addi %add3A_188, %mul3A_191 : vector<16xi32>
        %swap3A = arith.constant 3 : i32
        %swap3A_193 = arith.index_cast %swap3A : i32 to index
        %swap3A_194 = arith.constant 0 : index
        %swap3A_195 = tpu.vector_load %arg5[%swap3A_193, %swap3A_194] {strides = array<i32>} : memref<7x64xi32, #tpu.memory_space<vmem>>, vector<1x16xi32>,
        %swap3A_196 = vector.shape_cast %swap3A_195 : vector<1x16xi32> to vector<16xi32>
        %swap3A_197 = vector.shape_cast %add3A_192 : vector<16xi32> to vector<1x16xi32>
        tpu.vector_store %arg5[%swap3A_193, %swap3A_194], %swap3A_197 {strides = array<i32>} : memref<7x64xi32, #tpu.memory_space<vmem>>, vector<1x16xi32>,
        %add3A_198 = arith.addi %add3A_8, %add3A_94 : i32
        %mul3A_199 = arith.constant 8 : i32
        %mul3A_200 = arith.muli %add3A_198, %mul3A_199 : i32
        %add3A_201 = arith.constant 2 : i32
        %add3A_202 = arith.addi %mul3A_200, %add3A_201 : i32
        %shift_right_arithmetic3A_203 = arith.constant 3 : i32
        %shift_right_arithmetic3A_204 = vector.broadcast %shift_right_arithmetic3A_203 : i32 to vector<16xi32>
        %shift_right_arithmetic3A_205 = arith.shrsi %iota3A, %shift_right_arithmetic3A_204 : vector<16xi32>
        %add3A_206 = vector.broadcast %add3A_202 : i32 to vector<16xi32>
        %add3A_207 = arith.addi %add3A_206, %shift_right_arithmetic3A_205 : vector<16xi32>
        %and3A_208 = arith.constant 7 : i32
        %and3A_209 = vector.broadcast %and3A_208 : i32 to vector<16xi32>
        %and3A_210 = arith.andi %iota3A, %and3A_209 : vector<16xi32>
        %mul3A_211 = arith.constant 545 : i32
        %mul3A_212 = vector.broadcast %mul3A_211 : i32 to vector<16xi32>
        %mul3A_213 = arith.muli %add3A_207, %mul3A_212 : vector<16xi32>
        %shift_right_arithmetic3A_214 = arith.constant 18 : i32
        %shift_right_arithmetic3A_215 = vector.broadcast %shift_right_arithmetic3A_214 : i32 to vector<16xi32>
        %shift_right_arithmetic3A_216 = arith.shrsi %mul3A_213, %shift_right_arithmetic3A_215 : vector<16xi32>
        %mul3A_217 = arith.constant 481 : i32
        %mul3A_218 = vector.broadcast %mul3A_217 : i32 to vector<16xi32>
        %mul3A_219 = arith.muli %shift_right_arithmetic3A_216, %mul3A_218 : vector<16xi32>
        %sub3A_220 = arith.subi %add3A_207, %mul3A_219 : vector<16xi32>
        %mul3A_221 = arith.constant 512 : i32
        %mul3A_222 = vector.broadcast %mul3A_221 : i32 to vector<16xi32>
        %mul3A_223 = arith.muli %shift_right_arithmetic3A_216, %mul3A_222 : vector<16xi32>
        %add3A_224 = arith.addi %mul3A_223, %sub3A_220 : vector<16xi32>
        %mul3A_225 = arith.constant 4 : i32
        %mul3A_226 = vector.broadcast %mul3A_225 : i32 to vector<16xi32>
        %mul3A_227 = arith.muli %mul3A_226, %and3A_210 : vector<16xi32>
        %add3A_228 = arith.addi %add3A_224, %mul3A_227 : vector<16xi32>
        %swap3A_229 = arith.constant 3 : i32
        %swap3A_230 = arith.index_cast %swap3A_229 : i32 to index
        %swap3A_231 = arith.constant 16 : index
        %swap3A_232 = tpu.vector_load %arg5[%swap3A_230, %swap3A_231] {strides = array<i32>} : memref<7x64xi32, #tpu.memory_space<vmem>>, vector<1x16xi32>,
        %swap3A_233 = vector.shape_cast %swap3A_232 : vector<1x16xi32> to vector<16xi32>
        %swap3A_234 = vector.shape_cast %add3A_228 : vector<16xi32> to vector<1x16xi32>
        tpu.vector_store %arg5[%swap3A_230, %swap3A_231], %swap3A_234 {strides = array<i32>} : memref<7x64xi32, #tpu.memory_space<vmem>>, vector<1x16xi32>,
        %add3A_235 = arith.addi %add3A_8, %add3A_94 : i32
        %mul3A_236 = arith.constant 8 : i32
        %mul3A_237 = arith.muli %add3A_235, %mul3A_236 : i32
        %add3A_238 = arith.constant 4 : i32
        %add3A_239 = arith.addi %mul3A_237, %add3A_238 : i32
        %shift_right_arithmetic3A_240 = arith.constant 3 : i32
        %shift_right_arithmetic3A_241 = vector.broadcast %shift_right_arithmetic3A_240 : i32 to vector<16xi32>
        %shift_right_arithmetic3A_242 = arith.shrsi %iota3A, %shift_right_arithmetic3A_241 : vector<16xi32>
        %add3A_243 = vector.broadcast %add3A_239 : i32 to vector<16xi32>
        %add3A_244 = arith.addi %add3A_243, %shift_right_arithmetic3A_242 : vector<16xi32>
        %and3A_245 = arith.constant 7 : i32
        %and3A_246 = vector.broadcast %and3A_245 : i32 to vector<16xi32>
        %and3A_247 = arith.andi %iota3A, %and3A_246 : vector<16xi32>
        %mul3A_248 = arith.constant 545 : i32
        %mul3A_249 = vector.broadcast %mul3A_248 : i32 to vector<16xi32>
        %mul3A_250 = arith.muli %add3A_244, %mul3A_249 : vector<16xi32>
        %shift_right_arithmetic3A_251 = arith.constant 18 : i32
        %shift_right_arithmetic3A_252 = vector.broadcast %shift_right_arithmetic3A_251 : i32 to vector<16xi32>
        %shift_right_arithmetic3A_253 = arith.shrsi %mul3A_250, %shift_right_arithmetic3A_252 : vector<16xi32>
        %mul3A_254 = arith.constant 481 : i32
        %mul3A_255 = vector.broadcast %mul3A_254 : i32 to vector<16xi32>
        %mul3A_256 = arith.muli %shift_right_arithmetic3A_253, %mul3A_255 : vector<16xi32>
        %sub3A_257 = arith.subi %add3A_244, %mul3A_256 : vector<16xi32>
        %mul3A_258 = arith.constant 512 : i32
        %mul3A_259 = vector.broadcast %mul3A_258 : i32 to vector<16xi32>
        %mul3A_260 = arith.muli %shift_right_arithmetic3A_253, %mul3A_259 : vector<16xi32>
        %add3A_261 = arith.addi %mul3A_260, %sub3A_257 : vector<16xi32>
        %mul3A_262 = arith.constant 4 : i32
        %mul3A_263 = vector.broadcast %mul3A_262 : i32 to vector<16xi32>
        %mul3A_264 = arith.muli %mul3A_263, %and3A_247 : vector<16xi32>
        %add3A_265 = arith.addi %add3A_261, %mul3A_264 : vector<16xi32>
        %swap3A_266 = arith.constant 3 : i32
        %swap3A_267 = arith.index_cast %swap3A_266 : i32 to index
        %swap3A_268 = arith.constant 32 : index
        %swap3A_269 = tpu.vector_load %arg5[%swap3A_267, %swap3A_268] {strides = array<i32>} : memref<7x64xi32, #tpu.memory_space<vmem>>, vector<1x16xi32>,
        %swap3A_270 = vector.shape_cast %swap3A_269 : vector<1x16xi32> to vector<16xi32>
        %swap3A_271 = vector.shape_cast %add3A_265 : vector<16xi32> to vector<1x16xi32>
        tpu.vector_store %arg5[%swap3A_267, %swap3A_268], %swap3A_271 {strides = array<i32>} : memref<7x64xi32, #tpu.memory_space<vmem>>, vector<1x16xi32>,
        %add3A_272 = arith.addi %add3A_8, %add3A_94 : i32
        %mul3A_273 = arith.constant 8 : i32
        %mul3A_274 = arith.muli %add3A_272, %mul3A_273 : i32
        %add3A_275 = arith.constant 6 : i32
        %add3A_276 = arith.addi %mul3A_274, %add3A_275 : i32
        %shift_right_arithmetic3A_277 = arith.constant 3 : i32
        %shift_right_arithmetic3A_278 = vector.broadcast %shift_right_arithmetic3A_277 : i32 to vector<16xi32>
        %shift_right_arithmetic3A_279 = arith.shrsi %iota3A, %shift_right_arithmetic3A_278 : vector<16xi32>
        %add3A_280 = vector.broadcast %add3A_276 : i32 to vector<16xi32>
        %add3A_281 = arith.addi %add3A_280, %shift_right_arithmetic3A_279 : vector<16xi32>
        %and3A_282 = arith.constant 7 : i32
        %and3A_283 = vector.broadcast %and3A_282 : i32 to vector<16xi32>
        %and3A_284 = arith.andi %iota3A, %and3A_283 : vector<16xi32>
        %mul3A_285 = arith.constant 545 : i32
        %mul3A_286 = vector.broadcast %mul3A_285 : i32 to vector<16xi32>
        %mul3A_287 = arith.muli %add3A_281, %mul3A_286 : vector<16xi32>
        %shift_right_arithmetic3A_288 = arith.constant 18 : i32
        %shift_right_arithmetic3A_289 = vector.broadcast %shift_right_arithmetic3A_288 : i32 to vector<16xi32>
        %shift_right_arithmetic3A_290 = arith.shrsi %mul3A_287, %shift_right_arithmetic3A_289 : vector<16xi32>
        %mul3A_291 = arith.constant 481 : i32
        %mul3A_292 = vector.broadcast %mul3A_291 : i32 to vector<16xi32>
        %mul3A_293 = arith.muli %shift_right_arithmetic3A_290, %mul3A_292 : vector<16xi32>
        %sub3A_294 = arith.subi %add3A_281, %mul3A_293 : vector<16xi32>
        %mul3A_295 = arith.constant 512 : i32
        %mul3A_296 = vector.broadcast %mul3A_295 : i32 to vector<16xi32>
        %mul3A_297 = arith.muli %shift_right_arithmetic3A_290, %mul3A_296 : vector<16xi32>
        %add3A_298 = arith.addi %mul3A_297, %sub3A_294 : vector<16xi32>
        %mul3A_299 = arith.constant 4 : i32
        %mul3A_300 = vector.broadcast %mul3A_299 : i32 to vector<16xi32>
        %mul3A_301 = arith.muli %mul3A_300, %and3A_284 : vector<16xi32>
        %add3A_302 = arith.addi %add3A_298, %mul3A_301 : vector<16xi32>
        %swap3A_303 = arith.constant 3 : i32
        %swap3A_304 = arith.index_cast %swap3A_303 : i32 to index
        %swap3A_305 = arith.constant 48 : index
        %swap3A_306 = tpu.vector_load %arg5[%swap3A_304, %swap3A_305] {strides = array<i32>} : memref<7x64xi32, #tpu.memory_space<vmem>>, vector<1x16xi32>,
        %swap3A_307 = vector.shape_cast %swap3A_306 : vector<1x16xi32> to vector<16xi32>
        %swap3A_308 = vector.shape_cast %add3A_302 : vector<16xi32> to vector<1x16xi32>
        tpu.vector_store %arg5[%swap3A_304, %swap3A_305], %swap3A_308 {strides = array<i32>} : memref<7x64xi32, #tpu.memory_space<vmem>>, vector<1x16xi32>,
        %dma_start3A = arith.constant 3 : i32
        %dma_start3A_309 = arith.constant 3 : i32
        %dma_start3A_310 = arith.constant 3 : i32
        %dma_start3A_311 = arith.constant 0 : i32
        %dma_start3A_312 = arith.constant 0 : i32
        %dma_start3A_313 = tpu.memref_slice %arg4[%dma_start3A_309, %dma_start3A_311, %dma_start3A_312] : memref<7x64x256xf32, #tpu.memory_space<vmem>> -> memref<1x64x256xf32, #tpu.memory_space<vmem>>
        %dma_start3A_314 = tpu.memref_squeeze %dma_start3A_313 : memref<1x64x256xf32, #tpu.memory_space<vmem>> -> memref<64x256xf32, #tpu.memory_space<vmem>>
        %dma_start3A_315 = arith.constant 0 : i32
        %dma_start3A_316 = tpu.memref_slice %arg5[%dma_start3A, %dma_start3A_315] : memref<7x64xi32, #tpu.memory_space<vmem>> -> memref<1x64xi32, #tpu.memory_space<vmem>>
        %dma_start3A_317 = tpu.memref_squeeze %dma_start3A_316 : memref<1x64xi32, #tpu.memory_space<vmem>> -> memref<64xi32, #tpu.memory_space<vmem>>
        %dma_start3A_318 = arith.constant 0 : i32
        %dma_start3A_319 = arith.constant 0 : i32
        %dma_start3A_320 = tpu.memref_slice %arg2[%dma_start3A_318, %dma_start3A_319] : memref<4096x256xf32, #tpu.memory_space<hbm>> -> memref<4096x256xf32, #tpu.memory_space<hbm>>
        %dma_start3A_321 = tpu.memref_slice %arg6[%dma_start3A_310] : memref<7x!tpu.dma_semaphore, #tpu.memory_space<semaphore_mem>> -> memref<1x!tpu.dma_semaphore, #tpu.memory_space<semaphore_mem>>
        %dma_start3A_322 = tpu.memref_squeeze %dma_start3A_321 : memref<1x!tpu.dma_semaphore, #tpu.memory_space<semaphore_mem>> -> memref<!tpu.dma_semaphore, #tpu.memory_space<semaphore_mem>>
        tpu.enqueue_indirect_dma source(%dma_start3A_320 : memref<4096x256xf32, #tpu.memory_space<hbm>>) target(%dma_start3A_314 : memref<64x256xf32, #tpu.memory_space<vmem>>) offsets(%dma_start3A_317 : memref<64xi32, #tpu.memory_space<vmem>>) semaphore(%dma_start3A_322 : memref<!tpu.dma_semaphore, #tpu.memory_space<semaphore_mem>>)
      } else {
      }
      %add3A_99 = arith.constant 4 : i32
      %add3A_100 = arith.addi %mul3A_74, %add3A_99 : i32
      %lt3A_101 = arith.cmpi slt, %add3A_100, %add3A_4 : i32
      %convert_element_type3A_102 = arith.extui %lt3A_101 : i1 to i32
      %cond3A_103 = arith.constant 0 : i32
      %cond3A_104 = arith.cmpi ne, %convert_element_type3A_102, %cond3A_103 : i32
      scf.if %cond3A_104 {
        %ge3A = arith.constant 1 : i32
        %ge3A_159 = arith.cmpi sge, %while3A_72, %ge3A : i32
        %convert_element_type3A_160 = arith.extui %ge3A_159 : i1 to i32
        %cond3A_161 = arith.constant 0 : i32
        %cond3A_162 = arith.cmpi ne, %convert_element_type3A_160, %cond3A_161 : i32
        scf.if %cond3A_162 {
          %dma_wait3A = arith.constant 4 : i32
          %dma_wait3A_323 = arith.constant 4 : i32
          %dma_wait3A_324 = arith.constant 0 : i32
          %dma_wait3A_325 = arith.constant 0 : i32
          %dma_wait3A_326 = tpu.memref_slice %arg4[%dma_wait3A, %dma_wait3A_324, %dma_wait3A_325] : memref<7x64x256xf32, #tpu.memory_space<vmem>> -> memref<1x64x256xf32, #tpu.memory_space<vmem>>
          %dma_wait3A_327 = tpu.memref_squeeze %dma_wait3A_326 : memref<1x64x256xf32, #tpu.memory_space<vmem>> -> memref<64x256xf32, #tpu.memory_space<vmem>>
          %dma_wait3A_328 = arith.constant 0 : i32
          %dma_wait3A_329 = arith.constant 0 : i32
          %dma_wait3A_330 = tpu.memref_slice %arg3[%dma_wait3A_328, %dma_wait3A_329] : memref<30784x256xf32, #tpu.memory_space<hbm>> -> memref<64x256xf32, #tpu.memory_space<hbm>>
          %dma_wait3A_331 = tpu.memref_slice %arg7[%dma_wait3A_323] : memref<7x!tpu.dma_semaphore, #tpu.memory_space<semaphore_mem>> -> memref<1x!tpu.dma_semaphore, #tpu.memory_space<semaphore_mem>>
          %dma_wait3A_332 = tpu.memref_squeeze %dma_wait3A_331 : memref<1x!tpu.dma_semaphore, #tpu.memory_space<semaphore_mem>> -> memref<!tpu.dma_semaphore, #tpu.memory_space<semaphore_mem>>
          %dma_wait3A_333 = arith.constant 0 : i32
          %dma_wait3A_334 = arith.constant 0 : i32
          %dma_wait3A_335 = tpu.memref_slice %arg3[%dma_wait3A_333, %dma_wait3A_334] : memref<30784x256xf32, #tpu.memory_space<hbm>> -> memref<64x256xf32, #tpu.memory_space<hbm>>
          %dma_wait3A_336 = arith.constant 0 : i32
          %dma_wait3A_337 = arith.constant 0 : i32
          %dma_wait3A_338 = tpu.memref_slice %arg4[%dma_wait3A, %dma_wait3A_336, %dma_wait3A_337] : memref<7x64x256xf32, #tpu.memory_space<vmem>> -> memref<1x64x256xf32, #tpu.memory_space<vmem>>
          %dma_wait3A_339 = tpu.memref_squeeze %dma_wait3A_338 : memref<1x64x256xf32, #tpu.memory_space<vmem>> -> memref<64x256xf32, #tpu.memory_space<vmem>>
          tpu.wait_dma2 semaphore(%dma_wait3A_332 : memref<!tpu.dma_semaphore, #tpu.memory_space<semaphore_mem>>) src(%dma_wait3A_339 : memref<64x256xf32, #tpu.memory_space<vmem>>) dst(%dma_wait3A_335 : memref<64x256xf32, #tpu.memory_space<hbm>>)
        } else {
        }
        %add3A_163 = arith.addi %add3A_8, %add3A_100 : i32
        %mul3A_164 = arith.constant 8 : i32
        %mul3A_165 = arith.muli %add3A_163, %mul3A_164 : i32
        %add3A_166 = arith.constant 0 : i32
        %add3A_167 = arith.addi %mul3A_165, %add3A_166 : i32
        %shift_right_arithmetic3A = arith.constant 3 : i32
        %shift_right_arithmetic3A_168 = vector.broadcast %shift_right_arithmetic3A : i32 to vector<16xi32>
        %shift_right_arithmetic3A_169 = arith.shrsi %iota3A, %shift_right_arithmetic3A_168 : vector<16xi32>
        %add3A_170 = vector.broadcast %add3A_167 : i32 to vector<16xi32>
        %add3A_171 = arith.addi %add3A_170, %shift_right_arithmetic3A_169 : vector<16xi32>
        %and3A_172 = arith.constant 7 : i32
        %and3A_173 = vector.broadcast %and3A_172 : i32 to vector<16xi32>
        %and3A_174 = arith.andi %iota3A, %and3A_173 : vector<16xi32>
        %mul3A_175 = arith.constant 545 : i32
        %mul3A_176 = vector.broadcast %mul3A_175 : i32 to vector<16xi32>
        %mul3A_177 = arith.muli %add3A_171, %mul3A_176 : vector<16xi32>
        %shift_right_arithmetic3A_178 = arith.constant 18 : i32
        %shift_right_arithmetic3A_179 = vector.broadcast %shift_right_arithmetic3A_178 : i32 to vector<16xi32>
        %shift_right_arithmetic3A_180 = arith.shrsi %mul3A_177, %shift_right_arithmetic3A_179 : vector<16xi32>
        %mul3A_181 = arith.constant 481 : i32
        %mul3A_182 = vector.broadcast %mul3A_181 : i32 to vector<16xi32>
        %mul3A_183 = arith.muli %shift_right_arithmetic3A_180, %mul3A_182 : vector<16xi32>
        %sub3A_184 = arith.subi %add3A_171, %mul3A_183 : vector<16xi32>
        %mul3A_185 = arith.constant 512 : i32
        %mul3A_186 = vector.broadcast %mul3A_185 : i32 to vector<16xi32>
        %mul3A_187 = arith.muli %shift_right_arithmetic3A_180, %mul3A_186 : vector<16xi32>
        %add3A_188 = arith.addi %mul3A_187, %sub3A_184 : vector<16xi32>
        %mul3A_189 = arith.constant 4 : i32
        %mul3A_190 = vector.broadcast %mul3A_189 : i32 to vector<16xi32>
        %mul3A_191 = arith.muli %mul3A_190, %and3A_174 : vector<16xi32>
        %add3A_192 = arith.addi %add3A_188, %mul3A_191 : vector<16xi32>
        %swap3A = arith.constant 4 : i32
        %swap3A_193 = arith.index_cast %swap3A : i32 to index
        %swap3A_194 = arith.constant 0 : index
        %swap3A_195 = tpu.vector_load %arg5[%swap3A_193, %swap3A_194] {strides = array<i32>} : memref<7x64xi32, #tpu.memory_space<vmem>>, vector<1x16xi32>,
        %swap3A_196 = vector.shape_cast %swap3A_195 : vector<1x16xi32> to vector<16xi32>
        %swap3A_197 = vector.shape_cast %add3A_192 : vector<16xi32> to vector<1x16xi32>
        tpu.vector_store %arg5[%swap3A_193, %swap3A_194], %swap3A_197 {strides = array<i32>} : memref<7x64xi32, #tpu.memory_space<vmem>>, vector<1x16xi32>,
        %add3A_198 = arith.addi %add3A_8, %add3A_100 : i32
        %mul3A_199 = arith.constant 8 : i32
        %mul3A_200 = arith.muli %add3A_198, %mul3A_199 : i32
        %add3A_201 = arith.constant 2 : i32
        %add3A_202 = arith.addi %mul3A_200, %add3A_201 : i32
        %shift_right_arithmetic3A_203 = arith.constant 3 : i32
        %shift_right_arithmetic3A_204 = vector.broadcast %shift_right_arithmetic3A_203 : i32 to vector<16xi32>
        %shift_right_arithmetic3A_205 = arith.shrsi %iota3A, %shift_right_arithmetic3A_204 : vector<16xi32>
        %add3A_206 = vector.broadcast %add3A_202 : i32 to vector<16xi32>
        %add3A_207 = arith.addi %add3A_206, %shift_right_arithmetic3A_205 : vector<16xi32>
        %and3A_208 = arith.constant 7 : i32
        %and3A_209 = vector.broadcast %and3A_208 : i32 to vector<16xi32>
        %and3A_210 = arith.andi %iota3A, %and3A_209 : vector<16xi32>
        %mul3A_211 = arith.constant 545 : i32
        %mul3A_212 = vector.broadcast %mul3A_211 : i32 to vector<16xi32>
        %mul3A_213 = arith.muli %add3A_207, %mul3A_212 : vector<16xi32>
        %shift_right_arithmetic3A_214 = arith.constant 18 : i32
        %shift_right_arithmetic3A_215 = vector.broadcast %shift_right_arithmetic3A_214 : i32 to vector<16xi32>
        %shift_right_arithmetic3A_216 = arith.shrsi %mul3A_213, %shift_right_arithmetic3A_215 : vector<16xi32>
        %mul3A_217 = arith.constant 481 : i32
        %mul3A_218 = vector.broadcast %mul3A_217 : i32 to vector<16xi32>
        %mul3A_219 = arith.muli %shift_right_arithmetic3A_216, %mul3A_218 : vector<16xi32>
        %sub3A_220 = arith.subi %add3A_207, %mul3A_219 : vector<16xi32>
        %mul3A_221 = arith.constant 512 : i32
        %mul3A_222 = vector.broadcast %mul3A_221 : i32 to vector<16xi32>
        %mul3A_223 = arith.muli %shift_right_arithmetic3A_216, %mul3A_222 : vector<16xi32>
        %add3A_224 = arith.addi %mul3A_223, %sub3A_220 : vector<16xi32>
        %mul3A_225 = arith.constant 4 : i32
        %mul3A_226 = vector.broadcast %mul3A_225 : i32 to vector<16xi32>
        %mul3A_227 = arith.muli %mul3A_226, %and3A_210 : vector<16xi32>
        %add3A_228 = arith.addi %add3A_224, %mul3A_227 : vector<16xi32>
        %swap3A_229 = arith.constant 4 : i32
        %swap3A_230 = arith.index_cast %swap3A_229 : i32 to index
        %swap3A_231 = arith.constant 16 : index
        %swap3A_232 = tpu.vector_load %arg5[%swap3A_230, %swap3A_231] {strides = array<i32>} : memref<7x64xi32, #tpu.memory_space<vmem>>, vector<1x16xi32>,
        %swap3A_233 = vector.shape_cast %swap3A_232 : vector<1x16xi32> to vector<16xi32>
        %swap3A_234 = vector.shape_cast %add3A_228 : vector<16xi32> to vector<1x16xi32>
        tpu.vector_store %arg5[%swap3A_230, %swap3A_231], %swap3A_234 {strides = array<i32>} : memref<7x64xi32, #tpu.memory_space<vmem>>, vector<1x16xi32>,
        %add3A_235 = arith.addi %add3A_8, %add3A_100 : i32
        %mul3A_236 = arith.constant 8 : i32
        %mul3A_237 = arith.muli %add3A_235, %mul3A_236 : i32
        %add3A_238 = arith.constant 4 : i32
        %add3A_239 = arith.addi %mul3A_237, %add3A_238 : i32
        %shift_right_arithmetic3A_240 = arith.constant 3 : i32
        %shift_right_arithmetic3A_241 = vector.broadcast %shift_right_arithmetic3A_240 : i32 to vector<16xi32>
        %shift_right_arithmetic3A_242 = arith.shrsi %iota3A, %shift_right_arithmetic3A_241 : vector<16xi32>
        %add3A_243 = vector.broadcast %add3A_239 : i32 to vector<16xi32>
        %add3A_244 = arith.addi %add3A_243, %shift_right_arithmetic3A_242 : vector<16xi32>
        %and3A_245 = arith.constant 7 : i32
        %and3A_246 = vector.broadcast %and3A_245 : i32 to vector<16xi32>
        %and3A_247 = arith.andi %iota3A, %and3A_246 : vector<16xi32>
        %mul3A_248 = arith.constant 545 : i32
        %mul3A_249 = vector.broadcast %mul3A_248 : i32 to vector<16xi32>
        %mul3A_250 = arith.muli %add3A_244, %mul3A_249 : vector<16xi32>
        %shift_right_arithmetic3A_251 = arith.constant 18 : i32
        %shift_right_arithmetic3A_252 = vector.broadcast %shift_right_arithmetic3A_251 : i32 to vector<16xi32>
        %shift_right_arithmetic3A_253 = arith.shrsi %mul3A_250, %shift_right_arithmetic3A_252 : vector<16xi32>
        %mul3A_254 = arith.constant 481 : i32
        %mul3A_255 = vector.broadcast %mul3A_254 : i32 to vector<16xi32>
        %mul3A_256 = arith.muli %shift_right_arithmetic3A_253, %mul3A_255 : vector<16xi32>
        %sub3A_257 = arith.subi %add3A_244, %mul3A_256 : vector<16xi32>
        %mul3A_258 = arith.constant 512 : i32
        %mul3A_259 = vector.broadcast %mul3A_258 : i32 to vector<16xi32>
        %mul3A_260 = arith.muli %shift_right_arithmetic3A_253, %mul3A_259 : vector<16xi32>
        %add3A_261 = arith.addi %mul3A_260, %sub3A_257 : vector<16xi32>
        %mul3A_262 = arith.constant 4 : i32
        %mul3A_263 = vector.broadcast %mul3A_262 : i32 to vector<16xi32>
        %mul3A_264 = arith.muli %mul3A_263, %and3A_247 : vector<16xi32>
        %add3A_265 = arith.addi %add3A_261, %mul3A_264 : vector<16xi32>
        %swap3A_266 = arith.constant 4 : i32
        %swap3A_267 = arith.index_cast %swap3A_266 : i32 to index
        %swap3A_268 = arith.constant 32 : index
        %swap3A_269 = tpu.vector_load %arg5[%swap3A_267, %swap3A_268] {strides = array<i32>} : memref<7x64xi32, #tpu.memory_space<vmem>>, vector<1x16xi32>,
        %swap3A_270 = vector.shape_cast %swap3A_269 : vector<1x16xi32> to vector<16xi32>
        %swap3A_271 = vector.shape_cast %add3A_265 : vector<16xi32> to vector<1x16xi32>
        tpu.vector_store %arg5[%swap3A_267, %swap3A_268], %swap3A_271 {strides = array<i32>} : memref<7x64xi32, #tpu.memory_space<vmem>>, vector<1x16xi32>,
        %add3A_272 = arith.addi %add3A_8, %add3A_100 : i32
        %mul3A_273 = arith.constant 8 : i32
        %mul3A_274 = arith.muli %add3A_272, %mul3A_273 : i32
        %add3A_275 = arith.constant 6 : i32
        %add3A_276 = arith.addi %mul3A_274, %add3A_275 : i32
        %shift_right_arithmetic3A_277 = arith.constant 3 : i32
        %shift_right_arithmetic3A_278 = vector.broadcast %shift_right_arithmetic3A_277 : i32 to vector<16xi32>
        %shift_right_arithmetic3A_279 = arith.shrsi %iota3A, %shift_right_arithmetic3A_278 : vector<16xi32>
        %add3A_280 = vector.broadcast %add3A_276 : i32 to vector<16xi32>
        %add3A_281 = arith.addi %add3A_280, %shift_right_arithmetic3A_279 : vector<16xi32>
        %and3A_282 = arith.constant 7 : i32
        %and3A_283 = vector.broadcast %and3A_282 : i32 to vector<16xi32>
        %and3A_284 = arith.andi %iota3A, %and3A_283 : vector<16xi32>
        %mul3A_285 = arith.constant 545 : i32
        %mul3A_286 = vector.broadcast %mul3A_285 : i32 to vector<16xi32>
        %mul3A_287 = arith.muli %add3A_281, %mul3A_286 : vector<16xi32>
        %shift_right_arithmetic3A_288 = arith.constant 18 : i32
        %shift_right_arithmetic3A_289 = vector.broadcast %shift_right_arithmetic3A_288 : i32 to vector<16xi32>
        %shift_right_arithmetic3A_290 = arith.shrsi %mul3A_287, %shift_right_arithmetic3A_289 : vector<16xi32>
        %mul3A_291 = arith.constant 481 : i32
        %mul3A_292 = vector.broadcast %mul3A_291 : i32 to vector<16xi32>
        %mul3A_293 = arith.muli %shift_right_arithmetic3A_290, %mul3A_292 : vector<16xi32>
        %sub3A_294 = arith.subi %add3A_281, %mul3A_293 : vector<16xi32>
        %mul3A_295 = arith.constant 512 : i32
        %mul3A_296 = vector.broadcast %mul3A_295 : i32 to vector<16xi32>
        %mul3A_297 = arith.muli %shift_right_arithmetic3A_290, %mul3A_296 : vector<16xi32>
        %add3A_298 = arith.addi %mul3A_297, %sub3A_294 : vector<16xi32>
        %mul3A_299 = arith.constant 4 : i32
        %mul3A_300 = vector.broadcast %mul3A_299 : i32 to vector<16xi32>
        %mul3A_301 = arith.muli %mul3A_300, %and3A_284 : vector<16xi32>
        %add3A_302 = arith.addi %add3A_298, %mul3A_301 : vector<16xi32>
        %swap3A_303 = arith.constant 4 : i32
        %swap3A_304 = arith.index_cast %swap3A_303 : i32 to index
        %swap3A_305 = arith.constant 48 : index
        %swap3A_306 = tpu.vector_load %arg5[%swap3A_304, %swap3A_305] {strides = array<i32>} : memref<7x64xi32, #tpu.memory_space<vmem>>, vector<1x16xi32>,
        %swap3A_307 = vector.shape_cast %swap3A_306 : vector<1x16xi32> to vector<16xi32>
        %swap3A_308 = vector.shape_cast %add3A_302 : vector<16xi32> to vector<1x16xi32>
        tpu.vector_store %arg5[%swap3A_304, %swap3A_305], %swap3A_308 {strides = array<i32>} : memref<7x64xi32, #tpu.memory_space<vmem>>, vector<1x16xi32>,
        %dma_start3A = arith.constant 4 : i32
        %dma_start3A_309 = arith.constant 4 : i32
        %dma_start3A_310 = arith.constant 4 : i32
        %dma_start3A_311 = arith.constant 0 : i32
        %dma_start3A_312 = arith.constant 0 : i32
        %dma_start3A_313 = tpu.memref_slice %arg4[%dma_start3A_309, %dma_start3A_311, %dma_start3A_312] : memref<7x64x256xf32, #tpu.memory_space<vmem>> -> memref<1x64x256xf32, #tpu.memory_space<vmem>>
        %dma_start3A_314 = tpu.memref_squeeze %dma_start3A_313 : memref<1x64x256xf32, #tpu.memory_space<vmem>> -> memref<64x256xf32, #tpu.memory_space<vmem>>
        %dma_start3A_315 = arith.constant 0 : i32
        %dma_start3A_316 = tpu.memref_slice %arg5[%dma_start3A, %dma_start3A_315] : memref<7x64xi32, #tpu.memory_space<vmem>> -> memref<1x64xi32, #tpu.memory_space<vmem>>
        %dma_start3A_317 = tpu.memref_squeeze %dma_start3A_316 : memref<1x64xi32, #tpu.memory_space<vmem>> -> memref<64xi32, #tpu.memory_space<vmem>>
        %dma_start3A_318 = arith.constant 0 : i32
        %dma_start3A_319 = arith.constant 0 : i32
        %dma_start3A_320 = tpu.memref_slice %arg2[%dma_start3A_318, %dma_start3A_319] : memref<4096x256xf32, #tpu.memory_space<hbm>> -> memref<4096x256xf32, #tpu.memory_space<hbm>>
        %dma_start3A_321 = tpu.memref_slice %arg6[%dma_start3A_310] : memref<7x!tpu.dma_semaphore, #tpu.memory_space<semaphore_mem>> -> memref<1x!tpu.dma_semaphore, #tpu.memory_space<semaphore_mem>>
        %dma_start3A_322 = tpu.memref_squeeze %dma_start3A_321 : memref<1x!tpu.dma_semaphore, #tpu.memory_space<semaphore_mem>> -> memref<!tpu.dma_semaphore, #tpu.memory_space<semaphore_mem>>
        tpu.enqueue_indirect_dma source(%dma_start3A_320 : memref<4096x256xf32, #tpu.memory_space<hbm>>) target(%dma_start3A_314 : memref<64x256xf32, #tpu.memory_space<vmem>>) offsets(%dma_start3A_317 : memref<64xi32, #tpu.memory_space<vmem>>) semaphore(%dma_start3A_322 : memref<!tpu.dma_semaphore, #tpu.memory_space<semaphore_mem>>)
      } else {
      }
      %add3A_105 = arith.constant 5 : i32
      %add3A_106 = arith.addi %mul3A_74, %add3A_105 : i32
      %lt3A_107 = arith.cmpi slt, %add3A_106, %add3A_4 : i32
      %convert_element_type3A_108 = arith.extui %lt3A_107 : i1 to i32
      %cond3A_109 = arith.constant 0 : i32
      %cond3A_110 = arith.cmpi ne, %convert_element_type3A_108, %cond3A_109 : i32
      scf.if %cond3A_110 {
        %ge3A = arith.constant 1 : i32
        %ge3A_159 = arith.cmpi sge, %while3A_72, %ge3A : i32
        %convert_element_type3A_160 = arith.extui %ge3A_159 : i1 to i32
        %cond3A_161 = arith.constant 0 : i32
        %cond3A_162 = arith.cmpi ne, %convert_element_type3A_160, %cond3A_161 : i32
        scf.if %cond3A_162 {
          %dma_wait3A = arith.constant 5 : i32
          %dma_wait3A_323 = arith.constant 5 : i32
          %dma_wait3A_324 = arith.constant 0 : i32
          %dma_wait3A_325 = arith.constant 0 : i32
          %dma_wait3A_326 = tpu.memref_slice %arg4[%dma_wait3A, %dma_wait3A_324, %dma_wait3A_325] : memref<7x64x256xf32, #tpu.memory_space<vmem>> -> memref<1x64x256xf32, #tpu.memory_space<vmem>>
          %dma_wait3A_327 = tpu.memref_squeeze %dma_wait3A_326 : memref<1x64x256xf32, #tpu.memory_space<vmem>> -> memref<64x256xf32, #tpu.memory_space<vmem>>
          %dma_wait3A_328 = arith.constant 0 : i32
          %dma_wait3A_329 = arith.constant 0 : i32
          %dma_wait3A_330 = tpu.memref_slice %arg3[%dma_wait3A_328, %dma_wait3A_329] : memref<30784x256xf32, #tpu.memory_space<hbm>> -> memref<64x256xf32, #tpu.memory_space<hbm>>
          %dma_wait3A_331 = tpu.memref_slice %arg7[%dma_wait3A_323] : memref<7x!tpu.dma_semaphore, #tpu.memory_space<semaphore_mem>> -> memref<1x!tpu.dma_semaphore, #tpu.memory_space<semaphore_mem>>
          %dma_wait3A_332 = tpu.memref_squeeze %dma_wait3A_331 : memref<1x!tpu.dma_semaphore, #tpu.memory_space<semaphore_mem>> -> memref<!tpu.dma_semaphore, #tpu.memory_space<semaphore_mem>>
          %dma_wait3A_333 = arith.constant 0 : i32
          %dma_wait3A_334 = arith.constant 0 : i32
          %dma_wait3A_335 = tpu.memref_slice %arg3[%dma_wait3A_333, %dma_wait3A_334] : memref<30784x256xf32, #tpu.memory_space<hbm>> -> memref<64x256xf32, #tpu.memory_space<hbm>>
          %dma_wait3A_336 = arith.constant 0 : i32
          %dma_wait3A_337 = arith.constant 0 : i32
          %dma_wait3A_338 = tpu.memref_slice %arg4[%dma_wait3A, %dma_wait3A_336, %dma_wait3A_337] : memref<7x64x256xf32, #tpu.memory_space<vmem>> -> memref<1x64x256xf32, #tpu.memory_space<vmem>>
          %dma_wait3A_339 = tpu.memref_squeeze %dma_wait3A_338 : memref<1x64x256xf32, #tpu.memory_space<vmem>> -> memref<64x256xf32, #tpu.memory_space<vmem>>
          tpu.wait_dma2 semaphore(%dma_wait3A_332 : memref<!tpu.dma_semaphore, #tpu.memory_space<semaphore_mem>>) src(%dma_wait3A_339 : memref<64x256xf32, #tpu.memory_space<vmem>>) dst(%dma_wait3A_335 : memref<64x256xf32, #tpu.memory_space<hbm>>)
        } else {
        }
        %add3A_163 = arith.addi %add3A_8, %add3A_106 : i32
        %mul3A_164 = arith.constant 8 : i32
        %mul3A_165 = arith.muli %add3A_163, %mul3A_164 : i32
        %add3A_166 = arith.constant 0 : i32
        %add3A_167 = arith.addi %mul3A_165, %add3A_166 : i32
        %shift_right_arithmetic3A = arith.constant 3 : i32
        %shift_right_arithmetic3A_168 = vector.broadcast %shift_right_arithmetic3A : i32 to vector<16xi32>
        %shift_right_arithmetic3A_169 = arith.shrsi %iota3A, %shift_right_arithmetic3A_168 : vector<16xi32>
        %add3A_170 = vector.broadcast %add3A_167 : i32 to vector<16xi32>
        %add3A_171 = arith.addi %add3A_170, %shift_right_arithmetic3A_169 : vector<16xi32>
        %and3A_172 = arith.constant 7 : i32
        %and3A_173 = vector.broadcast %and3A_172 : i32 to vector<16xi32>
        %and3A_174 = arith.andi %iota3A, %and3A_173 : vector<16xi32>
        %mul3A_175 = arith.constant 545 : i32
        %mul3A_176 = vector.broadcast %mul3A_175 : i32 to vector<16xi32>
        %mul3A_177 = arith.muli %add3A_171, %mul3A_176 : vector<16xi32>
        %shift_right_arithmetic3A_178 = arith.constant 18 : i32
        %shift_right_arithmetic3A_179 = vector.broadcast %shift_right_arithmetic3A_178 : i32 to vector<16xi32>
        %shift_right_arithmetic3A_180 = arith.shrsi %mul3A_177, %shift_right_arithmetic3A_179 : vector<16xi32>
        %mul3A_181 = arith.constant 481 : i32
        %mul3A_182 = vector.broadcast %mul3A_181 : i32 to vector<16xi32>
        %mul3A_183 = arith.muli %shift_right_arithmetic3A_180, %mul3A_182 : vector<16xi32>
        %sub3A_184 = arith.subi %add3A_171, %mul3A_183 : vector<16xi32>
        %mul3A_185 = arith.constant 512 : i32
        %mul3A_186 = vector.broadcast %mul3A_185 : i32 to vector<16xi32>
        %mul3A_187 = arith.muli %shift_right_arithmetic3A_180, %mul3A_186 : vector<16xi32>
        %add3A_188 = arith.addi %mul3A_187, %sub3A_184 : vector<16xi32>
        %mul3A_189 = arith.constant 4 : i32
        %mul3A_190 = vector.broadcast %mul3A_189 : i32 to vector<16xi32>
        %mul3A_191 = arith.muli %mul3A_190, %and3A_174 : vector<16xi32>
        %add3A_192 = arith.addi %add3A_188, %mul3A_191 : vector<16xi32>
        %swap3A = arith.constant 5 : i32
        %swap3A_193 = arith.index_cast %swap3A : i32 to index
        %swap3A_194 = arith.constant 0 : index
        %swap3A_195 = tpu.vector_load %arg5[%swap3A_193, %swap3A_194] {strides = array<i32>} : memref<7x64xi32, #tpu.memory_space<vmem>>, vector<1x16xi32>,
        %swap3A_196 = vector.shape_cast %swap3A_195 : vector<1x16xi32> to vector<16xi32>
        %swap3A_197 = vector.shape_cast %add3A_192 : vector<16xi32> to vector<1x16xi32>
        tpu.vector_store %arg5[%swap3A_193, %swap3A_194], %swap3A_197 {strides = array<i32>} : memref<7x64xi32, #tpu.memory_space<vmem>>, vector<1x16xi32>,
        %add3A_198 = arith.addi %add3A_8, %add3A_106 : i32
        %mul3A_199 = arith.constant 8 : i32
        %mul3A_200 = arith.muli %add3A_198, %mul3A_199 : i32
        %add3A_201 = arith.constant 2 : i32
        %add3A_202 = arith.addi %mul3A_200, %add3A_201 : i32
        %shift_right_arithmetic3A_203 = arith.constant 3 : i32
        %shift_right_arithmetic3A_204 = vector.broadcast %shift_right_arithmetic3A_203 : i32 to vector<16xi32>
        %shift_right_arithmetic3A_205 = arith.shrsi %iota3A, %shift_right_arithmetic3A_204 : vector<16xi32>
        %add3A_206 = vector.broadcast %add3A_202 : i32 to vector<16xi32>
        %add3A_207 = arith.addi %add3A_206, %shift_right_arithmetic3A_205 : vector<16xi32>
        %and3A_208 = arith.constant 7 : i32
        %and3A_209 = vector.broadcast %and3A_208 : i32 to vector<16xi32>
        %and3A_210 = arith.andi %iota3A, %and3A_209 : vector<16xi32>
        %mul3A_211 = arith.constant 545 : i32
        %mul3A_212 = vector.broadcast %mul3A_211 : i32 to vector<16xi32>
        %mul3A_213 = arith.muli %add3A_207, %mul3A_212 : vector<16xi32>
        %shift_right_arithmetic3A_214 = arith.constant 18 : i32
        %shift_right_arithmetic3A_215 = vector.broadcast %shift_right_arithmetic3A_214 : i32 to vector<16xi32>
        %shift_right_arithmetic3A_216 = arith.shrsi %mul3A_213, %shift_right_arithmetic3A_215 : vector<16xi32>
        %mul3A_217 = arith.constant 481 : i32
        %mul3A_218 = vector.broadcast %mul3A_217 : i32 to vector<16xi32>
        %mul3A_219 = arith.muli %shift_right_arithmetic3A_216, %mul3A_218 : vector<16xi32>
        %sub3A_220 = arith.subi %add3A_207, %mul3A_219 : vector<16xi32>
        %mul3A_221 = arith.constant 512 : i32
        %mul3A_222 = vector.broadcast %mul3A_221 : i32 to vector<16xi32>
        %mul3A_223 = arith.muli %shift_right_arithmetic3A_216, %mul3A_222 : vector<16xi32>
        %add3A_224 = arith.addi %mul3A_223, %sub3A_220 : vector<16xi32>
        %mul3A_225 = arith.constant 4 : i32
        %mul3A_226 = vector.broadcast %mul3A_225 : i32 to vector<16xi32>
        %mul3A_227 = arith.muli %mul3A_226, %and3A_210 : vector<16xi32>
        %add3A_228 = arith.addi %add3A_224, %mul3A_227 : vector<16xi32>
        %swap3A_229 = arith.constant 5 : i32
        %swap3A_230 = arith.index_cast %swap3A_229 : i32 to index
        %swap3A_231 = arith.constant 16 : index
        %swap3A_232 = tpu.vector_load %arg5[%swap3A_230, %swap3A_231] {strides = array<i32>} : memref<7x64xi32, #tpu.memory_space<vmem>>, vector<1x16xi32>,
        %swap3A_233 = vector.shape_cast %swap3A_232 : vector<1x16xi32> to vector<16xi32>
        %swap3A_234 = vector.shape_cast %add3A_228 : vector<16xi32> to vector<1x16xi32>
        tpu.vector_store %arg5[%swap3A_230, %swap3A_231], %swap3A_234 {strides = array<i32>} : memref<7x64xi32, #tpu.memory_space<vmem>>, vector<1x16xi32>,
        %add3A_235 = arith.addi %add3A_8, %add3A_106 : i32
        %mul3A_236 = arith.constant 8 : i32
        %mul3A_237 = arith.muli %add3A_235, %mul3A_236 : i32
        %add3A_238 = arith.constant 4 : i32
        %add3A_239 = arith.addi %mul3A_237, %add3A_238 : i32
        %shift_right_arithmetic3A_240 = arith.constant 3 : i32
        %shift_right_arithmetic3A_241 = vector.broadcast %shift_right_arithmetic3A_240 : i32 to vector<16xi32>
        %shift_right_arithmetic3A_242 = arith.shrsi %iota3A, %shift_right_arithmetic3A_241 : vector<16xi32>
        %add3A_243 = vector.broadcast %add3A_239 : i32 to vector<16xi32>
        %add3A_244 = arith.addi %add3A_243, %shift_right_arithmetic3A_242 : vector<16xi32>
        %and3A_245 = arith.constant 7 : i32
        %and3A_246 = vector.broadcast %and3A_245 : i32 to vector<16xi32>
        %and3A_247 = arith.andi %iota3A, %and3A_246 : vector<16xi32>
        %mul3A_248 = arith.constant 545 : i32
        %mul3A_249 = vector.broadcast %mul3A_248 : i32 to vector<16xi32>
        %mul3A_250 = arith.muli %add3A_244, %mul3A_249 : vector<16xi32>
        %shift_right_arithmetic3A_251 = arith.constant 18 : i32
        %shift_right_arithmetic3A_252 = vector.broadcast %shift_right_arithmetic3A_251 : i32 to vector<16xi32>
        %shift_right_arithmetic3A_253 = arith.shrsi %mul3A_250, %shift_right_arithmetic3A_252 : vector<16xi32>
        %mul3A_254 = arith.constant 481 : i32
        %mul3A_255 = vector.broadcast %mul3A_254 : i32 to vector<16xi32>
        %mul3A_256 = arith.muli %shift_right_arithmetic3A_253, %mul3A_255 : vector<16xi32>
        %sub3A_257 = arith.subi %add3A_244, %mul3A_256 : vector<16xi32>
        %mul3A_258 = arith.constant 512 : i32
        %mul3A_259 = vector.broadcast %mul3A_258 : i32 to vector<16xi32>
        %mul3A_260 = arith.muli %shift_right_arithmetic3A_253, %mul3A_259 : vector<16xi32>
        %add3A_261 = arith.addi %mul3A_260, %sub3A_257 : vector<16xi32>
        %mul3A_262 = arith.constant 4 : i32
        %mul3A_263 = vector.broadcast %mul3A_262 : i32 to vector<16xi32>
        %mul3A_264 = arith.muli %mul3A_263, %and3A_247 : vector<16xi32>
        %add3A_265 = arith.addi %add3A_261, %mul3A_264 : vector<16xi32>
        %swap3A_266 = arith.constant 5 : i32
        %swap3A_267 = arith.index_cast %swap3A_266 : i32 to index
        %swap3A_268 = arith.constant 32 : index
        %swap3A_269 = tpu.vector_load %arg5[%swap3A_267, %swap3A_268] {strides = array<i32>} : memref<7x64xi32, #tpu.memory_space<vmem>>, vector<1x16xi32>,
        %swap3A_270 = vector.shape_cast %swap3A_269 : vector<1x16xi32> to vector<16xi32>
        %swap3A_271 = vector.shape_cast %add3A_265 : vector<16xi32> to vector<1x16xi32>
        tpu.vector_store %arg5[%swap3A_267, %swap3A_268], %swap3A_271 {strides = array<i32>} : memref<7x64xi32, #tpu.memory_space<vmem>>, vector<1x16xi32>,
        %add3A_272 = arith.addi %add3A_8, %add3A_106 : i32
        %mul3A_273 = arith.constant 8 : i32
        %mul3A_274 = arith.muli %add3A_272, %mul3A_273 : i32
        %add3A_275 = arith.constant 6 : i32
        %add3A_276 = arith.addi %mul3A_274, %add3A_275 : i32
        %shift_right_arithmetic3A_277 = arith.constant 3 : i32
        %shift_right_arithmetic3A_278 = vector.broadcast %shift_right_arithmetic3A_277 : i32 to vector<16xi32>
        %shift_right_arithmetic3A_279 = arith.shrsi %iota3A, %shift_right_arithmetic3A_278 : vector<16xi32>
        %add3A_280 = vector.broadcast %add3A_276 : i32 to vector<16xi32>
        %add3A_281 = arith.addi %add3A_280, %shift_right_arithmetic3A_279 : vector<16xi32>
        %and3A_282 = arith.constant 7 : i32
        %and3A_283 = vector.broadcast %and3A_282 : i32 to vector<16xi32>
        %and3A_284 = arith.andi %iota3A, %and3A_283 : vector<16xi32>
        %mul3A_285 = arith.constant 545 : i32
        %mul3A_286 = vector.broadcast %mul3A_285 : i32 to vector<16xi32>
        %mul3A_287 = arith.muli %add3A_281, %mul3A_286 : vector<16xi32>
        %shift_right_arithmetic3A_288 = arith.constant 18 : i32
        %shift_right_arithmetic3A_289 = vector.broadcast %shift_right_arithmetic3A_288 : i32 to vector<16xi32>
        %shift_right_arithmetic3A_290 = arith.shrsi %mul3A_287, %shift_right_arithmetic3A_289 : vector<16xi32>
        %mul3A_291 = arith.constant 481 : i32
        %mul3A_292 = vector.broadcast %mul3A_291 : i32 to vector<16xi32>
        %mul3A_293 = arith.muli %shift_right_arithmetic3A_290, %mul3A_292 : vector<16xi32>
        %sub3A_294 = arith.subi %add3A_281, %mul3A_293 : vector<16xi32>
        %mul3A_295 = arith.constant 512 : i32
        %mul3A_296 = vector.broadcast %mul3A_295 : i32 to vector<16xi32>
        %mul3A_297 = arith.muli %shift_right_arithmetic3A_290, %mul3A_296 : vector<16xi32>
        %add3A_298 = arith.addi %mul3A_297, %sub3A_294 : vector<16xi32>
        %mul3A_299 = arith.constant 4 : i32
        %mul3A_300 = vector.broadcast %mul3A_299 : i32 to vector<16xi32>
        %mul3A_301 = arith.muli %mul3A_300, %and3A_284 : vector<16xi32>
        %add3A_302 = arith.addi %add3A_298, %mul3A_301 : vector<16xi32>
        %swap3A_303 = arith.constant 5 : i32
        %swap3A_304 = arith.index_cast %swap3A_303 : i32 to index
        %swap3A_305 = arith.constant 48 : index
        %swap3A_306 = tpu.vector_load %arg5[%swap3A_304, %swap3A_305] {strides = array<i32>} : memref<7x64xi32, #tpu.memory_space<vmem>>, vector<1x16xi32>,
        %swap3A_307 = vector.shape_cast %swap3A_306 : vector<1x16xi32> to vector<16xi32>
        %swap3A_308 = vector.shape_cast %add3A_302 : vector<16xi32> to vector<1x16xi32>
        tpu.vector_store %arg5[%swap3A_304, %swap3A_305], %swap3A_308 {strides = array<i32>} : memref<7x64xi32, #tpu.memory_space<vmem>>, vector<1x16xi32>,
        %dma_start3A = arith.constant 5 : i32
        %dma_start3A_309 = arith.constant 5 : i32
        %dma_start3A_310 = arith.constant 5 : i32
        %dma_start3A_311 = arith.constant 0 : i32
        %dma_start3A_312 = arith.constant 0 : i32
        %dma_start3A_313 = tpu.memref_slice %arg4[%dma_start3A_309, %dma_start3A_311, %dma_start3A_312] : memref<7x64x256xf32, #tpu.memory_space<vmem>> -> memref<1x64x256xf32, #tpu.memory_space<vmem>>
        %dma_start3A_314 = tpu.memref_squeeze %dma_start3A_313 : memref<1x64x256xf32, #tpu.memory_space<vmem>> -> memref<64x256xf32, #tpu.memory_space<vmem>>
        %dma_start3A_315 = arith.constant 0 : i32
        %dma_start3A_316 = tpu.memref_slice %arg5[%dma_start3A, %dma_start3A_315] : memref<7x64xi32, #tpu.memory_space<vmem>> -> memref<1x64xi32, #tpu.memory_space<vmem>>
        %dma_start3A_317 = tpu.memref_squeeze %dma_start3A_316 : memref<1x64xi32, #tpu.memory_space<vmem>> -> memref<64xi32, #tpu.memory_space<vmem>>
        %dma_start3A_318 = arith.constant 0 : i32
        %dma_start3A_319 = arith.constant 0 : i32
        %dma_start3A_320 = tpu.memref_slice %arg2[%dma_start3A_318, %dma_start3A_319] : memref<4096x256xf32, #tpu.memory_space<hbm>> -> memref<4096x256xf32, #tpu.memory_space<hbm>>
        %dma_start3A_321 = tpu.memref_slice %arg6[%dma_start3A_310] : memref<7x!tpu.dma_semaphore, #tpu.memory_space<semaphore_mem>> -> memref<1x!tpu.dma_semaphore, #tpu.memory_space<semaphore_mem>>
        %dma_start3A_322 = tpu.memref_squeeze %dma_start3A_321 : memref<1x!tpu.dma_semaphore, #tpu.memory_space<semaphore_mem>> -> memref<!tpu.dma_semaphore, #tpu.memory_space<semaphore_mem>>
        tpu.enqueue_indirect_dma source(%dma_start3A_320 : memref<4096x256xf32, #tpu.memory_space<hbm>>) target(%dma_start3A_314 : memref<64x256xf32, #tpu.memory_space<vmem>>) offsets(%dma_start3A_317 : memref<64xi32, #tpu.memory_space<vmem>>) semaphore(%dma_start3A_322 : memref<!tpu.dma_semaphore, #tpu.memory_space<semaphore_mem>>)
      } else {
      }
      %add3A_111 = arith.constant 6 : i32
      %add3A_112 = arith.addi %mul3A_74, %add3A_111 : i32
      %lt3A_113 = arith.cmpi slt, %add3A_112, %add3A_4 : i32
      %convert_element_type3A_114 = arith.extui %lt3A_113 : i1 to i32
      %cond3A_115 = arith.constant 0 : i32
      %cond3A_116 = arith.cmpi ne, %convert_element_type3A_114, %cond3A_115 : i32
      scf.if %cond3A_116 {
        %ge3A = arith.constant 1 : i32
        %ge3A_159 = arith.cmpi sge, %while3A_72, %ge3A : i32
        %convert_element_type3A_160 = arith.extui %ge3A_159 : i1 to i32
        %cond3A_161 = arith.constant 0 : i32
        %cond3A_162 = arith.cmpi ne, %convert_element_type3A_160, %cond3A_161 : i32
        scf.if %cond3A_162 {
          %dma_wait3A = arith.constant 6 : i32
          %dma_wait3A_323 = arith.constant 6 : i32
          %dma_wait3A_324 = arith.constant 0 : i32
          %dma_wait3A_325 = arith.constant 0 : i32
          %dma_wait3A_326 = tpu.memref_slice %arg4[%dma_wait3A, %dma_wait3A_324, %dma_wait3A_325] : memref<7x64x256xf32, #tpu.memory_space<vmem>> -> memref<1x64x256xf32, #tpu.memory_space<vmem>>
          %dma_wait3A_327 = tpu.memref_squeeze %dma_wait3A_326 : memref<1x64x256xf32, #tpu.memory_space<vmem>> -> memref<64x256xf32, #tpu.memory_space<vmem>>
          %dma_wait3A_328 = arith.constant 0 : i32
          %dma_wait3A_329 = arith.constant 0 : i32
          %dma_wait3A_330 = tpu.memref_slice %arg3[%dma_wait3A_328, %dma_wait3A_329] : memref<30784x256xf32, #tpu.memory_space<hbm>> -> memref<64x256xf32, #tpu.memory_space<hbm>>
          %dma_wait3A_331 = tpu.memref_slice %arg7[%dma_wait3A_323] : memref<7x!tpu.dma_semaphore, #tpu.memory_space<semaphore_mem>> -> memref<1x!tpu.dma_semaphore, #tpu.memory_space<semaphore_mem>>
          %dma_wait3A_332 = tpu.memref_squeeze %dma_wait3A_331 : memref<1x!tpu.dma_semaphore, #tpu.memory_space<semaphore_mem>> -> memref<!tpu.dma_semaphore, #tpu.memory_space<semaphore_mem>>
          %dma_wait3A_333 = arith.constant 0 : i32
          %dma_wait3A_334 = arith.constant 0 : i32
          %dma_wait3A_335 = tpu.memref_slice %arg3[%dma_wait3A_333, %dma_wait3A_334] : memref<30784x256xf32, #tpu.memory_space<hbm>> -> memref<64x256xf32, #tpu.memory_space<hbm>>
          %dma_wait3A_336 = arith.constant 0 : i32
          %dma_wait3A_337 = arith.constant 0 : i32
          %dma_wait3A_338 = tpu.memref_slice %arg4[%dma_wait3A, %dma_wait3A_336, %dma_wait3A_337] : memref<7x64x256xf32, #tpu.memory_space<vmem>> -> memref<1x64x256xf32, #tpu.memory_space<vmem>>
          %dma_wait3A_339 = tpu.memref_squeeze %dma_wait3A_338 : memref<1x64x256xf32, #tpu.memory_space<vmem>> -> memref<64x256xf32, #tpu.memory_space<vmem>>
          tpu.wait_dma2 semaphore(%dma_wait3A_332 : memref<!tpu.dma_semaphore, #tpu.memory_space<semaphore_mem>>) src(%dma_wait3A_339 : memref<64x256xf32, #tpu.memory_space<vmem>>) dst(%dma_wait3A_335 : memref<64x256xf32, #tpu.memory_space<hbm>>)
        } else {
        }
        %add3A_163 = arith.addi %add3A_8, %add3A_112 : i32
        %mul3A_164 = arith.constant 8 : i32
        %mul3A_165 = arith.muli %add3A_163, %mul3A_164 : i32
        %add3A_166 = arith.constant 0 : i32
        %add3A_167 = arith.addi %mul3A_165, %add3A_166 : i32
        %shift_right_arithmetic3A = arith.constant 3 : i32
        %shift_right_arithmetic3A_168 = vector.broadcast %shift_right_arithmetic3A : i32 to vector<16xi32>
        %shift_right_arithmetic3A_169 = arith.shrsi %iota3A, %shift_right_arithmetic3A_168 : vector<16xi32>
        %add3A_170 = vector.broadcast %add3A_167 : i32 to vector<16xi32>
        %add3A_171 = arith.addi %add3A_170, %shift_right_arithmetic3A_169 : vector<16xi32>
        %and3A_172 = arith.constant 7 : i32
        %and3A_173 = vector.broadcast %and3A_172 : i32 to vector<16xi32>
        %and3A_174 = arith.andi %iota3A, %and3A_173 : vector<16xi32>
        %mul3A_175 = arith.constant 545 : i32
        %mul3A_176 = vector.broadcast %mul3A_175 : i32 to vector<16xi32>
        %mul3A_177 = arith.muli %add3A_171, %mul3A_176 : vector<16xi32>
        %shift_right_arithmetic3A_178 = arith.constant 18 : i32
        %shift_right_arithmetic3A_179 = vector.broadcast %shift_right_arithmetic3A_178 : i32 to vector<16xi32>
        %shift_right_arithmetic3A_180 = arith.shrsi %mul3A_177, %shift_right_arithmetic3A_179 : vector<16xi32>
        %mul3A_181 = arith.constant 481 : i32
        %mul3A_182 = vector.broadcast %mul3A_181 : i32 to vector<16xi32>
        %mul3A_183 = arith.muli %shift_right_arithmetic3A_180, %mul3A_182 : vector<16xi32>
        %sub3A_184 = arith.subi %add3A_171, %mul3A_183 : vector<16xi32>
        %mul3A_185 = arith.constant 512 : i32
        %mul3A_186 = vector.broadcast %mul3A_185 : i32 to vector<16xi32>
        %mul3A_187 = arith.muli %shift_right_arithmetic3A_180, %mul3A_186 : vector<16xi32>
        %add3A_188 = arith.addi %mul3A_187, %sub3A_184 : vector<16xi32>
        %mul3A_189 = arith.constant 4 : i32
        %mul3A_190 = vector.broadcast %mul3A_189 : i32 to vector<16xi32>
        %mul3A_191 = arith.muli %mul3A_190, %and3A_174 : vector<16xi32>
        %add3A_192 = arith.addi %add3A_188, %mul3A_191 : vector<16xi32>
        %swap3A = arith.constant 6 : i32
        %swap3A_193 = arith.index_cast %swap3A : i32 to index
        %swap3A_194 = arith.constant 0 : index
        %swap3A_195 = tpu.vector_load %arg5[%swap3A_193, %swap3A_194] {strides = array<i32>} : memref<7x64xi32, #tpu.memory_space<vmem>>, vector<1x16xi32>,
        %swap3A_196 = vector.shape_cast %swap3A_195 : vector<1x16xi32> to vector<16xi32>
        %swap3A_197 = vector.shape_cast %add3A_192 : vector<16xi32> to vector<1x16xi32>
        tpu.vector_store %arg5[%swap3A_193, %swap3A_194], %swap3A_197 {strides = array<i32>} : memref<7x64xi32, #tpu.memory_space<vmem>>, vector<1x16xi32>,
        %add3A_198 = arith.addi %add3A_8, %add3A_112 : i32
        %mul3A_199 = arith.constant 8 : i32
        %mul3A_200 = arith.muli %add3A_198, %mul3A_199 : i32
        %add3A_201 = arith.constant 2 : i32
        %add3A_202 = arith.addi %mul3A_200, %add3A_201 : i32
        %shift_right_arithmetic3A_203 = arith.constant 3 : i32
        %shift_right_arithmetic3A_204 = vector.broadcast %shift_right_arithmetic3A_203 : i32 to vector<16xi32>
        %shift_right_arithmetic3A_205 = arith.shrsi %iota3A, %shift_right_arithmetic3A_204 : vector<16xi32>
        %add3A_206 = vector.broadcast %add3A_202 : i32 to vector<16xi32>
        %add3A_207 = arith.addi %add3A_206, %shift_right_arithmetic3A_205 : vector<16xi32>
        %and3A_208 = arith.constant 7 : i32
        %and3A_209 = vector.broadcast %and3A_208 : i32 to vector<16xi32>
        %and3A_210 = arith.andi %iota3A, %and3A_209 : vector<16xi32>
        %mul3A_211 = arith.constant 545 : i32
        %mul3A_212 = vector.broadcast %mul3A_211 : i32 to vector<16xi32>
        %mul3A_213 = arith.muli %add3A_207, %mul3A_212 : vector<16xi32>
        %shift_right_arithmetic3A_214 = arith.constant 18 : i32
        %shift_right_arithmetic3A_215 = vector.broadcast %shift_right_arithmetic3A_214 : i32 to vector<16xi32>
        %shift_right_arithmetic3A_216 = arith.shrsi %mul3A_213, %shift_right_arithmetic3A_215 : vector<16xi32>
        %mul3A_217 = arith.constant 481 : i32
        %mul3A_218 = vector.broadcast %mul3A_217 : i32 to vector<16xi32>
        %mul3A_219 = arith.muli %shift_right_arithmetic3A_216, %mul3A_218 : vector<16xi32>
        %sub3A_220 = arith.subi %add3A_207, %mul3A_219 : vector<16xi32>
        %mul3A_221 = arith.constant 512 : i32
        %mul3A_222 = vector.broadcast %mul3A_221 : i32 to vector<16xi32>
        %mul3A_223 = arith.muli %shift_right_arithmetic3A_216, %mul3A_222 : vector<16xi32>
        %add3A_224 = arith.addi %mul3A_223, %sub3A_220 : vector<16xi32>
        %mul3A_225 = arith.constant 4 : i32
        %mul3A_226 = vector.broadcast %mul3A_225 : i32 to vector<16xi32>
        %mul3A_227 = arith.muli %mul3A_226, %and3A_210 : vector<16xi32>
        %add3A_228 = arith.addi %add3A_224, %mul3A_227 : vector<16xi32>
        %swap3A_229 = arith.constant 6 : i32
        %swap3A_230 = arith.index_cast %swap3A_229 : i32 to index
        %swap3A_231 = arith.constant 16 : index
        %swap3A_232 = tpu.vector_load %arg5[%swap3A_230, %swap3A_231] {strides = array<i32>} : memref<7x64xi32, #tpu.memory_space<vmem>>, vector<1x16xi32>,
        %swap3A_233 = vector.shape_cast %swap3A_232 : vector<1x16xi32> to vector<16xi32>
        %swap3A_234 = vector.shape_cast %add3A_228 : vector<16xi32> to vector<1x16xi32>
        tpu.vector_store %arg5[%swap3A_230, %swap3A_231], %swap3A_234 {strides = array<i32>} : memref<7x64xi32, #tpu.memory_space<vmem>>, vector<1x16xi32>,
        %add3A_235 = arith.addi %add3A_8, %add3A_112 : i32
        %mul3A_236 = arith.constant 8 : i32
        %mul3A_237 = arith.muli %add3A_235, %mul3A_236 : i32
        %add3A_238 = arith.constant 4 : i32
        %add3A_239 = arith.addi %mul3A_237, %add3A_238 : i32
        %shift_right_arithmetic3A_240 = arith.constant 3 : i32
        %shift_right_arithmetic3A_241 = vector.broadcast %shift_right_arithmetic3A_240 : i32 to vector<16xi32>
        %shift_right_arithmetic3A_242 = arith.shrsi %iota3A, %shift_right_arithmetic3A_241 : vector<16xi32>
        %add3A_243 = vector.broadcast %add3A_239 : i32 to vector<16xi32>
        %add3A_244 = arith.addi %add3A_243, %shift_right_arithmetic3A_242 : vector<16xi32>
        %and3A_245 = arith.constant 7 : i32
        %and3A_246 = vector.broadcast %and3A_245 : i32 to vector<16xi32>
        %and3A_247 = arith.andi %iota3A, %and3A_246 : vector<16xi32>
        %mul3A_248 = arith.constant 545 : i32
        %mul3A_249 = vector.broadcast %mul3A_248 : i32 to vector<16xi32>
        %mul3A_250 = arith.muli %add3A_244, %mul3A_249 : vector<16xi32>
        %shift_right_arithmetic3A_251 = arith.constant 18 : i32
        %shift_right_arithmetic3A_252 = vector.broadcast %shift_right_arithmetic3A_251 : i32 to vector<16xi32>
        %shift_right_arithmetic3A_253 = arith.shrsi %mul3A_250, %shift_right_arithmetic3A_252 : vector<16xi32>
        %mul3A_254 = arith.constant 481 : i32
        %mul3A_255 = vector.broadcast %mul3A_254 : i32 to vector<16xi32>
        %mul3A_256 = arith.muli %shift_right_arithmetic3A_253, %mul3A_255 : vector<16xi32>
        %sub3A_257 = arith.subi %add3A_244, %mul3A_256 : vector<16xi32>
        %mul3A_258 = arith.constant 512 : i32
        %mul3A_259 = vector.broadcast %mul3A_258 : i32 to vector<16xi32>
        %mul3A_260 = arith.muli %shift_right_arithmetic3A_253, %mul3A_259 : vector<16xi32>
        %add3A_261 = arith.addi %mul3A_260, %sub3A_257 : vector<16xi32>
        %mul3A_262 = arith.constant 4 : i32
        %mul3A_263 = vector.broadcast %mul3A_262 : i32 to vector<16xi32>
        %mul3A_264 = arith.muli %mul3A_263, %and3A_247 : vector<16xi32>
        %add3A_265 = arith.addi %add3A_261, %mul3A_264 : vector<16xi32>
        %swap3A_266 = arith.constant 6 : i32
        %swap3A_267 = arith.index_cast %swap3A_266 : i32 to index
        %swap3A_268 = arith.constant 32 : index
        %swap3A_269 = tpu.vector_load %arg5[%swap3A_267, %swap3A_268] {strides = array<i32>} : memref<7x64xi32, #tpu.memory_space<vmem>>, vector<1x16xi32>,
        %swap3A_270 = vector.shape_cast %swap3A_269 : vector<1x16xi32> to vector<16xi32>
        %swap3A_271 = vector.shape_cast %add3A_265 : vector<16xi32> to vector<1x16xi32>
        tpu.vector_store %arg5[%swap3A_267, %swap3A_268], %swap3A_271 {strides = array<i32>} : memref<7x64xi32, #tpu.memory_space<vmem>>, vector<1x16xi32>,
        %add3A_272 = arith.addi %add3A_8, %add3A_112 : i32
        %mul3A_273 = arith.constant 8 : i32
        %mul3A_274 = arith.muli %add3A_272, %mul3A_273 : i32
        %add3A_275 = arith.constant 6 : i32
        %add3A_276 = arith.addi %mul3A_274, %add3A_275 : i32
        %shift_right_arithmetic3A_277 = arith.constant 3 : i32
        %shift_right_arithmetic3A_278 = vector.broadcast %shift_right_arithmetic3A_277 : i32 to vector<16xi32>
        %shift_right_arithmetic3A_279 = arith.shrsi %iota3A, %shift_right_arithmetic3A_278 : vector<16xi32>
        %add3A_280 = vector.broadcast %add3A_276 : i32 to vector<16xi32>
        %add3A_281 = arith.addi %add3A_280, %shift_right_arithmetic3A_279 : vector<16xi32>
        %and3A_282 = arith.constant 7 : i32
        %and3A_283 = vector.broadcast %and3A_282 : i32 to vector<16xi32>
        %and3A_284 = arith.andi %iota3A, %and3A_283 : vector<16xi32>
        %mul3A_285 = arith.constant 545 : i32
        %mul3A_286 = vector.broadcast %mul3A_285 : i32 to vector<16xi32>
        %mul3A_287 = arith.muli %add3A_281, %mul3A_286 : vector<16xi32>
        %shift_right_arithmetic3A_288 = arith.constant 18 : i32
        %shift_right_arithmetic3A_289 = vector.broadcast %shift_right_arithmetic3A_288 : i32 to vector<16xi32>
        %shift_right_arithmetic3A_290 = arith.shrsi %mul3A_287, %shift_right_arithmetic3A_289 : vector<16xi32>
        %mul3A_291 = arith.constant 481 : i32
        %mul3A_292 = vector.broadcast %mul3A_291 : i32 to vector<16xi32>
        %mul3A_293 = arith.muli %shift_right_arithmetic3A_290, %mul3A_292 : vector<16xi32>
        %sub3A_294 = arith.subi %add3A_281, %mul3A_293 : vector<16xi32>
        %mul3A_295 = arith.constant 512 : i32
        %mul3A_296 = vector.broadcast %mul3A_295 : i32 to vector<16xi32>
        %mul3A_297 = arith.muli %shift_right_arithmetic3A_290, %mul3A_296 : vector<16xi32>
        %add3A_298 = arith.addi %mul3A_297, %sub3A_294 : vector<16xi32>
        %mul3A_299 = arith.constant 4 : i32
        %mul3A_300 = vector.broadcast %mul3A_299 : i32 to vector<16xi32>
        %mul3A_301 = arith.muli %mul3A_300, %and3A_284 : vector<16xi32>
        %add3A_302 = arith.addi %add3A_298, %mul3A_301 : vector<16xi32>
        %swap3A_303 = arith.constant 6 : i32
        %swap3A_304 = arith.index_cast %swap3A_303 : i32 to index
        %swap3A_305 = arith.constant 48 : index
        %swap3A_306 = tpu.vector_load %arg5[%swap3A_304, %swap3A_305] {strides = array<i32>} : memref<7x64xi32, #tpu.memory_space<vmem>>, vector<1x16xi32>,
        %swap3A_307 = vector.shape_cast %swap3A_306 : vector<1x16xi32> to vector<16xi32>
        %swap3A_308 = vector.shape_cast %add3A_302 : vector<16xi32> to vector<1x16xi32>
        tpu.vector_store %arg5[%swap3A_304, %swap3A_305], %swap3A_308 {strides = array<i32>} : memref<7x64xi32, #tpu.memory_space<vmem>>, vector<1x16xi32>,
        %dma_start3A = arith.constant 6 : i32
        %dma_start3A_309 = arith.constant 6 : i32
        %dma_start3A_310 = arith.constant 6 : i32
        %dma_start3A_311 = arith.constant 0 : i32
        %dma_start3A_312 = arith.constant 0 : i32
        %dma_start3A_313 = tpu.memref_slice %arg4[%dma_start3A_309, %dma_start3A_311, %dma_start3A_312] : memref<7x64x256xf32, #tpu.memory_space<vmem>> -> memref<1x64x256xf32, #tpu.memory_space<vmem>>
        %dma_start3A_314 = tpu.memref_squeeze %dma_start3A_313 : memref<1x64x256xf32, #tpu.memory_space<vmem>> -> memref<64x256xf32, #tpu.memory_space<vmem>>
        %dma_start3A_315 = arith.constant 0 : i32
        %dma_start3A_316 = tpu.memref_slice %arg5[%dma_start3A, %dma_start3A_315] : memref<7x64xi32, #tpu.memory_space<vmem>> -> memref<1x64xi32, #tpu.memory_space<vmem>>
        %dma_start3A_317 = tpu.memref_squeeze %dma_start3A_316 : memref<1x64xi32, #tpu.memory_space<vmem>> -> memref<64xi32, #tpu.memory_space<vmem>>
        %dma_start3A_318 = arith.constant 0 : i32
        %dma_start3A_319 = arith.constant 0 : i32
        %dma_start3A_320 = tpu.memref_slice %arg2[%dma_start3A_318, %dma_start3A_319] : memref<4096x256xf32, #tpu.memory_space<hbm>> -> memref<4096x256xf32, #tpu.memory_space<hbm>>
        %dma_start3A_321 = tpu.memref_slice %arg6[%dma_start3A_310] : memref<7x!tpu.dma_semaphore, #tpu.memory_space<semaphore_mem>> -> memref<1x!tpu.dma_semaphore, #tpu.memory_space<semaphore_mem>>
        %dma_start3A_322 = tpu.memref_squeeze %dma_start3A_321 : memref<1x!tpu.dma_semaphore, #tpu.memory_space<semaphore_mem>> -> memref<!tpu.dma_semaphore, #tpu.memory_space<semaphore_mem>>
        tpu.enqueue_indirect_dma source(%dma_start3A_320 : memref<4096x256xf32, #tpu.memory_space<hbm>>) target(%dma_start3A_314 : memref<64x256xf32, #tpu.memory_space<vmem>>) offsets(%dma_start3A_317 : memref<64xi32, #tpu.memory_space<vmem>>) semaphore(%dma_start3A_322 : memref<!tpu.dma_semaphore, #tpu.memory_space<semaphore_mem>>)
      } else {
      }
      %add3A_117 = arith.constant 0 : i32
      %add3A_118 = arith.addi %mul3A_74, %add3A_117 : i32
      %lt3A_119 = arith.cmpi slt, %add3A_118, %add3A_4 : i32
      %convert_element_type3A_120 = arith.extui %lt3A_119 : i1 to i32
      %cond3A_121 = arith.constant 0 : i32
      %cond3A_122 = arith.cmpi ne, %convert_element_type3A_120, %cond3A_121 : i32
      scf.if %cond3A_122 {
        %add3A_159 = arith.addi %add3A_8, %add3A_118 : i32
        %dma_wait3A = arith.constant 0 : i32
        %dma_wait3A_160 = arith.constant 0 : i32
        %dma_wait3A_161 = arith.constant 0 : i32
        %dma_wait3A_162 = arith.constant 0 : i32
        %dma_wait3A_163 = arith.constant 0 : i32
        %dma_wait3A_164 = tpu.memref_slice %arg4[%dma_wait3A_160, %dma_wait3A_162, %dma_wait3A_163] : memref<7x64x256xf32, #tpu.memory_space<vmem>> -> memref<1x64x256xf32, #tpu.memory_space<vmem>>
        %dma_wait3A_165 = tpu.memref_squeeze %dma_wait3A_164 : memref<1x64x256xf32, #tpu.memory_space<vmem>> -> memref<64x256xf32, #tpu.memory_space<vmem>>
        %dma_wait3A_166 = arith.constant 0 : i32
        %dma_wait3A_167 = tpu.memref_slice %arg5[%dma_wait3A, %dma_wait3A_166] : memref<7x64xi32, #tpu.memory_space<vmem>> -> memref<1x64xi32, #tpu.memory_space<vmem>>
        %dma_wait3A_168 = tpu.memref_squeeze %dma_wait3A_167 : memref<1x64xi32, #tpu.memory_space<vmem>> -> memref<64xi32, #tpu.memory_space<vmem>>
        %dma_wait3A_169 = arith.constant 0 : i32
        %dma_wait3A_170 = arith.constant 0 : i32
        %dma_wait3A_171 = tpu.memref_slice %arg2[%dma_wait3A_169, %dma_wait3A_170] : memref<4096x256xf32, #tpu.memory_space<hbm>> -> memref<4096x256xf32, #tpu.memory_space<hbm>>
        %dma_wait3A_172 = tpu.memref_slice %arg6[%dma_wait3A_161] : memref<7x!tpu.dma_semaphore, #tpu.memory_space<semaphore_mem>> -> memref<1x!tpu.dma_semaphore, #tpu.memory_space<semaphore_mem>>
        %dma_wait3A_173 = tpu.memref_squeeze %dma_wait3A_172 : memref<1x!tpu.dma_semaphore, #tpu.memory_space<semaphore_mem>> -> memref<!tpu.dma_semaphore, #tpu.memory_space<semaphore_mem>>
        tpu.wait_indirect_dma semaphore(%dma_wait3A_173 : memref<!tpu.dma_semaphore, #tpu.memory_space<semaphore_mem>>) src(%dma_wait3A_171 : memref<4096x256xf32, #tpu.memory_space<hbm>>) dst(%dma_wait3A_165 : memref<64x256xf32, #tpu.memory_space<vmem>>)
        %mul3A_174 = arith.constant 64 : i32
        %mul3A_175 = arith.muli %add3A_159, %mul3A_174 : i32
        %dma_start3A = arith.constant 0 : i32
        %dma_start3A_176 = arith.constant 0 : i32
        %dma_start3A_177 = arith.constant 0 : i32
        %dma_start3A_178 = arith.constant 0 : i32
        %dma_start3A_179 = tpu.memref_slice %arg4[%dma_start3A, %dma_start3A_177, %dma_start3A_178] : memref<7x64x256xf32, #tpu.memory_space<vmem>> -> memref<1x64x256xf32, #tpu.memory_space<vmem>>
        %dma_start3A_180 = tpu.memref_squeeze %dma_start3A_179 : memref<1x64x256xf32, #tpu.memory_space<vmem>> -> memref<64x256xf32, #tpu.memory_space<vmem>>
        %dma_start3A_181 = arith.constant 0 : i32
        %dma_start3A_182 = tpu.memref_slice %arg3[%mul3A_175, %dma_start3A_181] : memref<30784x256xf32, #tpu.memory_space<hbm>> -> memref<64x256xf32, #tpu.memory_space<hbm>>
        %dma_start3A_183 = tpu.memref_slice %arg7[%dma_start3A_176] : memref<7x!tpu.dma_semaphore, #tpu.memory_space<semaphore_mem>> -> memref<1x!tpu.dma_semaphore, #tpu.memory_space<semaphore_mem>>
        %dma_start3A_184 = tpu.memref_squeeze %dma_start3A_183 : memref<1x!tpu.dma_semaphore, #tpu.memory_space<semaphore_mem>> -> memref<!tpu.dma_semaphore, #tpu.memory_space<semaphore_mem>>
        %dma_start3A_185 = arith.constant 0 : i32
        %dma_start3A_186 = tpu.memref_slice %arg3[%mul3A_175, %dma_start3A_185] : memref<30784x256xf32, #tpu.memory_space<hbm>> -> memref<64x256xf32, #tpu.memory_space<hbm>>
        %dma_start3A_187 = arith.constant 0 : i32
        %dma_start3A_188 = arith.constant 0 : i32
        %dma_start3A_189 = tpu.memref_slice %arg4[%dma_start3A, %dma_start3A_187, %dma_start3A_188] : memref<7x64x256xf32, #tpu.memory_space<vmem>> -> memref<1x64x256xf32, #tpu.memory_space<vmem>>
        %dma_start3A_190 = tpu.memref_squeeze %dma_start3A_189 : memref<1x64x256xf32, #tpu.memory_space<vmem>> -> memref<64x256xf32, #tpu.memory_space<vmem>>
        tpu.enqueue_dma source(%dma_start3A_190 : memref<64x256xf32, #tpu.memory_space<vmem>>) target(%dma_start3A_186 : memref<64x256xf32, #tpu.memory_space<hbm>>) target_semaphore(%dma_start3A_184 : memref<!tpu.dma_semaphore, #tpu.memory_space<semaphore_mem>>)
      } else {
      }
      %add3A_123 = arith.constant 1 : i32
      %add3A_124 = arith.addi %mul3A_74, %add3A_123 : i32
      %lt3A_125 = arith.cmpi slt, %add3A_124, %add3A_4 : i32
      %convert_element_type3A_126 = arith.extui %lt3A_125 : i1 to i32
      %cond3A_127 = arith.constant 0 : i32
      %cond3A_128 = arith.cmpi ne, %convert_element_type3A_126, %cond3A_127 : i32
      scf.if %cond3A_128 {
        %add3A_159 = arith.addi %add3A_8, %add3A_124 : i32
        %dma_wait3A = arith.constant 1 : i32
        %dma_wait3A_160 = arith.constant 1 : i32
        %dma_wait3A_161 = arith.constant 1 : i32
        %dma_wait3A_162 = arith.constant 0 : i32
        %dma_wait3A_163 = arith.constant 0 : i32
        %dma_wait3A_164 = tpu.memref_slice %arg4[%dma_wait3A_160, %dma_wait3A_162, %dma_wait3A_163] : memref<7x64x256xf32, #tpu.memory_space<vmem>> -> memref<1x64x256xf32, #tpu.memory_space<vmem>>
        %dma_wait3A_165 = tpu.memref_squeeze %dma_wait3A_164 : memref<1x64x256xf32, #tpu.memory_space<vmem>> -> memref<64x256xf32, #tpu.memory_space<vmem>>
        %dma_wait3A_166 = arith.constant 0 : i32
        %dma_wait3A_167 = tpu.memref_slice %arg5[%dma_wait3A, %dma_wait3A_166] : memref<7x64xi32, #tpu.memory_space<vmem>> -> memref<1x64xi32, #tpu.memory_space<vmem>>
        %dma_wait3A_168 = tpu.memref_squeeze %dma_wait3A_167 : memref<1x64xi32, #tpu.memory_space<vmem>> -> memref<64xi32, #tpu.memory_space<vmem>>
        %dma_wait3A_169 = arith.constant 0 : i32
        %dma_wait3A_170 = arith.constant 0 : i32
        %dma_wait3A_171 = tpu.memref_slice %arg2[%dma_wait3A_169, %dma_wait3A_170] : memref<4096x256xf32, #tpu.memory_space<hbm>> -> memref<4096x256xf32, #tpu.memory_space<hbm>>
        %dma_wait3A_172 = tpu.memref_slice %arg6[%dma_wait3A_161] : memref<7x!tpu.dma_semaphore, #tpu.memory_space<semaphore_mem>> -> memref<1x!tpu.dma_semaphore, #tpu.memory_space<semaphore_mem>>
        %dma_wait3A_173 = tpu.memref_squeeze %dma_wait3A_172 : memref<1x!tpu.dma_semaphore, #tpu.memory_space<semaphore_mem>> -> memref<!tpu.dma_semaphore, #tpu.memory_space<semaphore_mem>>
        tpu.wait_indirect_dma semaphore(%dma_wait3A_173 : memref<!tpu.dma_semaphore, #tpu.memory_space<semaphore_mem>>) src(%dma_wait3A_171 : memref<4096x256xf32, #tpu.memory_space<hbm>>) dst(%dma_wait3A_165 : memref<64x256xf32, #tpu.memory_space<vmem>>)
        %mul3A_174 = arith.constant 64 : i32
        %mul3A_175 = arith.muli %add3A_159, %mul3A_174 : i32
        %dma_start3A = arith.constant 1 : i32
        %dma_start3A_176 = arith.constant 1 : i32
        %dma_start3A_177 = arith.constant 0 : i32
        %dma_start3A_178 = arith.constant 0 : i32
        %dma_start3A_179 = tpu.memref_slice %arg4[%dma_start3A, %dma_start3A_177, %dma_start3A_178] : memref<7x64x256xf32, #tpu.memory_space<vmem>> -> memref<1x64x256xf32, #tpu.memory_space<vmem>>
        %dma_start3A_180 = tpu.memref_squeeze %dma_start3A_179 : memref<1x64x256xf32, #tpu.memory_space<vmem>> -> memref<64x256xf32, #tpu.memory_space<vmem>>
        %dma_start3A_181 = arith.constant 0 : i32
        %dma_start3A_182 = tpu.memref_slice %arg3[%mul3A_175, %dma_start3A_181] : memref<30784x256xf32, #tpu.memory_space<hbm>> -> memref<64x256xf32, #tpu.memory_space<hbm>>
        %dma_start3A_183 = tpu.memref_slice %arg7[%dma_start3A_176] : memref<7x!tpu.dma_semaphore, #tpu.memory_space<semaphore_mem>> -> memref<1x!tpu.dma_semaphore, #tpu.memory_space<semaphore_mem>>
        %dma_start3A_184 = tpu.memref_squeeze %dma_start3A_183 : memref<1x!tpu.dma_semaphore, #tpu.memory_space<semaphore_mem>> -> memref<!tpu.dma_semaphore, #tpu.memory_space<semaphore_mem>>
        %dma_start3A_185 = arith.constant 0 : i32
        %dma_start3A_186 = tpu.memref_slice %arg3[%mul3A_175, %dma_start3A_185] : memref<30784x256xf32, #tpu.memory_space<hbm>> -> memref<64x256xf32, #tpu.memory_space<hbm>>
        %dma_start3A_187 = arith.constant 0 : i32
        %dma_start3A_188 = arith.constant 0 : i32
        %dma_start3A_189 = tpu.memref_slice %arg4[%dma_start3A, %dma_start3A_187, %dma_start3A_188] : memref<7x64x256xf32, #tpu.memory_space<vmem>> -> memref<1x64x256xf32, #tpu.memory_space<vmem>>
        %dma_start3A_190 = tpu.memref_squeeze %dma_start3A_189 : memref<1x64x256xf32, #tpu.memory_space<vmem>> -> memref<64x256xf32, #tpu.memory_space<vmem>>
        tpu.enqueue_dma source(%dma_start3A_190 : memref<64x256xf32, #tpu.memory_space<vmem>>) target(%dma_start3A_186 : memref<64x256xf32, #tpu.memory_space<hbm>>) target_semaphore(%dma_start3A_184 : memref<!tpu.dma_semaphore, #tpu.memory_space<semaphore_mem>>)
      } else {
      }
      %add3A_129 = arith.constant 2 : i32
      %add3A_130 = arith.addi %mul3A_74, %add3A_129 : i32
      %lt3A_131 = arith.cmpi slt, %add3A_130, %add3A_4 : i32
      %convert_element_type3A_132 = arith.extui %lt3A_131 : i1 to i32
      %cond3A_133 = arith.constant 0 : i32
      %cond3A_134 = arith.cmpi ne, %convert_element_type3A_132, %cond3A_133 : i32
      scf.if %cond3A_134 {
        %add3A_159 = arith.addi %add3A_8, %add3A_130 : i32
        %dma_wait3A = arith.constant 2 : i32
        %dma_wait3A_160 = arith.constant 2 : i32
        %dma_wait3A_161 = arith.constant 2 : i32
        %dma_wait3A_162 = arith.constant 0 : i32
        %dma_wait3A_163 = arith.constant 0 : i32
        %dma_wait3A_164 = tpu.memref_slice %arg4[%dma_wait3A_160, %dma_wait3A_162, %dma_wait3A_163] : memref<7x64x256xf32, #tpu.memory_space<vmem>> -> memref<1x64x256xf32, #tpu.memory_space<vmem>>
        %dma_wait3A_165 = tpu.memref_squeeze %dma_wait3A_164 : memref<1x64x256xf32, #tpu.memory_space<vmem>> -> memref<64x256xf32, #tpu.memory_space<vmem>>
        %dma_wait3A_166 = arith.constant 0 : i32
        %dma_wait3A_167 = tpu.memref_slice %arg5[%dma_wait3A, %dma_wait3A_166] : memref<7x64xi32, #tpu.memory_space<vmem>> -> memref<1x64xi32, #tpu.memory_space<vmem>>
        %dma_wait3A_168 = tpu.memref_squeeze %dma_wait3A_167 : memref<1x64xi32, #tpu.memory_space<vmem>> -> memref<64xi32, #tpu.memory_space<vmem>>
        %dma_wait3A_169 = arith.constant 0 : i32
        %dma_wait3A_170 = arith.constant 0 : i32
        %dma_wait3A_171 = tpu.memref_slice %arg2[%dma_wait3A_169, %dma_wait3A_170] : memref<4096x256xf32, #tpu.memory_space<hbm>> -> memref<4096x256xf32, #tpu.memory_space<hbm>>
        %dma_wait3A_172 = tpu.memref_slice %arg6[%dma_wait3A_161] : memref<7x!tpu.dma_semaphore, #tpu.memory_space<semaphore_mem>> -> memref<1x!tpu.dma_semaphore, #tpu.memory_space<semaphore_mem>>
        %dma_wait3A_173 = tpu.memref_squeeze %dma_wait3A_172 : memref<1x!tpu.dma_semaphore, #tpu.memory_space<semaphore_mem>> -> memref<!tpu.dma_semaphore, #tpu.memory_space<semaphore_mem>>
        tpu.wait_indirect_dma semaphore(%dma_wait3A_173 : memref<!tpu.dma_semaphore, #tpu.memory_space<semaphore_mem>>) src(%dma_wait3A_171 : memref<4096x256xf32, #tpu.memory_space<hbm>>) dst(%dma_wait3A_165 : memref<64x256xf32, #tpu.memory_space<vmem>>)
        %mul3A_174 = arith.constant 64 : i32
        %mul3A_175 = arith.muli %add3A_159, %mul3A_174 : i32
        %dma_start3A = arith.constant 2 : i32
        %dma_start3A_176 = arith.constant 2 : i32
        %dma_start3A_177 = arith.constant 0 : i32
        %dma_start3A_178 = arith.constant 0 : i32
        %dma_start3A_179 = tpu.memref_slice %arg4[%dma_start3A, %dma_start3A_177, %dma_start3A_178] : memref<7x64x256xf32, #tpu.memory_space<vmem>> -> memref<1x64x256xf32, #tpu.memory_space<vmem>>
        %dma_start3A_180 = tpu.memref_squeeze %dma_start3A_179 : memref<1x64x256xf32, #tpu.memory_space<vmem>> -> memref<64x256xf32, #tpu.memory_space<vmem>>
        %dma_start3A_181 = arith.constant 0 : i32
        %dma_start3A_182 = tpu.memref_slice %arg3[%mul3A_175, %dma_start3A_181] : memref<30784x256xf32, #tpu.memory_space<hbm>> -> memref<64x256xf32, #tpu.memory_space<hbm>>
        %dma_start3A_183 = tpu.memref_slice %arg7[%dma_start3A_176] : memref<7x!tpu.dma_semaphore, #tpu.memory_space<semaphore_mem>> -> memref<1x!tpu.dma_semaphore, #tpu.memory_space<semaphore_mem>>
        %dma_start3A_184 = tpu.memref_squeeze %dma_start3A_183 : memref<1x!tpu.dma_semaphore, #tpu.memory_space<semaphore_mem>> -> memref<!tpu.dma_semaphore, #tpu.memory_space<semaphore_mem>>
        %dma_start3A_185 = arith.constant 0 : i32
        %dma_start3A_186 = tpu.memref_slice %arg3[%mul3A_175, %dma_start3A_185] : memref<30784x256xf32, #tpu.memory_space<hbm>> -> memref<64x256xf32, #tpu.memory_space<hbm>>
        %dma_start3A_187 = arith.constant 0 : i32
        %dma_start3A_188 = arith.constant 0 : i32
        %dma_start3A_189 = tpu.memref_slice %arg4[%dma_start3A, %dma_start3A_187, %dma_start3A_188] : memref<7x64x256xf32, #tpu.memory_space<vmem>> -> memref<1x64x256xf32, #tpu.memory_space<vmem>>
        %dma_start3A_190 = tpu.memref_squeeze %dma_start3A_189 : memref<1x64x256xf32, #tpu.memory_space<vmem>> -> memref<64x256xf32, #tpu.memory_space<vmem>>
        tpu.enqueue_dma source(%dma_start3A_190 : memref<64x256xf32, #tpu.memory_space<vmem>>) target(%dma_start3A_186 : memref<64x256xf32, #tpu.memory_space<hbm>>) target_semaphore(%dma_start3A_184 : memref<!tpu.dma_semaphore, #tpu.memory_space<semaphore_mem>>)
      } else {
      }
      %add3A_135 = arith.constant 3 : i32
      %add3A_136 = arith.addi %mul3A_74, %add3A_135 : i32
      %lt3A_137 = arith.cmpi slt, %add3A_136, %add3A_4 : i32
      %convert_element_type3A_138 = arith.extui %lt3A_137 : i1 to i32
      %cond3A_139 = arith.constant 0 : i32
      %cond3A_140 = arith.cmpi ne, %convert_element_type3A_138, %cond3A_139 : i32
      scf.if %cond3A_140 {
        %add3A_159 = arith.addi %add3A_8, %add3A_136 : i32
        %dma_wait3A = arith.constant 3 : i32
        %dma_wait3A_160 = arith.constant 3 : i32
        %dma_wait3A_161 = arith.constant 3 : i32
        %dma_wait3A_162 = arith.constant 0 : i32
        %dma_wait3A_163 = arith.constant 0 : i32
        %dma_wait3A_164 = tpu.memref_slice %arg4[%dma_wait3A_160, %dma_wait3A_162, %dma_wait3A_163] : memref<7x64x256xf32, #tpu.memory_space<vmem>> -> memref<1x64x256xf32, #tpu.memory_space<vmem>>
        %dma_wait3A_165 = tpu.memref_squeeze %dma_wait3A_164 : memref<1x64x256xf32, #tpu.memory_space<vmem>> -> memref<64x256xf32, #tpu.memory_space<vmem>>
        %dma_wait3A_166 = arith.constant 0 : i32
        %dma_wait3A_167 = tpu.memref_slice %arg5[%dma_wait3A, %dma_wait3A_166] : memref<7x64xi32, #tpu.memory_space<vmem>> -> memref<1x64xi32, #tpu.memory_space<vmem>>
        %dma_wait3A_168 = tpu.memref_squeeze %dma_wait3A_167 : memref<1x64xi32, #tpu.memory_space<vmem>> -> memref<64xi32, #tpu.memory_space<vmem>>
        %dma_wait3A_169 = arith.constant 0 : i32
        %dma_wait3A_170 = arith.constant 0 : i32
        %dma_wait3A_171 = tpu.memref_slice %arg2[%dma_wait3A_169, %dma_wait3A_170] : memref<4096x256xf32, #tpu.memory_space<hbm>> -> memref<4096x256xf32, #tpu.memory_space<hbm>>
        %dma_wait3A_172 = tpu.memref_slice %arg6[%dma_wait3A_161] : memref<7x!tpu.dma_semaphore, #tpu.memory_space<semaphore_mem>> -> memref<1x!tpu.dma_semaphore, #tpu.memory_space<semaphore_mem>>
        %dma_wait3A_173 = tpu.memref_squeeze %dma_wait3A_172 : memref<1x!tpu.dma_semaphore, #tpu.memory_space<semaphore_mem>> -> memref<!tpu.dma_semaphore, #tpu.memory_space<semaphore_mem>>
        tpu.wait_indirect_dma semaphore(%dma_wait3A_173 : memref<!tpu.dma_semaphore, #tpu.memory_space<semaphore_mem>>) src(%dma_wait3A_171 : memref<4096x256xf32, #tpu.memory_space<hbm>>) dst(%dma_wait3A_165 : memref<64x256xf32, #tpu.memory_space<vmem>>)
        %mul3A_174 = arith.constant 64 : i32
        %mul3A_175 = arith.muli %add3A_159, %mul3A_174 : i32
        %dma_start3A = arith.constant 3 : i32
        %dma_start3A_176 = arith.constant 3 : i32
        %dma_start3A_177 = arith.constant 0 : i32
        %dma_start3A_178 = arith.constant 0 : i32
        %dma_start3A_179 = tpu.memref_slice %arg4[%dma_start3A, %dma_start3A_177, %dma_start3A_178] : memref<7x64x256xf32, #tpu.memory_space<vmem>> -> memref<1x64x256xf32, #tpu.memory_space<vmem>>
        %dma_start3A_180 = tpu.memref_squeeze %dma_start3A_179 : memref<1x64x256xf32, #tpu.memory_space<vmem>> -> memref<64x256xf32, #tpu.memory_space<vmem>>
        %dma_start3A_181 = arith.constant 0 : i32
        %dma_start3A_182 = tpu.memref_slice %arg3[%mul3A_175, %dma_start3A_181] : memref<30784x256xf32, #tpu.memory_space<hbm>> -> memref<64x256xf32, #tpu.memory_space<hbm>>
        %dma_start3A_183 = tpu.memref_slice %arg7[%dma_start3A_176] : memref<7x!tpu.dma_semaphore, #tpu.memory_space<semaphore_mem>> -> memref<1x!tpu.dma_semaphore, #tpu.memory_space<semaphore_mem>>
        %dma_start3A_184 = tpu.memref_squeeze %dma_start3A_183 : memref<1x!tpu.dma_semaphore, #tpu.memory_space<semaphore_mem>> -> memref<!tpu.dma_semaphore, #tpu.memory_space<semaphore_mem>>
        %dma_start3A_185 = arith.constant 0 : i32
        %dma_start3A_186 = tpu.memref_slice %arg3[%mul3A_175, %dma_start3A_185] : memref<30784x256xf32, #tpu.memory_space<hbm>> -> memref<64x256xf32, #tpu.memory_space<hbm>>
        %dma_start3A_187 = arith.constant 0 : i32
        %dma_start3A_188 = arith.constant 0 : i32
        %dma_start3A_189 = tpu.memref_slice %arg4[%dma_start3A, %dma_start3A_187, %dma_start3A_188] : memref<7x64x256xf32, #tpu.memory_space<vmem>> -> memref<1x64x256xf32, #tpu.memory_space<vmem>>
        %dma_start3A_190 = tpu.memref_squeeze %dma_start3A_189 : memref<1x64x256xf32, #tpu.memory_space<vmem>> -> memref<64x256xf32, #tpu.memory_space<vmem>>
        tpu.enqueue_dma source(%dma_start3A_190 : memref<64x256xf32, #tpu.memory_space<vmem>>) target(%dma_start3A_186 : memref<64x256xf32, #tpu.memory_space<hbm>>) target_semaphore(%dma_start3A_184 : memref<!tpu.dma_semaphore, #tpu.memory_space<semaphore_mem>>)
      } else {
      }
      %add3A_141 = arith.constant 4 : i32
      %add3A_142 = arith.addi %mul3A_74, %add3A_141 : i32
      %lt3A_143 = arith.cmpi slt, %add3A_142, %add3A_4 : i32
      %convert_element_type3A_144 = arith.extui %lt3A_143 : i1 to i32
      %cond3A_145 = arith.constant 0 : i32
      %cond3A_146 = arith.cmpi ne, %convert_element_type3A_144, %cond3A_145 : i32
      scf.if %cond3A_146 {
        %add3A_159 = arith.addi %add3A_8, %add3A_142 : i32
        %dma_wait3A = arith.constant 4 : i32
        %dma_wait3A_160 = arith.constant 4 : i32
        %dma_wait3A_161 = arith.constant 4 : i32
        %dma_wait3A_162 = arith.constant 0 : i32
        %dma_wait3A_163 = arith.constant 0 : i32
        %dma_wait3A_164 = tpu.memref_slice %arg4[%dma_wait3A_160, %dma_wait3A_162, %dma_wait3A_163] : memref<7x64x256xf32, #tpu.memory_space<vmem>> -> memref<1x64x256xf32, #tpu.memory_space<vmem>>
        %dma_wait3A_165 = tpu.memref_squeeze %dma_wait3A_164 : memref<1x64x256xf32, #tpu.memory_space<vmem>> -> memref<64x256xf32, #tpu.memory_space<vmem>>
        %dma_wait3A_166 = arith.constant 0 : i32
        %dma_wait3A_167 = tpu.memref_slice %arg5[%dma_wait3A, %dma_wait3A_166] : memref<7x64xi32, #tpu.memory_space<vmem>> -> memref<1x64xi32, #tpu.memory_space<vmem>>
        %dma_wait3A_168 = tpu.memref_squeeze %dma_wait3A_167 : memref<1x64xi32, #tpu.memory_space<vmem>> -> memref<64xi32, #tpu.memory_space<vmem>>
        %dma_wait3A_169 = arith.constant 0 : i32
        %dma_wait3A_170 = arith.constant 0 : i32
        %dma_wait3A_171 = tpu.memref_slice %arg2[%dma_wait3A_169, %dma_wait3A_170] : memref<4096x256xf32, #tpu.memory_space<hbm>> -> memref<4096x256xf32, #tpu.memory_space<hbm>>
        %dma_wait3A_172 = tpu.memref_slice %arg6[%dma_wait3A_161] : memref<7x!tpu.dma_semaphore, #tpu.memory_space<semaphore_mem>> -> memref<1x!tpu.dma_semaphore, #tpu.memory_space<semaphore_mem>>
        %dma_wait3A_173 = tpu.memref_squeeze %dma_wait3A_172 : memref<1x!tpu.dma_semaphore, #tpu.memory_space<semaphore_mem>> -> memref<!tpu.dma_semaphore, #tpu.memory_space<semaphore_mem>>
        tpu.wait_indirect_dma semaphore(%dma_wait3A_173 : memref<!tpu.dma_semaphore, #tpu.memory_space<semaphore_mem>>) src(%dma_wait3A_171 : memref<4096x256xf32, #tpu.memory_space<hbm>>) dst(%dma_wait3A_165 : memref<64x256xf32, #tpu.memory_space<vmem>>)
        %mul3A_174 = arith.constant 64 : i32
        %mul3A_175 = arith.muli %add3A_159, %mul3A_174 : i32
        %dma_start3A = arith.constant 4 : i32
        %dma_start3A_176 = arith.constant 4 : i32
        %dma_start3A_177 = arith.constant 0 : i32
        %dma_start3A_178 = arith.constant 0 : i32
        %dma_start3A_179 = tpu.memref_slice %arg4[%dma_start3A, %dma_start3A_177, %dma_start3A_178] : memref<7x64x256xf32, #tpu.memory_space<vmem>> -> memref<1x64x256xf32, #tpu.memory_space<vmem>>
        %dma_start3A_180 = tpu.memref_squeeze %dma_start3A_179 : memref<1x64x256xf32, #tpu.memory_space<vmem>> -> memref<64x256xf32, #tpu.memory_space<vmem>>
        %dma_start3A_181 = arith.constant 0 : i32
        %dma_start3A_182 = tpu.memref_slice %arg3[%mul3A_175, %dma_start3A_181] : memref<30784x256xf32, #tpu.memory_space<hbm>> -> memref<64x256xf32, #tpu.memory_space<hbm>>
        %dma_start3A_183 = tpu.memref_slice %arg7[%dma_start3A_176] : memref<7x!tpu.dma_semaphore, #tpu.memory_space<semaphore_mem>> -> memref<1x!tpu.dma_semaphore, #tpu.memory_space<semaphore_mem>>
        %dma_start3A_184 = tpu.memref_squeeze %dma_start3A_183 : memref<1x!tpu.dma_semaphore, #tpu.memory_space<semaphore_mem>> -> memref<!tpu.dma_semaphore, #tpu.memory_space<semaphore_mem>>
        %dma_start3A_185 = arith.constant 0 : i32
        %dma_start3A_186 = tpu.memref_slice %arg3[%mul3A_175, %dma_start3A_185] : memref<30784x256xf32, #tpu.memory_space<hbm>> -> memref<64x256xf32, #tpu.memory_space<hbm>>
        %dma_start3A_187 = arith.constant 0 : i32
        %dma_start3A_188 = arith.constant 0 : i32
        %dma_start3A_189 = tpu.memref_slice %arg4[%dma_start3A, %dma_start3A_187, %dma_start3A_188] : memref<7x64x256xf32, #tpu.memory_space<vmem>> -> memref<1x64x256xf32, #tpu.memory_space<vmem>>
        %dma_start3A_190 = tpu.memref_squeeze %dma_start3A_189 : memref<1x64x256xf32, #tpu.memory_space<vmem>> -> memref<64x256xf32, #tpu.memory_space<vmem>>
        tpu.enqueue_dma source(%dma_start3A_190 : memref<64x256xf32, #tpu.memory_space<vmem>>) target(%dma_start3A_186 : memref<64x256xf32, #tpu.memory_space<hbm>>) target_semaphore(%dma_start3A_184 : memref<!tpu.dma_semaphore, #tpu.memory_space<semaphore_mem>>)
      } else {
      }
      %add3A_147 = arith.constant 5 : i32
      %add3A_148 = arith.addi %mul3A_74, %add3A_147 : i32
      %lt3A_149 = arith.cmpi slt, %add3A_148, %add3A_4 : i32
      %convert_element_type3A_150 = arith.extui %lt3A_149 : i1 to i32
      %cond3A_151 = arith.constant 0 : i32
      %cond3A_152 = arith.cmpi ne, %convert_element_type3A_150, %cond3A_151 : i32
      scf.if %cond3A_152 {
        %add3A_159 = arith.addi %add3A_8, %add3A_148 : i32
        %dma_wait3A = arith.constant 5 : i32
        %dma_wait3A_160 = arith.constant 5 : i32
        %dma_wait3A_161 = arith.constant 5 : i32
        %dma_wait3A_162 = arith.constant 0 : i32
        %dma_wait3A_163 = arith.constant 0 : i32
        %dma_wait3A_164 = tpu.memref_slice %arg4[%dma_wait3A_160, %dma_wait3A_162, %dma_wait3A_163] : memref<7x64x256xf32, #tpu.memory_space<vmem>> -> memref<1x64x256xf32, #tpu.memory_space<vmem>>
        %dma_wait3A_165 = tpu.memref_squeeze %dma_wait3A_164 : memref<1x64x256xf32, #tpu.memory_space<vmem>> -> memref<64x256xf32, #tpu.memory_space<vmem>>
        %dma_wait3A_166 = arith.constant 0 : i32
        %dma_wait3A_167 = tpu.memref_slice %arg5[%dma_wait3A, %dma_wait3A_166] : memref<7x64xi32, #tpu.memory_space<vmem>> -> memref<1x64xi32, #tpu.memory_space<vmem>>
        %dma_wait3A_168 = tpu.memref_squeeze %dma_wait3A_167 : memref<1x64xi32, #tpu.memory_space<vmem>> -> memref<64xi32, #tpu.memory_space<vmem>>
        %dma_wait3A_169 = arith.constant 0 : i32
        %dma_wait3A_170 = arith.constant 0 : i32
        %dma_wait3A_171 = tpu.memref_slice %arg2[%dma_wait3A_169, %dma_wait3A_170] : memref<4096x256xf32, #tpu.memory_space<hbm>> -> memref<4096x256xf32, #tpu.memory_space<hbm>>
        %dma_wait3A_172 = tpu.memref_slice %arg6[%dma_wait3A_161] : memref<7x!tpu.dma_semaphore, #tpu.memory_space<semaphore_mem>> -> memref<1x!tpu.dma_semaphore, #tpu.memory_space<semaphore_mem>>
        %dma_wait3A_173 = tpu.memref_squeeze %dma_wait3A_172 : memref<1x!tpu.dma_semaphore, #tpu.memory_space<semaphore_mem>> -> memref<!tpu.dma_semaphore, #tpu.memory_space<semaphore_mem>>
        tpu.wait_indirect_dma semaphore(%dma_wait3A_173 : memref<!tpu.dma_semaphore, #tpu.memory_space<semaphore_mem>>) src(%dma_wait3A_171 : memref<4096x256xf32, #tpu.memory_space<hbm>>) dst(%dma_wait3A_165 : memref<64x256xf32, #tpu.memory_space<vmem>>)
        %mul3A_174 = arith.constant 64 : i32
        %mul3A_175 = arith.muli %add3A_159, %mul3A_174 : i32
        %dma_start3A = arith.constant 5 : i32
        %dma_start3A_176 = arith.constant 5 : i32
        %dma_start3A_177 = arith.constant 0 : i32
        %dma_start3A_178 = arith.constant 0 : i32
        %dma_start3A_179 = tpu.memref_slice %arg4[%dma_start3A, %dma_start3A_177, %dma_start3A_178] : memref<7x64x256xf32, #tpu.memory_space<vmem>> -> memref<1x64x256xf32, #tpu.memory_space<vmem>>
        %dma_start3A_180 = tpu.memref_squeeze %dma_start3A_179 : memref<1x64x256xf32, #tpu.memory_space<vmem>> -> memref<64x256xf32, #tpu.memory_space<vmem>>
        %dma_start3A_181 = arith.constant 0 : i32
        %dma_start3A_182 = tpu.memref_slice %arg3[%mul3A_175, %dma_start3A_181] : memref<30784x256xf32, #tpu.memory_space<hbm>> -> memref<64x256xf32, #tpu.memory_space<hbm>>
        %dma_start3A_183 = tpu.memref_slice %arg7[%dma_start3A_176] : memref<7x!tpu.dma_semaphore, #tpu.memory_space<semaphore_mem>> -> memref<1x!tpu.dma_semaphore, #tpu.memory_space<semaphore_mem>>
        %dma_start3A_184 = tpu.memref_squeeze %dma_start3A_183 : memref<1x!tpu.dma_semaphore, #tpu.memory_space<semaphore_mem>> -> memref<!tpu.dma_semaphore, #tpu.memory_space<semaphore_mem>>
        %dma_start3A_185 = arith.constant 0 : i32
        %dma_start3A_186 = tpu.memref_slice %arg3[%mul3A_175, %dma_start3A_185] : memref<30784x256xf32, #tpu.memory_space<hbm>> -> memref<64x256xf32, #tpu.memory_space<hbm>>
        %dma_start3A_187 = arith.constant 0 : i32
        %dma_start3A_188 = arith.constant 0 : i32
        %dma_start3A_189 = tpu.memref_slice %arg4[%dma_start3A, %dma_start3A_187, %dma_start3A_188] : memref<7x64x256xf32, #tpu.memory_space<vmem>> -> memref<1x64x256xf32, #tpu.memory_space<vmem>>
        %dma_start3A_190 = tpu.memref_squeeze %dma_start3A_189 : memref<1x64x256xf32, #tpu.memory_space<vmem>> -> memref<64x256xf32, #tpu.memory_space<vmem>>
        tpu.enqueue_dma source(%dma_start3A_190 : memref<64x256xf32, #tpu.memory_space<vmem>>) target(%dma_start3A_186 : memref<64x256xf32, #tpu.memory_space<hbm>>) target_semaphore(%dma_start3A_184 : memref<!tpu.dma_semaphore, #tpu.memory_space<semaphore_mem>>)
      } else {
      }
      %add3A_153 = arith.constant 6 : i32
      %add3A_154 = arith.addi %mul3A_74, %add3A_153 : i32
      %lt3A_155 = arith.cmpi slt, %add3A_154, %add3A_4 : i32
      %convert_element_type3A_156 = arith.extui %lt3A_155 : i1 to i32
      %cond3A_157 = arith.constant 0 : i32
      %cond3A_158 = arith.cmpi ne, %convert_element_type3A_156, %cond3A_157 : i32
      scf.if %cond3A_158 {
        %add3A_159 = arith.addi %add3A_8, %add3A_154 : i32
        %dma_wait3A = arith.constant 6 : i32
        %dma_wait3A_160 = arith.constant 6 : i32
        %dma_wait3A_161 = arith.constant 6 : i32
        %dma_wait3A_162 = arith.constant 0 : i32
        %dma_wait3A_163 = arith.constant 0 : i32
        %dma_wait3A_164 = tpu.memref_slice %arg4[%dma_wait3A_160, %dma_wait3A_162, %dma_wait3A_163] : memref<7x64x256xf32, #tpu.memory_space<vmem>> -> memref<1x64x256xf32, #tpu.memory_space<vmem>>
        %dma_wait3A_165 = tpu.memref_squeeze %dma_wait3A_164 : memref<1x64x256xf32, #tpu.memory_space<vmem>> -> memref<64x256xf32, #tpu.memory_space<vmem>>
        %dma_wait3A_166 = arith.constant 0 : i32
        %dma_wait3A_167 = tpu.memref_slice %arg5[%dma_wait3A, %dma_wait3A_166] : memref<7x64xi32, #tpu.memory_space<vmem>> -> memref<1x64xi32, #tpu.memory_space<vmem>>
        %dma_wait3A_168 = tpu.memref_squeeze %dma_wait3A_167 : memref<1x64xi32, #tpu.memory_space<vmem>> -> memref<64xi32, #tpu.memory_space<vmem>>
        %dma_wait3A_169 = arith.constant 0 : i32
        %dma_wait3A_170 = arith.constant 0 : i32
        %dma_wait3A_171 = tpu.memref_slice %arg2[%dma_wait3A_169, %dma_wait3A_170] : memref<4096x256xf32, #tpu.memory_space<hbm>> -> memref<4096x256xf32, #tpu.memory_space<hbm>>
        %dma_wait3A_172 = tpu.memref_slice %arg6[%dma_wait3A_161] : memref<7x!tpu.dma_semaphore, #tpu.memory_space<semaphore_mem>> -> memref<1x!tpu.dma_semaphore, #tpu.memory_space<semaphore_mem>>
        %dma_wait3A_173 = tpu.memref_squeeze %dma_wait3A_172 : memref<1x!tpu.dma_semaphore, #tpu.memory_space<semaphore_mem>> -> memref<!tpu.dma_semaphore, #tpu.memory_space<semaphore_mem>>
        tpu.wait_indirect_dma semaphore(%dma_wait3A_173 : memref<!tpu.dma_semaphore, #tpu.memory_space<semaphore_mem>>) src(%dma_wait3A_171 : memref<4096x256xf32, #tpu.memory_space<hbm>>) dst(%dma_wait3A_165 : memref<64x256xf32, #tpu.memory_space<vmem>>)
        %mul3A_174 = arith.constant 64 : i32
        %mul3A_175 = arith.muli %add3A_159, %mul3A_174 : i32
        %dma_start3A = arith.constant 6 : i32
        %dma_start3A_176 = arith.constant 6 : i32
        %dma_start3A_177 = arith.constant 0 : i32
        %dma_start3A_178 = arith.constant 0 : i32
        %dma_start3A_179 = tpu.memref_slice %arg4[%dma_start3A, %dma_start3A_177, %dma_start3A_178] : memref<7x64x256xf32, #tpu.memory_space<vmem>> -> memref<1x64x256xf32, #tpu.memory_space<vmem>>
        %dma_start3A_180 = tpu.memref_squeeze %dma_start3A_179 : memref<1x64x256xf32, #tpu.memory_space<vmem>> -> memref<64x256xf32, #tpu.memory_space<vmem>>
        %dma_start3A_181 = arith.constant 0 : i32
        %dma_start3A_182 = tpu.memref_slice %arg3[%mul3A_175, %dma_start3A_181] : memref<30784x256xf32, #tpu.memory_space<hbm>> -> memref<64x256xf32, #tpu.memory_space<hbm>>
        %dma_start3A_183 = tpu.memref_slice %arg7[%dma_start3A_176] : memref<7x!tpu.dma_semaphore, #tpu.memory_space<semaphore_mem>> -> memref<1x!tpu.dma_semaphore, #tpu.memory_space<semaphore_mem>>
        %dma_start3A_184 = tpu.memref_squeeze %dma_start3A_183 : memref<1x!tpu.dma_semaphore, #tpu.memory_space<semaphore_mem>> -> memref<!tpu.dma_semaphore, #tpu.memory_space<semaphore_mem>>
        %dma_start3A_185 = arith.constant 0 : i32
        %dma_start3A_186 = tpu.memref_slice %arg3[%mul3A_175, %dma_start3A_185] : memref<30784x256xf32, #tpu.memory_space<hbm>> -> memref<64x256xf32, #tpu.memory_space<hbm>>
        %dma_start3A_187 = arith.constant 0 : i32
        %dma_start3A_188 = arith.constant 0 : i32
        %dma_start3A_189 = tpu.memref_slice %arg4[%dma_start3A, %dma_start3A_187, %dma_start3A_188] : memref<7x64x256xf32, #tpu.memory_space<vmem>> -> memref<1x64x256xf32, #tpu.memory_space<vmem>>
        %dma_start3A_190 = tpu.memref_squeeze %dma_start3A_189 : memref<1x64x256xf32, #tpu.memory_space<vmem>> -> memref<64x256xf32, #tpu.memory_space<vmem>>
        tpu.enqueue_dma source(%dma_start3A_190 : memref<64x256xf32, #tpu.memory_space<vmem>>) target(%dma_start3A_186 : memref<64x256xf32, #tpu.memory_space<hbm>>) target_semaphore(%dma_start3A_184 : memref<!tpu.dma_semaphore, #tpu.memory_space<semaphore_mem>>)
      } else {
      }
    }
    %gt3A = arith.constant 0 : i32
    %gt3A_40 = arith.cmpi sgt, %add3A_4, %gt3A : i32
    %convert_element_type3A = arith.extui %gt3A_40 : i1 to i32
    %cond3A = arith.constant 0 : i32
    %cond3A_41 = arith.cmpi ne, %convert_element_type3A, %cond3A : i32
    scf.if %cond3A_41 {
      %dma_wait3A = arith.constant 0 : i32
      %dma_wait3A_72 = arith.constant 0 : i32
      %dma_wait3A_73 = arith.constant 0 : i32
      %dma_wait3A_74 = arith.constant 0 : i32
      %dma_wait3A_75 = tpu.memref_slice %arg4[%dma_wait3A, %dma_wait3A_73, %dma_wait3A_74] : memref<7x64x256xf32, #tpu.memory_space<vmem>> -> memref<1x64x256xf32, #tpu.memory_space<vmem>>
      %dma_wait3A_76 = tpu.memref_squeeze %dma_wait3A_75 : memref<1x64x256xf32, #tpu.memory_space<vmem>> -> memref<64x256xf32, #tpu.memory_space<vmem>>
      %dma_wait3A_77 = arith.constant 0 : i32
      %dma_wait3A_78 = arith.constant 0 : i32
      %dma_wait3A_79 = tpu.memref_slice %arg3[%dma_wait3A_77, %dma_wait3A_78] : memref<30784x256xf32, #tpu.memory_space<hbm>> -> memref<64x256xf32, #tpu.memory_space<hbm>>
      %dma_wait3A_80 = tpu.memref_slice %arg7[%dma_wait3A_72] : memref<7x!tpu.dma_semaphore, #tpu.memory_space<semaphore_mem>> -> memref<1x!tpu.dma_semaphore, #tpu.memory_space<semaphore_mem>>
      %dma_wait3A_81 = tpu.memref_squeeze %dma_wait3A_80 : memref<1x!tpu.dma_semaphore, #tpu.memory_space<semaphore_mem>> -> memref<!tpu.dma_semaphore, #tpu.memory_space<semaphore_mem>>
      %dma_wait3A_82 = arith.constant 0 : i32
      %dma_wait3A_83 = arith.constant 0 : i32
      %dma_wait3A_84 = tpu.memref_slice %arg3[%dma_wait3A_82, %dma_wait3A_83] : memref<30784x256xf32, #tpu.memory_space<hbm>> -> memref<64x256xf32, #tpu.memory_space<hbm>>
      %dma_wait3A_85 = arith.constant 0 : i32
      %dma_wait3A_86 = arith.constant 0 : i32
      %dma_wait3A_87 = tpu.memref_slice %arg4[%dma_wait3A, %dma_wait3A_85, %dma_wait3A_86] : memref<7x64x256xf32, #tpu.memory_space<vmem>> -> memref<1x64x256xf32, #tpu.memory_space<vmem>>
      %dma_wait3A_88 = tpu.memref_squeeze %dma_wait3A_87 : memref<1x64x256xf32, #tpu.memory_space<vmem>> -> memref<64x256xf32, #tpu.memory_space<vmem>>
      tpu.wait_dma2 semaphore(%dma_wait3A_81 : memref<!tpu.dma_semaphore, #tpu.memory_space<semaphore_mem>>) src(%dma_wait3A_88 : memref<64x256xf32, #tpu.memory_space<vmem>>) dst(%dma_wait3A_84 : memref<64x256xf32, #tpu.memory_space<hbm>>)
    } else {
    }
    %gt3A_42 = arith.constant 1 : i32
    %gt3A_43 = arith.cmpi sgt, %add3A_4, %gt3A_42 : i32
    %convert_element_type3A_44 = arith.extui %gt3A_43 : i1 to i32
    %cond3A_45 = arith.constant 0 : i32
    %cond3A_46 = arith.cmpi ne, %convert_element_type3A_44, %cond3A_45 : i32
    scf.if %cond3A_46 {
      %dma_wait3A = arith.constant 1 : i32
      %dma_wait3A_72 = arith.constant 1 : i32
      %dma_wait3A_73 = arith.constant 0 : i32
      %dma_wait3A_74 = arith.constant 0 : i32
      %dma_wait3A_75 = tpu.memref_slice %arg4[%dma_wait3A, %dma_wait3A_73, %dma_wait3A_74] : memref<7x64x256xf32, #tpu.memory_space<vmem>> -> memref<1x64x256xf32, #tpu.memory_space<vmem>>
      %dma_wait3A_76 = tpu.memref_squeeze %dma_wait3A_75 : memref<1x64x256xf32, #tpu.memory_space<vmem>> -> memref<64x256xf32, #tpu.memory_space<vmem>>
      %dma_wait3A_77 = arith.constant 0 : i32
      %dma_wait3A_78 = arith.constant 0 : i32
      %dma_wait3A_79 = tpu.memref_slice %arg3[%dma_wait3A_77, %dma_wait3A_78] : memref<30784x256xf32, #tpu.memory_space<hbm>> -> memref<64x256xf32, #tpu.memory_space<hbm>>
      %dma_wait3A_80 = tpu.memref_slice %arg7[%dma_wait3A_72] : memref<7x!tpu.dma_semaphore, #tpu.memory_space<semaphore_mem>> -> memref<1x!tpu.dma_semaphore, #tpu.memory_space<semaphore_mem>>
      %dma_wait3A_81 = tpu.memref_squeeze %dma_wait3A_80 : memref<1x!tpu.dma_semaphore, #tpu.memory_space<semaphore_mem>> -> memref<!tpu.dma_semaphore, #tpu.memory_space<semaphore_mem>>
      %dma_wait3A_82 = arith.constant 0 : i32
      %dma_wait3A_83 = arith.constant 0 : i32
      %dma_wait3A_84 = tpu.memref_slice %arg3[%dma_wait3A_82, %dma_wait3A_83] : memref<30784x256xf32, #tpu.memory_space<hbm>> -> memref<64x256xf32, #tpu.memory_space<hbm>>
      %dma_wait3A_85 = arith.constant 0 : i32
      %dma_wait3A_86 = arith.constant 0 : i32
      %dma_wait3A_87 = tpu.memref_slice %arg4[%dma_wait3A, %dma_wait3A_85, %dma_wait3A_86] : memref<7x64x256xf32, #tpu.memory_space<vmem>> -> memref<1x64x256xf32, #tpu.memory_space<vmem>>
      %dma_wait3A_88 = tpu.memref_squeeze %dma_wait3A_87 : memref<1x64x256xf32, #tpu.memory_space<vmem>> -> memref<64x256xf32, #tpu.memory_space<vmem>>
      tpu.wait_dma2 semaphore(%dma_wait3A_81 : memref<!tpu.dma_semaphore, #tpu.memory_space<semaphore_mem>>) src(%dma_wait3A_88 : memref<64x256xf32, #tpu.memory_space<vmem>>) dst(%dma_wait3A_84 : memref<64x256xf32, #tpu.memory_space<hbm>>)
    } else {
    }
    %gt3A_47 = arith.constant 2 : i32
    %gt3A_48 = arith.cmpi sgt, %add3A_4, %gt3A_47 : i32
    %convert_element_type3A_49 = arith.extui %gt3A_48 : i1 to i32
    %cond3A_50 = arith.constant 0 : i32
    %cond3A_51 = arith.cmpi ne, %convert_element_type3A_49, %cond3A_50 : i32
    scf.if %cond3A_51 {
      %dma_wait3A = arith.constant 2 : i32
      %dma_wait3A_72 = arith.constant 2 : i32
      %dma_wait3A_73 = arith.constant 0 : i32
      %dma_wait3A_74 = arith.constant 0 : i32
      %dma_wait3A_75 = tpu.memref_slice %arg4[%dma_wait3A, %dma_wait3A_73, %dma_wait3A_74] : memref<7x64x256xf32, #tpu.memory_space<vmem>> -> memref<1x64x256xf32, #tpu.memory_space<vmem>>
      %dma_wait3A_76 = tpu.memref_squeeze %dma_wait3A_75 : memref<1x64x256xf32, #tpu.memory_space<vmem>> -> memref<64x256xf32, #tpu.memory_space<vmem>>
      %dma_wait3A_77 = arith.constant 0 : i32
      %dma_wait3A_78 = arith.constant 0 : i32
      %dma_wait3A_79 = tpu.memref_slice %arg3[%dma_wait3A_77, %dma_wait3A_78] : memref<30784x256xf32, #tpu.memory_space<hbm>> -> memref<64x256xf32, #tpu.memory_space<hbm>>
      %dma_wait3A_80 = tpu.memref_slice %arg7[%dma_wait3A_72] : memref<7x!tpu.dma_semaphore, #tpu.memory_space<semaphore_mem>> -> memref<1x!tpu.dma_semaphore, #tpu.memory_space<semaphore_mem>>
      %dma_wait3A_81 = tpu.memref_squeeze %dma_wait3A_80 : memref<1x!tpu.dma_semaphore, #tpu.memory_space<semaphore_mem>> -> memref<!tpu.dma_semaphore, #tpu.memory_space<semaphore_mem>>
      %dma_wait3A_82 = arith.constant 0 : i32
      %dma_wait3A_83 = arith.constant 0 : i32
      %dma_wait3A_84 = tpu.memref_slice %arg3[%dma_wait3A_82, %dma_wait3A_83] : memref<30784x256xf32, #tpu.memory_space<hbm>> -> memref<64x256xf32, #tpu.memory_space<hbm>>
      %dma_wait3A_85 = arith.constant 0 : i32
      %dma_wait3A_86 = arith.constant 0 : i32
      %dma_wait3A_87 = tpu.memref_slice %arg4[%dma_wait3A, %dma_wait3A_85, %dma_wait3A_86] : memref<7x64x256xf32, #tpu.memory_space<vmem>> -> memref<1x64x256xf32, #tpu.memory_space<vmem>>
      %dma_wait3A_88 = tpu.memref_squeeze %dma_wait3A_87 : memref<1x64x256xf32, #tpu.memory_space<vmem>> -> memref<64x256xf32, #tpu.memory_space<vmem>>
      tpu.wait_dma2 semaphore(%dma_wait3A_81 : memref<!tpu.dma_semaphore, #tpu.memory_space<semaphore_mem>>) src(%dma_wait3A_88 : memref<64x256xf32, #tpu.memory_space<vmem>>) dst(%dma_wait3A_84 : memref<64x256xf32, #tpu.memory_space<hbm>>)
    } else {
    }
    %gt3A_52 = arith.constant 3 : i32
    %gt3A_53 = arith.cmpi sgt, %add3A_4, %gt3A_52 : i32
    %convert_element_type3A_54 = arith.extui %gt3A_53 : i1 to i32
    %cond3A_55 = arith.constant 0 : i32
    %cond3A_56 = arith.cmpi ne, %convert_element_type3A_54, %cond3A_55 : i32
    scf.if %cond3A_56 {
      %dma_wait3A = arith.constant 3 : i32
      %dma_wait3A_72 = arith.constant 3 : i32
      %dma_wait3A_73 = arith.constant 0 : i32
      %dma_wait3A_74 = arith.constant 0 : i32
      %dma_wait3A_75 = tpu.memref_slice %arg4[%dma_wait3A, %dma_wait3A_73, %dma_wait3A_74] : memref<7x64x256xf32, #tpu.memory_space<vmem>> -> memref<1x64x256xf32, #tpu.memory_space<vmem>>
      %dma_wait3A_76 = tpu.memref_squeeze %dma_wait3A_75 : memref<1x64x256xf32, #tpu.memory_space<vmem>> -> memref<64x256xf32, #tpu.memory_space<vmem>>
      %dma_wait3A_77 = arith.constant 0 : i32
      %dma_wait3A_78 = arith.constant 0 : i32
      %dma_wait3A_79 = tpu.memref_slice %arg3[%dma_wait3A_77, %dma_wait3A_78] : memref<30784x256xf32, #tpu.memory_space<hbm>> -> memref<64x256xf32, #tpu.memory_space<hbm>>
      %dma_wait3A_80 = tpu.memref_slice %arg7[%dma_wait3A_72] : memref<7x!tpu.dma_semaphore, #tpu.memory_space<semaphore_mem>> -> memref<1x!tpu.dma_semaphore, #tpu.memory_space<semaphore_mem>>
      %dma_wait3A_81 = tpu.memref_squeeze %dma_wait3A_80 : memref<1x!tpu.dma_semaphore, #tpu.memory_space<semaphore_mem>> -> memref<!tpu.dma_semaphore, #tpu.memory_space<semaphore_mem>>
      %dma_wait3A_82 = arith.constant 0 : i32
      %dma_wait3A_83 = arith.constant 0 : i32
      %dma_wait3A_84 = tpu.memref_slice %arg3[%dma_wait3A_82, %dma_wait3A_83] : memref<30784x256xf32, #tpu.memory_space<hbm>> -> memref<64x256xf32, #tpu.memory_space<hbm>>
      %dma_wait3A_85 = arith.constant 0 : i32
      %dma_wait3A_86 = arith.constant 0 : i32
      %dma_wait3A_87 = tpu.memref_slice %arg4[%dma_wait3A, %dma_wait3A_85, %dma_wait3A_86] : memref<7x64x256xf32, #tpu.memory_space<vmem>> -> memref<1x64x256xf32, #tpu.memory_space<vmem>>
      %dma_wait3A_88 = tpu.memref_squeeze %dma_wait3A_87 : memref<1x64x256xf32, #tpu.memory_space<vmem>> -> memref<64x256xf32, #tpu.memory_space<vmem>>
      tpu.wait_dma2 semaphore(%dma_wait3A_81 : memref<!tpu.dma_semaphore, #tpu.memory_space<semaphore_mem>>) src(%dma_wait3A_88 : memref<64x256xf32, #tpu.memory_space<vmem>>) dst(%dma_wait3A_84 : memref<64x256xf32, #tpu.memory_space<hbm>>)
    } else {
    }
    %gt3A_57 = arith.constant 4 : i32
    %gt3A_58 = arith.cmpi sgt, %add3A_4, %gt3A_57 : i32
    %convert_element_type3A_59 = arith.extui %gt3A_58 : i1 to i32
    %cond3A_60 = arith.constant 0 : i32
    %cond3A_61 = arith.cmpi ne, %convert_element_type3A_59, %cond3A_60 : i32
    scf.if %cond3A_61 {
      %dma_wait3A = arith.constant 4 : i32
      %dma_wait3A_72 = arith.constant 4 : i32
      %dma_wait3A_73 = arith.constant 0 : i32
      %dma_wait3A_74 = arith.constant 0 : i32
      %dma_wait3A_75 = tpu.memref_slice %arg4[%dma_wait3A, %dma_wait3A_73, %dma_wait3A_74] : memref<7x64x256xf32, #tpu.memory_space<vmem>> -> memref<1x64x256xf32, #tpu.memory_space<vmem>>
      %dma_wait3A_76 = tpu.memref_squeeze %dma_wait3A_75 : memref<1x64x256xf32, #tpu.memory_space<vmem>> -> memref<64x256xf32, #tpu.memory_space<vmem>>
      %dma_wait3A_77 = arith.constant 0 : i32
      %dma_wait3A_78 = arith.constant 0 : i32
      %dma_wait3A_79 = tpu.memref_slice %arg3[%dma_wait3A_77, %dma_wait3A_78] : memref<30784x256xf32, #tpu.memory_space<hbm>> -> memref<64x256xf32, #tpu.memory_space<hbm>>
      %dma_wait3A_80 = tpu.memref_slice %arg7[%dma_wait3A_72] : memref<7x!tpu.dma_semaphore, #tpu.memory_space<semaphore_mem>> -> memref<1x!tpu.dma_semaphore, #tpu.memory_space<semaphore_mem>>
      %dma_wait3A_81 = tpu.memref_squeeze %dma_wait3A_80 : memref<1x!tpu.dma_semaphore, #tpu.memory_space<semaphore_mem>> -> memref<!tpu.dma_semaphore, #tpu.memory_space<semaphore_mem>>
      %dma_wait3A_82 = arith.constant 0 : i32
      %dma_wait3A_83 = arith.constant 0 : i32
      %dma_wait3A_84 = tpu.memref_slice %arg3[%dma_wait3A_82, %dma_wait3A_83] : memref<30784x256xf32, #tpu.memory_space<hbm>> -> memref<64x256xf32, #tpu.memory_space<hbm>>
      %dma_wait3A_85 = arith.constant 0 : i32
      %dma_wait3A_86 = arith.constant 0 : i32
      %dma_wait3A_87 = tpu.memref_slice %arg4[%dma_wait3A, %dma_wait3A_85, %dma_wait3A_86] : memref<7x64x256xf32, #tpu.memory_space<vmem>> -> memref<1x64x256xf32, #tpu.memory_space<vmem>>
      %dma_wait3A_88 = tpu.memref_squeeze %dma_wait3A_87 : memref<1x64x256xf32, #tpu.memory_space<vmem>> -> memref<64x256xf32, #tpu.memory_space<vmem>>
      tpu.wait_dma2 semaphore(%dma_wait3A_81 : memref<!tpu.dma_semaphore, #tpu.memory_space<semaphore_mem>>) src(%dma_wait3A_88 : memref<64x256xf32, #tpu.memory_space<vmem>>) dst(%dma_wait3A_84 : memref<64x256xf32, #tpu.memory_space<hbm>>)
    } else {
    }
    %gt3A_62 = arith.constant 5 : i32
    %gt3A_63 = arith.cmpi sgt, %add3A_4, %gt3A_62 : i32
    %convert_element_type3A_64 = arith.extui %gt3A_63 : i1 to i32
    %cond3A_65 = arith.constant 0 : i32
    %cond3A_66 = arith.cmpi ne, %convert_element_type3A_64, %cond3A_65 : i32
    scf.if %cond3A_66 {
      %dma_wait3A = arith.constant 5 : i32
      %dma_wait3A_72 = arith.constant 5 : i32
      %dma_wait3A_73 = arith.constant 0 : i32
      %dma_wait3A_74 = arith.constant 0 : i32
      %dma_wait3A_75 = tpu.memref_slice %arg4[%dma_wait3A, %dma_wait3A_73, %dma_wait3A_74] : memref<7x64x256xf32, #tpu.memory_space<vmem>> -> memref<1x64x256xf32, #tpu.memory_space<vmem>>
      %dma_wait3A_76 = tpu.memref_squeeze %dma_wait3A_75 : memref<1x64x256xf32, #tpu.memory_space<vmem>> -> memref<64x256xf32, #tpu.memory_space<vmem>>
      %dma_wait3A_77 = arith.constant 0 : i32
      %dma_wait3A_78 = arith.constant 0 : i32
      %dma_wait3A_79 = tpu.memref_slice %arg3[%dma_wait3A_77, %dma_wait3A_78] : memref<30784x256xf32, #tpu.memory_space<hbm>> -> memref<64x256xf32, #tpu.memory_space<hbm>>
      %dma_wait3A_80 = tpu.memref_slice %arg7[%dma_wait3A_72] : memref<7x!tpu.dma_semaphore, #tpu.memory_space<semaphore_mem>> -> memref<1x!tpu.dma_semaphore, #tpu.memory_space<semaphore_mem>>
      %dma_wait3A_81 = tpu.memref_squeeze %dma_wait3A_80 : memref<1x!tpu.dma_semaphore, #tpu.memory_space<semaphore_mem>> -> memref<!tpu.dma_semaphore, #tpu.memory_space<semaphore_mem>>
      %dma_wait3A_82 = arith.constant 0 : i32
      %dma_wait3A_83 = arith.constant 0 : i32
      %dma_wait3A_84 = tpu.memref_slice %arg3[%dma_wait3A_82, %dma_wait3A_83] : memref<30784x256xf32, #tpu.memory_space<hbm>> -> memref<64x256xf32, #tpu.memory_space<hbm>>
      %dma_wait3A_85 = arith.constant 0 : i32
      %dma_wait3A_86 = arith.constant 0 : i32
      %dma_wait3A_87 = tpu.memref_slice %arg4[%dma_wait3A, %dma_wait3A_85, %dma_wait3A_86] : memref<7x64x256xf32, #tpu.memory_space<vmem>> -> memref<1x64x256xf32, #tpu.memory_space<vmem>>
      %dma_wait3A_88 = tpu.memref_squeeze %dma_wait3A_87 : memref<1x64x256xf32, #tpu.memory_space<vmem>> -> memref<64x256xf32, #tpu.memory_space<vmem>>
      tpu.wait_dma2 semaphore(%dma_wait3A_81 : memref<!tpu.dma_semaphore, #tpu.memory_space<semaphore_mem>>) src(%dma_wait3A_88 : memref<64x256xf32, #tpu.memory_space<vmem>>) dst(%dma_wait3A_84 : memref<64x256xf32, #tpu.memory_space<hbm>>)
    } else {
    }
    %gt3A_67 = arith.constant 6 : i32
    %gt3A_68 = arith.cmpi sgt, %add3A_4, %gt3A_67 : i32
    %convert_element_type3A_69 = arith.extui %gt3A_68 : i1 to i32
    %cond3A_70 = arith.constant 0 : i32
    %cond3A_71 = arith.cmpi ne, %convert_element_type3A_69, %cond3A_70 : i32
    scf.if %cond3A_71 {
      %dma_wait3A = arith.constant 6 : i32
      %dma_wait3A_72 = arith.constant 6 : i32
      %dma_wait3A_73 = arith.constant 0 : i32
      %dma_wait3A_74 = arith.constant 0 : i32
      %dma_wait3A_75 = tpu.memref_slice %arg4[%dma_wait3A, %dma_wait3A_73, %dma_wait3A_74] : memref<7x64x256xf32, #tpu.memory_space<vmem>> -> memref<1x64x256xf32, #tpu.memory_space<vmem>>
      %dma_wait3A_76 = tpu.memref_squeeze %dma_wait3A_75 : memref<1x64x256xf32, #tpu.memory_space<vmem>> -> memref<64x256xf32, #tpu.memory_space<vmem>>
      %dma_wait3A_77 = arith.constant 0 : i32
      %dma_wait3A_78 = arith.constant 0 : i32
      %dma_wait3A_79 = tpu.memref_slice %arg3[%dma_wait3A_77, %dma_wait3A_78] : memref<30784x256xf32, #tpu.memory_space<hbm>> -> memref<64x256xf32, #tpu.memory_space<hbm>>
      %dma_wait3A_80 = tpu.memref_slice %arg7[%dma_wait3A_72] : memref<7x!tpu.dma_semaphore, #tpu.memory_space<semaphore_mem>> -> memref<1x!tpu.dma_semaphore, #tpu.memory_space<semaphore_mem>>
      %dma_wait3A_81 = tpu.memref_squeeze %dma_wait3A_80 : memref<1x!tpu.dma_semaphore, #tpu.memory_space<semaphore_mem>> -> memref<!tpu.dma_semaphore, #tpu.memory_space<semaphore_mem>>
      %dma_wait3A_82 = arith.constant 0 : i32
      %dma_wait3A_83 = arith.constant 0 : i32
      %dma_wait3A_84 = tpu.memref_slice %arg3[%dma_wait3A_82, %dma_wait3A_83] : memref<30784x256xf32, #tpu.memory_space<hbm>> -> memref<64x256xf32, #tpu.memory_space<hbm>>
      %dma_wait3A_85 = arith.constant 0 : i32
      %dma_wait3A_86 = arith.constant 0 : i32
      %dma_wait3A_87 = tpu.memref_slice %arg4[%dma_wait3A, %dma_wait3A_85, %dma_wait3A_86] : memref<7x64x256xf32, #tpu.memory_space<vmem>> -> memref<1x64x256xf32, #tpu.memory_space<vmem>>
      %dma_wait3A_88 = tpu.memref_squeeze %dma_wait3A_87 : memref<1x64x256xf32, #tpu.memory_space<vmem>> -> memref<64x256xf32, #tpu.memory_space<vmem>>
      tpu.wait_dma2 semaphore(%dma_wait3A_81 : memref<!tpu.dma_semaphore, #tpu.memory_space<semaphore_mem>>) src(%dma_wait3A_88 : memref<64x256xf32, #tpu.memory_space<vmem>>) dst(%dma_wait3A_84 : memref<64x256xf32, #tpu.memory_space<hbm>>)
    } else {
    }
    return
  }
}

module attributes {stable_mosaic.version = 14 : i64} {
  func.func @_modavg_kernel(%arg0: i32, %arg1: memref<1x512x256xf32, #tpu.memory_space<vmem>>, %arg2: memref<1x20x256xf32, #tpu.memory_space<vmem>>, %arg3: memref<256x256xf32, #tpu.memory_space<vmem>>, %arg4: memref<256x256xf32, #tpu.memory_space<vmem>>, %arg5: memref<512x256xf32, #tpu.memory_space<vmem>>) attributes {dimension_semantics = [#tpu.dimension_semantics<arbitrary>], iteration_bounds = array<i64: 8>, scalar_prefetch = 0 : i64, scratch_operands = 0 : i64, tpu.core_type = #tpu.core_type<tc>, window_params = [{transform_indices = @transform_0, window_bounds = array<i64: 1, 512, 256>}, {transform_indices = @transform_1, window_bounds = array<i64: 1, 20, 256>}, {pipeline_mode = #tpu.pipeline_mode<synchronous>, transform_indices = @transform_2, window_bounds = array<i64: 256, 256>}, {pipeline_mode = #tpu.pipeline_mode<synchronous>, transform_indices = @transform_3, window_bounds = array<i64: 256, 256>}, {transform_indices = @transform_4, window_bounds = array<i64: 512, 256>}]} {
    %get3A = arith.constant 0 : index
    %get3A_0 = arith.constant 0 : index
    %get3A_1 = arith.constant 0 : index
    %get3A_2 = vector.load %arg1[%get3A, %get3A_0, %get3A_1] : memref<1x512x256xf32, #tpu.memory_space<vmem>>, vector<1x512x256xf32>
    %get3A_3 = vector.shape_cast %get3A_2 : vector<1x512x256xf32> to vector<512x256xf32>
    %get3A_4 = arith.constant 0 : index
    %get3A_5 = arith.constant 0 : index
    %get3A_6 = arith.constant 0 : index
    %get3A_7 = vector.load %arg2[%get3A_4, %get3A_5, %get3A_6] : memref<1x20x256xf32, #tpu.memory_space<vmem>>, vector<1x20x256xf32>
    %get3A_8 = vector.shape_cast %get3A_7 : vector<1x20x256xf32> to vector<20x256xf32>
    %get3A_9 = arith.constant 0 : index
    %get3A_10 = arith.constant 0 : index
    %get3A_11 = vector.load %arg3[%get3A_9, %get3A_10] : memref<256x256xf32, #tpu.memory_space<vmem>>, vector<256x256xf32>
    %dot_general3A = arith.constant dense<0.000000e+00> : vector<20x256xf32>
    %dot_general3A_12 = tpu.matmul %get3A_8, %get3A_11, %dot_general3A {dimension_numbers = #tpu.dot_dimension_numbers<[1], [0], [0], [1], [0, 0, 1, 1], [], []>, transpose_lhs_hint = false} : vector<20x256xf32>, vector<256x256xf32>, vector<20x256xf32> -> vector<20x256xf32>
    %get3A_13 = arith.constant 0 : index
    %get3A_14 = arith.constant 0 : index
    %get3A_15 = vector.load %arg4[%get3A_13, %get3A_14] : memref<256x256xf32, #tpu.memory_space<vmem>>, vector<256x256xf32>
    %dot_general3A_16 = arith.constant dense<0.000000e+00> : vector<20x256xf32>
    %dot_general3A_17 = tpu.matmul %get3A_8, %get3A_15, %dot_general3A_16 {dimension_numbers = #tpu.dot_dimension_numbers<[1], [0], [0], [1], [0, 0, 1, 1], [], []>, transpose_lhs_hint = false} : vector<20x256xf32>, vector<256x256xf32>, vector<20x256xf32> -> vector<20x256xf32>
    %dot_general3A_18 = arith.constant dense<0.000000e+00> : vector<512x20xf32>
    %dot_general3A_19 = tpu.matmul %get3A_3, %dot_general3A_12, %dot_general3A_18 {dimension_numbers = #tpu.dot_dimension_numbers<[1], [1], [0], [0], [0, 0, 1, 0], [], []>, transpose_lhs_hint = false} : vector<512x256xf32>, vector<20x256xf32>, vector<512x20xf32> -> vector<512x20xf32>
    %reduce_max3A = arith.constant dense<0xFF800000> : vector<512xf32>
    %reduce_max3A_20 = vector.multi_reduction <maximumf>, %dot_general3A_19, %reduce_max3A [1] : vector<512x20xf32> to vector<512xf32>
    %broadcast_in_dim3A = vector.shape_cast %reduce_max3A_20 : vector<512xf32> to vector<512x1xf32>
    %iota3A = tpu.iota {dimensions = array<i32: 1>} : vector<512x20xi32>
    %eq3A = vector.broadcast %broadcast_in_dim3A : vector<512x1xf32> to vector<512x20xf32>
    %eq3A_21 = arith.cmpf oeq, %dot_general3A_19, %eq3A : vector<512x20xf32>
    %jit3A = arith.constant 20 : i32
    %broadcast_in_dim3A_22 = vector.broadcast %jit3A : i32 to vector<512x20xi32>
    %select_n3A = arith.select %eq3A_21, %iota3A, %broadcast_in_dim3A_22 : vector<512x20xi1>, vector<512x20xi32>
    %reduce_min3A = arith.constant dense<2147483647> : vector<512xi32>
    %reduce_min3A_23 = vector.multi_reduction <minsi>, %select_n3A, %reduce_min3A [1] : vector<512x20xi32> to vector<512xi32>
    %broadcast_in_dim3A_24 = vector.shape_cast %reduce_min3A_23 : vector<512xi32> to vector<512x1xi32>
    %slice3A = vector.extract_strided_slice %broadcast_in_dim3A_24 {offsets = [0, 0], sizes = [509, 1], strides = [1, 1]} : vector<512x1xi32> to vector<509x1xi32>
    %slice3A_25 = vector.extract_strided_slice %broadcast_in_dim3A_24 {offsets = [1, 0], sizes = [509, 1], strides = [1, 1]} : vector<512x1xi32> to vector<509x1xi32>
    %slice3A_26 = vector.extract_strided_slice %broadcast_in_dim3A_24 {offsets = [2, 0], sizes = [509, 1], strides = [1, 1]} : vector<512x1xi32> to vector<509x1xi32>
    %slice3A_27 = vector.extract_strided_slice %broadcast_in_dim3A_24 {offsets = [3, 0], sizes = [509, 1], strides = [1, 1]} : vector<512x1xi32> to vector<509x1xi32>
    %eq3A_28 = arith.cmpi eq, %slice3A, %slice3A_25 : vector<509x1xi32>
    %convert_element_type3A = arith.extui %eq3A_28 : vector<509x1xi1> to vector<509x1xi32>
    %add3A = arith.constant 1 : i32
    %add3A_29 = vector.broadcast %add3A : i32 to vector<509x1xi32>
    %add3A_30 = arith.addi %add3A_29, %convert_element_type3A : vector<509x1xi32>
    %eq3A_31 = arith.cmpi eq, %slice3A, %slice3A_26 : vector<509x1xi32>
    %convert_element_type3A_32 = arith.extui %eq3A_31 : vector<509x1xi1> to vector<509x1xi32>
    %add3A_33 = arith.addi %add3A_30, %convert_element_type3A_32 : vector<509x1xi32>
    %eq3A_34 = arith.cmpi eq, %slice3A, %slice3A_27 : vector<509x1xi32>
    %convert_element_type3A_35 = arith.extui %eq3A_34 : vector<509x1xi1> to vector<509x1xi32>
    %add3A_36 = arith.addi %add3A_33, %convert_element_type3A_35 : vector<509x1xi32>
    %eq3A_37 = arith.cmpi eq, %slice3A_25, %slice3A : vector<509x1xi32>
    %convert_element_type3A_38 = arith.extui %eq3A_37 : vector<509x1xi1> to vector<509x1xi32>
    %add3A_39 = arith.constant 1 : i32
    %add3A_40 = vector.broadcast %add3A_39 : i32 to vector<509x1xi32>
    %add3A_41 = arith.addi %add3A_40, %convert_element_type3A_38 : vector<509x1xi32>
    %eq3A_42 = arith.cmpi eq, %slice3A_25, %slice3A_26 : vector<509x1xi32>
    %convert_element_type3A_43 = arith.extui %eq3A_42 : vector<509x1xi1> to vector<509x1xi32>
    %add3A_44 = arith.addi %add3A_41, %convert_element_type3A_43 : vector<509x1xi32>
    %eq3A_45 = arith.cmpi eq, %slice3A_25, %slice3A_27 : vector<509x1xi32>
    %convert_element_type3A_46 = arith.extui %eq3A_45 : vector<509x1xi1> to vector<509x1xi32>
    %add3A_47 = arith.addi %add3A_44, %convert_element_type3A_46 : vector<509x1xi32>
    %eq3A_48 = arith.cmpi eq, %slice3A_26, %slice3A : vector<509x1xi32>
    %convert_element_type3A_49 = arith.extui %eq3A_48 : vector<509x1xi1> to vector<509x1xi32>
    %add3A_50 = arith.constant 1 : i32
    %add3A_51 = vector.broadcast %add3A_50 : i32 to vector<509x1xi32>
    %add3A_52 = arith.addi %add3A_51, %convert_element_type3A_49 : vector<509x1xi32>
    %eq3A_53 = arith.cmpi eq, %slice3A_26, %slice3A_25 : vector<509x1xi32>
    %convert_element_type3A_54 = arith.extui %eq3A_53 : vector<509x1xi1> to vector<509x1xi32>
    %add3A_55 = arith.addi %add3A_52, %convert_element_type3A_54 : vector<509x1xi32>
    %eq3A_56 = arith.cmpi eq, %slice3A_26, %slice3A_27 : vector<509x1xi32>
    %convert_element_type3A_57 = arith.extui %eq3A_56 : vector<509x1xi1> to vector<509x1xi32>
    %add3A_58 = arith.addi %add3A_55, %convert_element_type3A_57 : vector<509x1xi32>
    %eq3A_59 = arith.cmpi eq, %slice3A_27, %slice3A : vector<509x1xi32>
    %convert_element_type3A_60 = arith.extui %eq3A_59 : vector<509x1xi1> to vector<509x1xi32>
    %add3A_61 = arith.constant 1 : i32
    %add3A_62 = vector.broadcast %add3A_61 : i32 to vector<509x1xi32>
    %add3A_63 = arith.addi %add3A_62, %convert_element_type3A_60 : vector<509x1xi32>
    %eq3A_64 = arith.cmpi eq, %slice3A_27, %slice3A_25 : vector<509x1xi32>
    %convert_element_type3A_65 = arith.extui %eq3A_64 : vector<509x1xi1> to vector<509x1xi32>
    %add3A_66 = arith.addi %add3A_63, %convert_element_type3A_65 : vector<509x1xi32>
    %eq3A_67 = arith.cmpi eq, %slice3A_27, %slice3A_26 : vector<509x1xi32>
    %convert_element_type3A_68 = arith.extui %eq3A_67 : vector<509x1xi1> to vector<509x1xi32>
    %add3A_69 = arith.addi %add3A_66, %convert_element_type3A_68 : vector<509x1xi32>
    %mul3A = arith.constant 32 : i32
    %mul3A_70 = vector.broadcast %mul3A : i32 to vector<509x1xi32>
    %mul3A_71 = arith.muli %add3A_36, %mul3A_70 : vector<509x1xi32>
    %sub3A = arith.subi %mul3A_71, %slice3A : vector<509x1xi32>
    %mul3A_72 = arith.constant 32 : i32
    %mul3A_73 = vector.broadcast %mul3A_72 : i32 to vector<509x1xi32>
    %mul3A_74 = arith.muli %add3A_47, %mul3A_73 : vector<509x1xi32>
    %sub3A_75 = arith.subi %mul3A_74, %slice3A_25 : vector<509x1xi32>
    %max3A = arith.maxsi %sub3A, %sub3A_75 : vector<509x1xi32>
    %mul3A_76 = arith.constant 32 : i32
    %mul3A_77 = vector.broadcast %mul3A_76 : i32 to vector<509x1xi32>
    %mul3A_78 = arith.muli %add3A_58, %mul3A_77 : vector<509x1xi32>
    %sub3A_79 = arith.subi %mul3A_78, %slice3A_26 : vector<509x1xi32>
    %mul3A_80 = arith.constant 32 : i32
    %mul3A_81 = vector.broadcast %mul3A_80 : i32 to vector<509x1xi32>
    %mul3A_82 = arith.muli %add3A_69, %mul3A_81 : vector<509x1xi32>
    %sub3A_83 = arith.subi %mul3A_82, %slice3A_27 : vector<509x1xi32>
    %max3A_84 = arith.maxsi %sub3A_79, %sub3A_83 : vector<509x1xi32>
    %max3A_85 = arith.maxsi %max3A, %max3A_84 : vector<509x1xi32>
    %neg3A = arith.constant 0 : i32
    %neg3A_86 = vector.broadcast %neg3A : i32 to vector<509x1xi32>
    %neg3A_87 = arith.subi %neg3A_86, %max3A_85 : vector<509x1xi32>
    %and3A = arith.constant 31 : i32
    %and3A_88 = vector.broadcast %and3A : i32 to vector<509x1xi32>
    %and3A_89 = arith.andi %neg3A_87, %and3A_88 : vector<509x1xi32>
    %iota3A_90 = tpu.iota {dimensions = array<i32: 1>} : vector<509x32xi32>
    %eq3A_91 = vector.broadcast %and3A_89 : vector<509x1xi32> to vector<509x32xi32>
    %eq3A_92 = arith.cmpi eq, %eq3A_91, %iota3A_90 : vector<509x32xi32>
    %broadcast_in_dim3A_93 = arith.constant 0.000000e+00 : f32
    %broadcast_in_dim3A_94 = vector.broadcast %broadcast_in_dim3A_93 : f32 to vector<12x256xf32>
    %concatenate3A = tpu.concatenate %dot_general3A_17, %broadcast_in_dim3A_94 in 0 : vector<20x256xf32>, vector<12x256xf32> -> vector<32x256xf32>
    %convert_element_type3A_95 = arith.extui %eq3A_92 : vector<509x32xi1> to vector<509x32xi32>
    %convert_element_type3A_96 = arith.sitofp %convert_element_type3A_95 : vector<509x32xi32> to vector<509x32xf32>
    %dot_general3A_97 = arith.constant dense<0.000000e+00> : vector<509x256xf32>
    %dot_general3A_98 = tpu.matmul %convert_element_type3A_96, %concatenate3A, %dot_general3A_97 {dimension_numbers = #tpu.dot_dimension_numbers<[1], [0], [0], [1], [0, 0, 1, 1], [], []>, transpose_lhs_hint = false} : vector<509x32xf32>, vector<32x256xf32>, vector<509x256xf32> -> vector<509x256xf32>
    %slice3A_99 = vector.extract_strided_slice %get3A_3 {offsets = [0, 0], sizes = [509, 256], strides = [1, 1]} : vector<512x256xf32> to vector<509x256xf32>
    %slice3A_100 = vector.extract_strided_slice %get3A_3 {offsets = [1, 0], sizes = [509, 256], strides = [1, 1]} : vector<512x256xf32> to vector<509x256xf32>
    %add3A_101 = arith.addf %slice3A_99, %slice3A_100 : vector<509x256xf32>
    %slice3A_102 = vector.extract_strided_slice %get3A_3 {offsets = [2, 0], sizes = [509, 256], strides = [1, 1]} : vector<512x256xf32> to vector<509x256xf32>
    %add3A_103 = arith.addf %add3A_101, %slice3A_102 : vector<509x256xf32>
    %slice3A_104 = vector.extract_strided_slice %get3A_3 {offsets = [3, 0], sizes = [509, 256], strides = [1, 1]} : vector<512x256xf32> to vector<509x256xf32>
    %add3A_105 = arith.addf %add3A_103, %slice3A_104 : vector<509x256xf32>
    %mul3A_106 = arith.constant 2.500000e-01 : f32
    %mul3A_107 = vector.broadcast %mul3A_106 : f32 to vector<509x256xf32>
    %mul3A_108 = arith.mulf %add3A_105, %mul3A_107 : vector<509x256xf32>
    %mul3A_109 = arith.mulf %dot_general3A_98, %mul3A_108 : vector<509x256xf32>
    %swap3A = arith.constant 0 : index
    %swap3A_110 = arith.constant 0 : index
    %swap3A_111 = vector.load %arg5[%swap3A, %swap3A_110] : memref<512x256xf32, #tpu.memory_space<vmem>>, vector<509x256xf32>
    tpu.vector_store %arg5[%swap3A, %swap3A_110], %mul3A_109 {strides = array<i32>} : memref<512x256xf32, #tpu.memory_space<vmem>>, vector<509x256xf32>,
    %broadcast_in_dim3A_112 = arith.constant 0.000000e+00 : f32
    %broadcast_in_dim3A_113 = vector.broadcast %broadcast_in_dim3A_112 : f32 to vector<3x256xf32>
    %swap3A_114 = arith.constant 509 : index
    %swap3A_115 = arith.constant 0 : index
    %swap3A_116 = vector.load %arg5[%swap3A_114, %swap3A_115] : memref<512x256xf32, #tpu.memory_space<vmem>>, vector<3x256xf32>
    tpu.vector_store %arg5[%swap3A_114, %swap3A_115], %broadcast_in_dim3A_113 {strides = array<i32>} : memref<512x256xf32, #tpu.memory_space<vmem>>, vector<3x256xf32>,
    return
  }
  func.func @transform_0(%arg0: i32) -> (i32, i32, i32) {
    %c0_i32 = arith.constant 0 : i32
    %c0_i32_0 = arith.constant 0 : i32
    %c0_i32_1 = arith.constant 0 : i32
    return %arg0, %c0_i32, %c0_i32_0 : i32, i32, i32
  }
  func.func @transform_1(%arg0: i32) -> (i32, i32, i32) {
    %c0_i32 = arith.constant 0 : i32
    %c0_i32_0 = arith.constant 0 : i32
    %c0_i32_1 = arith.constant 0 : i32
    return %arg0, %c0_i32, %c0_i32_0 : i32, i32, i32
  }
  func.func @transform_2(%arg0: i32) -> (i32, i32) {
    %c0_i32 = arith.constant 0 : i32
    %c0_i32_0 = arith.constant 0 : i32
    %c0_i32_1 = arith.constant 0 : i32
    return %c0_i32, %c0_i32_0 : i32, i32
  }
  func.func @transform_3(%arg0: i32) -> (i32, i32) {
    %c0_i32 = arith.constant 0 : i32
    %c0_i32_0 = arith.constant 0 : i32
    %c0_i32_1 = arith.constant 0 : i32
    return %c0_i32, %c0_i32_0 : i32, i32
  }
  func.func @transform_4(%arg0: i32) -> (i32, i32) {
    %c0_i32 = arith.constant 0 : i32
    %c0_i32_0 = arith.constant 0 : i32
    return %arg0, %c0_i32 : i32, i32
  }
}

</mosaic_0001>

<sc_bundles>
// kernel: kernel.4.cloned.1.call-start
scs
__scs_entry_jumppad:
0x0: {  	(pc) =	sbr.rel $0x88, $3  }
0x1: {  	(tag) =	ssettag $0x0;
	lr =	simm.s32 $0x1  }
0x2: {  	[smem:$0x3F9D] =	sst lr;
	_ =	strace $0xD0000000  }
0x3: {  	_ = 	snop  }
0x4: {  	_ = 	snop  }
0x5: {  	_ = 	snop  }
0x6: {  	_ = 	snop  }
0x7: {  	_ = 	snop  }
__scs_overlays_trampoline_lowered:
0x8: {  	[smem:$0x3FAC] =	sst s0  }
0x9: {  	[smem:$0x3FAD] =	sst s1  }
0xa: {  	[smem:$0x3FAE] =	sst s2  }
0xb: {  	[smem:$0x3FAF] =	sst s3  }
0xc: {  	[smem:$0x3FB0] =	sst s4  }
0xd: {  	[smem:$0x3FB1] =	sst s5  }
0xe: {  	[smem:$0x3FB2] =	sst s6  }
0xf: {  	[smem:$0x3FB3] =	sst s7  }
0x10: {  	[smem:$0x3FB4] =	sst s8  }
0x11: {  	[smem:$0x3FB5] =	sst s9;
	s0 =	simm.s32 @!p0 $0x0  }
0x12: {  	s1 =	sld [smem:$0x3F9B];
	s0 =	simm.s32 @p0 $0x1  }
0x13: {  	[smem:$0x3FB6] =	sst s0;
	s0 =	simm.s32 @!p1 $0x0  }
0x14: {  	s2 =	sld [smem:$0x3F9A];
	s0 =	simm.s32 @p1 $0x1  }
0x15: {  	[smem:$0x3FB7] =	sst s0;
	s0 =	simm.s32 @!p2 $0x0  }
0x16: {  	s3 =	sld [smem:$0x3FDB];
	s0 =	simm.s32 @p2 $0x1  }
0x17: {  	s4 =	simm.s32 $0x1BF5;
	[smem:$0x3FB9] =	sst s0  }
0x18: {  	s0 =	sld [smem:$0x3F9C];
	_ =	swait.ge [sflag:s4], $0x0  }
0x19: {  	s7 =	sld [smem:$0x3F9D]  }
0x1a: {  	s8 =	sadd.s32 $0xFFFFE003, lr  }
0x1b: {  	s9 =	sadd.s32 $0xFFFFFEF7, lr;
	s5 =	simm.s32 $0xFFFFFFFF;
	p2 =	slt.u32 s8, $0xFFFFF086  }
0x1c: {  	p1 =	slt.u32 s9, $0xF7A;
	s5 =	simm.s32 @!p2 $0x0  }
0x1d: {  	s5 =	simm.s32 @p1 $0x1;
	p0 =	seq.s32 s7, s2  }
0x1e: {  	s7 =	smul.u32 @!p0 $0xF7A, s2;
	p2 =	seq.s32 @!p0 s5, $0x0  }
0x1f: {  	s9 =	smul.u32 $0xF7A, s1;
	s8 =	simm.s32 @!p0 $0x1BF5;
	p2 =	por !p2, p0  }
0x20: {  	[sflag:s8] =	ssyncset.s32 @!p0 $0xFFFFF086;
	s6 =	sadd.s32 @!p0 s3, s7;
	s7 =	simm.s32 @!p0 $0x108  }
0x21: {  	s3 =	sadd.s32 s3, s9;
	s6 =	sadd.s32 @!p0 $0x88, s6;
	s7 =	simm.s32 @p2 $0x1082  }
0x22: {  	[simem:s7], [sflag:s8] =	dma.local @!p0 [hbm:s6], $0xF7A  }
0x23: {  	s9 =	sor.u32 $0xD0000000, s2;
	s6 =	simm.s32 $0x108;
	_ =	swait.ge @!p0 [sflag:s8], $0x0  }
0x24: {  	s3 =	sadd.s32 $0x88, s3;
	s6 =	simm.s32 @!p1 $0x1082;
	[sflag:s4] =	ssyncset.s32 $0xFFFFF086  }
0x25: {  	[simem:s6], [sflag:s4] =	dma.local [hbm:s3], $0xF7A  }
0x26: {  	[smem:$0x3F9D] =	sst s1;
	(tag) =	ssettag s2;
	_ =	strace s9  }
0x27: {  	s1 =	sld [smem:$0x3FAD]  }
0x28: {  	s2 =	sld [smem:$0x3FAE]  }
0x29: {  	s4 =	sld [smem:$0x3FB0]  }
0x2a: {  	p0 =	seq.s32 s5, $0x0;
	s5 =	sld [smem:$0x3FB1]  }
0x2b: {  	s6 =	sld [smem:$0x3FB2]  }
0x2c: {  	s7 =	sld [smem:$0x3FB3]  }
0x2d: {  	s3 =	simm.s32 $0x108;
	s8 =	sld [smem:$0x3FB4]  }
0x2e: {  	s3 =	simm.s32 @!p0 $0x1082;
	s9 =	sld [smem:$0x3FB5]  }
0x2f: {  	lr =	sadd.s32 s0, s3;
	s0 =	sld [smem:$0x3FAC]  }
0x30: {  	s3 =	sld [smem:$0x3FAF]  }
0x31: {  	[smem:$0x3FB8] =	sst s10  }
0x32: {  	s10 =	sld [smem:$0x3FB6];
	_ =	sdelay $0x3  }
0x33: {  	p0 =	seq.s32 s10, $0x1;
	s10 =	sld [smem:$0x3FB8];
	_ =	sdelay $0x3  }
0x34: {  	[smem:$0x3FB8] =	sst s10  }
0x35: {  	s10 =	sld [smem:$0x3FB7];
	_ =	sdelay $0x3  }
0x36: {  	p1 =	seq.s32 s10, $0x1;
	s10 =	sld [smem:$0x3FB8];
	_ =	sdelay $0x3  }
0x37: {  	[smem:$0x3FB8] =	sst s10  }
0x38: {  	s10 =	sld [smem:$0x3FB9]  }
0x39: {  	_ = 	snop;
	(pc) =	sbr.ind lr, $3  }
0x3a: {  	_ = 	snop  }
0x3b: {  	_ = 	snop  }
0x3c: {  	p2 =	seq.s32 s10, $0x1;
	s10 =	sld [smem:$0x3FB8]  }
0x3d: {  	_ =	shalt  }
0x3e: {  	_ =	shalt  }
0x3f: {  	_ =	shalt  }
0x40: {  	_ =	shalt  }
0x41: {  	_ =	shalt  }
0x42: {  	_ =	shalt  }
0x43: {  	_ =	shalt  }
0x44: {  	_ =	shalt  }
0x45: {  	_ =	shalt  }
0x46: {  	_ =	shalt  }
0x47: {  	_ =	shalt  }
0x48: {  	_ =	shalt  }
0x49: {  	_ =	shalt  }
0x4a: {  	_ =	shalt  }
0x4b: {  	_ =	shalt  }
0x4c: {  	_ =	shalt  }
0x4d: {  	_ =	shalt  }
0x4e: {  	_ =	shalt  }
0x4f: {  	_ =	shalt  }
0x50: {  	_ =	shalt  }
0x51: {  	_ =	shalt  }
0x52: {  	_ =	shalt  }
0x53: {  	_ =	shalt  }
0x54: {  	_ =	shalt  }
0x55: {  	_ =	shalt  }
0x56: {  	_ =	shalt  }
0x57: {  	_ =	shalt  }
0x58: {  	_ =	shalt  }
0x59: {  	_ =	shalt  }
0x5a: {  	_ =	shalt  }
0x5b: {  	_ =	shalt  }
0x5c: {  	_ =	shalt  }
0x5d: {  	_ =	shalt  }
0x5e: {  	_ =	shalt  }
0x5f: {  	_ =	shalt  }
0x60: {  	_ =	shalt  }
0x61: {  	_ =	shalt  }
0x62: {  	_ =	shalt  }
0x63: {  	_ =	shalt  }
0x64: {  	_ =	shalt  }
0x65: {  	_ =	shalt  }
0x66: {  	_ =	shalt  }
0x67: {  	_ =	shalt  }
0x68: {  	_ =	shalt  }
0x69: {  	_ =	shalt  }
0x6a: {  	_ =	shalt  }
0x6b: {  	_ =	shalt  }
0x6c: {  	_ =	shalt  }
0x6d: {  	_ =	shalt  }
0x6e: {  	_ =	shalt  }
0x6f: {  	_ =	shalt  }
0x70: {  	_ =	shalt  }
0x71: {  	_ =	shalt  }
0x72: {  	_ =	shalt  }
0x73: {  	_ =	shalt  }
0x74: {  	_ =	shalt  }
0x75: {  	_ =	shalt  }
0x76: {  	_ =	shalt  }
0x77: {  	_ =	shalt  }
0x78: {  	_ =	shalt  }
0x79: {  	_ =	shalt  }
0x7a: {  	_ =	shalt  }
0x7b: {  	_ =	shalt  }
0x7c: {  	_ =	shalt  }
0x7d: {  	_ =	shalt  }
0x7e: {  	_ =	shalt  }
0x7f: {  	_ =	shalt  }
0x80: {  	_ =	shalt  }
0x81: {  	_ =	shalt  }
0x82: {  	_ =	shalt  }
0x83: {  	_ =	shalt  }
0x84: {  	_ =	shalt  }
0x85: {  	_ =	shalt  }
0x86: {  	_ =	shalt  }
0x87: {  	_ =	shalt  }
.Lfunc_end0:
.L_simem_size_0:
called_computation_lowered:
.L_overlay_start_0:
0x88: {  	s2 =	sld [smem:$0x3FD9]  }
0x89: {  	s3 =	sld [smem:$0x3FFE];
	_ =	sdelay $0x1  }
0x8a: {  	s1 =	srdreg.scid  }
0x8b: {  	s0 =	sand.u32 $0x1, s1  }
0x8c: {  	s17 =	sshll.u32 s0, $0xA;
	s2 =	sadd.s32 s3, s2  }
0x8d: {  	s2 =	sadd.s32 s2, s17  }
0x8e: {  	[smem:$0x3FC4] =	sst s2  }
0x8f: {  	_ = 	snop  }
0x90: {  	s2 =	sld [smem:$0x3FD0];
	(tm) =	ssettm $0x1  }
0x91: {  	s18 =	sld [smem:$0x3FFB];
	_ =	sdelay $0x3  }
0x92: {  	_ =	strace s18  }
0x93: {  	s3 =	sld [smem:$0x3FFC];
	_ =	sdelay $0x3  }
0x94: {  	_ =	strace s3  }
0x95: {  	s3 =	sld [smem:$0x3FFD];
	_ =	sdelay $0x3  }
0x96: {  	_ =	strace s3  }
0x97: {  	_ =	strace $0x8FFFFFFF  }
0x98: {  	s19 =	sld [smem:$0x3FDB];
	_ =	sdelay $0x1  }
0x99: {  	s4 =	simm.s32 $_scs_section_size  }
0x9a: {  	s5 =	simm.s32 $_size__tile_overlayer_lowered;
	s6 =	simm.s32 $_tile_overlayer_lowered  }
0x9b: {  	s22 =	simm.s32 $0x1BFF;
	s21 =	sshll.u32 s6, $0x1;
	s3 =	sadd.s32 s4, s19  }
0x9c: {  	s7 =	simm.s32 $0x0;
	s20 =	sshll.u32 s5, $0x1;
	s5 =	sadd.s32 s21, s3  }
0x9d: {  	[timem:s7], [sflag:s22] =	dma.local [hbm:s5], s20  }
0x9e: {  	_ =	swait.ge [sflag:s22], s20  }
0x9f: {  	s4 =	ssub.s32 $0x0, s20;
	[sflag:s22] =	ssyncset.done $0x0  }
0xa0: {  	[sflag:s22] =	ssyncadd.s32 s4;
	_ =	sdelay $0x1  }
0xa1: {  	s23 =	simm.s32 $0x1B8B  }
0xa2: {  	_ =	swait.ge [sflag:s23], $0x1  }
0xa3: {  	[sflag:s23] =	ssyncset.done $0x0  }
0xa4: {  	s25 =	simm.s32 $0x1B8E;
	s24 =	sld [smem:$0x3FFE];
	[sflag:s23] =	ssyncadd.s32 $0xFFFFFFFF  }
0xa5: {  	s26 =	simm.s32 $execute0_lowered;
	[smem:$0x3FD2] =	sst s25  }
0xa6: {  	s5 =	sshll.u32 s26, $0x1;
	_ =	strace $0x80000046;
	[dreg:$0x1] =	wrdreg $0xFFFFFFFF  }
0xa7: {  	s28 =	simm.s32 $_size_execute0_lowered;
	s3 =	sadd.s32 s3, s5;
	[dreg:$0x0] =	wrdreg $0x0  }
0xa8: {  	s5 =	sshll.u32 s28, $0x1;
	[dreg:$0x2] =	wrdreg s3  }
0xa9: {  	[dreg:$0x3] =	wrdreg s5  }
0xaa: {  	[dreg:$0x4] =	wrdreg $0xC0  }
0xab: {  	_ =	task [dreg:s7], $0x5FFFF  }
0xac: {  	[dreg:$0x1] =	wrdreg $0xFFFFFFFF  }
0xad: {  	[dreg:$0x0] =	wrdreg $0x60  }
0xae: {  	[dreg:$0x2] =	wrdreg s24  }
0xaf: {  	[dreg:$0x3] =	wrdreg s2  }
0xb0: {  	[dreg:$0x4] =	wrdreg $0x9  }
0xb1: {  	_ =	task.clear_ibuf [dreg:s7], $0x5FFFF;
	_ =	strace $0x90000046  }
0xb2: {  	s29 =	simm.s32 $0x9;
	_ =	strace $0x80000048  }
0xb3: {  	_ =	swait.ge [sflag:s29], $0x1  }
0xb4: {  	[sflag:s29] =	ssyncadd.s32 $0xFFFFFFFF  }
0xb5: {  	_ =	strace $0x90000048  }
0xb6: {  	_ =	sfence  }
0xb7: {  	s30 =	sld [smem:$0x0];
	_ =	sdelay $0x2  }
0xb8: {  	s31 =	sshll.u32 s1, $0xD;
	s1 =	sshrl.u32 s1, $0x2  }
0xb9: {  	s3 =	sand.u32 $0x4000, s31;
	s1 =	sadd.s32 s1, s30  }
0xba: {  	s0 =	sor.u32 s3, s0;
	s1 =	sshll.u32 s1, $0x11  }
0xbb: {  	s0 =	sor.u32 s1, s0  }
0xbc: {  	s0 =	sadd.s32 $0x8F2B, s0  }
0xbd: {  	[sflag:s0] =	ssyncadd.remote.s32 $0x1  }
0xbe: {  	_ =	sfence.sel $0xFFFF  }
0xbf: {  	[dreg:$0x0] =	wrdreg $0xFFFFFFFF;
	(pc) =	sbr.abs _section_cstart, $3  }
0xc0: {  	[dreg:$0x1] =	wrdreg $0xFFFFFFFF  }
0xc1: {  	_ =	task.clear_ibuf [dreg:s7], $0x2FFFF;
	_ =	strace $0x9FFFFFFF  }
0xc2: {  	(tm) =	ssettm $0x7FFFFFFF  }
0xc3: {  	_ =	shalt  }
tec
execute0_lowered:
.L_overlay_start_1:
0x0: {  	(tag) =	ssettag $0x1  }
0x1: {  	s0 =	rddreg [dreg:$0x0];
	s3 =	simm.s32 $0x0  }
0x2: {  	s1 =	srdreg.scid;
	s9 =	stileid.u32;
	s5 =	simm.s32 $0x10  }
0x3: {  	s16 =	simm.s32 $0x800;
	s17 =	simm.s32 $0x1000;
	s18 =	simm.s32 $0x1800  }
0x4: {  	s19 =	simm.s32 $0x2000;
	s20 =	simm.s32 $0x2800;
	s21 =	simm.s32 $0x3000  }
0x5: {  	s22 =	simm.s32 $0x3800;
	s30 =	simm.s32 $0x19000;
	s31 =	simm.s32 $0x19800  }
0x6: {  	s25 =	simm.s32 $0x0;
	[smem:$0x7FF] =	sst s3;
	s1 =	sand.u32 $0x1, s1  }
0x7: {  	s4 =	sadd.s32 $0xC00, s0;
	s2 =	sshll.u32 s9, $0x1;
	s7 =	smul.u32 $0x1E, s9  }
0x8: {  	s9 =	smul.u32 $0xF0, s9;
	_ =	strace $0x80000047;
	s29 =	ssub.s32 $0x2, s1  }
0x9: {  	s2 =	sor.u32 s1, s2;
	s8 =	smul.u32 $0xF, s1;
	s6 =	sshrl.u32 s29, $0x1  }
0xa: {  	s1 =	smul.u32 $0x78, s1;
	p0 =	seq.s32 s2, $0x0;
	s0 =	ssub.s32 s29, s6  }
0xb: {  	s5 =	simm.s32 @!p0 $0xF;
	p0 =	sne.s32 s2, $0x0;
	s2 =	simm.s32 $0x1  }
0xc: {  	s6 =	simm.s32 $0x1;
	s7 =	sadd.s32 s8, s7;
	s2 =	simm.s32 @!p0 $0x0  }
0xd: {  	s1 =	sadd.s32 s1, s9;
	s0 =	smax.u32 s0, $0x1;
	s7 =	sadd.s32 s2, s7  }
.Ltmp0:
0xe: {  	s2 =	sshll.u32 s2, $0x3;
	[dreg:$0x3] =	wrdreg s0;
	(pc) =	sbr.rel .LBB2_1-.Ltmp0, $4  }
0xf: {  	s0 =	simm.s32 $0x1A000;
	s8 =	sshll.u32 s7, $0xB;
	s9 =	sadd.s32 s2, s1  }
0x10: {  	v4 =	vlaneseq.u32;
	s2 =	simm.s32 $0x1A800;
	s1 =	simm.s32 $0x1B000;
	s7 =	simm.s32 $0x1B800  }
0x11: {  	vm0 =	vmmov $0xffff;
	v0 =	vand.u32 $0x7, v4;
	v1 =	vshrl.u32 v4, $0x3;
	s10 =	sadd.s32 $0x3000, s8;
	s11 =	sadd.s32 $0x2800, s8;
	s12 =	sadd.s32 $0x2000, s8  }
0x12: {  	v4 =	vor.u32 $0x8, v4;
	v2 =	vmul.u32 $0x4, v0;
	v3 =	vmul.u32 $0x8, v1;
	s13 =	sadd.s32 $0x1800, s8;
	s14 =	sadd.s32 $0x1000, s8;
	s15 =	sadd.s32 $0x800, s8  }
.LBB2_15:
0x13: {  	s23 =	simm.s32 $0x8  }
0x14: {  	_ =	swait.ge [sflag:s23], $0x4000  }
0x15: {  	[sflag:s23] =	ssyncset.done $0x0  }
0x16: {  	s29 =	simm.s32 $0x9;
	[sflag:s23] =	ssyncadd.s32 $0xFFFFC000  }
0x17: {  	_ =	swait.ge [sflag:s29], $0x4000  }
0x18: {  	[sflag:s29] =	ssyncset.done $0x0  }
0x19: {  	s24 =	simm.s32 $0xA;
	[sflag:s29] =	ssyncadd.s32 $0xFFFFC000  }
0x1a: {  	_ =	swait.ge [sflag:s24], $0x4000  }
0x1b: {  	[sflag:s24] =	ssyncset.done $0x0  }
0x1c: {  	s25 =	simm.s32 $0xB;
	[sflag:s24] =	ssyncadd.s32 $0xFFFFC000  }
0x1d: {  	_ =	swait.ge [sflag:s25], $0x4000  }
0x1e: {  	[sflag:s25] =	ssyncset.done $0x0  }
0x1f: {  	s26 =	simm.s32 $0xC;
	[sflag:s25] =	ssyncadd.s32 $0xFFFFC000  }
0x20: {  	_ =	swait.ge [sflag:s26], $0x4000  }
0x21: {  	[sflag:s26] =	ssyncset.done $0x0  }
0x22: {  	s28 =	simm.s32 $0xD;
	[sflag:s26] =	ssyncadd.s32 $0xFFFFC000  }
0x23: {  	_ =	swait.ge [sflag:s28], $0x4000  }
0x24: {  	[sflag:s28] =	ssyncset.done $0x0  }
0x25: {  	s24 =	simm.s32 $0xE;
	[sflag:s28] =	ssyncadd.s32 $0xFFFFC000  }
0x26: {  	_ =	swait.ge [sflag:s24], $0x4000  }
0x27: {  	s25 =	rddreg [dreg:$0x4]  }
0x28: {  	s29 =	rddreg [dreg:$0x3];
	s25 =	sadd.s32 $0x1, s25  }
0x29: {  	p0 =	sne.s32 s25, s29  }
.Ltmp1:
0x2a: {  	_ = 	snop;
	(pc) =	sbr.rel @!p0 .LBB2_16-.Ltmp1, $3  }
0x2b: {  	_ =	sdelay $0x1  }
0x2c: {  	[sflag:s24] =	ssyncset.done $0x0  }
0x2d: {  	[sflag:s24] =	ssyncadd.s32 $0xFFFFC000  }
.LBB2_1:
.Ltmp2:
0x2e: {  	(pc) =	sbr.rel .LBB2_2-.Ltmp2, $3  }
0x2f: {  	_ =	sdelay $0x1  }
0x30: {  	[dreg:$0x4] =	wrdreg s25  }
0x31: {  	s23 =	simm.s32 $0x6;
	s24 =	rddreg [dreg:$0x1];
	s25 =	simm.s32 $0x0  }
.LBB2_14:
0x32: {  	_ =	swait.ge [sflag:s6], $0x4000  }
0x33: {  	[sflag:s6] =	ssyncset.done $0x0  }
0x34: {  	s26 =	sadd.s32 s24, s8;
	[sflag:s6] =	ssyncadd.s32 $0xFFFFC000  }
0x35: {  	[hbm4b:s26+s3] =	stream.linear.scatter [tilespmem:s3], [sflag:$0x8], $0x4000, $0x38;
	[tilespmem:$0x1C400] =	vst v63  }
0x36: {  	s26 =	simm.s32 @!p1 $0x2  }
0x37: {  	_ =	swait.ge @!p1 [sflag:s26], $0x4000  }
0x38: {  	s28 =	simm.s32 @!p1 $0x0;
	[sflag:s26] =	ssyncset.done @!p1 $0x0  }
0x39: {  	s29 =	simm.s32 @!p1 $0x4000;
	[sflag:s26] =	ssyncadd.s32 @!p1 $0xFFFFC000;
	s26 =	sadd.s32 @!p1 s24, s15  }
0x3a: {  	[hbm4b:s26+s28] =	stream.linear.scatter @!p1 [tilespmem:s29], [sflag:$0x9], $0x4000, $0x38;
	[tilespmem:$0x1C400] =	vst v63  }
0x3b: {  	s26 =	simm.s32 @!p2 $0x3  }
0x3c: {  	_ =	swait.ge @!p2 [sflag:s26], $0x4000  }
0x3d: {  	s28 =	simm.s32 @!p2 $0x0;
	[sflag:s26] =	ssyncset.done @!p2 $0x0  }
0x3e: {  	s29 =	simm.s32 @!p2 $0x8000;
	[sflag:s26] =	ssyncadd.s32 @!p2 $0xFFFFC000;
	s26 =	sadd.s32 @!p2 s24, s14  }
0x3f: {  	[hbm4b:s26+s28] =	stream.linear.scatter @!p2 [tilespmem:s29], [sflag:$0xA], $0x4000, $0x38;
	[tilespmem:$0x1C400] =	vst v63  }
0x40: {  	s26 =	simm.s32 @!p3 $0x4  }
0x41: {  	_ =	swait.ge @!p3 [sflag:s26], $0x4000  }
0x42: {  	s28 =	simm.s32 @!p3 $0x0;
	[sflag:s26] =	ssyncset.done @!p3 $0x0  }
0x43: {  	s29 =	simm.s32 @!p3 $0xC000;
	[sflag:s26] =	ssyncadd.s32 @!p3 $0xFFFFC000;
	s26 =	sadd.s32 @!p3 s24, s13  }
0x44: {  	[hbm4b:s26+s28] =	stream.linear.scatter @!p3 [tilespmem:s29], [sflag:$0xB], $0x4000, $0x38;
	[tilespmem:$0x1C400] =	vst v63  }
0x45: {  	s26 =	simm.s32 @!p4 $0x5  }
0x46: {  	_ =	swait.ge @!p4 [sflag:s26], $0x4000  }
0x47: {  	s28 =	simm.s32 @!p4 $0x0;
	[sflag:s26] =	ssyncset.done @!p4 $0x0  }
0x48: {  	s29 =	simm.s32 @!p4 $0x10000;
	[sflag:s26] =	ssyncadd.s32 @!p4 $0xFFFFC000;
	s26 =	sadd.s32 @!p4 s24, s12  }
0x49: {  	[hbm4b:s26+s28] =	stream.linear.scatter @!p4 [tilespmem:s29], [sflag:$0xC], $0x4000, $0x38;
	[tilespmem:$0x1C400] =	vst v63  }
0x4a: {  	s26 =	simm.s32 @!p5 $0x6  }
0x4b: {  	s25 =	sadd.s32 $0x38, s25;
	_ =	swait.ge @!p5 [sflag:s26], $0x4000  }
0x4c: {  	p0 =	sne.s32 s25, $0xA8;
	s28 =	simm.s32 @!p5 $0x0;
	[sflag:s26] =	ssyncset.done @!p5 $0x0  }
0x4d: {  	s29 =	simm.s32 @!p5 $0x14000;
	[sflag:s26] =	ssyncadd.s32 @!p5 $0xFFFFC000;
	s26 =	sadd.s32 @!p5 s24, s11  }
0x4e: {  	[hbm4b:s26+s28] =	stream.linear.scatter @!p5 [tilespmem:s29], [sflag:$0xD], $0x4000, $0x38;
	[tilespmem:$0x1C400] =	vst v63  }
.Ltmp3:
0x4f: {  	s26 =	simm.s32 @!p6 $0x7;
	(pc) =	sbr.rel @!p0 .LBB2_15-.Ltmp3, $4  }
0x50: {  	s23 =	sadd.s32 $0x7, s23;
	_ =	swait.ge @!p6 [sflag:s26], $0x4000  }
0x51: {  	s28 =	simm.s32 @!p6 $0x0;
	s29 =	simm.s32 @!p6 $0x18000;
	[sflag:s26] =	ssyncset.done @!p6 $0x0  }
0x52: {  	[sflag:s26] =	ssyncadd.s32 @!p6 $0xFFFFC000;
	s26 =	sadd.s32 @!p6 s24, s10;
	s24 =	sadd.s32 $0x3800, s24  }
0x53: {  	[hbm4b:s26+s28] =	stream.linear.scatter @!p6 [tilespmem:s29], [sflag:$0xE], $0x4000, $0x38;
	[tilespmem:$0x1C400] =	vst v63  }
.LBB2_2:
0x54: {  	s26 =	sadd.s32 s25, s9  }
0x55: {  	v5 =	vor.u32 s26, v1  }
0x56: {  	v6 =	vmul.u32 $0x221, v5;
	_ =	sdelay $0x1  }
0x57: {  	v6 =	vshra.s32 v6, $0x12  }
0x58: {  	s28 =	sadd.s32 $0x2, s26;
	s29 =	sadd.s32 $0x4, s26;
	v9 =	vmul.u32 $0xFFFFFE1F, v6  }
0x59: {  	v7 =	vor.u32 s28, v1;
	v10 =	vor.u32 s29, v1  }
0x5a: {  	s29 =	sadd.s32 $0x6, s26;
	v8 =	vmul.u32 $0x221, v7;
	v11 =	vmul.u32 $0x221, v10;
	v5 =	vadd.s32 v9, v5  }
0x5b: {  	v58 =	vor.u32 s29, v1;
	v6 =	vshll.u32 v6, $0x9;
	v5 =	vadd.s32 v2, v5  }
0x5c: {  	v13 =	vmul.u32 $0x221, v58;
	v8 =	vshra.s32 v8, $0x12;
	v6 =	vadd.s32 v6, v5  }
0x5d: {  	v57 =	vshra.s32 v11, $0x12;
	v56 =	vmul.u32 $0xFFFFFE1F, v8;
	v12 =	vshll.u32 v6, $0x1  }
0x5e: {  	p0 =	seq.s32 s25, $0x0;
	v8 =	vshll.u32 v8, $0x9;
	v5 =	vand.u32 $0x7, v5;
	v12 =	vand.u32 $0xFFFFFFF0, v12  }
0x5f: {  	s28 =	simm.s32 @!p0 $0x8;
	v59 =	vmul.u32 $0xFFFFFE1F, v57;
	v60 =	vshra.s32 v13, $0x12;
	v5 =	vor.u32 v5, v12  }
0x60: {  	_ =	swait.ge @!p0 [sflag:s28], $0x4000;
	v9 =	vshll.u32 v57, $0x9;
	v7 =	vadd.s32 v56, v7;
	v61 =	vperm.xlane v5, v0  }
0x61: {  	[sflag:s28] =	ssyncset.done @!p0 $0x0;
	v62 =	vmul.u32 $0xFFFFFE1F, v60;
	v10 =	vadd.s32 v59, v10;
	v7 =	vadd.s32 v8, v7  }
0x62: {  	[sflag:s28] =	ssyncadd.s32 @!p0 $0xFFFFC000;
	v9 =	vadd.s32 v9, v10;
	v5 =	vperm.xlane v5, v4;
	v63 =	vadd.s32 v3, v61  }
0x63: {  	v8 =	vshll.u32 v60, $0x9;
	[tilespmem:$0x1C000] =	vst v6;
	v6 =	vadd.s32 v62, v58;
	v7 =	vadd.s32 v2, v7  }
0x64: {  	[tilespmem:$0x1C010] =	vst v7;
	v7 =	vadd.s32 v2, v9;
	v6 =	vadd.s32 v8, v6;
	v5 =	vadd.s32 v3, v5  }
0x65: {  	[tilespmem:$0x1C020] =	vst v7;
	v6 =	vadd.s32 v2, v6  }
0x66: {  	[tilespmem:$0x1C030] =	vst v6  }
0x67: {  	[tilespmem:s3], [sflag:$0x1] =	stream.indirect_vreg.gather [hbm4b:s4+s3], $0x80, v63, vm0, $0xb8;
	[tilespmem:$0x1C400] =	vst v63  }
0x68: {  	_ = 	snop  }
0x69: {  	[tilespmem:s16], [sflag:$0x1] =	stream.indirect_vreg.gather [hbm4b:s4+s3], $0x80, v5, vm0, $0xb8;
	[tilespmem:$0x1C400] =	vst v63  }
0x6a: {  	v5 =	vld [tilespmem:$0x1C010];
	_ =	sdelay $0x4  }
0x6b: {  	v6 =	vshll.u32 v5, $0x1  }
0x6c: {  	v5 =	vand.u32 $0x7, v5;
	v6 =	vand.u32 $0xFFFFFFF0, v6  }
0x6d: {  	v5 =	vor.u32 v5, v6  }
0x6e: {  	v6 =	vperm.xlane v5, v0;
	_ =	sdelay $0x1  }
0x6f: {  	v5 =	vperm.xlane v5, v4;
	v6 =	vadd.s32 v3, v6;
	_ =	sdelay $0x1  }
0x70: {  	v5 =	vadd.s32 v3, v5;
	_ =	sdelay $0x2  }
0x71: {  	[tilespmem:s17], [sflag:$0x1] =	stream.indirect_vreg.gather [hbm4b:s4+s3], $0x80, v6, vm0, $0xb8;
	[tilespmem:$0x1C400] =	vst v63  }
0x72: {  	_ = 	snop  }
0x73: {  	[tilespmem:s18], [sflag:$0x1] =	stream.indirect_vreg.gather [hbm4b:s4+s3], $0x80, v5, vm0, $0xb8;
	[tilespmem:$0x1C400] =	vst v63  }
0x74: {  	v5 =	vld [tilespmem:$0x1C020];
	_ =	sdelay $0x4  }
0x75: {  	v6 =	vshll.u32 v5, $0x1  }
0x76: {  	v5 =	vand.u32 $0x7, v5;
	v6 =	vand.u32 $0xFFFFFFF0, v6  }
0x77: {  	v5 =	vor.u32 v5, v6  }
0x78: {  	v6 =	vperm.xlane v5, v0;
	_ =	sdelay $0x1  }
0x79: {  	v5 =	vperm.xlane v5, v4;
	v6 =	vadd.s32 v3, v6;
	_ =	sdelay $0x1  }
0x7a: {  	v5 =	vadd.s32 v3, v5;
	_ =	sdelay $0x2  }
0x7b: {  	[tilespmem:s19], [sflag:$0x1] =	stream.indirect_vreg.gather [hbm4b:s4+s3], $0x80, v6, vm0, $0xb8;
	[tilespmem:$0x1C400] =	vst v63  }
0x7c: {  	_ = 	snop  }
0x7d: {  	[tilespmem:s20], [sflag:$0x1] =	stream.indirect_vreg.gather [hbm4b:s4+s3], $0x80, v5, vm0, $0xb8;
	[tilespmem:$0x1C400] =	vst v63  }
0x7e: {  	v5 =	vld [tilespmem:$0x1C030];
	_ =	sdelay $0x4  }
0x7f: {  	v6 =	vshll.u32 v5, $0x1  }
0x80: {  	v5 =	vand.u32 $0x7, v5;
	v6 =	vand.u32 $0xFFFFFFF0, v6  }
0x81: {  	v5 =	vor.u32 v5, v6  }
0x82: {  	v6 =	vperm.xlane v5, v0;
	_ =	sdelay $0x1  }
0x83: {  	v5 =	vperm.xlane v5, v4;
	v6 =	vadd.s32 v3, v6  }
0x84: {  	s29 =	sadd.s32 $0xFFFFFFFB, s23  }
0x85: {  	p1 =	sge.u32 s29, s5;
	v5 =	vadd.s32 v3, v5  }
.Ltmp4:
0x86: {  	_ = 	snop;
	(pc) =	sbr.rel @p1 .LBB2_4-.Ltmp4, $4  }
0x87: {  	_ = 	snop  }
0x88: {  	[tilespmem:s21], [sflag:$0x1] =	stream.indirect_vreg.gather [hbm4b:s4+s3], $0x80, v6, vm0, $0xb8;
	[tilespmem:$0x1C400] =	vst v63  }
0x89: {  	_ = 	snop  }
0x8a: {  	[tilespmem:s22], [sflag:$0x1] =	stream.indirect_vreg.gather [hbm4b:s4+s3], $0x80, v5, vm0, $0xb8;
	[tilespmem:$0x1C400] =	vst v63  }
0x8b: {  	s28 =	sadd.s32 $0x8, s26  }
0x8c: {  	v5 =	vor.u32 s28, v1  }
0x8d: {  	v6 =	vmul.u32 $0x221, v5;
	_ =	sdelay $0x1  }
0x8e: {  	s29 =	sadd.s32 $0xA, s26;
	v6 =	vshra.s32 v6, $0x12  }
0x8f: {  	v7 =	vor.u32 s29, v1;
	s29 =	sadd.s32 $0xC, s26;
	v9 =	vmul.u32 $0xFFFFFE1F, v6  }
0x90: {  	v10 =	vor.u32 s29, v1  }
0x91: {  	v8 =	vmul.u32 $0x221, v7;
	s29 =	sadd.s32 $0xE, s26;
	v11 =	vmul.u32 $0x221, v10;
	v5 =	vadd.s32 v9, v5  }
0x92: {  	v58 =	vor.u32 s29, v1;
	v6 =	vshll.u32 v6, $0x9;
	v5 =	vadd.s32 v2, v5  }
0x93: {  	v8 =	vshra.s32 v8, $0x12;
	v13 =	vmul.u32 $0x221, v58;
	v6 =	vadd.s32 v6, v5  }
0x94: {  	v56 =	vmul.u32 $0xFFFFFE1F, v8;
	v57 =	vshra.s32 v11, $0x12;
	v12 =	vshll.u32 v6, $0x1  }
0x95: {  	v8 =	vshll.u32 v8, $0x9;
	v5 =	vand.u32 $0x7, v5;
	v12 =	vand.u32 $0xFFFFFFF0, v12  }
0x96: {  	s28 =	simm.s32 @!p0 $0x9;
	v59 =	vmul.u32 $0xFFFFFE1F, v57;
	v60 =	vshra.s32 v13, $0x12;
	v5 =	vor.u32 v5, v12  }
0x97: {  	_ =	swait.ge @!p0 [sflag:s28], $0x4000;
	v7 =	vadd.s32 v56, v7;
	v9 =	vshll.u32 v57, $0x9;
	v61 =	vperm.xlane v5, v0  }
0x98: {  	[sflag:s28] =	ssyncset.done @!p0 $0x0;
	v62 =	vmul.u32 $0xFFFFFE1F, v60;
	v7 =	vadd.s32 v8, v7;
	v10 =	vadd.s32 v59, v10  }
0x99: {  	[sflag:s28] =	ssyncadd.s32 @!p0 $0xFFFFC000;
	v8 =	vshll.u32 v60, $0x9;
	v5 =	vperm.xlane v5, v4;
	v63 =	vadd.s32 v3, v61  }
0x9a: {  	v9 =	vadd.s32 v9, v10;
	v7 =	vadd.s32 v2, v7;
	[tilespmem:$0x1C080] =	vst v6;
	v6 =	vadd.s32 v62, v58  }
0x9b: {  	[tilespmem:$0x1C090] =	vst v7;
	v7 =	vadd.s32 v2, v9;
	v6 =	vadd.s32 v8, v6;
	v5 =	vadd.s32 v3, v5  }
0x9c: {  	[tilespmem:$0x1C0A0] =	vst v7;
	v6 =	vadd.s32 v2, v6  }
0x9d: {  	s29 =	simm.s32 $0x4000;
	[tilespmem:$0x1C0B0] =	vst v6  }
0x9e: {  	[tilespmem:s29], [sflag:$0x2] =	stream.indirect_vreg.gather [hbm4b:s4+s3], $0x80, v63, vm0, $0xb8;
	[tilespmem:$0x1C400] =	vst v63  }
0x9f: {  	s29 =	simm.s32 $0x4800  }
0xa0: {  	[tilespmem:s29], [sflag:$0x2] =	stream.indirect_vreg.gather [hbm4b:s4+s3], $0x80, v5, vm0, $0xb8;
	[tilespmem:$0x1C400] =	vst v63  }
0xa1: {  	v5 =	vld [tilespmem:$0x1C090];
	_ =	sdelay $0x4  }
0xa2: {  	v6 =	vshll.u32 v5, $0x1  }
0xa3: {  	v5 =	vand.u32 $0x7, v5;
	v6 =	vand.u32 $0xFFFFFFF0, v6  }
0xa4: {  	v5 =	vor.u32 v5, v6  }
0xa5: {  	v6 =	vperm.xlane v5, v0;
	_ =	sdelay $0x1  }
0xa6: {  	v5 =	vperm.xlane v5, v4;
	v6 =	vadd.s32 v3, v6;
	_ =	sdelay $0x1  }
0xa7: {  	v5 =	vadd.s32 v3, v5;
	_ =	sdelay $0x1  }
0xa8: {  	s29 =	simm.s32 $0x5000  }
0xa9: {  	[tilespmem:s29], [sflag:$0x2] =	stream.indirect_vreg.gather [hbm4b:s4+s3], $0x80, v6, vm0, $0xb8;
	[tilespmem:$0x1C400] =	vst v63  }
0xaa: {  	s29 =	simm.s32 $0x5800  }
0xab: {  	[tilespmem:s29], [sflag:$0x2] =	stream.indirect_vreg.gather [hbm4b:s4+s3], $0x80, v5, vm0, $0xb8;
	[tilespmem:$0x1C400] =	vst v63  }
0xac: {  	v5 =	vld [tilespmem:$0x1C0A0];
	_ =	sdelay $0x4  }
0xad: {  	v6 =	vshll.u32 v5, $0x1  }
0xae: {  	v5 =	vand.u32 $0x7, v5;
	v6 =	vand.u32 $0xFFFFFFF0, v6  }
0xaf: {  	v5 =	vor.u32 v5, v6  }
0xb0: {  	v6 =	vperm.xlane v5, v0;
	_ =	sdelay $0x1  }
0xb1: {  	v5 =	vperm.xlane v5, v4;
	v6 =	vadd.s32 v3, v6;
	_ =	sdelay $0x1  }
0xb2: {  	v5 =	vadd.s32 v3, v5;
	_ =	sdelay $0x1  }
0xb3: {  	s29 =	simm.s32 $0x6000  }
0xb4: {  	[tilespmem:s29], [sflag:$0x2] =	stream.indirect_vreg.gather [hbm4b:s4+s3], $0x80, v6, vm0, $0xb8;
	[tilespmem:$0x1C400] =	vst v63  }
0xb5: {  	s29 =	simm.s32 $0x6800  }
0xb6: {  	[tilespmem:s29], [sflag:$0x2] =	stream.indirect_vreg.gather [hbm4b:s4+s3], $0x80, v5, vm0, $0xb8;
	[tilespmem:$0x1C400] =	vst v63  }
0xb7: {  	v5 =	vld [tilespmem:$0x1C0B0];
	_ =	sdelay $0x4  }
0xb8: {  	v6 =	vshll.u32 v5, $0x1  }
0xb9: {  	v5 =	vand.u32 $0x7, v5;
	v6 =	vand.u32 $0xFFFFFFF0, v6  }
0xba: {  	v5 =	vor.u32 v5, v6  }
0xbb: {  	v6 =	vperm.xlane v5, v0;
	_ =	sdelay $0x1  }
0xbc: {  	v5 =	vperm.xlane v5, v4;
	v6 =	vadd.s32 v3, v6;
	_ =	sdelay $0x1  }
0xbd: {  	v5 =	vadd.s32 v3, v5;
	_ =	sdelay $0x1  }
0xbe: {  	s29 =	simm.s32 $0x7000  }
0xbf: {  	[tilespmem:s29], [sflag:$0x2] =	stream.indirect_vreg.gather [hbm4b:s4+s3], $0x80, v6, vm0, $0xb8;
	[tilespmem:$0x1C400] =	vst v63  }
0xc0: {  	s29 =	simm.s32 $0x7800  }
0xc1: {  	[tilespmem:s29], [sflag:$0x2] =	stream.indirect_vreg.gather [hbm4b:s4+s3], $0x80, v5, vm0, $0xb8;
	[tilespmem:$0x1C400] =	vst v63  }
.LBB2_4:
0xc2: {  	s28 =	sadd.s32 $0xFFFFFFFC, s23  }
0xc3: {  	p2 =	sge.u32 s28, s5  }
.Ltmp5:
0xc4: {  	_ = 	snop;
	(pc) =	sbr.rel @p2 .LBB2_6-.Ltmp5, $1  }
0xc5: {  	_ =	sdelay $0x3  }
0xc6: {  	s28 =	sadd.s32 $0x10, s26  }
0xc7: {  	v5 =	vor.u32 s28, v1  }
0xc8: {  	v6 =	vmul.u32 $0x221, v5;
	_ =	sdelay $0x1  }
0xc9: {  	s29 =	sadd.s32 $0x12, s26;
	v6 =	vshra.s32 v6, $0x12  }
0xca: {  	v7 =	vor.u32 s29, v1;
	s29 =	sadd.s32 $0x14, s26;
	v9 =	vmul.u32 $0xFFFFFE1F, v6  }
0xcb: {  	v10 =	vor.u32 s29, v1  }
0xcc: {  	v8 =	vmul.u32 $0x221, v7;
	s29 =	sadd.s32 $0x16, s26;
	v11 =	vmul.u32 $0x221, v10;
	v5 =	vadd.s32 v9, v5  }
0xcd: {  	v58 =	vor.u32 s29, v1;
	v6 =	vshll.u32 v6, $0x9;
	v5 =	vadd.s32 v2, v5  }
0xce: {  	v8 =	vshra.s32 v8, $0x12;
	v13 =	vmul.u32 $0x221, v58;
	v6 =	vadd.s32 v6, v5  }
0xcf: {  	v56 =	vmul.u32 $0xFFFFFE1F, v8;
	v57 =	vshra.s32 v11, $0x12;
	v12 =	vshll.u32 v6, $0x1  }
0xd0: {  	v8 =	vshll.u32 v8, $0x9;
	v5 =	vand.u32 $0x7, v5;
	v12 =	vand.u32 $0xFFFFFFF0, v12  }
0xd1: {  	s28 =	simm.s32 @!p0 $0xA;
	v59 =	vmul.u32 $0xFFFFFE1F, v57;
	v60 =	vshra.s32 v13, $0x12;
	v5 =	vor.u32 v5, v12  }
0xd2: {  	_ =	swait.ge @!p0 [sflag:s28], $0x4000;
	v7 =	vadd.s32 v56, v7;
	v9 =	vshll.u32 v57, $0x9;
	v61 =	vperm.xlane v5, v0  }
0xd3: {  	[sflag:s28] =	ssyncset.done @!p0 $0x0;
	v62 =	vmul.u32 $0xFFFFFE1F, v60;
	v7 =	vadd.s32 v8, v7;
	v10 =	vadd.s32 v59, v10  }
0xd4: {  	[sflag:s28] =	ssyncadd.s32 @!p0 $0xFFFFC000;
	v8 =	vshll.u32 v60, $0x9;
	v5 =	vperm.xlane v5, v4;
	v63 =	vadd.s32 v3, v61  }
0xd5: {  	v9 =	vadd.s32 v9, v10;
	v7 =	vadd.s32 v2, v7;
	[tilespmem:$0x1C100] =	vst v6;
	v6 =	vadd.s32 v62, v58  }
0xd6: {  	[tilespmem:$0x1C110] =	vst v7;
	v7 =	vadd.s32 v2, v9;
	v6 =	vadd.s32 v8, v6;
	v5 =	vadd.s32 v3, v5  }
0xd7: {  	[tilespmem:$0x1C120] =	vst v7;
	v6 =	vadd.s32 v2, v6  }
0xd8: {  	s29 =	simm.s32 $0x8000;
	[tilespmem:$0x1C130] =	vst v6  }
0xd9: {  	[tilespmem:s29], [sflag:$0x3] =	stream.indirect_vreg.gather [hbm4b:s4+s3], $0x80, v63, vm0, $0xb8;
	[tilespmem:$0x1C400] =	vst v63  }
0xda: {  	s29 =	simm.s32 $0x8800  }
0xdb: {  	[tilespmem:s29], [sflag:$0x3] =	stream.indirect_vreg.gather [hbm4b:s4+s3], $0x80, v5, vm0, $0xb8;
	[tilespmem:$0x1C400] =	vst v63  }
0xdc: {  	v5 =	vld [tilespmem:$0x1C110];
	_ =	sdelay $0x4  }
0xdd: {  	v6 =	vshll.u32 v5, $0x1  }
0xde: {  	v5 =	vand.u32 $0x7, v5;
	v6 =	vand.u32 $0xFFFFFFF0, v6  }
0xdf: {  	v5 =	vor.u32 v5, v6  }
0xe0: {  	v6 =	vperm.xlane v5, v0;
	_ =	sdelay $0x1  }
0xe1: {  	v5 =	vperm.xlane v5, v4;
	v6 =	vadd.s32 v3, v6;
	_ =	sdelay $0x1  }
0xe2: {  	v5 =	vadd.s32 v3, v5;
	_ =	sdelay $0x1  }
0xe3: {  	s29 =	simm.s32 $0x9000  }
0xe4: {  	[tilespmem:s29], [sflag:$0x3] =	stream.indirect_vreg.gather [hbm4b:s4+s3], $0x80, v6, vm0, $0xb8;
	[tilespmem:$0x1C400] =	vst v63  }
0xe5: {  	s29 =	simm.s32 $0x9800  }
0xe6: {  	[tilespmem:s29], [sflag:$0x3] =	stream.indirect_vreg.gather [hbm4b:s4+s3], $0x80, v5, vm0, $0xb8;
	[tilespmem:$0x1C400] =	vst v63  }
0xe7: {  	v5 =	vld [tilespmem:$0x1C120];
	_ =	sdelay $0x4  }
0xe8: {  	v6 =	vshll.u32 v5, $0x1  }
0xe9: {  	v5 =	vand.u32 $0x7, v5;
	v6 =	vand.u32 $0xFFFFFFF0, v6  }
0xea: {  	v5 =	vor.u32 v5, v6  }
0xeb: {  	v6 =	vperm.xlane v5, v0;
	_ =	sdelay $0x1  }
0xec: {  	v5 =	vperm.xlane v5, v4;
	v6 =	vadd.s32 v3, v6;
	_ =	sdelay $0x1  }
0xed: {  	v5 =	vadd.s32 v3, v5;
	_ =	sdelay $0x1  }
0xee: {  	s29 =	simm.s32 $0xA000  }
0xef: {  	[tilespmem:s29], [sflag:$0x3] =	stream.indirect_vreg.gather [hbm4b:s4+s3], $0x80, v6, vm0, $0xb8;
	[tilespmem:$0x1C400] =	vst v63  }
0xf0: {  	s29 =	simm.s32 $0xA800  }
0xf1: {  	[tilespmem:s29], [sflag:$0x3] =	stream.indirect_vreg.gather [hbm4b:s4+s3], $0x80, v5, vm0, $0xb8;
	[tilespmem:$0x1C400] =	vst v63  }
0xf2: {  	v5 =	vld [tilespmem:$0x1C130];
	_ =	sdelay $0x4  }
0xf3: {  	v6 =	vshll.u32 v5, $0x1  }
0xf4: {  	v5 =	vand.u32 $0x7, v5;
	v6 =	vand.u32 $0xFFFFFFF0, v6  }
0xf5: {  	v5 =	vor.u32 v5, v6  }
0xf6: {  	v6 =	vperm.xlane v5, v0;
	_ =	sdelay $0x1  }
0xf7: {  	v5 =	vperm.xlane v5, v4;
	v6 =	vadd.s32 v3, v6;
	_ =	sdelay $0x1  }
0xf8: {  	v5 =	vadd.s32 v3, v5;
	_ =	sdelay $0x1  }
0xf9: {  	s29 =	simm.s32 $0xB000  }
0xfa: {  	[tilespmem:s29], [sflag:$0x3] =	stream.indirect_vreg.gather [hbm4b:s4+s3], $0x80, v6, vm0, $0xb8;
	[tilespmem:$0x1C400] =	vst v63  }
0xfb: {  	s29 =	simm.s32 $0xB800  }
0xfc: {  	[tilespmem:s29], [sflag:$0x3] =	stream.indirect_vreg.gather [hbm4b:s4+s3], $0x80, v5, vm0, $0xb8;
	[tilespmem:$0x1C400] =	vst v63  }
.LBB2_6:
0xfd: {  	s28 =	sadd.s32 $0xFFFFFFFD, s23  }
0xfe: {  	p3 =	sge.u32 s28, s5  }
.Ltmp6:
0xff: {  	_ = 	snop;
	(pc) =	sbr.rel @p3 .LBB2_8-.Ltmp6, $1  }
0x100: {  	_ =	sdelay $0x3  }
0x101: {  	s28 =	sadd.s32 $0x18, s26  }
0x102: {  	v5 =	vor.u32 s28, v1  }
0x103: {  	v6 =	vmul.u32 $0x221, v5;
	_ =	sdelay $0x1  }
0x104: {  	s29 =	sadd.s32 $0x1A, s26;
	v6 =	vshra.s32 v6, $0x12  }
0x105: {  	v7 =	vor.u32 s29, v1;
	s29 =	sadd.s32 $0x1C, s26;
	v9 =	vmul.u32 $0xFFFFFE1F, v6  }
0x106: {  	v10 =	vor.u32 s29, v1  }
0x107: {  	v8 =	vmul.u32 $0x221, v7;
	s29 =	sadd.s32 $0x1E, s26;
	v11 =	vmul.u32 $0x221, v10;
	v5 =	vadd.s32 v9, v5  }
0x108: {  	v58 =	vor.u32 s29, v1;
	v6 =	vshll.u32 v6, $0x9;
	v5 =	vadd.s32 v2, v5  }
0x109: {  	v8 =	vshra.s32 v8, $0x12;
	v13 =	vmul.u32 $0x221, v58;
	v6 =	vadd.s32 v6, v5  }
0x10a: {  	v56 =	vmul.u32 $0xFFFFFE1F, v8;
	v57 =	vshra.s32 v11, $0x12;
	v12 =	vshll.u32 v6, $0x1  }
0x10b: {  	v8 =	vshll.u32 v8, $0x9;
	v5 =	vand.u32 $0x7, v5;
	v12 =	vand.u32 $0xFFFFFFF0, v12  }
0x10c: {  	s28 =	simm.s32 @!p0 $0xB;
	v59 =	vmul.u32 $0xFFFFFE1F, v57;
	v60 =	vshra.s32 v13, $0x12;
	v5 =	vor.u32 v5, v12  }
0x10d: {  	_ =	swait.ge @!p0 [sflag:s28], $0x4000;
	v7 =	vadd.s32 v56, v7;
	v9 =	vshll.u32 v57, $0x9;
	v61 =	vperm.xlane v5, v0  }
0x10e: {  	[sflag:s28] =	ssyncset.done @!p0 $0x0;
	v62 =	vmul.u32 $0xFFFFFE1F, v60;
	v7 =	vadd.s32 v8, v7;
	v10 =	vadd.s32 v59, v10  }
0x10f: {  	[sflag:s28] =	ssyncadd.s32 @!p0 $0xFFFFC000;
	v8 =	vshll.u32 v60, $0x9;
	v5 =	vperm.xlane v5, v4;
	v63 =	vadd.s32 v3, v61  }
0x110: {  	v9 =	vadd.s32 v9, v10;
	v7 =	vadd.s32 v2, v7;
	[tilespmem:$0x1C180] =	vst v6;
	v6 =	vadd.s32 v62, v58  }
0x111: {  	[tilespmem:$0x1C190] =	vst v7;
	v7 =	vadd.s32 v2, v9;
	v6 =	vadd.s32 v8, v6;
	v5 =	vadd.s32 v3, v5  }
0x112: {  	[tilespmem:$0x1C1A0] =	vst v7;
	v6 =	vadd.s32 v2, v6  }
0x113: {  	s29 =	simm.s32 $0xC000;
	[tilespmem:$0x1C1B0] =	vst v6  }
0x114: {  	[tilespmem:s29], [sflag:$0x4] =	stream.indirect_vreg.gather [hbm4b:s4+s3], $0x80, v63, vm0, $0xb8;
	[tilespmem:$0x1C400] =	vst v63  }
0x115: {  	s29 =	simm.s32 $0xC800  }
0x116: {  	[tilespmem:s29], [sflag:$0x4] =	stream.indirect_vreg.gather [hbm4b:s4+s3], $0x80, v5, vm0, $0xb8;
	[tilespmem:$0x1C400] =	vst v63  }
0x117: {  	v5 =	vld [tilespmem:$0x1C190];
	_ =	sdelay $0x4  }
0x118: {  	v6 =	vshll.u32 v5, $0x1  }
0x119: {  	v5 =	vand.u32 $0x7, v5;
	v6 =	vand.u32 $0xFFFFFFF0, v6  }
0x11a: {  	v5 =	vor.u32 v5, v6  }
0x11b: {  	v6 =	vperm.xlane v5, v0;
	_ =	sdelay $0x1  }
0x11c: {  	v5 =	vperm.xlane v5, v4;
	v6 =	vadd.s32 v3, v6;
	_ =	sdelay $0x1  }
0x11d: {  	v5 =	vadd.s32 v3, v5;
	_ =	sdelay $0x1  }
0x11e: {  	s29 =	simm.s32 $0xD000  }
0x11f: {  	[tilespmem:s29], [sflag:$0x4] =	stream.indirect_vreg.gather [hbm4b:s4+s3], $0x80, v6, vm0, $0xb8;
	[tilespmem:$0x1C400] =	vst v63  }
0x120: {  	s29 =	simm.s32 $0xD800  }
0x121: {  	[tilespmem:s29], [sflag:$0x4] =	stream.indirect_vreg.gather [hbm4b:s4+s3], $0x80, v5, vm0, $0xb8;
	[tilespmem:$0x1C400] =	vst v63  }
0x122: {  	v5 =	vld [tilespmem:$0x1C1A0];
	_ =	sdelay $0x4  }
0x123: {  	v6 =	vshll.u32 v5, $0x1  }
0x124: {  	v5 =	vand.u32 $0x7, v5;
	v6 =	vand.u32 $0xFFFFFFF0, v6  }
0x125: {  	v5 =	vor.u32 v5, v6  }
0x126: {  	v6 =	vperm.xlane v5, v0;
	_ =	sdelay $0x1  }
0x127: {  	v5 =	vperm.xlane v5, v4;
	v6 =	vadd.s32 v3, v6;
	_ =	sdelay $0x1  }
0x128: {  	v5 =	vadd.s32 v3, v5;
	_ =	sdelay $0x1  }
0x129: {  	s29 =	simm.s32 $0xE000  }
0x12a: {  	[tilespmem:s29], [sflag:$0x4] =	stream.indirect_vreg.gather [hbm4b:s4+s3], $0x80, v6, vm0, $0xb8;
	[tilespmem:$0x1C400] =	vst v63  }
0x12b: {  	s29 =	simm.s32 $0xE800  }
0x12c: {  	[tilespmem:s29], [sflag:$0x4] =	stream.indirect_vreg.gather [hbm4b:s4+s3], $0x80, v5, vm0, $0xb8;
	[tilespmem:$0x1C400] =	vst v63  }
0x12d: {  	v5 =	vld [tilespmem:$0x1C1B0];
	_ =	sdelay $0x4  }
0x12e: {  	v6 =	vshll.u32 v5, $0x1  }
0x12f: {  	v5 =	vand.u32 $0x7, v5;
	v6 =	vand.u32 $0xFFFFFFF0, v6  }
0x130: {  	v5 =	vor.u32 v5, v6  }
0x131: {  	v6 =	vperm.xlane v5, v0;
	_ =	sdelay $0x1  }
0x132: {  	v5 =	vperm.xlane v5, v4;
	v6 =	vadd.s32 v3, v6;
	_ =	sdelay $0x1  }
0x133: {  	v5 =	vadd.s32 v3, v5;
	_ =	sdelay $0x1  }
0x134: {  	s29 =	simm.s32 $0xF000  }
0x135: {  	[tilespmem:s29], [sflag:$0x4] =	stream.indirect_vreg.gather [hbm4b:s4+s3], $0x80, v6, vm0, $0xb8;
	[tilespmem:$0x1C400] =	vst v63  }
0x136: {  	s29 =	simm.s32 $0xF800  }
0x137: {  	[tilespmem:s29], [sflag:$0x4] =	stream.indirect_vreg.gather [hbm4b:s4+s3], $0x80, v5, vm0, $0xb8;
	[tilespmem:$0x1C400] =	vst v63  }
.LBB2_8:
0x138: {  	s28 =	sadd.s32 $0xFFFFFFFE, s23  }
0x139: {  	p4 =	sge.u32 s28, s5  }
.Ltmp7:
0x13a: {  	_ = 	snop;
	(pc) =	sbr.rel @p4 .LBB2_10-.Ltmp7, $1  }
0x13b: {  	_ =	sdelay $0x3  }
0x13c: {  	s28 =	sadd.s32 $0x20, s26  }
0x13d: {  	v5 =	vor.u32 s28, v1  }
0x13e: {  	v6 =	vmul.u32 $0x221, v5;
	_ =	sdelay $0x1  }
0x13f: {  	s29 =	sadd.s32 $0x22, s26;
	v6 =	vshra.s32 v6, $0x12  }
0x140: {  	v7 =	vor.u32 s29, v1;
	s29 =	sadd.s32 $0x24, s26;
	v9 =	vmul.u32 $0xFFFFFE1F, v6  }
0x141: {  	v10 =	vor.u32 s29, v1  }
0x142: {  	v8 =	vmul.u32 $0x221, v7;
	s29 =	sadd.s32 $0x26, s26;
	v11 =	vmul.u32 $0x221, v10;
	v5 =	vadd.s32 v9, v5  }
0x143: {  	v58 =	vor.u32 s29, v1;
	v6 =	vshll.u32 v6, $0x9;
	v5 =	vadd.s32 v2, v5  }
0x144: {  	v8 =	vshra.s32 v8, $0x12;
	v13 =	vmul.u32 $0x221, v58;
	v6 =	vadd.s32 v6, v5  }
0x145: {  	v56 =	vmul.u32 $0xFFFFFE1F, v8;
	v57 =	vshra.s32 v11, $0x12;
	v12 =	vshll.u32 v6, $0x1  }
0x146: {  	v8 =	vshll.u32 v8, $0x9;
	v5 =	vand.u32 $0x7, v5;
	v12 =	vand.u32 $0xFFFFFFF0, v12  }
0x147: {  	s28 =	simm.s32 @!p0 $0xC;
	v59 =	vmul.u32 $0xFFFFFE1F, v57;
	v60 =	vshra.s32 v13, $0x12;
	v5 =	vor.u32 v5, v12  }
0x148: {  	_ =	swait.ge @!p0 [sflag:s28], $0x4000;
	v7 =	vadd.s32 v56, v7;
	v9 =	vshll.u32 v57, $0x9;
	v61 =	vperm.xlane v5, v0  }
0x149: {  	[sflag:s28] =	ssyncset.done @!p0 $0x0;
	v62 =	vmul.u32 $0xFFFFFE1F, v60;
	v7 =	vadd.s32 v8, v7;
	v10 =	vadd.s32 v59, v10  }
0x14a: {  	[sflag:s28] =	ssyncadd.s32 @!p0 $0xFFFFC000;
	v8 =	vshll.u32 v60, $0x9;
	v5 =	vperm.xlane v5, v4;
	v63 =	vadd.s32 v3, v61  }
0x14b: {  	v9 =	vadd.s32 v9, v10;
	v7 =	vadd.s32 v2, v7;
	[tilespmem:$0x1C200] =	vst v6;
	v6 =	vadd.s32 v62, v58  }
0x14c: {  	[tilespmem:$0x1C210] =	vst v7;
	v7 =	vadd.s32 v2, v9;
	v6 =	vadd.s32 v8, v6;
	v5 =	vadd.s32 v3, v5  }
0x14d: {  	[tilespmem:$0x1C220] =	vst v7;
	v6 =	vadd.s32 v2, v6  }
0x14e: {  	s29 =	simm.s32 $0x10000;
	[tilespmem:$0x1C230] =	vst v6  }
0x14f: {  	[tilespmem:s29], [sflag:$0x5] =	stream.indirect_vreg.gather [hbm4b:s4+s3], $0x80, v63, vm0, $0xb8;
	[tilespmem:$0x1C400] =	vst v63  }
0x150: {  	s29 =	simm.s32 $0x10800  }
0x151: {  	[tilespmem:s29], [sflag:$0x5] =	stream.indirect_vreg.gather [hbm4b:s4+s3], $0x80, v5, vm0, $0xb8;
	[tilespmem:$0x1C400] =	vst v63  }
0x152: {  	v5 =	vld [tilespmem:$0x1C210];
	_ =	sdelay $0x4  }
0x153: {  	v6 =	vshll.u32 v5, $0x1  }
0x154: {  	v5 =	vand.u32 $0x7, v5;
	v6 =	vand.u32 $0xFFFFFFF0, v6  }
0x155: {  	v5 =	vor.u32 v5, v6  }
0x156: {  	v6 =	vperm.xlane v5, v0;
	_ =	sdelay $0x1  }
0x157: {  	v5 =	vperm.xlane v5, v4;
	v6 =	vadd.s32 v3, v6;
	_ =	sdelay $0x1  }
0x158: {  	v5 =	vadd.s32 v3, v5;
	_ =	sdelay $0x1  }
0x159: {  	s29 =	simm.s32 $0x11000  }
0x15a: {  	[tilespmem:s29], [sflag:$0x5] =	stream.indirect_vreg.gather [hbm4b:s4+s3], $0x80, v6, vm0, $0xb8;
	[tilespmem:$0x1C400] =	vst v63  }
0x15b: {  	s29 =	simm.s32 $0x11800  }
0x15c: {  	[tilespmem:s29], [sflag:$0x5] =	stream.indirect_vreg.gather [hbm4b:s4+s3], $0x80, v5, vm0, $0xb8;
	[tilespmem:$0x1C400] =	vst v63  }
0x15d: {  	v5 =	vld [tilespmem:$0x1C220];
	_ =	sdelay $0x4  }
0x15e: {  	v6 =	vshll.u32 v5, $0x1  }
0x15f: {  	v5 =	vand.u32 $0x7, v5;
	v6 =	vand.u32 $0xFFFFFFF0, v6  }
0x160: {  	v5 =	vor.u32 v5, v6  }
0x161: {  	v6 =	vperm.xlane v5, v0;
	_ =	sdelay $0x1  }
0x162: {  	v5 =	vperm.xlane v5, v4;
	v6 =	vadd.s32 v3, v6;
	_ =	sdelay $0x1  }
0x163: {  	v5 =	vadd.s32 v3, v5;
	_ =	sdelay $0x1  }
0x164: {  	s29 =	simm.s32 $0x12000  }
0x165: {  	[tilespmem:s29], [sflag:$0x5] =	stream.indirect_vreg.gather [hbm4b:s4+s3], $0x80, v6, vm0, $0xb8;
	[tilespmem:$0x1C400] =	vst v63  }
0x166: {  	s29 =	simm.s32 $0x12800  }
0x167: {  	[tilespmem:s29], [sflag:$0x5] =	stream.indirect_vreg.gather [hbm4b:s4+s3], $0x80, v5, vm0, $0xb8;
	[tilespmem:$0x1C400] =	vst v63  }
0x168: {  	v5 =	vld [tilespmem:$0x1C230];
	_ =	sdelay $0x4  }
0x169: {  	v6 =	vshll.u32 v5, $0x1  }
0x16a: {  	v5 =	vand.u32 $0x7, v5;
	v6 =	vand.u32 $0xFFFFFFF0, v6  }
0x16b: {  	v5 =	vor.u32 v5, v6  }
0x16c: {  	v6 =	vperm.xlane v5, v0;
	_ =	sdelay $0x1  }
0x16d: {  	v5 =	vperm.xlane v5, v4;
	v6 =	vadd.s32 v3, v6;
	_ =	sdelay $0x1  }
0x16e: {  	v5 =	vadd.s32 v3, v5;
	_ =	sdelay $0x1  }
0x16f: {  	s29 =	simm.s32 $0x13000  }
0x170: {  	[tilespmem:s29], [sflag:$0x5] =	stream.indirect_vreg.gather [hbm4b:s4+s3], $0x80, v6, vm0, $0xb8;
	[tilespmem:$0x1C400] =	vst v63  }
0x171: {  	s29 =	simm.s32 $0x13800  }
0x172: {  	[tilespmem:s29], [sflag:$0x5] =	stream.indirect_vreg.gather [hbm4b:s4+s3], $0x80, v5, vm0, $0xb8;
	[tilespmem:$0x1C400] =	vst v63  }
.LBB2_10:
0x173: {  	s28 =	sadd.s32 $0xFFFFFFFF, s23  }
0x174: {  	p5 =	sge.u32 s28, s5  }
.Ltmp8:
0x175: {  	_ = 	snop;
	(pc) =	sbr.rel @p5 .LBB2_12-.Ltmp8, $1  }
0x176: {  	_ =	sdelay $0x3  }
0x177: {  	s28 =	sadd.s32 $0x28, s26  }
0x178: {  	v5 =	vor.u32 s28, v1  }
0x179: {  	v6 =	vmul.u32 $0x221, v5;
	_ =	sdelay $0x1  }
0x17a: {  	s29 =	sadd.s32 $0x2A, s26;
	v6 =	vshra.s32 v6, $0x12  }
0x17b: {  	v7 =	vor.u32 s29, v1;
	s29 =	sadd.s32 $0x2C, s26;
	v9 =	vmul.u32 $0xFFFFFE1F, v6  }
0x17c: {  	v10 =	vor.u32 s29, v1  }
0x17d: {  	v8 =	vmul.u32 $0x221, v7;
	s29 =	sadd.s32 $0x2E, s26;
	v11 =	vmul.u32 $0x221, v10;
	v5 =	vadd.s32 v9, v5  }
0x17e: {  	v58 =	vor.u32 s29, v1;
	v6 =	vshll.u32 v6, $0x9;
	v5 =	vadd.s32 v2, v5  }
0x17f: {  	v8 =	vshra.s32 v8, $0x12;
	v13 =	vmul.u32 $0x221, v58;
	v6 =	vadd.s32 v6, v5  }
0x180: {  	v56 =	vmul.u32 $0xFFFFFE1F, v8;
	v57 =	vshra.s32 v11, $0x12;
	v12 =	vshll.u32 v6, $0x1  }
0x181: {  	v8 =	vshll.u32 v8, $0x9;
	v5 =	vand.u32 $0x7, v5;
	v12 =	vand.u32 $0xFFFFFFF0, v12  }
0x182: {  	s28 =	simm.s32 @!p0 $0xD;
	v59 =	vmul.u32 $0xFFFFFE1F, v57;
	v60 =	vshra.s32 v13, $0x12;
	v5 =	vor.u32 v5, v12  }
0x183: {  	_ =	swait.ge @!p0 [sflag:s28], $0x4000;
	v7 =	vadd.s32 v56, v7;
	v9 =	vshll.u32 v57, $0x9;
	v61 =	vperm.xlane v5, v0  }
0x184: {  	[sflag:s28] =	ssyncset.done @!p0 $0x0;
	v62 =	vmul.u32 $0xFFFFFE1F, v60;
	v7 =	vadd.s32 v8, v7;
	v10 =	vadd.s32 v59, v10  }
0x185: {  	[sflag:s28] =	ssyncadd.s32 @!p0 $0xFFFFC000;
	v8 =	vshll.u32 v60, $0x9;
	v5 =	vperm.xlane v5, v4;
	v63 =	vadd.s32 v3, v61  }
0x186: {  	v9 =	vadd.s32 v9, v10;
	v7 =	vadd.s32 v2, v7;
	[tilespmem:$0x1C280] =	vst v6;
	v6 =	vadd.s32 v62, v58  }
0x187: {  	[tilespmem:$0x1C290] =	vst v7;
	v7 =	vadd.s32 v2, v9;
	v6 =	vadd.s32 v8, v6;
	v5 =	vadd.s32 v3, v5  }
0x188: {  	[tilespmem:$0x1C2A0] =	vst v7;
	v6 =	vadd.s32 v2, v6  }
0x189: {  	s29 =	simm.s32 $0x14000;
	[tilespmem:$0x1C2B0] =	vst v6  }
0x18a: {  	[tilespmem:s29], [sflag:$0x6] =	stream.indirect_vreg.gather [hbm4b:s4+s3], $0x80, v63, vm0, $0xb8;
	[tilespmem:$0x1C400] =	vst v63  }
0x18b: {  	s29 =	simm.s32 $0x14800  }
0x18c: {  	[tilespmem:s29], [sflag:$0x6] =	stream.indirect_vreg.gather [hbm4b:s4+s3], $0x80, v5, vm0, $0xb8;
	[tilespmem:$0x1C400] =	vst v63  }
0x18d: {  	v5 =	vld [tilespmem:$0x1C290];
	_ =	sdelay $0x4  }
0x18e: {  	v6 =	vshll.u32 v5, $0x1  }
0x18f: {  	v5 =	vand.u32 $0x7, v5;
	v6 =	vand.u32 $0xFFFFFFF0, v6  }
0x190: {  	v5 =	vor.u32 v5, v6  }
0x191: {  	v6 =	vperm.xlane v5, v0;
	_ =	sdelay $0x1  }
0x192: {  	v5 =	vperm.xlane v5, v4;
	v6 =	vadd.s32 v3, v6;
	_ =	sdelay $0x1  }
0x193: {  	v5 =	vadd.s32 v3, v5;
	_ =	sdelay $0x1  }
0x194: {  	s29 =	simm.s32 $0x15000  }
0x195: {  	[tilespmem:s29], [sflag:$0x6] =	stream.indirect_vreg.gather [hbm4b:s4+s3], $0x80, v6, vm0, $0xb8;
	[tilespmem:$0x1C400] =	vst v63  }
0x196: {  	s29 =	simm.s32 $0x15800  }
0x197: {  	[tilespmem:s29], [sflag:$0x6] =	stream.indirect_vreg.gather [hbm4b:s4+s3], $0x80, v5, vm0, $0xb8;
	[tilespmem:$0x1C400] =	vst v63  }
0x198: {  	v5 =	vld [tilespmem:$0x1C2A0];
	_ =	sdelay $0x4  }
0x199: {  	v6 =	vshll.u32 v5, $0x1  }
0x19a: {  	v5 =	vand.u32 $0x7, v5;
	v6 =	vand.u32 $0xFFFFFFF0, v6  }
0x19b: {  	v5 =	vor.u32 v5, v6  }
0x19c: {  	v6 =	vperm.xlane v5, v0;
	_ =	sdelay $0x1  }
0x19d: {  	v5 =	vperm.xlane v5, v4;
	v6 =	vadd.s32 v3, v6;
	_ =	sdelay $0x1  }
0x19e: {  	v5 =	vadd.s32 v3, v5;
	_ =	sdelay $0x1  }
0x19f: {  	s29 =	simm.s32 $0x16000  }
0x1a0: {  	[tilespmem:s29], [sflag:$0x6] =	stream.indirect_vreg.gather [hbm4b:s4+s3], $0x80, v6, vm0, $0xb8;
	[tilespmem:$0x1C400] =	vst v63  }
0x1a1: {  	s29 =	simm.s32 $0x16800  }
0x1a2: {  	[tilespmem:s29], [sflag:$0x6] =	stream.indirect_vreg.gather [hbm4b:s4+s3], $0x80, v5, vm0, $0xb8;
	[tilespmem:$0x1C400] =	vst v63  }
0x1a3: {  	v5 =	vld [tilespmem:$0x1C2B0];
	_ =	sdelay $0x4  }
0x1a4: {  	v6 =	vshll.u32 v5, $0x1  }
0x1a5: {  	v5 =	vand.u32 $0x7, v5;
	v6 =	vand.u32 $0xFFFFFFF0, v6  }
0x1a6: {  	v5 =	vor.u32 v5, v6  }
0x1a7: {  	v6 =	vperm.xlane v5, v0;
	_ =	sdelay $0x1  }
0x1a8: {  	v5 =	vperm.xlane v5, v4;
	v6 =	vadd.s32 v3, v6;
	_ =	sdelay $0x1  }
0x1a9: {  	v5 =	vadd.s32 v3, v5;
	_ =	sdelay $0x1  }
0x1aa: {  	s29 =	simm.s32 $0x17000  }
0x1ab: {  	[tilespmem:s29], [sflag:$0x6] =	stream.indirect_vreg.gather [hbm4b:s4+s3], $0x80, v6, vm0, $0xb8;
	[tilespmem:$0x1C400] =	vst v63  }
0x1ac: {  	s29 =	simm.s32 $0x17800  }
0x1ad: {  	[tilespmem:s29], [sflag:$0x6] =	stream.indirect_vreg.gather [hbm4b:s4+s3], $0x80, v5, vm0, $0xb8;
	[tilespmem:$0x1C400] =	vst v63  }
.LBB2_12:
0x1ae: {  	p6 =	sge.u32 s23, s5  }
.Ltmp9:
0x1af: {  	_ = 	snop;
	(pc) =	sbr.rel @p6 .LBB2_14-.Ltmp9, $1  }
0x1b0: {  	_ =	sdelay $0x3  }
0x1b1: {  	s28 =	sadd.s32 $0x30, s26  }
0x1b2: {  	v5 =	vor.u32 s28, v1  }
0x1b3: {  	v6 =	vmul.u32 $0x221, v5;
	_ =	sdelay $0x1  }
0x1b4: {  	s29 =	sadd.s32 $0x32, s26;
	v6 =	vshra.s32 v6, $0x12  }
0x1b5: {  	v7 =	vor.u32 s29, v1;
	s29 =	sadd.s32 $0x34, s26;
	v9 =	vmul.u32 $0xFFFFFE1F, v6  }
0x1b6: {  	v10 =	vor.u32 s29, v1  }
0x1b7: {  	v8 =	vmul.u32 $0x221, v7;
	s29 =	sadd.s32 $0x36, s26;
	v11 =	vmul.u32 $0x221, v10;
	v5 =	vadd.s32 v9, v5  }
0x1b8: {  	v58 =	vor.u32 s29, v1;
	v6 =	vshll.u32 v6, $0x9;
	v5 =	vadd.s32 v2, v5  }
0x1b9: {  	v8 =	vshra.s32 v8, $0x12;
	v13 =	vmul.u32 $0x221, v58;
	v6 =	vadd.s32 v6, v5  }
0x1ba: {  	v56 =	vmul.u32 $0xFFFFFE1F, v8;
	v57 =	vshra.s32 v11, $0x12;
	v12 =	vshll.u32 v6, $0x1  }
0x1bb: {  	v8 =	vshll.u32 v8, $0x9;
	v5 =	vand.u32 $0x7, v5;
	v12 =	vand.u32 $0xFFFFFFF0, v12  }
0x1bc: {  	s26 =	simm.s32 @!p0 $0xE;
	v59 =	vmul.u32 $0xFFFFFE1F, v57;
	v60 =	vshra.s32 v13, $0x12;
	v5 =	vor.u32 v5, v12  }
0x1bd: {  	_ =	swait.ge @!p0 [sflag:s26], $0x4000;
	v7 =	vadd.s32 v56, v7;
	v9 =	vshll.u32 v57, $0x9;
	v61 =	vperm.xlane v5, v0  }
0x1be: {  	[sflag:s26] =	ssyncset.done @!p0 $0x0;
	v62 =	vmul.u32 $0xFFFFFE1F, v60;
	v7 =	vadd.s32 v8, v7;
	v10 =	vadd.s32 v59, v10  }
0x1bf: {  	[sflag:s26] =	ssyncadd.s32 @!p0 $0xFFFFC000;
	v8 =	vshll.u32 v60, $0x9;
	v5 =	vperm.xlane v5, v4;
	v63 =	vadd.s32 v3, v61  }
0x1c0: {  	v9 =	vadd.s32 v9, v10;
	v7 =	vadd.s32 v2, v7;
	[tilespmem:$0x1C300] =	vst v6;
	v6 =	vadd.s32 v62, v58  }
0x1c1: {  	[tilespmem:$0x1C310] =	vst v7;
	v7 =	vadd.s32 v2, v9;
	v6 =	vadd.s32 v8, v6;
	v5 =	vadd.s32 v3, v5  }
0x1c2: {  	[tilespmem:$0x1C320] =	vst v7;
	v6 =	vadd.s32 v2, v6  }
0x1c3: {  	s28 =	simm.s32 $0x18000;
	[tilespmem:$0x1C330] =	vst v6  }
0x1c4: {  	[tilespmem:s28], [sflag:$0x7] =	stream.indirect_vreg.gather [hbm4b:s4+s3], $0x80, v63, vm0, $0xb8;
	[tilespmem:$0x1C400] =	vst v63  }
0x1c5: {  	s29 =	simm.s32 $0x18800  }
0x1c6: {  	[tilespmem:s29], [sflag:$0x7] =	stream.indirect_vreg.gather [hbm4b:s4+s3], $0x80, v5, vm0, $0xb8;
	[tilespmem:$0x1C400] =	vst v63  }
0x1c7: {  	v5 =	vld [tilespmem:$0x1C310];
	_ =	sdelay $0x4  }
0x1c8: {  	v6 =	vshll.u32 v5, $0x1  }
0x1c9: {  	v5 =	vand.u32 $0x7, v5;
	v6 =	vand.u32 $0xFFFFFFF0, v6  }
0x1ca: {  	v5 =	vor.u32 v5, v6  }
0x1cb: {  	v6 =	vperm.xlane v5, v0;
	_ =	sdelay $0x1  }
0x1cc: {  	v5 =	vperm.xlane v5, v4;
	v6 =	vadd.s32 v3, v6;
	_ =	sdelay $0x1  }
0x1cd: {  	v5 =	vadd.s32 v3, v5;
	_ =	sdelay $0x2  }
0x1ce: {  	[tilespmem:s30], [sflag:$0x7] =	stream.indirect_vreg.gather [hbm4b:s4+s3], $0x80, v6, vm0, $0xb8;
	[tilespmem:$0x1C400] =	vst v63  }
0x1cf: {  	_ = 	snop  }
0x1d0: {  	[tilespmem:s31], [sflag:$0x7] =	stream.indirect_vreg.gather [hbm4b:s4+s3], $0x80, v5, vm0, $0xb8;
	[tilespmem:$0x1C400] =	vst v63  }
0x1d1: {  	v5 =	vld [tilespmem:$0x1C320];
	_ =	sdelay $0x4  }
0x1d2: {  	v6 =	vshll.u32 v5, $0x1  }
0x1d3: {  	v5 =	vand.u32 $0x7, v5;
	v6 =	vand.u32 $0xFFFFFFF0, v6  }
0x1d4: {  	v5 =	vor.u32 v5, v6  }
0x1d5: {  	v6 =	vperm.xlane v5, v0;
	_ =	sdelay $0x1  }
0x1d6: {  	v5 =	vperm.xlane v5, v4;
	v6 =	vadd.s32 v3, v6;
	_ =	sdelay $0x1  }
0x1d7: {  	v5 =	vadd.s32 v3, v5;
	_ =	sdelay $0x2  }
0x1d8: {  	[tilespmem:s0], [sflag:$0x7] =	stream.indirect_vreg.gather [hbm4b:s4+s3], $0x80, v6, vm0, $0xb8;
	[tilespmem:$0x1C400] =	vst v63  }
0x1d9: {  	_ = 	snop  }
0x1da: {  	[tilespmem:s2], [sflag:$0x7] =	stream.indirect_vreg.gather [hbm4b:s4+s3], $0x80, v5, vm0, $0xb8;
	[tilespmem:$0x1C400] =	vst v63  }
0x1db: {  	v5 =	vld [tilespmem:$0x1C330];
	_ =	sdelay $0x4  }
0x1dc: {  	v6 =	vshll.u32 v5, $0x1  }
0x1dd: {  	v5 =	vand.u32 $0x7, v5;
	v6 =	vand.u32 $0xFFFFFFF0, v6  }
0x1de: {  	v5 =	vor.u32 v5, v6  }
0x1df: {  	v6 =	vperm.xlane v5, v0;
	_ =	sdelay $0x1  }
0x1e0: {  	v5 =	vperm.xlane v5, v4;
	v6 =	vadd.s32 v3, v6;
	_ =	sdelay $0x1  }
0x1e1: {  	v5 =	vadd.s32 v3, v5  }
.Ltmp10:
0x1e2: {  	_ = 	snop;
	(pc) =	sbr.rel .LBB2_14-.Ltmp10, $4  }
0x1e3: {  	_ = 	snop  }
0x1e4: {  	[tilespmem:s1], [sflag:$0x7] =	stream.indirect_vreg.gather [hbm4b:s4+s3], $0x80, v6, vm0, $0xb8;
	[tilespmem:$0x1C400] =	vst v63  }
0x1e5: {  	_ = 	snop  }
0x1e6: {  	[tilespmem:s7], [sflag:$0x7] =	stream.indirect_vreg.gather [hbm4b:s4+s3], $0x80, v5, vm0, $0xb8;
	[tilespmem:$0x1C400] =	vst v63  }
.LBB2_16:
0x1e7: {  	_ =	sfence.sel $0x180000  }
0x1e8: {  	[bflag:$0x0] =	sbarrier.arrive $0xFFFF  }
0x1e9: {  	_ =	strace $0x90000047  }
0x1ea: {  	s0 =	stileid.u32;
	[bflag:$0x2] =	sbarrier.arrive $0xFFFF  }
0x1eb: {  	p0 =	sne.s32 s0, $0x0;
	s0 =	rddreg [dreg:$0x2]  }
0x1ec: {  	s0 =	sadd.s32 @!p0 $0x100000, s0  }
0x1ed: {  	[sflag:s0] =	ssyncadd.tile.s32 @!p0 $0x1;
	_ =	shalt  }
.Lfunc_end2:
_tile_overlayer_lowered:
.L_overlay_start_2:
0x1ee: {  	(tag) =	ssettag $0x2  }
0x1ef: {  	s0 =	rddreg [dreg:$0x0];
	s2 =	stileid.u32  }
0x1f0: {  	s1 =	rddreg [dreg:$0x1];
	p0 =	sne.s32 s2, $0x0  }
0x1f1: {  	s3 =	rddreg [dreg:$0x2];
	[bflag:$0x3] =	sbarrier.arrive $0xFFFF;
	s2 =	simm.s32 @!p0 $0x1C0F  }
0x1f2: {  	[timem:s3], [sflag:s2] =	dma.local @!p0 [hbm:s0], s1  }
0x1f3: {  	s0 =	simm.s32 @!p0 $0xF  }
0x1f4: {  	_ =	swait.ge @!p0 [sflag:s0], s1  }
0x1f5: {  	s1 =	ssub.s32 @!p0 $0x0, s1;
	[sflag:s0] =	ssyncset.done @!p0 $0x0  }
0x1f6: {  	[sflag:s0] =	ssyncadd.s32 @!p0 s1  }
0x1f7: {  	[bflag:$0x3] =	sbarrier.arrive $0xFFFF  }
0x1f8: {  	_ =	shalt  }

</sc_bundles>
